<compile_context>
chip_gen: v7x
topology: tpu7x:2x2x1
jax: 0.10.2.dev20260603
libtpu: 0.0.44.dev20260713+nightly
codegen_flags: <defaults>
</compile_context>

<pallas_src>
import jax
import jax.numpy as jnp
from jax import lax
from jax.experimental import pallas as pl
from jax.experimental.pallas import tpu as pltpu
from jax.experimental.pallas import tpu_sc as plsc

T = 204800
B = 4096
D = 32
C = 4
NC = 2
NS = 16
NW = NC * NS
W = T // NW
CH = 1280
NCHUNK = W // CH
SUB = 128
NSUB = CH // SUB
SEGROWS = W // SUB
CNTW = W + 8
BPW = B // NW
BPS = B // NS


def _sc_body(text_hbm, offs_hbm, emb_hbm, part_hbm, inv_hbm,
             offs_v, pos2d, ones_v, cnt_v, seg2d, idx_all, rows_a, rows_b,
             inv_v, cnt_sc, acc_sc, lsem, hsem, gsem0, gsem1, ssem0, ssem1):
    cid = lax.axis_index("c")
    sid = lax.axis_index("s")
    wid = cid * NS + sid
    wbase = wid * W

    ld_off = pltpu.async_copy(offs_hbm, offs_v.at[pl.ds(0, B)], lsem)
    ld_idx = pltpu.async_copy(text_hbm.at[pl.ds(wbase, W)], idx_all, lsem)

    zeros16f = jnp.zeros((16,), jnp.float32)
    zeros16i = jnp.zeros((16,), jnp.int32)

    def _z1(i, carry):
        rows_a[i, pl.ds(0, 16)] = zeros16f
        rows_a[i, pl.ds(16, 16)] = zeros16f
        return carry
    lax.fori_loop(0, BPS, _z1, 0)
    pltpu.sync_copy(rows_a.at[pl.ds(0, BPS)],
                    acc_sc.at[pl.ds(sid * BPS, BPS)])

    def _z2(i, carry):
        cnt_v[pl.ds(i * 16, 16)] = zeros16i
        return carry
    lax.fori_loop(0, W // 16, _z2, 0)
    rowoff = sid * CNTW
    pltpu.sync_copy(cnt_v, cnt_sc.at[pl.ds(rowoff, W)])

    def _fire_gather(k, rows, sem):
        return [
            pltpu.async_copy(emb_hbm.at[idx_all.at[pl.ds(k * CH + j * SUB, SUB)]],
                             rows.at[pl.ds(j * SUB, SUB)], sem)
            for j in range(NSUB)
        ]

    ld_idx.wait()
    gd0 = _fire_gather(0, rows_a, gsem0)

    ld_off.wait()
    offs_v[pl.ds(B, 16)] = jnp.full((16,), T, jnp.int32)

    def _pos(r, carry):
        for j in range(8):
            v = offs_v[pl.ds(r * 128 + j * 16, 16)]
            p = jnp.clip(v - wbase, 0, W) + rowoff
            pos2d[r, pl.ds(j * 16, 16)] = p
        return carry
    lax.fori_loop(0, B // 128, _pos, 0)

    for j in range(8):
        ones_v[pl.ds(j * 16, 16)] = jnp.full((16,), 1, jnp.int32)

    hd = [pltpu.async_copy(ones_v, cnt_sc.at[pos2d.at[j]], hsem, add=True)
          for j in range(B // SUB)]
    for d in hd:
        d.wait()
    pltpu.sync_copy(cnt_sc.at[pl.ds(rowoff, W)], cnt_v)

    def _cs(r, carry):
        for j in range(8):
            v = cnt_v[pl.ds(r * 128 + j * 16, 16)]
            seg2d[r, pl.ds(j * 16, 16)] = plsc.cumsum(v) + carry - 1
            carry = carry + jnp.sum(v)
        return carry
    lax.fori_loop(0, SEGROWS, _cs, jnp.int32(0))

    bbase = wid * BPW
    for j in range(BPW // 16):
        a = offs_v[pl.ds(bbase + j * 16, 16)]
        b2 = offs_v[pl.ds(bbase + j * 16 + 1, 16)]
        cntf = (b2 - a).astype(jnp.float32)
        inv_v[pl.ds(j * 16, 16)] = 1.0 / jnp.maximum(cntf, 1.0)
    pltpu.sync_copy(inv_v, inv_hbm.at[pl.ds(bbase, BPW)])

    plsc.subcore_barrier()

    rows = [rows_a, rows_b]
    gsems = [gsem0, gsem1]
    ssems = [ssem0, ssem1]
    gd = [gd0, None]
    sd = [None, None]
    for k in range(NCHUNK):
        cur = k % 2
        nxt = (k + 1) % 2
        if k + 1 < NCHUNK:
            if sd[nxt] is not None:
                for d in sd[nxt]:
                    d.wait()
            gd[nxt] = _fire_gather(k + 1, rows[nxt], gsems[nxt])
        for d in gd[cur]:
            d.wait()
        sd[cur] = [
            pltpu.async_copy(rows[cur].at[pl.ds(j * SUB, SUB)],
                             acc_sc.at[seg2d.at[k * NSUB + j]],
                             ssems[cur], add=True)
            for j in range(NSUB)
        ]
    for lst in sd:
        if lst is not None:
            for d in lst:
                d.wait()

    plsc.subcore_barrier()

    rowbase = cid * B + sid * BPS
    pltpu.sync_copy(acc_sc.at[pl.ds(sid * BPS, BPS)],
                    part_hbm.at[pl.ds(rowbase, BPS)])


_sc_embed = pl.kernel(
    _sc_body,
    out_type=(
        jax.ShapeDtypeStruct((NC * B, D), jnp.float32),
        jax.ShapeDtypeStruct((B,), jnp.float32),
    ),
    mesh=plsc.VectorSubcoreMesh(core_axis_name="c", subcore_axis_name="s",
                                num_cores=NC, num_subcores=NS),
    scratch_types=[
        pltpu.VMEM((B + 16,), jnp.int32),
        pltpu.VMEM((B // SUB, SUB), jnp.int32),
        pltpu.VMEM((SUB,), jnp.int32),
        pltpu.VMEM((W,), jnp.int32),
        pltpu.VMEM((SEGROWS, SUB), jnp.int32),
        pltpu.VMEM((W,), jnp.int32),
        pltpu.VMEM((CH, D), jnp.float32),
        pltpu.VMEM((CH, D), jnp.float32),
        pltpu.VMEM((BPW,), jnp.float32),
        pltpu.VMEM_SHARED((NS * CNTW,), jnp.int32),
        pltpu.VMEM_SHARED((B, D), jnp.float32),
        pltpu.SemaphoreType.DMA,
        pltpu.SemaphoreType.DMA,
        pltpu.SemaphoreType.DMA,
        pltpu.SemaphoreType.DMA,
        pltpu.SemaphoreType.DMA,
        pltpu.SemaphoreType.DMA,
    ],
    compiler_params=pltpu.CompilerParams(needs_layout_passes=False,
                                         use_tc_tiling_on_sc=False),
)


def _tc_body(p_ref, inv_ref, fcw_ref, bias_ref, out_ref):
    sums = p_ref[pl.ds(0, B), :] + p_ref[pl.ds(B, B), :]
    means = sums * inv_ref[...]
    out_ref[...] = lax.dot_general(
        means, fcw_ref[...], (((1,), (1,)), ((), ())),
        preferred_element_type=jnp.float32) + bias_ref[...]


_tc_head = pl.pallas_call(
    _tc_body,
    out_shape=jax.ShapeDtypeStruct((B, C), jnp.float32),
)


def kernel(text, offsets, emb_weight, fc_weight, fc_bias):
    part, inv = _sc_embed(text, offsets, emb_weight)
    return _tc_head(part, inv.reshape(B, 1), fc_weight, fc_bias.reshape(1, C))

# --- scband reference (transcript-rebuilt; emitter-appended) ---
"""Pipeline reference for scband-fake-news-net-10591389352366 (READ-ONLY COPY).

The authoritative reference and input builder live on the scoring server;
editing this copy changes nothing except your own understanding.
"""

import jax, jax.numpy as jnp
import numpy as np

VOCAB = 1000000
EMBED_DIM = 32
NUM_CLASS = 4
BATCH = 4096
TOTAL_TOKENS = 204800


def setup_inputs(seed: int = 0) -> dict:
    key = jax.random.key(seed)
    k1, k2, k3, k4 = jax.random.split(key, 4)
    text = jax.random.randint(k1, (TOTAL_TOKENS,), 0, VOCAB, dtype=jnp.int32)
    offsets = jnp.sort(jax.random.randint(k2, (BATCH,), 0, TOTAL_TOKENS, dtype=jnp.int32))
    # EmbeddingBag requires offsets[0] == 0
    offsets = offsets.at[0].set(0)
    # initrange = 0.5 uniform init, matching init_weights()
    emb_weight = jax.random.uniform(k3, (VOCAB, EMBED_DIM), minval=-0.5, maxval=0.5, dtype=jnp.float32)
    fc_weight = jax.random.uniform(k4, (NUM_CLASS, EMBED_DIM), minval=-0.5, maxval=0.5, dtype=jnp.float32)
    fc_bias = jnp.zeros((NUM_CLASS,), dtype=jnp.float32)
    return {"text": text, "offsets": offsets, "emb_weight": emb_weight, "fc_weight": fc_weight, "fc_bias": fc_bias}


def reference(text, offsets, emb_weight, fc_weight, fc_bias):
    # nn.EmbeddingBag(mode='mean') semantics: bag b covers tokens text[offsets[b]:offsets[b+1]]
    T = text.shape[0]
    B = offsets.shape[0]
    # segment id of each flat token = which bag it belongs to
    seg_ids = jnp.searchsorted(offsets, jnp.arange(T, dtype=offsets.dtype), side='right') - 1
    gathered = jnp.take(emb_weight, text, axis=0)  # [T, EMBED_DIM] gather
    sums = jax.ops.segment_sum(gathered, seg_ids, num_segments=B)  # [B, EMBED_DIM] scatter-add
    bounds = jnp.concatenate([offsets, jnp.array([T], dtype=offsets.dtype)])
    counts = (bounds[1:] - bounds[:-1]).astype(emb_weight.dtype)
    means = sums / jnp.maximum(counts, 1.0)[:, None]  # empty bags -> 0, matching EmbeddingBag
    return means @ fc_weight.T + fc_bias

if __name__ == "__main__":
    import jax
    _d = setup_inputs()
    print(jax.jit(kernel)(*tuple(_d.values())))

</pallas_src>

<mosaic_0001>
#map = affine_map<(d0, d1) -> (0)>
#map1 = affine_map<(d0, d1) -> (0, 0)>
module attributes {stable_mosaic.version = 14 : i64} {
  func.func @_sc_body(%arg0: i32, %arg1: i32, %arg2: memref<204800xi32, #tpu.memory_space<hbm>>, %arg3: memref<4096xi32, #tpu.memory_space<hbm>>, %arg4: memref<1000000x32xf32, #tpu.memory_space<hbm>>, %arg5: memref<8192x32xf32, #tpu.memory_space<hbm>>, %arg6: memref<4096xf32, #tpu.memory_space<hbm>>, %arg7: memref<4112xi32, #tpu.memory_space<vmem>>, %arg8: memref<32x128xi32, #tpu.memory_space<vmem>>, %arg9: memref<128xi32, #tpu.memory_space<vmem>>, %arg10: memref<6400xi32, #tpu.memory_space<vmem>>, %arg11: memref<50x128xi32, #tpu.memory_space<vmem>>, %arg12: memref<6400xi32, #tpu.memory_space<vmem>>, %arg13: memref<1280x32xf32, #tpu.memory_space<vmem>>, %arg14: memref<1280x32xf32, #tpu.memory_space<vmem>>, %arg15: memref<128xf32, #tpu.memory_space<vmem>>, %arg16: memref<102528xi32, #tpu.memory_space<vmem_shared>>, %arg17: memref<4096x32xf32, #tpu.memory_space<vmem_shared>>, %arg18: memref<!tpu.dma_semaphore, #tpu.memory_space<semaphore_mem>>, %arg19: memref<!tpu.dma_semaphore, #tpu.memory_space<semaphore_mem>>, %arg20: memref<!tpu.dma_semaphore, #tpu.memory_space<semaphore_mem>>, %arg21: memref<!tpu.dma_semaphore, #tpu.memory_space<semaphore_mem>>, %arg22: memref<!tpu.dma_semaphore, #tpu.memory_space<semaphore_mem>>, %arg23: memref<!tpu.dma_semaphore, #tpu.memory_space<semaphore_mem>>) attributes {dimension_semantics = [#tpu.dimension_semantics<core_parallel>, #tpu.dimension_semantics<subcore_parallel>], iteration_bounds = array<i64: 2, 16>, scalar_prefetch = 0 : i64, scratch_operands = 17 : i64, tpu.core_type = #tpu.core_type<sc_vector_subcore>, window_params = [{transform_indices = #map}, {transform_indices = #map}, {transform_indices = #map1}, {transform_indices = #map1}, {transform_indices = #map}]} {
    %mul3A = arith.constant 16 : i32
    %mul3A_0 = arith.muli %arg0, %mul3A : i32
    %add3A = arith.addi %mul3A_0, %arg1 : i32
    %mul3A_1 = arith.constant 6400 : i32
    %mul3A_2 = arith.muli %add3A, %mul3A_1 : i32
    %dma_start3A = arith.constant 0 : i32
    %dma_start3A_3 = tpu.memref_slice %arg7[%dma_start3A] : memref<4112xi32, #tpu.memory_space<vmem>> -> memref<4096xi32, #tpu.memory_space<vmem>>
    %dma_start3A_4 = arith.constant 0 : i32
    %dma_start3A_5 = tpu.memref_slice %arg7[%dma_start3A_4] : memref<4112xi32, #tpu.memory_space<vmem>> -> memref<4096xi32, #tpu.memory_space<vmem>>
    tpu.enqueue_dma source(%arg3 : memref<4096xi32, #tpu.memory_space<hbm>>) target(%dma_start3A_5 : memref<4096xi32, #tpu.memory_space<vmem>>) target_semaphore(%arg18 : memref<!tpu.dma_semaphore, #tpu.memory_space<semaphore_mem>>)
    %dma_start3A_6 = tpu.memref_slice %arg2[%mul3A_2] : memref<204800xi32, #tpu.memory_space<hbm>> -> memref<6400xi32, #tpu.memory_space<hbm>>
    %dma_start3A_7 = tpu.memref_slice %arg2[%mul3A_2] : memref<204800xi32, #tpu.memory_space<hbm>> -> memref<6400xi32, #tpu.memory_space<hbm>>
    tpu.enqueue_dma source(%dma_start3A_7 : memref<6400xi32, #tpu.memory_space<hbm>>) target(%arg12 : memref<6400xi32, #tpu.memory_space<vmem>>) target_semaphore(%arg18 : memref<!tpu.dma_semaphore, #tpu.memory_space<semaphore_mem>>)
    %broadcast_in_dim3A = arith.constant 0.000000e+00 : f32
    %broadcast_in_dim3A_8 = vector.broadcast %broadcast_in_dim3A : f32 to vector<16xf32>
    %broadcast_in_dim3A_9 = arith.constant 0 : i32
    %broadcast_in_dim3A_10 = vector.broadcast %broadcast_in_dim3A_9 : i32 to vector<16xi32>
    %scan3A = arith.constant 0 : i32
    %scan3A_11 = arith.constant 0 : i32
    %scan3A_12 = arith.constant 256 : i32
    %scan3A_13 = arith.addi %scan3A_11, %scan3A_12 : i32
    %scan3A_14 = arith.constant 1 : i32
    scf.for %scan3A_2428 = %scan3A_11 to %scan3A_13 step %scan3A_14  : i32 {
      %swap3A_2429 = arith.index_cast %scan3A_2428 : i32 to index
      %swap3A_2430 = arith.constant 0 : index
      %swap3A_2431 = tpu.vector_load %arg13[%swap3A_2429, %swap3A_2430] {strides = array<i32>} : memref<1280x32xf32, #tpu.memory_space<vmem>>, vector<16xf32>,
      tpu.vector_store %arg13[%swap3A_2429, %swap3A_2430], %broadcast_in_dim3A_8 {strides = array<i32>} : memref<1280x32xf32, #tpu.memory_space<vmem>>, vector<16xf32>,
      %swap3A_2432 = arith.index_cast %scan3A_2428 : i32 to index
      %swap3A_2433 = arith.constant 16 : index
      %swap3A_2434 = tpu.vector_load %arg13[%swap3A_2432, %swap3A_2433] {strides = array<i32>} : memref<1280x32xf32, #tpu.memory_space<vmem>>, vector<16xf32>,
      tpu.vector_store %arg13[%swap3A_2432, %swap3A_2433], %broadcast_in_dim3A_8 {strides = array<i32>} : memref<1280x32xf32, #tpu.memory_space<vmem>>, vector<16xf32>,
    }
    %scan3A_15 = arith.constant 256 : i32
    %mul3A_16 = arith.constant 256 : i32
    %mul3A_17 = arith.muli %arg1, %mul3A_16 : i32
    "tpu.region"() ({
      %run_scoped3A = tpu.sem_alloc : memref<!tpu.dma_semaphore, #tpu.memory_space<semaphore_mem>>
      %dma_start3A_2428 = arith.constant 0 : i32
      %dma_start3A_2429 = arith.constant 0 : i32
      %dma_start3A_2430 = tpu.memref_slice %arg13[%dma_start3A_2428, %dma_start3A_2429] : memref<1280x32xf32, #tpu.memory_space<vmem>> -> memref<256x32xf32, #tpu.memory_space<vmem>>
      %dma_start3A_2431 = arith.constant 0 : i32
      %dma_start3A_2432 = tpu.memref_slice %arg17[%mul3A_17, %dma_start3A_2431] : memref<4096x32xf32, #tpu.memory_space<vmem_shared>> -> memref<256x32xf32, #tpu.memory_space<vmem_shared>>
      %dma_start3A_2433 = arith.constant 0 : i32
      %dma_start3A_2434 = tpu.memref_slice %arg17[%mul3A_17, %dma_start3A_2433] : memref<4096x32xf32, #tpu.memory_space<vmem_shared>> -> memref<256x32xf32, #tpu.memory_space<vmem_shared>>
      %dma_start3A_2435 = arith.constant 0 : i32
      %dma_start3A_2436 = arith.constant 0 : i32
      %dma_start3A_2437 = tpu.memref_slice %arg13[%dma_start3A_2435, %dma_start3A_2436] : memref<1280x32xf32, #tpu.memory_space<vmem>> -> memref<256x32xf32, #tpu.memory_space<vmem>>
      tpu.enqueue_dma source(%dma_start3A_2437 : memref<256x32xf32, #tpu.memory_space<vmem>>) target(%dma_start3A_2434 : memref<256x32xf32, #tpu.memory_space<vmem_shared>>) target_semaphore(%run_scoped3A : memref<!tpu.dma_semaphore, #tpu.memory_space<semaphore_mem>>)
      %dma_wait3A_2438 = arith.constant 0 : i32
      %dma_wait3A_2439 = arith.constant 0 : i32
      %dma_wait3A_2440 = tpu.memref_slice %arg13[%dma_wait3A_2438, %dma_wait3A_2439] : memref<1280x32xf32, #tpu.memory_space<vmem>> -> memref<256x32xf32, #tpu.memory_space<vmem>>
      %dma_wait3A_2441 = arith.constant 0 : i32
      %dma_wait3A_2442 = tpu.memref_slice %arg17[%mul3A_17, %dma_wait3A_2441] : memref<4096x32xf32, #tpu.memory_space<vmem_shared>> -> memref<256x32xf32, #tpu.memory_space<vmem_shared>>
      %dma_wait3A_2443 = arith.constant 0 : i32
      %dma_wait3A_2444 = tpu.memref_slice %arg17[%mul3A_17, %dma_wait3A_2443] : memref<4096x32xf32, #tpu.memory_space<vmem_shared>> -> memref<256x32xf32, #tpu.memory_space<vmem_shared>>
      %dma_wait3A_2445 = arith.constant 0 : i32
      %dma_wait3A_2446 = arith.constant 0 : i32
      %dma_wait3A_2447 = tpu.memref_slice %arg13[%dma_wait3A_2445, %dma_wait3A_2446] : memref<1280x32xf32, #tpu.memory_space<vmem>> -> memref<256x32xf32, #tpu.memory_space<vmem>>
      tpu.wait_dma2 semaphore(%run_scoped3A : memref<!tpu.dma_semaphore, #tpu.memory_space<semaphore_mem>>) src(%dma_wait3A_2447 : memref<256x32xf32, #tpu.memory_space<vmem>>) dst(%dma_wait3A_2444 : memref<256x32xf32, #tpu.memory_space<vmem_shared>>)
      tpu.yield
    }) : () -> ()
    %scan3A_18 = arith.constant 0 : i32
    %scan3A_19 = arith.constant 0 : i32
    %scan3A_20 = arith.constant 400 : i32
    %scan3A_21 = arith.addi %scan3A_19, %scan3A_20 : i32
    %scan3A_22 = arith.constant 1 : i32
    scf.for %scan3A_2428 = %scan3A_19 to %scan3A_21 step %scan3A_22  : i32 {
      %mul3A_2429 = arith.constant 16 : i32
      %mul3A_2430 = arith.muli %scan3A_2428, %mul3A_2429 : i32
      %swap3A_2431 = arith.index_cast %mul3A_2430 : i32 to index
      %swap3A_2432 = tpu.vector_load %arg10[%swap3A_2431] {strides = array<i32>} : memref<6400xi32, #tpu.memory_space<vmem>>, vector<16xi32>,
      tpu.vector_store %arg10[%swap3A_2431], %broadcast_in_dim3A_10 {strides = array<i32>} : memref<6400xi32, #tpu.memory_space<vmem>>, vector<16xi32>,
    }
    %scan3A_23 = arith.constant 400 : i32
    %mul3A_24 = arith.constant 6408 : i32
    %mul3A_25 = arith.muli %arg1, %mul3A_24 : i32
    "tpu.region"() ({
      %run_scoped3A = tpu.sem_alloc : memref<!tpu.dma_semaphore, #tpu.memory_space<semaphore_mem>>
      %dma_start3A_2428 = tpu.memref_slice %arg16[%mul3A_25] : memref<102528xi32, #tpu.memory_space<vmem_shared>> -> memref<6400xi32, #tpu.memory_space<vmem_shared>>
      %dma_start3A_2429 = tpu.memref_slice %arg16[%mul3A_25] : memref<102528xi32, #tpu.memory_space<vmem_shared>> -> memref<6400xi32, #tpu.memory_space<vmem_shared>>
      tpu.enqueue_dma source(%arg10 : memref<6400xi32, #tpu.memory_space<vmem>>) target(%dma_start3A_2429 : memref<6400xi32, #tpu.memory_space<vmem_shared>>) target_semaphore(%run_scoped3A : memref<!tpu.dma_semaphore, #tpu.memory_space<semaphore_mem>>)
      %dma_wait3A_2430 = tpu.memref_slice %arg16[%mul3A_25] : memref<102528xi32, #tpu.memory_space<vmem_shared>> -> memref<6400xi32, #tpu.memory_space<vmem_shared>>
      %dma_wait3A_2431 = tpu.memref_slice %arg16[%mul3A_25] : memref<102528xi32, #tpu.memory_space<vmem_shared>> -> memref<6400xi32, #tpu.memory_space<vmem_shared>>
      tpu.wait_dma2 semaphore(%run_scoped3A : memref<!tpu.dma_semaphore, #tpu.memory_space<semaphore_mem>>) src(%arg10 : memref<6400xi32, #tpu.memory_space<vmem>>) dst(%dma_wait3A_2431 : memref<6400xi32, #tpu.memory_space<vmem_shared>>)
      tpu.yield
    }) : () -> ()
    %dma_wait3A = tpu.memref_slice %arg2[%mul3A_2] : memref<204800xi32, #tpu.memory_space<hbm>> -> memref<6400xi32, #tpu.memory_space<hbm>>
    %dma_wait3A_26 = tpu.memref_slice %arg2[%mul3A_2] : memref<204800xi32, #tpu.memory_space<hbm>> -> memref<6400xi32, #tpu.memory_space<hbm>>
    tpu.wait_dma2 semaphore(%arg18 : memref<!tpu.dma_semaphore, #tpu.memory_space<semaphore_mem>>) src(%dma_wait3A_26 : memref<6400xi32, #tpu.memory_space<hbm>>) dst(%arg12 : memref<6400xi32, #tpu.memory_space<vmem>>)
    %dma_start3A_27 = arith.constant 0 : i32
    %dma_start3A_28 = arith.constant 0 : i32
    %dma_start3A_29 = tpu.memref_slice %arg13[%dma_start3A_27, %dma_start3A_28] : memref<1280x32xf32, #tpu.memory_space<vmem>> -> memref<128x32xf32, #tpu.memory_space<vmem>>
    %dma_start3A_30 = arith.constant 0 : i32
    %dma_start3A_31 = tpu.memref_slice %arg12[%dma_start3A_30] : memref<6400xi32, #tpu.memory_space<vmem>> -> memref<128xi32, #tpu.memory_space<vmem>>
    %dma_start3A_32 = arith.constant 0 : i32
    %dma_start3A_33 = arith.constant 0 : i32
    %dma_start3A_34 = tpu.memref_slice %arg4[%dma_start3A_32, %dma_start3A_33] : memref<1000000x32xf32, #tpu.memory_space<hbm>> -> memref<1000000x32xf32, #tpu.memory_space<hbm>>
    tpu.enqueue_indirect_dma source(%dma_start3A_34 : memref<1000000x32xf32, #tpu.memory_space<hbm>>) target(%dma_start3A_29 : memref<128x32xf32, #tpu.memory_space<vmem>>) offsets(%dma_start3A_31 : memref<128xi32, #tpu.memory_space<vmem>>) semaphore(%arg20 : memref<!tpu.dma_semaphore, #tpu.memory_space<semaphore_mem>>)
    %dma_start3A_35 = arith.constant 128 : i32
    %dma_start3A_36 = arith.constant 0 : i32
    %dma_start3A_37 = tpu.memref_slice %arg13[%dma_start3A_35, %dma_start3A_36] : memref<1280x32xf32, #tpu.memory_space<vmem>> -> memref<128x32xf32, #tpu.memory_space<vmem>>
    %dma_start3A_38 = arith.constant 128 : i32
    %dma_start3A_39 = tpu.memref_slice %arg12[%dma_start3A_38] : memref<6400xi32, #tpu.memory_space<vmem>> -> memref<128xi32, #tpu.memory_space<vmem>>
    %dma_start3A_40 = arith.constant 0 : i32
    %dma_start3A_41 = arith.constant 0 : i32
    %dma_start3A_42 = tpu.memref_slice %arg4[%dma_start3A_40, %dma_start3A_41] : memref<1000000x32xf32, #tpu.memory_space<hbm>> -> memref<1000000x32xf32, #tpu.memory_space<hbm>>
    tpu.enqueue_indirect_dma source(%dma_start3A_42 : memref<1000000x32xf32, #tpu.memory_space<hbm>>) target(%dma_start3A_37 : memref<128x32xf32, #tpu.memory_space<vmem>>) offsets(%dma_start3A_39 : memref<128xi32, #tpu.memory_space<vmem>>) semaphore(%arg20 : memref<!tpu.dma_semaphore, #tpu.memory_space<semaphore_mem>>)
    %dma_start3A_43 = arith.constant 256 : i32
    %dma_start3A_44 = arith.constant 0 : i32
    %dma_start3A_45 = tpu.memref_slice %arg13[%dma_start3A_43, %dma_start3A_44] : memref<1280x32xf32, #tpu.memory_space<vmem>> -> memref<128x32xf32, #tpu.memory_space<vmem>>
    %dma_start3A_46 = arith.constant 256 : i32
    %dma_start3A_47 = tpu.memref_slice %arg12[%dma_start3A_46] : memref<6400xi32, #tpu.memory_space<vmem>> -> memref<128xi32, #tpu.memory_space<vmem>>
    %dma_start3A_48 = arith.constant 0 : i32
    %dma_start3A_49 = arith.constant 0 : i32
    %dma_start3A_50 = tpu.memref_slice %arg4[%dma_start3A_48, %dma_start3A_49] : memref<1000000x32xf32, #tpu.memory_space<hbm>> -> memref<1000000x32xf32, #tpu.memory_space<hbm>>
    tpu.enqueue_indirect_dma source(%dma_start3A_50 : memref<1000000x32xf32, #tpu.memory_space<hbm>>) target(%dma_start3A_45 : memref<128x32xf32, #tpu.memory_space<vmem>>) offsets(%dma_start3A_47 : memref<128xi32, #tpu.memory_space<vmem>>) semaphore(%arg20 : memref<!tpu.dma_semaphore, #tpu.memory_space<semaphore_mem>>)
    %dma_start3A_51 = arith.constant 384 : i32
    %dma_start3A_52 = arith.constant 0 : i32
    %dma_start3A_53 = tpu.memref_slice %arg13[%dma_start3A_51, %dma_start3A_52] : memref<1280x32xf32, #tpu.memory_space<vmem>> -> memref<128x32xf32, #tpu.memory_space<vmem>>
    %dma_start3A_54 = arith.constant 384 : i32
    %dma_start3A_55 = tpu.memref_slice %arg12[%dma_start3A_54] : memref<6400xi32, #tpu.memory_space<vmem>> -> memref<128xi32, #tpu.memory_space<vmem>>
    %dma_start3A_56 = arith.constant 0 : i32
    %dma_start3A_57 = arith.constant 0 : i32
    %dma_start3A_58 = tpu.memref_slice %arg4[%dma_start3A_56, %dma_start3A_57] : memref<1000000x32xf32, #tpu.memory_space<hbm>> -> memref<1000000x32xf32, #tpu.memory_space<hbm>>
    tpu.enqueue_indirect_dma source(%dma_start3A_58 : memref<1000000x32xf32, #tpu.memory_space<hbm>>) target(%dma_start3A_53 : memref<128x32xf32, #tpu.memory_space<vmem>>) offsets(%dma_start3A_55 : memref<128xi32, #tpu.memory_space<vmem>>) semaphore(%arg20 : memref<!tpu.dma_semaphore, #tpu.memory_space<semaphore_mem>>)
    %dma_start3A_59 = arith.constant 512 : i32
    %dma_start3A_60 = arith.constant 0 : i32
    %dma_start3A_61 = tpu.memref_slice %arg13[%dma_start3A_59, %dma_start3A_60] : memref<1280x32xf32, #tpu.memory_space<vmem>> -> memref<128x32xf32, #tpu.memory_space<vmem>>
    %dma_start3A_62 = arith.constant 512 : i32
    %dma_start3A_63 = tpu.memref_slice %arg12[%dma_start3A_62] : memref<6400xi32, #tpu.memory_space<vmem>> -> memref<128xi32, #tpu.memory_space<vmem>>
    %dma_start3A_64 = arith.constant 0 : i32
    %dma_start3A_65 = arith.constant 0 : i32
    %dma_start3A_66 = tpu.memref_slice %arg4[%dma_start3A_64, %dma_start3A_65] : memref<1000000x32xf32, #tpu.memory_space<hbm>> -> memref<1000000x32xf32, #tpu.memory_space<hbm>>
    tpu.enqueue_indirect_dma source(%dma_start3A_66 : memref<1000000x32xf32, #tpu.memory_space<hbm>>) target(%dma_start3A_61 : memref<128x32xf32, #tpu.memory_space<vmem>>) offsets(%dma_start3A_63 : memref<128xi32, #tpu.memory_space<vmem>>) semaphore(%arg20 : memref<!tpu.dma_semaphore, #tpu.memory_space<semaphore_mem>>)
    %dma_start3A_67 = arith.constant 640 : i32
    %dma_start3A_68 = arith.constant 0 : i32
    %dma_start3A_69 = tpu.memref_slice %arg13[%dma_start3A_67, %dma_start3A_68] : memref<1280x32xf32, #tpu.memory_space<vmem>> -> memref<128x32xf32, #tpu.memory_space<vmem>>
    %dma_start3A_70 = arith.constant 640 : i32
    %dma_start3A_71 = tpu.memref_slice %arg12[%dma_start3A_70] : memref<6400xi32, #tpu.memory_space<vmem>> -> memref<128xi32, #tpu.memory_space<vmem>>
    %dma_start3A_72 = arith.constant 0 : i32
    %dma_start3A_73 = arith.constant 0 : i32
    %dma_start3A_74 = tpu.memref_slice %arg4[%dma_start3A_72, %dma_start3A_73] : memref<1000000x32xf32, #tpu.memory_space<hbm>> -> memref<1000000x32xf32, #tpu.memory_space<hbm>>
    tpu.enqueue_indirect_dma source(%dma_start3A_74 : memref<1000000x32xf32, #tpu.memory_space<hbm>>) target(%dma_start3A_69 : memref<128x32xf32, #tpu.memory_space<vmem>>) offsets(%dma_start3A_71 : memref<128xi32, #tpu.memory_space<vmem>>) semaphore(%arg20 : memref<!tpu.dma_semaphore, #tpu.memory_space<semaphore_mem>>)
    %dma_start3A_75 = arith.constant 768 : i32
    %dma_start3A_76 = arith.constant 0 : i32
    %dma_start3A_77 = tpu.memref_slice %arg13[%dma_start3A_75, %dma_start3A_76] : memref<1280x32xf32, #tpu.memory_space<vmem>> -> memref<128x32xf32, #tpu.memory_space<vmem>>
    %dma_start3A_78 = arith.constant 768 : i32
    %dma_start3A_79 = tpu.memref_slice %arg12[%dma_start3A_78] : memref<6400xi32, #tpu.memory_space<vmem>> -> memref<128xi32, #tpu.memory_space<vmem>>
    %dma_start3A_80 = arith.constant 0 : i32
    %dma_start3A_81 = arith.constant 0 : i32
    %dma_start3A_82 = tpu.memref_slice %arg4[%dma_start3A_80, %dma_start3A_81] : memref<1000000x32xf32, #tpu.memory_space<hbm>> -> memref<1000000x32xf32, #tpu.memory_space<hbm>>
    tpu.enqueue_indirect_dma source(%dma_start3A_82 : memref<1000000x32xf32, #tpu.memory_space<hbm>>) target(%dma_start3A_77 : memref<128x32xf32, #tpu.memory_space<vmem>>) offsets(%dma_start3A_79 : memref<128xi32, #tpu.memory_space<vmem>>) semaphore(%arg20 : memref<!tpu.dma_semaphore, #tpu.memory_space<semaphore_mem>>)
    %dma_start3A_83 = arith.constant 896 : i32
    %dma_start3A_84 = arith.constant 0 : i32
    %dma_start3A_85 = tpu.memref_slice %arg13[%dma_start3A_83, %dma_start3A_84] : memref<1280x32xf32, #tpu.memory_space<vmem>> -> memref<128x32xf32, #tpu.memory_space<vmem>>
    %dma_start3A_86 = arith.constant 896 : i32
    %dma_start3A_87 = tpu.memref_slice %arg12[%dma_start3A_86] : memref<6400xi32, #tpu.memory_space<vmem>> -> memref<128xi32, #tpu.memory_space<vmem>>
    %dma_start3A_88 = arith.constant 0 : i32
    %dma_start3A_89 = arith.constant 0 : i32
    %dma_start3A_90 = tpu.memref_slice %arg4[%dma_start3A_88, %dma_start3A_89] : memref<1000000x32xf32, #tpu.memory_space<hbm>> -> memref<1000000x32xf32, #tpu.memory_space<hbm>>
    tpu.enqueue_indirect_dma source(%dma_start3A_90 : memref<1000000x32xf32, #tpu.memory_space<hbm>>) target(%dma_start3A_85 : memref<128x32xf32, #tpu.memory_space<vmem>>) offsets(%dma_start3A_87 : memref<128xi32, #tpu.memory_space<vmem>>) semaphore(%arg20 : memref<!tpu.dma_semaphore, #tpu.memory_space<semaphore_mem>>)
    %dma_start3A_91 = arith.constant 1024 : i32
    %dma_start3A_92 = arith.constant 0 : i32
    %dma_start3A_93 = tpu.memref_slice %arg13[%dma_start3A_91, %dma_start3A_92] : memref<1280x32xf32, #tpu.memory_space<vmem>> -> memref<128x32xf32, #tpu.memory_space<vmem>>
    %dma_start3A_94 = arith.constant 1024 : i32
    %dma_start3A_95 = tpu.memref_slice %arg12[%dma_start3A_94] : memref<6400xi32, #tpu.memory_space<vmem>> -> memref<128xi32, #tpu.memory_space<vmem>>
    %dma_start3A_96 = arith.constant 0 : i32
    %dma_start3A_97 = arith.constant 0 : i32
    %dma_start3A_98 = tpu.memref_slice %arg4[%dma_start3A_96, %dma_start3A_97] : memref<1000000x32xf32, #tpu.memory_space<hbm>> -> memref<1000000x32xf32, #tpu.memory_space<hbm>>
    tpu.enqueue_indirect_dma source(%dma_start3A_98 : memref<1000000x32xf32, #tpu.memory_space<hbm>>) target(%dma_start3A_93 : memref<128x32xf32, #tpu.memory_space<vmem>>) offsets(%dma_start3A_95 : memref<128xi32, #tpu.memory_space<vmem>>) semaphore(%arg20 : memref<!tpu.dma_semaphore, #tpu.memory_space<semaphore_mem>>)
    %dma_start3A_99 = arith.constant 1152 : i32
    %dma_start3A_100 = arith.constant 0 : i32
    %dma_start3A_101 = tpu.memref_slice %arg13[%dma_start3A_99, %dma_start3A_100] : memref<1280x32xf32, #tpu.memory_space<vmem>> -> memref<128x32xf32, #tpu.memory_space<vmem>>
    %dma_start3A_102 = arith.constant 1152 : i32
    %dma_start3A_103 = tpu.memref_slice %arg12[%dma_start3A_102] : memref<6400xi32, #tpu.memory_space<vmem>> -> memref<128xi32, #tpu.memory_space<vmem>>
    %dma_start3A_104 = arith.constant 0 : i32
    %dma_start3A_105 = arith.constant 0 : i32
    %dma_start3A_106 = tpu.memref_slice %arg4[%dma_start3A_104, %dma_start3A_105] : memref<1000000x32xf32, #tpu.memory_space<hbm>> -> memref<1000000x32xf32, #tpu.memory_space<hbm>>
    tpu.enqueue_indirect_dma source(%dma_start3A_106 : memref<1000000x32xf32, #tpu.memory_space<hbm>>) target(%dma_start3A_101 : memref<128x32xf32, #tpu.memory_space<vmem>>) offsets(%dma_start3A_103 : memref<128xi32, #tpu.memory_space<vmem>>) semaphore(%arg20 : memref<!tpu.dma_semaphore, #tpu.memory_space<semaphore_mem>>)
    %dma_wait3A_107 = arith.constant 0 : i32
    %dma_wait3A_108 = tpu.memref_slice %arg7[%dma_wait3A_107] : memref<4112xi32, #tpu.memory_space<vmem>> -> memref<4096xi32, #tpu.memory_space<vmem>>
    %dma_wait3A_109 = arith.constant 0 : i32
    %dma_wait3A_110 = tpu.memref_slice %arg7[%dma_wait3A_109] : memref<4112xi32, #tpu.memory_space<vmem>> -> memref<4096xi32, #tpu.memory_space<vmem>>
    tpu.wait_dma2 semaphore(%arg18 : memref<!tpu.dma_semaphore, #tpu.memory_space<semaphore_mem>>) src(%arg3 : memref<4096xi32, #tpu.memory_space<hbm>>) dst(%dma_wait3A_110 : memref<4096xi32, #tpu.memory_space<vmem>>)
    %broadcast_in_dim3A_111 = arith.constant 204800 : i32
    %broadcast_in_dim3A_112 = vector.broadcast %broadcast_in_dim3A_111 : i32 to vector<16xi32>
    %swap3A = arith.constant 4096 : index
    %swap3A_113 = tpu.vector_load %arg7[%swap3A] {strides = array<i32>} : memref<4112xi32, #tpu.memory_space<vmem>>, vector<16xi32>,
    tpu.vector_store %arg7[%swap3A], %broadcast_in_dim3A_112 {strides = array<i32>} : memref<4112xi32, #tpu.memory_space<vmem>>, vector<16xi32>,
    %scan3A_114 = arith.constant 0 : i32
    %scan3A_115 = arith.constant 0 : i32
    %scan3A_116 = arith.constant 32 : i32
    %scan3A_117 = arith.addi %scan3A_115, %scan3A_116 : i32
    %scan3A_118 = arith.constant 1 : i32
    scf.for %scan3A_2428 = %scan3A_115 to %scan3A_117 step %scan3A_118  : i32 {
      %mul3A_2429 = arith.constant 128 : i32
      %mul3A_2430 = arith.muli %scan3A_2428, %mul3A_2429 : i32
      %add3A_2431 = arith.constant 0 : i32
      %add3A_2432 = arith.addi %mul3A_2430, %add3A_2431 : i32
      %get3A_2433 = arith.index_cast %add3A_2432 : i32 to index
      %get3A_2434 = tpu.vector_load %arg7[%get3A_2433] {strides = array<i32>} : memref<4112xi32, #tpu.memory_space<vmem>>, vector<16xi32>,
      %sub3A_2435 = vector.broadcast %mul3A_2 : i32 to vector<16xi32>
      %sub3A_2436 = arith.subi %get3A_2434, %sub3A_2435 : vector<16xi32>
      %jit3A = arith.constant 0 : i32
      %jit3A_2437 = arith.constant 6400 : i32
      %max3A_2438 = vector.broadcast %jit3A : i32 to vector<16xi32>
      %max3A_2439 = arith.maxsi %max3A_2438, %sub3A_2436 : vector<16xi32>
      %min3A = vector.broadcast %jit3A_2437 : i32 to vector<16xi32>
      %min3A_2440 = arith.minsi %min3A, %max3A_2439 : vector<16xi32>
      %add3A_2441 = vector.broadcast %mul3A_25 : i32 to vector<16xi32>
      %add3A_2442 = arith.addi %min3A_2440, %add3A_2441 : vector<16xi32>
      %swap3A_2443 = arith.index_cast %scan3A_2428 : i32 to index
      %swap3A_2444 = arith.constant 0 : index
      %swap3A_2445 = tpu.vector_load %arg8[%swap3A_2443, %swap3A_2444] {strides = array<i32>} : memref<32x128xi32, #tpu.memory_space<vmem>>, vector<16xi32>,
      tpu.vector_store %arg8[%swap3A_2443, %swap3A_2444], %add3A_2442 {strides = array<i32>} : memref<32x128xi32, #tpu.memory_space<vmem>>, vector<16xi32>,
      %mul3A_2446 = arith.constant 128 : i32
      %mul3A_2447 = arith.muli %scan3A_2428, %mul3A_2446 : i32
      %add3A_2448 = arith.constant 16 : i32
      %add3A_2449 = arith.addi %mul3A_2447, %add3A_2448 : i32
      %get3A_2450 = arith.index_cast %add3A_2449 : i32 to index
      %get3A_2451 = tpu.vector_load %arg7[%get3A_2450] {strides = array<i32>} : memref<4112xi32, #tpu.memory_space<vmem>>, vector<16xi32>,
      %sub3A_2452 = vector.broadcast %mul3A_2 : i32 to vector<16xi32>
      %sub3A_2453 = arith.subi %get3A_2451, %sub3A_2452 : vector<16xi32>
      %jit3A_2454 = arith.constant 0 : i32
      %jit3A_2455 = arith.constant 6400 : i32
      %max3A_2456 = vector.broadcast %jit3A_2454 : i32 to vector<16xi32>
      %max3A_2457 = arith.maxsi %max3A_2456, %sub3A_2453 : vector<16xi32>
      %min3A_2458 = vector.broadcast %jit3A_2455 : i32 to vector<16xi32>
      %min3A_2459 = arith.minsi %min3A_2458, %max3A_2457 : vector<16xi32>
      %add3A_2460 = vector.broadcast %mul3A_25 : i32 to vector<16xi32>
      %add3A_2461 = arith.addi %min3A_2459, %add3A_2460 : vector<16xi32>
      %swap3A_2462 = arith.index_cast %scan3A_2428 : i32 to index
      %swap3A_2463 = arith.constant 16 : index
      %swap3A_2464 = tpu.vector_load %arg8[%swap3A_2462, %swap3A_2463] {strides = array<i32>} : memref<32x128xi32, #tpu.memory_space<vmem>>, vector<16xi32>,
      tpu.vector_store %arg8[%swap3A_2462, %swap3A_2463], %add3A_2461 {strides = array<i32>} : memref<32x128xi32, #tpu.memory_space<vmem>>, vector<16xi32>,
      %mul3A_2465 = arith.constant 128 : i32
      %mul3A_2466 = arith.muli %scan3A_2428, %mul3A_2465 : i32
      %add3A_2467 = arith.constant 32 : i32
      %add3A_2468 = arith.addi %mul3A_2466, %add3A_2467 : i32
      %get3A_2469 = arith.index_cast %add3A_2468 : i32 to index
      %get3A_2470 = tpu.vector_load %arg7[%get3A_2469] {strides = array<i32>} : memref<4112xi32, #tpu.memory_space<vmem>>, vector<16xi32>,
      %sub3A_2471 = vector.broadcast %mul3A_2 : i32 to vector<16xi32>
      %sub3A_2472 = arith.subi %get3A_2470, %sub3A_2471 : vector<16xi32>
      %jit3A_2473 = arith.constant 0 : i32
      %jit3A_2474 = arith.constant 6400 : i32
      %max3A_2475 = vector.broadcast %jit3A_2473 : i32 to vector<16xi32>
      %max3A_2476 = arith.maxsi %max3A_2475, %sub3A_2472 : vector<16xi32>
      %min3A_2477 = vector.broadcast %jit3A_2474 : i32 to vector<16xi32>
      %min3A_2478 = arith.minsi %min3A_2477, %max3A_2476 : vector<16xi32>
      %add3A_2479 = vector.broadcast %mul3A_25 : i32 to vector<16xi32>
      %add3A_2480 = arith.addi %min3A_2478, %add3A_2479 : vector<16xi32>
      %swap3A_2481 = arith.index_cast %scan3A_2428 : i32 to index
      %swap3A_2482 = arith.constant 32 : index
      %swap3A_2483 = tpu.vector_load %arg8[%swap3A_2481, %swap3A_2482] {strides = array<i32>} : memref<32x128xi32, #tpu.memory_space<vmem>>, vector<16xi32>,
      tpu.vector_store %arg8[%swap3A_2481, %swap3A_2482], %add3A_2480 {strides = array<i32>} : memref<32x128xi32, #tpu.memory_space<vmem>>, vector<16xi32>,
      %mul3A_2484 = arith.constant 128 : i32
      %mul3A_2485 = arith.muli %scan3A_2428, %mul3A_2484 : i32
      %add3A_2486 = arith.constant 48 : i32
      %add3A_2487 = arith.addi %mul3A_2485, %add3A_2486 : i32
      %get3A_2488 = arith.index_cast %add3A_2487 : i32 to index
      %get3A_2489 = tpu.vector_load %arg7[%get3A_2488] {strides = array<i32>} : memref<4112xi32, #tpu.memory_space<vmem>>, vector<16xi32>,
      %sub3A_2490 = vector.broadcast %mul3A_2 : i32 to vector<16xi32>
      %sub3A_2491 = arith.subi %get3A_2489, %sub3A_2490 : vector<16xi32>
      %jit3A_2492 = arith.constant 0 : i32
      %jit3A_2493 = arith.constant 6400 : i32
      %max3A_2494 = vector.broadcast %jit3A_2492 : i32 to vector<16xi32>
      %max3A_2495 = arith.maxsi %max3A_2494, %sub3A_2491 : vector<16xi32>
      %min3A_2496 = vector.broadcast %jit3A_2493 : i32 to vector<16xi32>
      %min3A_2497 = arith.minsi %min3A_2496, %max3A_2495 : vector<16xi32>
      %add3A_2498 = vector.broadcast %mul3A_25 : i32 to vector<16xi32>
      %add3A_2499 = arith.addi %min3A_2497, %add3A_2498 : vector<16xi32>
      %swap3A_2500 = arith.index_cast %scan3A_2428 : i32 to index
      %swap3A_2501 = arith.constant 48 : index
      %swap3A_2502 = tpu.vector_load %arg8[%swap3A_2500, %swap3A_2501] {strides = array<i32>} : memref<32x128xi32, #tpu.memory_space<vmem>>, vector<16xi32>,
      tpu.vector_store %arg8[%swap3A_2500, %swap3A_2501], %add3A_2499 {strides = array<i32>} : memref<32x128xi32, #tpu.memory_space<vmem>>, vector<16xi32>,
      %mul3A_2503 = arith.constant 128 : i32
      %mul3A_2504 = arith.muli %scan3A_2428, %mul3A_2503 : i32
      %add3A_2505 = arith.constant 64 : i32
      %add3A_2506 = arith.addi %mul3A_2504, %add3A_2505 : i32
      %get3A_2507 = arith.index_cast %add3A_2506 : i32 to index
      %get3A_2508 = tpu.vector_load %arg7[%get3A_2507] {strides = array<i32>} : memref<4112xi32, #tpu.memory_space<vmem>>, vector<16xi32>,
      %sub3A_2509 = vector.broadcast %mul3A_2 : i32 to vector<16xi32>
      %sub3A_2510 = arith.subi %get3A_2508, %sub3A_2509 : vector<16xi32>
      %jit3A_2511 = arith.constant 0 : i32
      %jit3A_2512 = arith.constant 6400 : i32
      %max3A_2513 = vector.broadcast %jit3A_2511 : i32 to vector<16xi32>
      %max3A_2514 = arith.maxsi %max3A_2513, %sub3A_2510 : vector<16xi32>
      %min3A_2515 = vector.broadcast %jit3A_2512 : i32 to vector<16xi32>
      %min3A_2516 = arith.minsi %min3A_2515, %max3A_2514 : vector<16xi32>
      %add3A_2517 = vector.broadcast %mul3A_25 : i32 to vector<16xi32>
      %add3A_2518 = arith.addi %min3A_2516, %add3A_2517 : vector<16xi32>
      %swap3A_2519 = arith.index_cast %scan3A_2428 : i32 to index
      %swap3A_2520 = arith.constant 64 : index
      %swap3A_2521 = tpu.vector_load %arg8[%swap3A_2519, %swap3A_2520] {strides = array<i32>} : memref<32x128xi32, #tpu.memory_space<vmem>>, vector<16xi32>,
      tpu.vector_store %arg8[%swap3A_2519, %swap3A_2520], %add3A_2518 {strides = array<i32>} : memref<32x128xi32, #tpu.memory_space<vmem>>, vector<16xi32>,
      %mul3A_2522 = arith.constant 128 : i32
      %mul3A_2523 = arith.muli %scan3A_2428, %mul3A_2522 : i32
      %add3A_2524 = arith.constant 80 : i32
      %add3A_2525 = arith.addi %mul3A_2523, %add3A_2524 : i32
      %get3A_2526 = arith.index_cast %add3A_2525 : i32 to index
      %get3A_2527 = tpu.vector_load %arg7[%get3A_2526] {strides = array<i32>} : memref<4112xi32, #tpu.memory_space<vmem>>, vector<16xi32>,
      %sub3A_2528 = vector.broadcast %mul3A_2 : i32 to vector<16xi32>
      %sub3A_2529 = arith.subi %get3A_2527, %sub3A_2528 : vector<16xi32>
      %jit3A_2530 = arith.constant 0 : i32
      %jit3A_2531 = arith.constant 6400 : i32
      %max3A_2532 = vector.broadcast %jit3A_2530 : i32 to vector<16xi32>
      %max3A_2533 = arith.maxsi %max3A_2532, %sub3A_2529 : vector<16xi32>
      %min3A_2534 = vector.broadcast %jit3A_2531 : i32 to vector<16xi32>
      %min3A_2535 = arith.minsi %min3A_2534, %max3A_2533 : vector<16xi32>
      %add3A_2536 = vector.broadcast %mul3A_25 : i32 to vector<16xi32>
      %add3A_2537 = arith.addi %min3A_2535, %add3A_2536 : vector<16xi32>
      %swap3A_2538 = arith.index_cast %scan3A_2428 : i32 to index
      %swap3A_2539 = arith.constant 80 : index
      %swap3A_2540 = tpu.vector_load %arg8[%swap3A_2538, %swap3A_2539] {strides = array<i32>} : memref<32x128xi32, #tpu.memory_space<vmem>>, vector<16xi32>,
      tpu.vector_store %arg8[%swap3A_2538, %swap3A_2539], %add3A_2537 {strides = array<i32>} : memref<32x128xi32, #tpu.memory_space<vmem>>, vector<16xi32>,
      %mul3A_2541 = arith.constant 128 : i32
      %mul3A_2542 = arith.muli %scan3A_2428, %mul3A_2541 : i32
      %add3A_2543 = arith.constant 96 : i32
      %add3A_2544 = arith.addi %mul3A_2542, %add3A_2543 : i32
      %get3A_2545 = arith.index_cast %add3A_2544 : i32 to index
      %get3A_2546 = tpu.vector_load %arg7[%get3A_2545] {strides = array<i32>} : memref<4112xi32, #tpu.memory_space<vmem>>, vector<16xi32>,
      %sub3A_2547 = vector.broadcast %mul3A_2 : i32 to vector<16xi32>
      %sub3A_2548 = arith.subi %get3A_2546, %sub3A_2547 : vector<16xi32>
      %jit3A_2549 = arith.constant 0 : i32
      %jit3A_2550 = arith.constant 6400 : i32
      %max3A_2551 = vector.broadcast %jit3A_2549 : i32 to vector<16xi32>
      %max3A_2552 = arith.maxsi %max3A_2551, %sub3A_2548 : vector<16xi32>
      %min3A_2553 = vector.broadcast %jit3A_2550 : i32 to vector<16xi32>
      %min3A_2554 = arith.minsi %min3A_2553, %max3A_2552 : vector<16xi32>
      %add3A_2555 = vector.broadcast %mul3A_25 : i32 to vector<16xi32>
      %add3A_2556 = arith.addi %min3A_2554, %add3A_2555 : vector<16xi32>
      %swap3A_2557 = arith.index_cast %scan3A_2428 : i32 to index
      %swap3A_2558 = arith.constant 96 : index
      %swap3A_2559 = tpu.vector_load %arg8[%swap3A_2557, %swap3A_2558] {strides = array<i32>} : memref<32x128xi32, #tpu.memory_space<vmem>>, vector<16xi32>,
      tpu.vector_store %arg8[%swap3A_2557, %swap3A_2558], %add3A_2556 {strides = array<i32>} : memref<32x128xi32, #tpu.memory_space<vmem>>, vector<16xi32>,
      %mul3A_2560 = arith.constant 128 : i32
      %mul3A_2561 = arith.muli %scan3A_2428, %mul3A_2560 : i32
      %add3A_2562 = arith.constant 112 : i32
      %add3A_2563 = arith.addi %mul3A_2561, %add3A_2562 : i32
      %get3A_2564 = arith.index_cast %add3A_2563 : i32 to index
      %get3A_2565 = tpu.vector_load %arg7[%get3A_2564] {strides = array<i32>} : memref<4112xi32, #tpu.memory_space<vmem>>, vector<16xi32>,
      %sub3A_2566 = vector.broadcast %mul3A_2 : i32 to vector<16xi32>
      %sub3A_2567 = arith.subi %get3A_2565, %sub3A_2566 : vector<16xi32>
      %jit3A_2568 = arith.constant 0 : i32
      %jit3A_2569 = arith.constant 6400 : i32
      %max3A_2570 = vector.broadcast %jit3A_2568 : i32 to vector<16xi32>
      %max3A_2571 = arith.maxsi %max3A_2570, %sub3A_2567 : vector<16xi32>
      %min3A_2572 = vector.broadcast %jit3A_2569 : i32 to vector<16xi32>
      %min3A_2573 = arith.minsi %min3A_2572, %max3A_2571 : vector<16xi32>
      %add3A_2574 = vector.broadcast %mul3A_25 : i32 to vector<16xi32>
      %add3A_2575 = arith.addi %min3A_2573, %add3A_2574 : vector<16xi32>
      %swap3A_2576 = arith.index_cast %scan3A_2428 : i32 to index
      %swap3A_2577 = arith.constant 112 : index
      %swap3A_2578 = tpu.vector_load %arg8[%swap3A_2576, %swap3A_2577] {strides = array<i32>} : memref<32x128xi32, #tpu.memory_space<vmem>>, vector<16xi32>,
      tpu.vector_store %arg8[%swap3A_2576, %swap3A_2577], %add3A_2575 {strides = array<i32>} : memref<32x128xi32, #tpu.memory_space<vmem>>, vector<16xi32>,
    }
    %scan3A_119 = arith.constant 32 : i32
    %broadcast_in_dim3A_120 = arith.constant 1 : i32
    %broadcast_in_dim3A_121 = vector.broadcast %broadcast_in_dim3A_120 : i32 to vector<16xi32>
    %swap3A_122 = arith.constant 0 : index
    %swap3A_123 = tpu.vector_load %arg9[%swap3A_122] {strides = array<i32>} : memref<128xi32, #tpu.memory_space<vmem>>, vector<16xi32>,
    tpu.vector_store %arg9[%swap3A_122], %broadcast_in_dim3A_121 {strides = array<i32>} : memref<128xi32, #tpu.memory_space<vmem>>, vector<16xi32>,
    %broadcast_in_dim3A_124 = arith.constant 1 : i32
    %broadcast_in_dim3A_125 = vector.broadcast %broadcast_in_dim3A_124 : i32 to vector<16xi32>
    %swap3A_126 = arith.constant 16 : index
    %swap3A_127 = tpu.vector_load %arg9[%swap3A_126] {strides = array<i32>} : memref<128xi32, #tpu.memory_space<vmem>>, vector<16xi32>,
    tpu.vector_store %arg9[%swap3A_126], %broadcast_in_dim3A_125 {strides = array<i32>} : memref<128xi32, #tpu.memory_space<vmem>>, vector<16xi32>,
    %broadcast_in_dim3A_128 = arith.constant 1 : i32
    %broadcast_in_dim3A_129 = vector.broadcast %broadcast_in_dim3A_128 : i32 to vector<16xi32>
    %swap3A_130 = arith.constant 32 : index
    %swap3A_131 = tpu.vector_load %arg9[%swap3A_130] {strides = array<i32>} : memref<128xi32, #tpu.memory_space<vmem>>, vector<16xi32>,
    tpu.vector_store %arg9[%swap3A_130], %broadcast_in_dim3A_129 {strides = array<i32>} : memref<128xi32, #tpu.memory_space<vmem>>, vector<16xi32>,
    %broadcast_in_dim3A_132 = arith.constant 1 : i32
    %broadcast_in_dim3A_133 = vector.broadcast %broadcast_in_dim3A_132 : i32 to vector<16xi32>
    %swap3A_134 = arith.constant 48 : index
    %swap3A_135 = tpu.vector_load %arg9[%swap3A_134] {strides = array<i32>} : memref<128xi32, #tpu.memory_space<vmem>>, vector<16xi32>,
    tpu.vector_store %arg9[%swap3A_134], %broadcast_in_dim3A_133 {strides = array<i32>} : memref<128xi32, #tpu.memory_space<vmem>>, vector<16xi32>,
    %broadcast_in_dim3A_136 = arith.constant 1 : i32
    %broadcast_in_dim3A_137 = vector.broadcast %broadcast_in_dim3A_136 : i32 to vector<16xi32>
    %swap3A_138 = arith.constant 64 : index
    %swap3A_139 = tpu.vector_load %arg9[%swap3A_138] {strides = array<i32>} : memref<128xi32, #tpu.memory_space<vmem>>, vector<16xi32>,
    tpu.vector_store %arg9[%swap3A_138], %broadcast_in_dim3A_137 {strides = array<i32>} : memref<128xi32, #tpu.memory_space<vmem>>, vector<16xi32>,
    %broadcast_in_dim3A_140 = arith.constant 1 : i32
    %broadcast_in_dim3A_141 = vector.broadcast %broadcast_in_dim3A_140 : i32 to vector<16xi32>
    %swap3A_142 = arith.constant 80 : index
    %swap3A_143 = tpu.vector_load %arg9[%swap3A_142] {strides = array<i32>} : memref<128xi32, #tpu.memory_space<vmem>>, vector<16xi32>,
    tpu.vector_store %arg9[%swap3A_142], %broadcast_in_dim3A_141 {strides = array<i32>} : memref<128xi32, #tpu.memory_space<vmem>>, vector<16xi32>,
    %broadcast_in_dim3A_144 = arith.constant 1 : i32
    %broadcast_in_dim3A_145 = vector.broadcast %broadcast_in_dim3A_144 : i32 to vector<16xi32>
    %swap3A_146 = arith.constant 96 : index
    %swap3A_147 = tpu.vector_load %arg9[%swap3A_146] {strides = array<i32>} : memref<128xi32, #tpu.memory_space<vmem>>, vector<16xi32>,
    tpu.vector_store %arg9[%swap3A_146], %broadcast_in_dim3A_145 {strides = array<i32>} : memref<128xi32, #tpu.memory_space<vmem>>, vector<16xi32>,
    %broadcast_in_dim3A_148 = arith.constant 1 : i32
    %broadcast_in_dim3A_149 = vector.broadcast %broadcast_in_dim3A_148 : i32 to vector<16xi32>
    %swap3A_150 = arith.constant 112 : index
    %swap3A_151 = tpu.vector_load %arg9[%swap3A_150] {strides = array<i32>} : memref<128xi32, #tpu.memory_space<vmem>>, vector<16xi32>,
    tpu.vector_store %arg9[%swap3A_150], %broadcast_in_dim3A_149 {strides = array<i32>} : memref<128xi32, #tpu.memory_space<vmem>>, vector<16xi32>,
    %dma_start3A_152 = arith.constant 0 : i32
    %dma_start3A_153 = arith.constant 0 : i32
    %dma_start3A_154 = tpu.memref_slice %arg8[%dma_start3A_152, %dma_start3A_153] : memref<32x128xi32, #tpu.memory_space<vmem>> -> memref<1x128xi32, #tpu.memory_space<vmem>>
    %dma_start3A_155 = tpu.memref_squeeze %dma_start3A_154 : memref<1x128xi32, #tpu.memory_space<vmem>> -> memref<128xi32, #tpu.memory_space<vmem>>
    %dma_start3A_156 = arith.constant 0 : i32
    %dma_start3A_157 = tpu.memref_slice %arg16[%dma_start3A_156] : memref<102528xi32, #tpu.memory_space<vmem_shared>> -> memref<102528xi32, #tpu.memory_space<vmem_shared>>
    tpu.enqueue_indirect_dma source(%arg9 : memref<128xi32, #tpu.memory_space<vmem>>) target(%dma_start3A_157 : memref<102528xi32, #tpu.memory_space<vmem_shared>>) offsets(%dma_start3A_155 : memref<128xi32, #tpu.memory_space<vmem>>) semaphore(%arg19 : memref<!tpu.dma_semaphore, #tpu.memory_space<semaphore_mem>>) {add = true}
    %dma_start3A_158 = arith.constant 1 : i32
    %dma_start3A_159 = arith.constant 0 : i32
    %dma_start3A_160 = tpu.memref_slice %arg8[%dma_start3A_158, %dma_start3A_159] : memref<32x128xi32, #tpu.memory_space<vmem>> -> memref<1x128xi32, #tpu.memory_space<vmem>>
    %dma_start3A_161 = tpu.memref_squeeze %dma_start3A_160 : memref<1x128xi32, #tpu.memory_space<vmem>> -> memref<128xi32, #tpu.memory_space<vmem>>
    %dma_start3A_162 = arith.constant 0 : i32
    %dma_start3A_163 = tpu.memref_slice %arg16[%dma_start3A_162] : memref<102528xi32, #tpu.memory_space<vmem_shared>> -> memref<102528xi32, #tpu.memory_space<vmem_shared>>
    tpu.enqueue_indirect_dma source(%arg9 : memref<128xi32, #tpu.memory_space<vmem>>) target(%dma_start3A_163 : memref<102528xi32, #tpu.memory_space<vmem_shared>>) offsets(%dma_start3A_161 : memref<128xi32, #tpu.memory_space<vmem>>) semaphore(%arg19 : memref<!tpu.dma_semaphore, #tpu.memory_space<semaphore_mem>>) {add = true}
    %dma_start3A_164 = arith.constant 2 : i32
    %dma_start3A_165 = arith.constant 0 : i32
    %dma_start3A_166 = tpu.memref_slice %arg8[%dma_start3A_164, %dma_start3A_165] : memref<32x128xi32, #tpu.memory_space<vmem>> -> memref<1x128xi32, #tpu.memory_space<vmem>>
    %dma_start3A_167 = tpu.memref_squeeze %dma_start3A_166 : memref<1x128xi32, #tpu.memory_space<vmem>> -> memref<128xi32, #tpu.memory_space<vmem>>
    %dma_start3A_168 = arith.constant 0 : i32
    %dma_start3A_169 = tpu.memref_slice %arg16[%dma_start3A_168] : memref<102528xi32, #tpu.memory_space<vmem_shared>> -> memref<102528xi32, #tpu.memory_space<vmem_shared>>
    tpu.enqueue_indirect_dma source(%arg9 : memref<128xi32, #tpu.memory_space<vmem>>) target(%dma_start3A_169 : memref<102528xi32, #tpu.memory_space<vmem_shared>>) offsets(%dma_start3A_167 : memref<128xi32, #tpu.memory_space<vmem>>) semaphore(%arg19 : memref<!tpu.dma_semaphore, #tpu.memory_space<semaphore_mem>>) {add = true}
    %dma_start3A_170 = arith.constant 3 : i32
    %dma_start3A_171 = arith.constant 0 : i32
    %dma_start3A_172 = tpu.memref_slice %arg8[%dma_start3A_170, %dma_start3A_171] : memref<32x128xi32, #tpu.memory_space<vmem>> -> memref<1x128xi32, #tpu.memory_space<vmem>>
    %dma_start3A_173 = tpu.memref_squeeze %dma_start3A_172 : memref<1x128xi32, #tpu.memory_space<vmem>> -> memref<128xi32, #tpu.memory_space<vmem>>
    %dma_start3A_174 = arith.constant 0 : i32
    %dma_start3A_175 = tpu.memref_slice %arg16[%dma_start3A_174] : memref<102528xi32, #tpu.memory_space<vmem_shared>> -> memref<102528xi32, #tpu.memory_space<vmem_shared>>
    tpu.enqueue_indirect_dma source(%arg9 : memref<128xi32, #tpu.memory_space<vmem>>) target(%dma_start3A_175 : memref<102528xi32, #tpu.memory_space<vmem_shared>>) offsets(%dma_start3A_173 : memref<128xi32, #tpu.memory_space<vmem>>) semaphore(%arg19 : memref<!tpu.dma_semaphore, #tpu.memory_space<semaphore_mem>>) {add = true}
    %dma_start3A_176 = arith.constant 4 : i32
    %dma_start3A_177 = arith.constant 0 : i32
    %dma_start3A_178 = tpu.memref_slice %arg8[%dma_start3A_176, %dma_start3A_177] : memref<32x128xi32, #tpu.memory_space<vmem>> -> memref<1x128xi32, #tpu.memory_space<vmem>>
    %dma_start3A_179 = tpu.memref_squeeze %dma_start3A_178 : memref<1x128xi32, #tpu.memory_space<vmem>> -> memref<128xi32, #tpu.memory_space<vmem>>
    %dma_start3A_180 = arith.constant 0 : i32
    %dma_start3A_181 = tpu.memref_slice %arg16[%dma_start3A_180] : memref<102528xi32, #tpu.memory_space<vmem_shared>> -> memref<102528xi32, #tpu.memory_space<vmem_shared>>
    tpu.enqueue_indirect_dma source(%arg9 : memref<128xi32, #tpu.memory_space<vmem>>) target(%dma_start3A_181 : memref<102528xi32, #tpu.memory_space<vmem_shared>>) offsets(%dma_start3A_179 : memref<128xi32, #tpu.memory_space<vmem>>) semaphore(%arg19 : memref<!tpu.dma_semaphore, #tpu.memory_space<semaphore_mem>>) {add = true}
    %dma_start3A_182 = arith.constant 5 : i32
    %dma_start3A_183 = arith.constant 0 : i32
    %dma_start3A_184 = tpu.memref_slice %arg8[%dma_start3A_182, %dma_start3A_183] : memref<32x128xi32, #tpu.memory_space<vmem>> -> memref<1x128xi32, #tpu.memory_space<vmem>>
    %dma_start3A_185 = tpu.memref_squeeze %dma_start3A_184 : memref<1x128xi32, #tpu.memory_space<vmem>> -> memref<128xi32, #tpu.memory_space<vmem>>
    %dma_start3A_186 = arith.constant 0 : i32
    %dma_start3A_187 = tpu.memref_slice %arg16[%dma_start3A_186] : memref<102528xi32, #tpu.memory_space<vmem_shared>> -> memref<102528xi32, #tpu.memory_space<vmem_shared>>
    tpu.enqueue_indirect_dma source(%arg9 : memref<128xi32, #tpu.memory_space<vmem>>) target(%dma_start3A_187 : memref<102528xi32, #tpu.memory_space<vmem_shared>>) offsets(%dma_start3A_185 : memref<128xi32, #tpu.memory_space<vmem>>) semaphore(%arg19 : memref<!tpu.dma_semaphore, #tpu.memory_space<semaphore_mem>>) {add = true}
    %dma_start3A_188 = arith.constant 6 : i32
    %dma_start3A_189 = arith.constant 0 : i32
    %dma_start3A_190 = tpu.memref_slice %arg8[%dma_start3A_188, %dma_start3A_189] : memref<32x128xi32, #tpu.memory_space<vmem>> -> memref<1x128xi32, #tpu.memory_space<vmem>>
    %dma_start3A_191 = tpu.memref_squeeze %dma_start3A_190 : memref<1x128xi32, #tpu.memory_space<vmem>> -> memref<128xi32, #tpu.memory_space<vmem>>
    %dma_start3A_192 = arith.constant 0 : i32
    %dma_start3A_193 = tpu.memref_slice %arg16[%dma_start3A_192] : memref<102528xi32, #tpu.memory_space<vmem_shared>> -> memref<102528xi32, #tpu.memory_space<vmem_shared>>
    tpu.enqueue_indirect_dma source(%arg9 : memref<128xi32, #tpu.memory_space<vmem>>) target(%dma_start3A_193 : memref<102528xi32, #tpu.memory_space<vmem_shared>>) offsets(%dma_start3A_191 : memref<128xi32, #tpu.memory_space<vmem>>) semaphore(%arg19 : memref<!tpu.dma_semaphore, #tpu.memory_space<semaphore_mem>>) {add = true}
    %dma_start3A_194 = arith.constant 7 : i32
    %dma_start3A_195 = arith.constant 0 : i32
    %dma_start3A_196 = tpu.memref_slice %arg8[%dma_start3A_194, %dma_start3A_195] : memref<32x128xi32, #tpu.memory_space<vmem>> -> memref<1x128xi32, #tpu.memory_space<vmem>>
    %dma_start3A_197 = tpu.memref_squeeze %dma_start3A_196 : memref<1x128xi32, #tpu.memory_space<vmem>> -> memref<128xi32, #tpu.memory_space<vmem>>
    %dma_start3A_198 = arith.constant 0 : i32
    %dma_start3A_199 = tpu.memref_slice %arg16[%dma_start3A_198] : memref<102528xi32, #tpu.memory_space<vmem_shared>> -> memref<102528xi32, #tpu.memory_space<vmem_shared>>
    tpu.enqueue_indirect_dma source(%arg9 : memref<128xi32, #tpu.memory_space<vmem>>) target(%dma_start3A_199 : memref<102528xi32, #tpu.memory_space<vmem_shared>>) offsets(%dma_start3A_197 : memref<128xi32, #tpu.memory_space<vmem>>) semaphore(%arg19 : memref<!tpu.dma_semaphore, #tpu.memory_space<semaphore_mem>>) {add = true}
    %dma_start3A_200 = arith.constant 8 : i32
    %dma_start3A_201 = arith.constant 0 : i32
    %dma_start3A_202 = tpu.memref_slice %arg8[%dma_start3A_200, %dma_start3A_201] : memref<32x128xi32, #tpu.memory_space<vmem>> -> memref<1x128xi32, #tpu.memory_space<vmem>>
    %dma_start3A_203 = tpu.memref_squeeze %dma_start3A_202 : memref<1x128xi32, #tpu.memory_space<vmem>> -> memref<128xi32, #tpu.memory_space<vmem>>
    %dma_start3A_204 = arith.constant 0 : i32
    %dma_start3A_205 = tpu.memref_slice %arg16[%dma_start3A_204] : memref<102528xi32, #tpu.memory_space<vmem_shared>> -> memref<102528xi32, #tpu.memory_space<vmem_shared>>
    tpu.enqueue_indirect_dma source(%arg9 : memref<128xi32, #tpu.memory_space<vmem>>) target(%dma_start3A_205 : memref<102528xi32, #tpu.memory_space<vmem_shared>>) offsets(%dma_start3A_203 : memref<128xi32, #tpu.memory_space<vmem>>) semaphore(%arg19 : memref<!tpu.dma_semaphore, #tpu.memory_space<semaphore_mem>>) {add = true}
    %dma_start3A_206 = arith.constant 9 : i32
    %dma_start3A_207 = arith.constant 0 : i32
    %dma_start3A_208 = tpu.memref_slice %arg8[%dma_start3A_206, %dma_start3A_207] : memref<32x128xi32, #tpu.memory_space<vmem>> -> memref<1x128xi32, #tpu.memory_space<vmem>>
    %dma_start3A_209 = tpu.memref_squeeze %dma_start3A_208 : memref<1x128xi32, #tpu.memory_space<vmem>> -> memref<128xi32, #tpu.memory_space<vmem>>
    %dma_start3A_210 = arith.constant 0 : i32
    %dma_start3A_211 = tpu.memref_slice %arg16[%dma_start3A_210] : memref<102528xi32, #tpu.memory_space<vmem_shared>> -> memref<102528xi32, #tpu.memory_space<vmem_shared>>
    tpu.enqueue_indirect_dma source(%arg9 : memref<128xi32, #tpu.memory_space<vmem>>) target(%dma_start3A_211 : memref<102528xi32, #tpu.memory_space<vmem_shared>>) offsets(%dma_start3A_209 : memref<128xi32, #tpu.memory_space<vmem>>) semaphore(%arg19 : memref<!tpu.dma_semaphore, #tpu.memory_space<semaphore_mem>>) {add = true}
    %dma_start3A_212 = arith.constant 10 : i32
    %dma_start3A_213 = arith.constant 0 : i32
    %dma_start3A_214 = tpu.memref_slice %arg8[%dma_start3A_212, %dma_start3A_213] : memref<32x128xi32, #tpu.memory_space<vmem>> -> memref<1x128xi32, #tpu.memory_space<vmem>>
    %dma_start3A_215 = tpu.memref_squeeze %dma_start3A_214 : memref<1x128xi32, #tpu.memory_space<vmem>> -> memref<128xi32, #tpu.memory_space<vmem>>
    %dma_start3A_216 = arith.constant 0 : i32
    %dma_start3A_217 = tpu.memref_slice %arg16[%dma_start3A_216] : memref<102528xi32, #tpu.memory_space<vmem_shared>> -> memref<102528xi32, #tpu.memory_space<vmem_shared>>
    tpu.enqueue_indirect_dma source(%arg9 : memref<128xi32, #tpu.memory_space<vmem>>) target(%dma_start3A_217 : memref<102528xi32, #tpu.memory_space<vmem_shared>>) offsets(%dma_start3A_215 : memref<128xi32, #tpu.memory_space<vmem>>) semaphore(%arg19 : memref<!tpu.dma_semaphore, #tpu.memory_space<semaphore_mem>>) {add = true}
    %dma_start3A_218 = arith.constant 11 : i32
    %dma_start3A_219 = arith.constant 0 : i32
    %dma_start3A_220 = tpu.memref_slice %arg8[%dma_start3A_218, %dma_start3A_219] : memref<32x128xi32, #tpu.memory_space<vmem>> -> memref<1x128xi32, #tpu.memory_space<vmem>>
    %dma_start3A_221 = tpu.memref_squeeze %dma_start3A_220 : memref<1x128xi32, #tpu.memory_space<vmem>> -> memref<128xi32, #tpu.memory_space<vmem>>
    %dma_start3A_222 = arith.constant 0 : i32
    %dma_start3A_223 = tpu.memref_slice %arg16[%dma_start3A_222] : memref<102528xi32, #tpu.memory_space<vmem_shared>> -> memref<102528xi32, #tpu.memory_space<vmem_shared>>
    tpu.enqueue_indirect_dma source(%arg9 : memref<128xi32, #tpu.memory_space<vmem>>) target(%dma_start3A_223 : memref<102528xi32, #tpu.memory_space<vmem_shared>>) offsets(%dma_start3A_221 : memref<128xi32, #tpu.memory_space<vmem>>) semaphore(%arg19 : memref<!tpu.dma_semaphore, #tpu.memory_space<semaphore_mem>>) {add = true}
    %dma_start3A_224 = arith.constant 12 : i32
    %dma_start3A_225 = arith.constant 0 : i32
    %dma_start3A_226 = tpu.memref_slice %arg8[%dma_start3A_224, %dma_start3A_225] : memref<32x128xi32, #tpu.memory_space<vmem>> -> memref<1x128xi32, #tpu.memory_space<vmem>>
    %dma_start3A_227 = tpu.memref_squeeze %dma_start3A_226 : memref<1x128xi32, #tpu.memory_space<vmem>> -> memref<128xi32, #tpu.memory_space<vmem>>
    %dma_start3A_228 = arith.constant 0 : i32
    %dma_start3A_229 = tpu.memref_slice %arg16[%dma_start3A_228] : memref<102528xi32, #tpu.memory_space<vmem_shared>> -> memref<102528xi32, #tpu.memory_space<vmem_shared>>
    tpu.enqueue_indirect_dma source(%arg9 : memref<128xi32, #tpu.memory_space<vmem>>) target(%dma_start3A_229 : memref<102528xi32, #tpu.memory_space<vmem_shared>>) offsets(%dma_start3A_227 : memref<128xi32, #tpu.memory_space<vmem>>) semaphore(%arg19 : memref<!tpu.dma_semaphore, #tpu.memory_space<semaphore_mem>>) {add = true}
    %dma_start3A_230 = arith.constant 13 : i32
    %dma_start3A_231 = arith.constant 0 : i32
    %dma_start3A_232 = tpu.memref_slice %arg8[%dma_start3A_230, %dma_start3A_231] : memref<32x128xi32, #tpu.memory_space<vmem>> -> memref<1x128xi32, #tpu.memory_space<vmem>>
    %dma_start3A_233 = tpu.memref_squeeze %dma_start3A_232 : memref<1x128xi32, #tpu.memory_space<vmem>> -> memref<128xi32, #tpu.memory_space<vmem>>
    %dma_start3A_234 = arith.constant 0 : i32
    %dma_start3A_235 = tpu.memref_slice %arg16[%dma_start3A_234] : memref<102528xi32, #tpu.memory_space<vmem_shared>> -> memref<102528xi32, #tpu.memory_space<vmem_shared>>
    tpu.enqueue_indirect_dma source(%arg9 : memref<128xi32, #tpu.memory_space<vmem>>) target(%dma_start3A_235 : memref<102528xi32, #tpu.memory_space<vmem_shared>>) offsets(%dma_start3A_233 : memref<128xi32, #tpu.memory_space<vmem>>) semaphore(%arg19 : memref<!tpu.dma_semaphore, #tpu.memory_space<semaphore_mem>>) {add = true}
    %dma_start3A_236 = arith.constant 14 : i32
    %dma_start3A_237 = arith.constant 0 : i32
    %dma_start3A_238 = tpu.memref_slice %arg8[%dma_start3A_236, %dma_start3A_237] : memref<32x128xi32, #tpu.memory_space<vmem>> -> memref<1x128xi32, #tpu.memory_space<vmem>>
    %dma_start3A_239 = tpu.memref_squeeze %dma_start3A_238 : memref<1x128xi32, #tpu.memory_space<vmem>> -> memref<128xi32, #tpu.memory_space<vmem>>
    %dma_start3A_240 = arith.constant 0 : i32
    %dma_start3A_241 = tpu.memref_slice %arg16[%dma_start3A_240] : memref<102528xi32, #tpu.memory_space<vmem_shared>> -> memref<102528xi32, #tpu.memory_space<vmem_shared>>
    tpu.enqueue_indirect_dma source(%arg9 : memref<128xi32, #tpu.memory_space<vmem>>) target(%dma_start3A_241 : memref<102528xi32, #tpu.memory_space<vmem_shared>>) offsets(%dma_start3A_239 : memref<128xi32, #tpu.memory_space<vmem>>) semaphore(%arg19 : memref<!tpu.dma_semaphore, #tpu.memory_space<semaphore_mem>>) {add = true}
    %dma_start3A_242 = arith.constant 15 : i32
    %dma_start3A_243 = arith.constant 0 : i32
    %dma_start3A_244 = tpu.memref_slice %arg8[%dma_start3A_242, %dma_start3A_243] : memref<32x128xi32, #tpu.memory_space<vmem>> -> memref<1x128xi32, #tpu.memory_space<vmem>>
    %dma_start3A_245 = tpu.memref_squeeze %dma_start3A_244 : memref<1x128xi32, #tpu.memory_space<vmem>> -> memref<128xi32, #tpu.memory_space<vmem>>
    %dma_start3A_246 = arith.constant 0 : i32
    %dma_start3A_247 = tpu.memref_slice %arg16[%dma_start3A_246] : memref<102528xi32, #tpu.memory_space<vmem_shared>> -> memref<102528xi32, #tpu.memory_space<vmem_shared>>
    tpu.enqueue_indirect_dma source(%arg9 : memref<128xi32, #tpu.memory_space<vmem>>) target(%dma_start3A_247 : memref<102528xi32, #tpu.memory_space<vmem_shared>>) offsets(%dma_start3A_245 : memref<128xi32, #tpu.memory_space<vmem>>) semaphore(%arg19 : memref<!tpu.dma_semaphore, #tpu.memory_space<semaphore_mem>>) {add = true}
    %dma_start3A_248 = arith.constant 16 : i32
    %dma_start3A_249 = arith.constant 0 : i32
    %dma_start3A_250 = tpu.memref_slice %arg8[%dma_start3A_248, %dma_start3A_249] : memref<32x128xi32, #tpu.memory_space<vmem>> -> memref<1x128xi32, #tpu.memory_space<vmem>>
    %dma_start3A_251 = tpu.memref_squeeze %dma_start3A_250 : memref<1x128xi32, #tpu.memory_space<vmem>> -> memref<128xi32, #tpu.memory_space<vmem>>
    %dma_start3A_252 = arith.constant 0 : i32
    %dma_start3A_253 = tpu.memref_slice %arg16[%dma_start3A_252] : memref<102528xi32, #tpu.memory_space<vmem_shared>> -> memref<102528xi32, #tpu.memory_space<vmem_shared>>
    tpu.enqueue_indirect_dma source(%arg9 : memref<128xi32, #tpu.memory_space<vmem>>) target(%dma_start3A_253 : memref<102528xi32, #tpu.memory_space<vmem_shared>>) offsets(%dma_start3A_251 : memref<128xi32, #tpu.memory_space<vmem>>) semaphore(%arg19 : memref<!tpu.dma_semaphore, #tpu.memory_space<semaphore_mem>>) {add = true}
    %dma_start3A_254 = arith.constant 17 : i32
    %dma_start3A_255 = arith.constant 0 : i32
    %dma_start3A_256 = tpu.memref_slice %arg8[%dma_start3A_254, %dma_start3A_255] : memref<32x128xi32, #tpu.memory_space<vmem>> -> memref<1x128xi32, #tpu.memory_space<vmem>>
    %dma_start3A_257 = tpu.memref_squeeze %dma_start3A_256 : memref<1x128xi32, #tpu.memory_space<vmem>> -> memref<128xi32, #tpu.memory_space<vmem>>
    %dma_start3A_258 = arith.constant 0 : i32
    %dma_start3A_259 = tpu.memref_slice %arg16[%dma_start3A_258] : memref<102528xi32, #tpu.memory_space<vmem_shared>> -> memref<102528xi32, #tpu.memory_space<vmem_shared>>
    tpu.enqueue_indirect_dma source(%arg9 : memref<128xi32, #tpu.memory_space<vmem>>) target(%dma_start3A_259 : memref<102528xi32, #tpu.memory_space<vmem_shared>>) offsets(%dma_start3A_257 : memref<128xi32, #tpu.memory_space<vmem>>) semaphore(%arg19 : memref<!tpu.dma_semaphore, #tpu.memory_space<semaphore_mem>>) {add = true}
    %dma_start3A_260 = arith.constant 18 : i32
    %dma_start3A_261 = arith.constant 0 : i32
    %dma_start3A_262 = tpu.memref_slice %arg8[%dma_start3A_260, %dma_start3A_261] : memref<32x128xi32, #tpu.memory_space<vmem>> -> memref<1x128xi32, #tpu.memory_space<vmem>>
    %dma_start3A_263 = tpu.memref_squeeze %dma_start3A_262 : memref<1x128xi32, #tpu.memory_space<vmem>> -> memref<128xi32, #tpu.memory_space<vmem>>
    %dma_start3A_264 = arith.constant 0 : i32
    %dma_start3A_265 = tpu.memref_slice %arg16[%dma_start3A_264] : memref<102528xi32, #tpu.memory_space<vmem_shared>> -> memref<102528xi32, #tpu.memory_space<vmem_shared>>
    tpu.enqueue_indirect_dma source(%arg9 : memref<128xi32, #tpu.memory_space<vmem>>) target(%dma_start3A_265 : memref<102528xi32, #tpu.memory_space<vmem_shared>>) offsets(%dma_start3A_263 : memref<128xi32, #tpu.memory_space<vmem>>) semaphore(%arg19 : memref<!tpu.dma_semaphore, #tpu.memory_space<semaphore_mem>>) {add = true}
    %dma_start3A_266 = arith.constant 19 : i32
    %dma_start3A_267 = arith.constant 0 : i32
    %dma_start3A_268 = tpu.memref_slice %arg8[%dma_start3A_266, %dma_start3A_267] : memref<32x128xi32, #tpu.memory_space<vmem>> -> memref<1x128xi32, #tpu.memory_space<vmem>>
    %dma_start3A_269 = tpu.memref_squeeze %dma_start3A_268 : memref<1x128xi32, #tpu.memory_space<vmem>> -> memref<128xi32, #tpu.memory_space<vmem>>
    %dma_start3A_270 = arith.constant 0 : i32
    %dma_start3A_271 = tpu.memref_slice %arg16[%dma_start3A_270] : memref<102528xi32, #tpu.memory_space<vmem_shared>> -> memref<102528xi32, #tpu.memory_space<vmem_shared>>
    tpu.enqueue_indirect_dma source(%arg9 : memref<128xi32, #tpu.memory_space<vmem>>) target(%dma_start3A_271 : memref<102528xi32, #tpu.memory_space<vmem_shared>>) offsets(%dma_start3A_269 : memref<128xi32, #tpu.memory_space<vmem>>) semaphore(%arg19 : memref<!tpu.dma_semaphore, #tpu.memory_space<semaphore_mem>>) {add = true}
    %dma_start3A_272 = arith.constant 20 : i32
    %dma_start3A_273 = arith.constant 0 : i32
    %dma_start3A_274 = tpu.memref_slice %arg8[%dma_start3A_272, %dma_start3A_273] : memref<32x128xi32, #tpu.memory_space<vmem>> -> memref<1x128xi32, #tpu.memory_space<vmem>>
    %dma_start3A_275 = tpu.memref_squeeze %dma_start3A_274 : memref<1x128xi32, #tpu.memory_space<vmem>> -> memref<128xi32, #tpu.memory_space<vmem>>
    %dma_start3A_276 = arith.constant 0 : i32
    %dma_start3A_277 = tpu.memref_slice %arg16[%dma_start3A_276] : memref<102528xi32, #tpu.memory_space<vmem_shared>> -> memref<102528xi32, #tpu.memory_space<vmem_shared>>
    tpu.enqueue_indirect_dma source(%arg9 : memref<128xi32, #tpu.memory_space<vmem>>) target(%dma_start3A_277 : memref<102528xi32, #tpu.memory_space<vmem_shared>>) offsets(%dma_start3A_275 : memref<128xi32, #tpu.memory_space<vmem>>) semaphore(%arg19 : memref<!tpu.dma_semaphore, #tpu.memory_space<semaphore_mem>>) {add = true}
    %dma_start3A_278 = arith.constant 21 : i32
    %dma_start3A_279 = arith.constant 0 : i32
    %dma_start3A_280 = tpu.memref_slice %arg8[%dma_start3A_278, %dma_start3A_279] : memref<32x128xi32, #tpu.memory_space<vmem>> -> memref<1x128xi32, #tpu.memory_space<vmem>>
    %dma_start3A_281 = tpu.memref_squeeze %dma_start3A_280 : memref<1x128xi32, #tpu.memory_space<vmem>> -> memref<128xi32, #tpu.memory_space<vmem>>
    %dma_start3A_282 = arith.constant 0 : i32
    %dma_start3A_283 = tpu.memref_slice %arg16[%dma_start3A_282] : memref<102528xi32, #tpu.memory_space<vmem_shared>> -> memref<102528xi32, #tpu.memory_space<vmem_shared>>
    tpu.enqueue_indirect_dma source(%arg9 : memref<128xi32, #tpu.memory_space<vmem>>) target(%dma_start3A_283 : memref<102528xi32, #tpu.memory_space<vmem_shared>>) offsets(%dma_start3A_281 : memref<128xi32, #tpu.memory_space<vmem>>) semaphore(%arg19 : memref<!tpu.dma_semaphore, #tpu.memory_space<semaphore_mem>>) {add = true}
    %dma_start3A_284 = arith.constant 22 : i32
    %dma_start3A_285 = arith.constant 0 : i32
    %dma_start3A_286 = tpu.memref_slice %arg8[%dma_start3A_284, %dma_start3A_285] : memref<32x128xi32, #tpu.memory_space<vmem>> -> memref<1x128xi32, #tpu.memory_space<vmem>>
    %dma_start3A_287 = tpu.memref_squeeze %dma_start3A_286 : memref<1x128xi32, #tpu.memory_space<vmem>> -> memref<128xi32, #tpu.memory_space<vmem>>
    %dma_start3A_288 = arith.constant 0 : i32
    %dma_start3A_289 = tpu.memref_slice %arg16[%dma_start3A_288] : memref<102528xi32, #tpu.memory_space<vmem_shared>> -> memref<102528xi32, #tpu.memory_space<vmem_shared>>
    tpu.enqueue_indirect_dma source(%arg9 : memref<128xi32, #tpu.memory_space<vmem>>) target(%dma_start3A_289 : memref<102528xi32, #tpu.memory_space<vmem_shared>>) offsets(%dma_start3A_287 : memref<128xi32, #tpu.memory_space<vmem>>) semaphore(%arg19 : memref<!tpu.dma_semaphore, #tpu.memory_space<semaphore_mem>>) {add = true}
    %dma_start3A_290 = arith.constant 23 : i32
    %dma_start3A_291 = arith.constant 0 : i32
    %dma_start3A_292 = tpu.memref_slice %arg8[%dma_start3A_290, %dma_start3A_291] : memref<32x128xi32, #tpu.memory_space<vmem>> -> memref<1x128xi32, #tpu.memory_space<vmem>>
    %dma_start3A_293 = tpu.memref_squeeze %dma_start3A_292 : memref<1x128xi32, #tpu.memory_space<vmem>> -> memref<128xi32, #tpu.memory_space<vmem>>
    %dma_start3A_294 = arith.constant 0 : i32
    %dma_start3A_295 = tpu.memref_slice %arg16[%dma_start3A_294] : memref<102528xi32, #tpu.memory_space<vmem_shared>> -> memref<102528xi32, #tpu.memory_space<vmem_shared>>
    tpu.enqueue_indirect_dma source(%arg9 : memref<128xi32, #tpu.memory_space<vmem>>) target(%dma_start3A_295 : memref<102528xi32, #tpu.memory_space<vmem_shared>>) offsets(%dma_start3A_293 : memref<128xi32, #tpu.memory_space<vmem>>) semaphore(%arg19 : memref<!tpu.dma_semaphore, #tpu.memory_space<semaphore_mem>>) {add = true}
    %dma_start3A_296 = arith.constant 24 : i32
    %dma_start3A_297 = arith.constant 0 : i32
    %dma_start3A_298 = tpu.memref_slice %arg8[%dma_start3A_296, %dma_start3A_297] : memref<32x128xi32, #tpu.memory_space<vmem>> -> memref<1x128xi32, #tpu.memory_space<vmem>>
    %dma_start3A_299 = tpu.memref_squeeze %dma_start3A_298 : memref<1x128xi32, #tpu.memory_space<vmem>> -> memref<128xi32, #tpu.memory_space<vmem>>
    %dma_start3A_300 = arith.constant 0 : i32
    %dma_start3A_301 = tpu.memref_slice %arg16[%dma_start3A_300] : memref<102528xi32, #tpu.memory_space<vmem_shared>> -> memref<102528xi32, #tpu.memory_space<vmem_shared>>
    tpu.enqueue_indirect_dma source(%arg9 : memref<128xi32, #tpu.memory_space<vmem>>) target(%dma_start3A_301 : memref<102528xi32, #tpu.memory_space<vmem_shared>>) offsets(%dma_start3A_299 : memref<128xi32, #tpu.memory_space<vmem>>) semaphore(%arg19 : memref<!tpu.dma_semaphore, #tpu.memory_space<semaphore_mem>>) {add = true}
    %dma_start3A_302 = arith.constant 25 : i32
    %dma_start3A_303 = arith.constant 0 : i32
    %dma_start3A_304 = tpu.memref_slice %arg8[%dma_start3A_302, %dma_start3A_303] : memref<32x128xi32, #tpu.memory_space<vmem>> -> memref<1x128xi32, #tpu.memory_space<vmem>>
    %dma_start3A_305 = tpu.memref_squeeze %dma_start3A_304 : memref<1x128xi32, #tpu.memory_space<vmem>> -> memref<128xi32, #tpu.memory_space<vmem>>
    %dma_start3A_306 = arith.constant 0 : i32
    %dma_start3A_307 = tpu.memref_slice %arg16[%dma_start3A_306] : memref<102528xi32, #tpu.memory_space<vmem_shared>> -> memref<102528xi32, #tpu.memory_space<vmem_shared>>
    tpu.enqueue_indirect_dma source(%arg9 : memref<128xi32, #tpu.memory_space<vmem>>) target(%dma_start3A_307 : memref<102528xi32, #tpu.memory_space<vmem_shared>>) offsets(%dma_start3A_305 : memref<128xi32, #tpu.memory_space<vmem>>) semaphore(%arg19 : memref<!tpu.dma_semaphore, #tpu.memory_space<semaphore_mem>>) {add = true}
    %dma_start3A_308 = arith.constant 26 : i32
    %dma_start3A_309 = arith.constant 0 : i32
    %dma_start3A_310 = tpu.memref_slice %arg8[%dma_start3A_308, %dma_start3A_309] : memref<32x128xi32, #tpu.memory_space<vmem>> -> memref<1x128xi32, #tpu.memory_space<vmem>>
    %dma_start3A_311 = tpu.memref_squeeze %dma_start3A_310 : memref<1x128xi32, #tpu.memory_space<vmem>> -> memref<128xi32, #tpu.memory_space<vmem>>
    %dma_start3A_312 = arith.constant 0 : i32
    %dma_start3A_313 = tpu.memref_slice %arg16[%dma_start3A_312] : memref<102528xi32, #tpu.memory_space<vmem_shared>> -> memref<102528xi32, #tpu.memory_space<vmem_shared>>
    tpu.enqueue_indirect_dma source(%arg9 : memref<128xi32, #tpu.memory_space<vmem>>) target(%dma_start3A_313 : memref<102528xi32, #tpu.memory_space<vmem_shared>>) offsets(%dma_start3A_311 : memref<128xi32, #tpu.memory_space<vmem>>) semaphore(%arg19 : memref<!tpu.dma_semaphore, #tpu.memory_space<semaphore_mem>>) {add = true}
    %dma_start3A_314 = arith.constant 27 : i32
    %dma_start3A_315 = arith.constant 0 : i32
    %dma_start3A_316 = tpu.memref_slice %arg8[%dma_start3A_314, %dma_start3A_315] : memref<32x128xi32, #tpu.memory_space<vmem>> -> memref<1x128xi32, #tpu.memory_space<vmem>>
    %dma_start3A_317 = tpu.memref_squeeze %dma_start3A_316 : memref<1x128xi32, #tpu.memory_space<vmem>> -> memref<128xi32, #tpu.memory_space<vmem>>
    %dma_start3A_318 = arith.constant 0 : i32
    %dma_start3A_319 = tpu.memref_slice %arg16[%dma_start3A_318] : memref<102528xi32, #tpu.memory_space<vmem_shared>> -> memref<102528xi32, #tpu.memory_space<vmem_shared>>
    tpu.enqueue_indirect_dma source(%arg9 : memref<128xi32, #tpu.memory_space<vmem>>) target(%dma_start3A_319 : memref<102528xi32, #tpu.memory_space<vmem_shared>>) offsets(%dma_start3A_317 : memref<128xi32, #tpu.memory_space<vmem>>) semaphore(%arg19 : memref<!tpu.dma_semaphore, #tpu.memory_space<semaphore_mem>>) {add = true}
    %dma_start3A_320 = arith.constant 28 : i32
    %dma_start3A_321 = arith.constant 0 : i32
    %dma_start3A_322 = tpu.memref_slice %arg8[%dma_start3A_320, %dma_start3A_321] : memref<32x128xi32, #tpu.memory_space<vmem>> -> memref<1x128xi32, #tpu.memory_space<vmem>>
    %dma_start3A_323 = tpu.memref_squeeze %dma_start3A_322 : memref<1x128xi32, #tpu.memory_space<vmem>> -> memref<128xi32, #tpu.memory_space<vmem>>
    %dma_start3A_324 = arith.constant 0 : i32
    %dma_start3A_325 = tpu.memref_slice %arg16[%dma_start3A_324] : memref<102528xi32, #tpu.memory_space<vmem_shared>> -> memref<102528xi32, #tpu.memory_space<vmem_shared>>
    tpu.enqueue_indirect_dma source(%arg9 : memref<128xi32, #tpu.memory_space<vmem>>) target(%dma_start3A_325 : memref<102528xi32, #tpu.memory_space<vmem_shared>>) offsets(%dma_start3A_323 : memref<128xi32, #tpu.memory_space<vmem>>) semaphore(%arg19 : memref<!tpu.dma_semaphore, #tpu.memory_space<semaphore_mem>>) {add = true}
    %dma_start3A_326 = arith.constant 29 : i32
    %dma_start3A_327 = arith.constant 0 : i32
    %dma_start3A_328 = tpu.memref_slice %arg8[%dma_start3A_326, %dma_start3A_327] : memref<32x128xi32, #tpu.memory_space<vmem>> -> memref<1x128xi32, #tpu.memory_space<vmem>>
    %dma_start3A_329 = tpu.memref_squeeze %dma_start3A_328 : memref<1x128xi32, #tpu.memory_space<vmem>> -> memref<128xi32, #tpu.memory_space<vmem>>
    %dma_start3A_330 = arith.constant 0 : i32
    %dma_start3A_331 = tpu.memref_slice %arg16[%dma_start3A_330] : memref<102528xi32, #tpu.memory_space<vmem_shared>> -> memref<102528xi32, #tpu.memory_space<vmem_shared>>
    tpu.enqueue_indirect_dma source(%arg9 : memref<128xi32, #tpu.memory_space<vmem>>) target(%dma_start3A_331 : memref<102528xi32, #tpu.memory_space<vmem_shared>>) offsets(%dma_start3A_329 : memref<128xi32, #tpu.memory_space<vmem>>) semaphore(%arg19 : memref<!tpu.dma_semaphore, #tpu.memory_space<semaphore_mem>>) {add = true}
    %dma_start3A_332 = arith.constant 30 : i32
    %dma_start3A_333 = arith.constant 0 : i32
    %dma_start3A_334 = tpu.memref_slice %arg8[%dma_start3A_332, %dma_start3A_333] : memref<32x128xi32, #tpu.memory_space<vmem>> -> memref<1x128xi32, #tpu.memory_space<vmem>>
    %dma_start3A_335 = tpu.memref_squeeze %dma_start3A_334 : memref<1x128xi32, #tpu.memory_space<vmem>> -> memref<128xi32, #tpu.memory_space<vmem>>
    %dma_start3A_336 = arith.constant 0 : i32
    %dma_start3A_337 = tpu.memref_slice %arg16[%dma_start3A_336] : memref<102528xi32, #tpu.memory_space<vmem_shared>> -> memref<102528xi32, #tpu.memory_space<vmem_shared>>
    tpu.enqueue_indirect_dma source(%arg9 : memref<128xi32, #tpu.memory_space<vmem>>) target(%dma_start3A_337 : memref<102528xi32, #tpu.memory_space<vmem_shared>>) offsets(%dma_start3A_335 : memref<128xi32, #tpu.memory_space<vmem>>) semaphore(%arg19 : memref<!tpu.dma_semaphore, #tpu.memory_space<semaphore_mem>>) {add = true}
    %dma_start3A_338 = arith.constant 31 : i32
    %dma_start3A_339 = arith.constant 0 : i32
    %dma_start3A_340 = tpu.memref_slice %arg8[%dma_start3A_338, %dma_start3A_339] : memref<32x128xi32, #tpu.memory_space<vmem>> -> memref<1x128xi32, #tpu.memory_space<vmem>>
    %dma_start3A_341 = tpu.memref_squeeze %dma_start3A_340 : memref<1x128xi32, #tpu.memory_space<vmem>> -> memref<128xi32, #tpu.memory_space<vmem>>
    %dma_start3A_342 = arith.constant 0 : i32
    %dma_start3A_343 = tpu.memref_slice %arg16[%dma_start3A_342] : memref<102528xi32, #tpu.memory_space<vmem_shared>> -> memref<102528xi32, #tpu.memory_space<vmem_shared>>
    tpu.enqueue_indirect_dma source(%arg9 : memref<128xi32, #tpu.memory_space<vmem>>) target(%dma_start3A_343 : memref<102528xi32, #tpu.memory_space<vmem_shared>>) offsets(%dma_start3A_341 : memref<128xi32, #tpu.memory_space<vmem>>) semaphore(%arg19 : memref<!tpu.dma_semaphore, #tpu.memory_space<semaphore_mem>>) {add = true}
    %dma_wait3A_344 = arith.constant 0 : i32
    %dma_wait3A_345 = arith.constant 0 : i32
    %dma_wait3A_346 = tpu.memref_slice %arg8[%dma_wait3A_344, %dma_wait3A_345] : memref<32x128xi32, #tpu.memory_space<vmem>> -> memref<1x128xi32, #tpu.memory_space<vmem>>
    %dma_wait3A_347 = tpu.memref_squeeze %dma_wait3A_346 : memref<1x128xi32, #tpu.memory_space<vmem>> -> memref<128xi32, #tpu.memory_space<vmem>>
    %dma_wait3A_348 = arith.constant 0 : i32
    %dma_wait3A_349 = tpu.memref_slice %arg16[%dma_wait3A_348] : memref<102528xi32, #tpu.memory_space<vmem_shared>> -> memref<102528xi32, #tpu.memory_space<vmem_shared>>
    tpu.wait_indirect_dma semaphore(%arg19 : memref<!tpu.dma_semaphore, #tpu.memory_space<semaphore_mem>>) src(%arg9 : memref<128xi32, #tpu.memory_space<vmem>>) dst(%dma_wait3A_349 : memref<102528xi32, #tpu.memory_space<vmem_shared>>)
    %dma_wait3A_350 = arith.constant 1 : i32
    %dma_wait3A_351 = arith.constant 0 : i32
    %dma_wait3A_352 = tpu.memref_slice %arg8[%dma_wait3A_350, %dma_wait3A_351] : memref<32x128xi32, #tpu.memory_space<vmem>> -> memref<1x128xi32, #tpu.memory_space<vmem>>
    %dma_wait3A_353 = tpu.memref_squeeze %dma_wait3A_352 : memref<1x128xi32, #tpu.memory_space<vmem>> -> memref<128xi32, #tpu.memory_space<vmem>>
    %dma_wait3A_354 = arith.constant 0 : i32
    %dma_wait3A_355 = tpu.memref_slice %arg16[%dma_wait3A_354] : memref<102528xi32, #tpu.memory_space<vmem_shared>> -> memref<102528xi32, #tpu.memory_space<vmem_shared>>
    tpu.wait_indirect_dma semaphore(%arg19 : memref<!tpu.dma_semaphore, #tpu.memory_space<semaphore_mem>>) src(%arg9 : memref<128xi32, #tpu.memory_space<vmem>>) dst(%dma_wait3A_355 : memref<102528xi32, #tpu.memory_space<vmem_shared>>)
    %dma_wait3A_356 = arith.constant 2 : i32
    %dma_wait3A_357 = arith.constant 0 : i32
    %dma_wait3A_358 = tpu.memref_slice %arg8[%dma_wait3A_356, %dma_wait3A_357] : memref<32x128xi32, #tpu.memory_space<vmem>> -> memref<1x128xi32, #tpu.memory_space<vmem>>
    %dma_wait3A_359 = tpu.memref_squeeze %dma_wait3A_358 : memref<1x128xi32, #tpu.memory_space<vmem>> -> memref<128xi32, #tpu.memory_space<vmem>>
    %dma_wait3A_360 = arith.constant 0 : i32
    %dma_wait3A_361 = tpu.memref_slice %arg16[%dma_wait3A_360] : memref<102528xi32, #tpu.memory_space<vmem_shared>> -> memref<102528xi32, #tpu.memory_space<vmem_shared>>
    tpu.wait_indirect_dma semaphore(%arg19 : memref<!tpu.dma_semaphore, #tpu.memory_space<semaphore_mem>>) src(%arg9 : memref<128xi32, #tpu.memory_space<vmem>>) dst(%dma_wait3A_361 : memref<102528xi32, #tpu.memory_space<vmem_shared>>)
    %dma_wait3A_362 = arith.constant 3 : i32
    %dma_wait3A_363 = arith.constant 0 : i32
    %dma_wait3A_364 = tpu.memref_slice %arg8[%dma_wait3A_362, %dma_wait3A_363] : memref<32x128xi32, #tpu.memory_space<vmem>> -> memref<1x128xi32, #tpu.memory_space<vmem>>
    %dma_wait3A_365 = tpu.memref_squeeze %dma_wait3A_364 : memref<1x128xi32, #tpu.memory_space<vmem>> -> memref<128xi32, #tpu.memory_space<vmem>>
    %dma_wait3A_366 = arith.constant 0 : i32
    %dma_wait3A_367 = tpu.memref_slice %arg16[%dma_wait3A_366] : memref<102528xi32, #tpu.memory_space<vmem_shared>> -> memref<102528xi32, #tpu.memory_space<vmem_shared>>
    tpu.wait_indirect_dma semaphore(%arg19 : memref<!tpu.dma_semaphore, #tpu.memory_space<semaphore_mem>>) src(%arg9 : memref<128xi32, #tpu.memory_space<vmem>>) dst(%dma_wait3A_367 : memref<102528xi32, #tpu.memory_space<vmem_shared>>)
    %dma_wait3A_368 = arith.constant 4 : i32
    %dma_wait3A_369 = arith.constant 0 : i32
    %dma_wait3A_370 = tpu.memref_slice %arg8[%dma_wait3A_368, %dma_wait3A_369] : memref<32x128xi32, #tpu.memory_space<vmem>> -> memref<1x128xi32, #tpu.memory_space<vmem>>
    %dma_wait3A_371 = tpu.memref_squeeze %dma_wait3A_370 : memref<1x128xi32, #tpu.memory_space<vmem>> -> memref<128xi32, #tpu.memory_space<vmem>>
    %dma_wait3A_372 = arith.constant 0 : i32
    %dma_wait3A_373 = tpu.memref_slice %arg16[%dma_wait3A_372] : memref<102528xi32, #tpu.memory_space<vmem_shared>> -> memref<102528xi32, #tpu.memory_space<vmem_shared>>
    tpu.wait_indirect_dma semaphore(%arg19 : memref<!tpu.dma_semaphore, #tpu.memory_space<semaphore_mem>>) src(%arg9 : memref<128xi32, #tpu.memory_space<vmem>>) dst(%dma_wait3A_373 : memref<102528xi32, #tpu.memory_space<vmem_shared>>)
    %dma_wait3A_374 = arith.constant 5 : i32
    %dma_wait3A_375 = arith.constant 0 : i32
    %dma_wait3A_376 = tpu.memref_slice %arg8[%dma_wait3A_374, %dma_wait3A_375] : memref<32x128xi32, #tpu.memory_space<vmem>> -> memref<1x128xi32, #tpu.memory_space<vmem>>
    %dma_wait3A_377 = tpu.memref_squeeze %dma_wait3A_376 : memref<1x128xi32, #tpu.memory_space<vmem>> -> memref<128xi32, #tpu.memory_space<vmem>>
    %dma_wait3A_378 = arith.constant 0 : i32
    %dma_wait3A_379 = tpu.memref_slice %arg16[%dma_wait3A_378] : memref<102528xi32, #tpu.memory_space<vmem_shared>> -> memref<102528xi32, #tpu.memory_space<vmem_shared>>
    tpu.wait_indirect_dma semaphore(%arg19 : memref<!tpu.dma_semaphore, #tpu.memory_space<semaphore_mem>>) src(%arg9 : memref<128xi32, #tpu.memory_space<vmem>>) dst(%dma_wait3A_379 : memref<102528xi32, #tpu.memory_space<vmem_shared>>)
    %dma_wait3A_380 = arith.constant 6 : i32
    %dma_wait3A_381 = arith.constant 0 : i32
    %dma_wait3A_382 = tpu.memref_slice %arg8[%dma_wait3A_380, %dma_wait3A_381] : memref<32x128xi32, #tpu.memory_space<vmem>> -> memref<1x128xi32, #tpu.memory_space<vmem>>
    %dma_wait3A_383 = tpu.memref_squeeze %dma_wait3A_382 : memref<1x128xi32, #tpu.memory_space<vmem>> -> memref<128xi32, #tpu.memory_space<vmem>>
    %dma_wait3A_384 = arith.constant 0 : i32
    %dma_wait3A_385 = tpu.memref_slice %arg16[%dma_wait3A_384] : memref<102528xi32, #tpu.memory_space<vmem_shared>> -> memref<102528xi32, #tpu.memory_space<vmem_shared>>
    tpu.wait_indirect_dma semaphore(%arg19 : memref<!tpu.dma_semaphore, #tpu.memory_space<semaphore_mem>>) src(%arg9 : memref<128xi32, #tpu.memory_space<vmem>>) dst(%dma_wait3A_385 : memref<102528xi32, #tpu.memory_space<vmem_shared>>)
    %dma_wait3A_386 = arith.constant 7 : i32
    %dma_wait3A_387 = arith.constant 0 : i32
    %dma_wait3A_388 = tpu.memref_slice %arg8[%dma_wait3A_386, %dma_wait3A_387] : memref<32x128xi32, #tpu.memory_space<vmem>> -> memref<1x128xi32, #tpu.memory_space<vmem>>
    %dma_wait3A_389 = tpu.memref_squeeze %dma_wait3A_388 : memref<1x128xi32, #tpu.memory_space<vmem>> -> memref<128xi32, #tpu.memory_space<vmem>>
    %dma_wait3A_390 = arith.constant 0 : i32
    %dma_wait3A_391 = tpu.memref_slice %arg16[%dma_wait3A_390] : memref<102528xi32, #tpu.memory_space<vmem_shared>> -> memref<102528xi32, #tpu.memory_space<vmem_shared>>
    tpu.wait_indirect_dma semaphore(%arg19 : memref<!tpu.dma_semaphore, #tpu.memory_space<semaphore_mem>>) src(%arg9 : memref<128xi32, #tpu.memory_space<vmem>>) dst(%dma_wait3A_391 : memref<102528xi32, #tpu.memory_space<vmem_shared>>)
    %dma_wait3A_392 = arith.constant 8 : i32
    %dma_wait3A_393 = arith.constant 0 : i32
    %dma_wait3A_394 = tpu.memref_slice %arg8[%dma_wait3A_392, %dma_wait3A_393] : memref<32x128xi32, #tpu.memory_space<vmem>> -> memref<1x128xi32, #tpu.memory_space<vmem>>
    %dma_wait3A_395 = tpu.memref_squeeze %dma_wait3A_394 : memref<1x128xi32, #tpu.memory_space<vmem>> -> memref<128xi32, #tpu.memory_space<vmem>>
    %dma_wait3A_396 = arith.constant 0 : i32
    %dma_wait3A_397 = tpu.memref_slice %arg16[%dma_wait3A_396] : memref<102528xi32, #tpu.memory_space<vmem_shared>> -> memref<102528xi32, #tpu.memory_space<vmem_shared>>
    tpu.wait_indirect_dma semaphore(%arg19 : memref<!tpu.dma_semaphore, #tpu.memory_space<semaphore_mem>>) src(%arg9 : memref<128xi32, #tpu.memory_space<vmem>>) dst(%dma_wait3A_397 : memref<102528xi32, #tpu.memory_space<vmem_shared>>)
    %dma_wait3A_398 = arith.constant 9 : i32
    %dma_wait3A_399 = arith.constant 0 : i32
    %dma_wait3A_400 = tpu.memref_slice %arg8[%dma_wait3A_398, %dma_wait3A_399] : memref<32x128xi32, #tpu.memory_space<vmem>> -> memref<1x128xi32, #tpu.memory_space<vmem>>
    %dma_wait3A_401 = tpu.memref_squeeze %dma_wait3A_400 : memref<1x128xi32, #tpu.memory_space<vmem>> -> memref<128xi32, #tpu.memory_space<vmem>>
    %dma_wait3A_402 = arith.constant 0 : i32
    %dma_wait3A_403 = tpu.memref_slice %arg16[%dma_wait3A_402] : memref<102528xi32, #tpu.memory_space<vmem_shared>> -> memref<102528xi32, #tpu.memory_space<vmem_shared>>
    tpu.wait_indirect_dma semaphore(%arg19 : memref<!tpu.dma_semaphore, #tpu.memory_space<semaphore_mem>>) src(%arg9 : memref<128xi32, #tpu.memory_space<vmem>>) dst(%dma_wait3A_403 : memref<102528xi32, #tpu.memory_space<vmem_shared>>)
    %dma_wait3A_404 = arith.constant 10 : i32
    %dma_wait3A_405 = arith.constant 0 : i32
    %dma_wait3A_406 = tpu.memref_slice %arg8[%dma_wait3A_404, %dma_wait3A_405] : memref<32x128xi32, #tpu.memory_space<vmem>> -> memref<1x128xi32, #tpu.memory_space<vmem>>
    %dma_wait3A_407 = tpu.memref_squeeze %dma_wait3A_406 : memref<1x128xi32, #tpu.memory_space<vmem>> -> memref<128xi32, #tpu.memory_space<vmem>>
    %dma_wait3A_408 = arith.constant 0 : i32
    %dma_wait3A_409 = tpu.memref_slice %arg16[%dma_wait3A_408] : memref<102528xi32, #tpu.memory_space<vmem_shared>> -> memref<102528xi32, #tpu.memory_space<vmem_shared>>
    tpu.wait_indirect_dma semaphore(%arg19 : memref<!tpu.dma_semaphore, #tpu.memory_space<semaphore_mem>>) src(%arg9 : memref<128xi32, #tpu.memory_space<vmem>>) dst(%dma_wait3A_409 : memref<102528xi32, #tpu.memory_space<vmem_shared>>)
    %dma_wait3A_410 = arith.constant 11 : i32
    %dma_wait3A_411 = arith.constant 0 : i32
    %dma_wait3A_412 = tpu.memref_slice %arg8[%dma_wait3A_410, %dma_wait3A_411] : memref<32x128xi32, #tpu.memory_space<vmem>> -> memref<1x128xi32, #tpu.memory_space<vmem>>
    %dma_wait3A_413 = tpu.memref_squeeze %dma_wait3A_412 : memref<1x128xi32, #tpu.memory_space<vmem>> -> memref<128xi32, #tpu.memory_space<vmem>>
    %dma_wait3A_414 = arith.constant 0 : i32
    %dma_wait3A_415 = tpu.memref_slice %arg16[%dma_wait3A_414] : memref<102528xi32, #tpu.memory_space<vmem_shared>> -> memref<102528xi32, #tpu.memory_space<vmem_shared>>
    tpu.wait_indirect_dma semaphore(%arg19 : memref<!tpu.dma_semaphore, #tpu.memory_space<semaphore_mem>>) src(%arg9 : memref<128xi32, #tpu.memory_space<vmem>>) dst(%dma_wait3A_415 : memref<102528xi32, #tpu.memory_space<vmem_shared>>)
    %dma_wait3A_416 = arith.constant 12 : i32
    %dma_wait3A_417 = arith.constant 0 : i32
    %dma_wait3A_418 = tpu.memref_slice %arg8[%dma_wait3A_416, %dma_wait3A_417] : memref<32x128xi32, #tpu.memory_space<vmem>> -> memref<1x128xi32, #tpu.memory_space<vmem>>
    %dma_wait3A_419 = tpu.memref_squeeze %dma_wait3A_418 : memref<1x128xi32, #tpu.memory_space<vmem>> -> memref<128xi32, #tpu.memory_space<vmem>>
    %dma_wait3A_420 = arith.constant 0 : i32
    %dma_wait3A_421 = tpu.memref_slice %arg16[%dma_wait3A_420] : memref<102528xi32, #tpu.memory_space<vmem_shared>> -> memref<102528xi32, #tpu.memory_space<vmem_shared>>
    tpu.wait_indirect_dma semaphore(%arg19 : memref<!tpu.dma_semaphore, #tpu.memory_space<semaphore_mem>>) src(%arg9 : memref<128xi32, #tpu.memory_space<vmem>>) dst(%dma_wait3A_421 : memref<102528xi32, #tpu.memory_space<vmem_shared>>)
    %dma_wait3A_422 = arith.constant 13 : i32
    %dma_wait3A_423 = arith.constant 0 : i32
    %dma_wait3A_424 = tpu.memref_slice %arg8[%dma_wait3A_422, %dma_wait3A_423] : memref<32x128xi32, #tpu.memory_space<vmem>> -> memref<1x128xi32, #tpu.memory_space<vmem>>
    %dma_wait3A_425 = tpu.memref_squeeze %dma_wait3A_424 : memref<1x128xi32, #tpu.memory_space<vmem>> -> memref<128xi32, #tpu.memory_space<vmem>>
    %dma_wait3A_426 = arith.constant 0 : i32
    %dma_wait3A_427 = tpu.memref_slice %arg16[%dma_wait3A_426] : memref<102528xi32, #tpu.memory_space<vmem_shared>> -> memref<102528xi32, #tpu.memory_space<vmem_shared>>
    tpu.wait_indirect_dma semaphore(%arg19 : memref<!tpu.dma_semaphore, #tpu.memory_space<semaphore_mem>>) src(%arg9 : memref<128xi32, #tpu.memory_space<vmem>>) dst(%dma_wait3A_427 : memref<102528xi32, #tpu.memory_space<vmem_shared>>)
    %dma_wait3A_428 = arith.constant 14 : i32
    %dma_wait3A_429 = arith.constant 0 : i32
    %dma_wait3A_430 = tpu.memref_slice %arg8[%dma_wait3A_428, %dma_wait3A_429] : memref<32x128xi32, #tpu.memory_space<vmem>> -> memref<1x128xi32, #tpu.memory_space<vmem>>
    %dma_wait3A_431 = tpu.memref_squeeze %dma_wait3A_430 : memref<1x128xi32, #tpu.memory_space<vmem>> -> memref<128xi32, #tpu.memory_space<vmem>>
    %dma_wait3A_432 = arith.constant 0 : i32
    %dma_wait3A_433 = tpu.memref_slice %arg16[%dma_wait3A_432] : memref<102528xi32, #tpu.memory_space<vmem_shared>> -> memref<102528xi32, #tpu.memory_space<vmem_shared>>
    tpu.wait_indirect_dma semaphore(%arg19 : memref<!tpu.dma_semaphore, #tpu.memory_space<semaphore_mem>>) src(%arg9 : memref<128xi32, #tpu.memory_space<vmem>>) dst(%dma_wait3A_433 : memref<102528xi32, #tpu.memory_space<vmem_shared>>)
    %dma_wait3A_434 = arith.constant 15 : i32
    %dma_wait3A_435 = arith.constant 0 : i32
    %dma_wait3A_436 = tpu.memref_slice %arg8[%dma_wait3A_434, %dma_wait3A_435] : memref<32x128xi32, #tpu.memory_space<vmem>> -> memref<1x128xi32, #tpu.memory_space<vmem>>
    %dma_wait3A_437 = tpu.memref_squeeze %dma_wait3A_436 : memref<1x128xi32, #tpu.memory_space<vmem>> -> memref<128xi32, #tpu.memory_space<vmem>>
    %dma_wait3A_438 = arith.constant 0 : i32
    %dma_wait3A_439 = tpu.memref_slice %arg16[%dma_wait3A_438] : memref<102528xi32, #tpu.memory_space<vmem_shared>> -> memref<102528xi32, #tpu.memory_space<vmem_shared>>
    tpu.wait_indirect_dma semaphore(%arg19 : memref<!tpu.dma_semaphore, #tpu.memory_space<semaphore_mem>>) src(%arg9 : memref<128xi32, #tpu.memory_space<vmem>>) dst(%dma_wait3A_439 : memref<102528xi32, #tpu.memory_space<vmem_shared>>)
    %dma_wait3A_440 = arith.constant 16 : i32
    %dma_wait3A_441 = arith.constant 0 : i32
    %dma_wait3A_442 = tpu.memref_slice %arg8[%dma_wait3A_440, %dma_wait3A_441] : memref<32x128xi32, #tpu.memory_space<vmem>> -> memref<1x128xi32, #tpu.memory_space<vmem>>
    %dma_wait3A_443 = tpu.memref_squeeze %dma_wait3A_442 : memref<1x128xi32, #tpu.memory_space<vmem>> -> memref<128xi32, #tpu.memory_space<vmem>>
    %dma_wait3A_444 = arith.constant 0 : i32
    %dma_wait3A_445 = tpu.memref_slice %arg16[%dma_wait3A_444] : memref<102528xi32, #tpu.memory_space<vmem_shared>> -> memref<102528xi32, #tpu.memory_space<vmem_shared>>
    tpu.wait_indirect_dma semaphore(%arg19 : memref<!tpu.dma_semaphore, #tpu.memory_space<semaphore_mem>>) src(%arg9 : memref<128xi32, #tpu.memory_space<vmem>>) dst(%dma_wait3A_445 : memref<102528xi32, #tpu.memory_space<vmem_shared>>)
    %dma_wait3A_446 = arith.constant 17 : i32
    %dma_wait3A_447 = arith.constant 0 : i32
    %dma_wait3A_448 = tpu.memref_slice %arg8[%dma_wait3A_446, %dma_wait3A_447] : memref<32x128xi32, #tpu.memory_space<vmem>> -> memref<1x128xi32, #tpu.memory_space<vmem>>
    %dma_wait3A_449 = tpu.memref_squeeze %dma_wait3A_448 : memref<1x128xi32, #tpu.memory_space<vmem>> -> memref<128xi32, #tpu.memory_space<vmem>>
    %dma_wait3A_450 = arith.constant 0 : i32
    %dma_wait3A_451 = tpu.memref_slice %arg16[%dma_wait3A_450] : memref<102528xi32, #tpu.memory_space<vmem_shared>> -> memref<102528xi32, #tpu.memory_space<vmem_shared>>
    tpu.wait_indirect_dma semaphore(%arg19 : memref<!tpu.dma_semaphore, #tpu.memory_space<semaphore_mem>>) src(%arg9 : memref<128xi32, #tpu.memory_space<vmem>>) dst(%dma_wait3A_451 : memref<102528xi32, #tpu.memory_space<vmem_shared>>)
    %dma_wait3A_452 = arith.constant 18 : i32
    %dma_wait3A_453 = arith.constant 0 : i32
    %dma_wait3A_454 = tpu.memref_slice %arg8[%dma_wait3A_452, %dma_wait3A_453] : memref<32x128xi32, #tpu.memory_space<vmem>> -> memref<1x128xi32, #tpu.memory_space<vmem>>
    %dma_wait3A_455 = tpu.memref_squeeze %dma_wait3A_454 : memref<1x128xi32, #tpu.memory_space<vmem>> -> memref<128xi32, #tpu.memory_space<vmem>>
    %dma_wait3A_456 = arith.constant 0 : i32
    %dma_wait3A_457 = tpu.memref_slice %arg16[%dma_wait3A_456] : memref<102528xi32, #tpu.memory_space<vmem_shared>> -> memref<102528xi32, #tpu.memory_space<vmem_shared>>
    tpu.wait_indirect_dma semaphore(%arg19 : memref<!tpu.dma_semaphore, #tpu.memory_space<semaphore_mem>>) src(%arg9 : memref<128xi32, #tpu.memory_space<vmem>>) dst(%dma_wait3A_457 : memref<102528xi32, #tpu.memory_space<vmem_shared>>)
    %dma_wait3A_458 = arith.constant 19 : i32
    %dma_wait3A_459 = arith.constant 0 : i32
    %dma_wait3A_460 = tpu.memref_slice %arg8[%dma_wait3A_458, %dma_wait3A_459] : memref<32x128xi32, #tpu.memory_space<vmem>> -> memref<1x128xi32, #tpu.memory_space<vmem>>
    %dma_wait3A_461 = tpu.memref_squeeze %dma_wait3A_460 : memref<1x128xi32, #tpu.memory_space<vmem>> -> memref<128xi32, #tpu.memory_space<vmem>>
    %dma_wait3A_462 = arith.constant 0 : i32
    %dma_wait3A_463 = tpu.memref_slice %arg16[%dma_wait3A_462] : memref<102528xi32, #tpu.memory_space<vmem_shared>> -> memref<102528xi32, #tpu.memory_space<vmem_shared>>
    tpu.wait_indirect_dma semaphore(%arg19 : memref<!tpu.dma_semaphore, #tpu.memory_space<semaphore_mem>>) src(%arg9 : memref<128xi32, #tpu.memory_space<vmem>>) dst(%dma_wait3A_463 : memref<102528xi32, #tpu.memory_space<vmem_shared>>)
    %dma_wait3A_464 = arith.constant 20 : i32
    %dma_wait3A_465 = arith.constant 0 : i32
    %dma_wait3A_466 = tpu.memref_slice %arg8[%dma_wait3A_464, %dma_wait3A_465] : memref<32x128xi32, #tpu.memory_space<vmem>> -> memref<1x128xi32, #tpu.memory_space<vmem>>
    %dma_wait3A_467 = tpu.memref_squeeze %dma_wait3A_466 : memref<1x128xi32, #tpu.memory_space<vmem>> -> memref<128xi32, #tpu.memory_space<vmem>>
    %dma_wait3A_468 = arith.constant 0 : i32
    %dma_wait3A_469 = tpu.memref_slice %arg16[%dma_wait3A_468] : memref<102528xi32, #tpu.memory_space<vmem_shared>> -> memref<102528xi32, #tpu.memory_space<vmem_shared>>
    tpu.wait_indirect_dma semaphore(%arg19 : memref<!tpu.dma_semaphore, #tpu.memory_space<semaphore_mem>>) src(%arg9 : memref<128xi32, #tpu.memory_space<vmem>>) dst(%dma_wait3A_469 : memref<102528xi32, #tpu.memory_space<vmem_shared>>)
    %dma_wait3A_470 = arith.constant 21 : i32
    %dma_wait3A_471 = arith.constant 0 : i32
    %dma_wait3A_472 = tpu.memref_slice %arg8[%dma_wait3A_470, %dma_wait3A_471] : memref<32x128xi32, #tpu.memory_space<vmem>> -> memref<1x128xi32, #tpu.memory_space<vmem>>
    %dma_wait3A_473 = tpu.memref_squeeze %dma_wait3A_472 : memref<1x128xi32, #tpu.memory_space<vmem>> -> memref<128xi32, #tpu.memory_space<vmem>>
    %dma_wait3A_474 = arith.constant 0 : i32
    %dma_wait3A_475 = tpu.memref_slice %arg16[%dma_wait3A_474] : memref<102528xi32, #tpu.memory_space<vmem_shared>> -> memref<102528xi32, #tpu.memory_space<vmem_shared>>
    tpu.wait_indirect_dma semaphore(%arg19 : memref<!tpu.dma_semaphore, #tpu.memory_space<semaphore_mem>>) src(%arg9 : memref<128xi32, #tpu.memory_space<vmem>>) dst(%dma_wait3A_475 : memref<102528xi32, #tpu.memory_space<vmem_shared>>)
    %dma_wait3A_476 = arith.constant 22 : i32
    %dma_wait3A_477 = arith.constant 0 : i32
    %dma_wait3A_478 = tpu.memref_slice %arg8[%dma_wait3A_476, %dma_wait3A_477] : memref<32x128xi32, #tpu.memory_space<vmem>> -> memref<1x128xi32, #tpu.memory_space<vmem>>
    %dma_wait3A_479 = tpu.memref_squeeze %dma_wait3A_478 : memref<1x128xi32, #tpu.memory_space<vmem>> -> memref<128xi32, #tpu.memory_space<vmem>>
    %dma_wait3A_480 = arith.constant 0 : i32
    %dma_wait3A_481 = tpu.memref_slice %arg16[%dma_wait3A_480] : memref<102528xi32, #tpu.memory_space<vmem_shared>> -> memref<102528xi32, #tpu.memory_space<vmem_shared>>
    tpu.wait_indirect_dma semaphore(%arg19 : memref<!tpu.dma_semaphore, #tpu.memory_space<semaphore_mem>>) src(%arg9 : memref<128xi32, #tpu.memory_space<vmem>>) dst(%dma_wait3A_481 : memref<102528xi32, #tpu.memory_space<vmem_shared>>)
    %dma_wait3A_482 = arith.constant 23 : i32
    %dma_wait3A_483 = arith.constant 0 : i32
    %dma_wait3A_484 = tpu.memref_slice %arg8[%dma_wait3A_482, %dma_wait3A_483] : memref<32x128xi32, #tpu.memory_space<vmem>> -> memref<1x128xi32, #tpu.memory_space<vmem>>
    %dma_wait3A_485 = tpu.memref_squeeze %dma_wait3A_484 : memref<1x128xi32, #tpu.memory_space<vmem>> -> memref<128xi32, #tpu.memory_space<vmem>>
    %dma_wait3A_486 = arith.constant 0 : i32
    %dma_wait3A_487 = tpu.memref_slice %arg16[%dma_wait3A_486] : memref<102528xi32, #tpu.memory_space<vmem_shared>> -> memref<102528xi32, #tpu.memory_space<vmem_shared>>
    tpu.wait_indirect_dma semaphore(%arg19 : memref<!tpu.dma_semaphore, #tpu.memory_space<semaphore_mem>>) src(%arg9 : memref<128xi32, #tpu.memory_space<vmem>>) dst(%dma_wait3A_487 : memref<102528xi32, #tpu.memory_space<vmem_shared>>)
    %dma_wait3A_488 = arith.constant 24 : i32
    %dma_wait3A_489 = arith.constant 0 : i32
    %dma_wait3A_490 = tpu.memref_slice %arg8[%dma_wait3A_488, %dma_wait3A_489] : memref<32x128xi32, #tpu.memory_space<vmem>> -> memref<1x128xi32, #tpu.memory_space<vmem>>
    %dma_wait3A_491 = tpu.memref_squeeze %dma_wait3A_490 : memref<1x128xi32, #tpu.memory_space<vmem>> -> memref<128xi32, #tpu.memory_space<vmem>>
    %dma_wait3A_492 = arith.constant 0 : i32
    %dma_wait3A_493 = tpu.memref_slice %arg16[%dma_wait3A_492] : memref<102528xi32, #tpu.memory_space<vmem_shared>> -> memref<102528xi32, #tpu.memory_space<vmem_shared>>
    tpu.wait_indirect_dma semaphore(%arg19 : memref<!tpu.dma_semaphore, #tpu.memory_space<semaphore_mem>>) src(%arg9 : memref<128xi32, #tpu.memory_space<vmem>>) dst(%dma_wait3A_493 : memref<102528xi32, #tpu.memory_space<vmem_shared>>)
    %dma_wait3A_494 = arith.constant 25 : i32
    %dma_wait3A_495 = arith.constant 0 : i32
    %dma_wait3A_496 = tpu.memref_slice %arg8[%dma_wait3A_494, %dma_wait3A_495] : memref<32x128xi32, #tpu.memory_space<vmem>> -> memref<1x128xi32, #tpu.memory_space<vmem>>
    %dma_wait3A_497 = tpu.memref_squeeze %dma_wait3A_496 : memref<1x128xi32, #tpu.memory_space<vmem>> -> memref<128xi32, #tpu.memory_space<vmem>>
    %dma_wait3A_498 = arith.constant 0 : i32
    %dma_wait3A_499 = tpu.memref_slice %arg16[%dma_wait3A_498] : memref<102528xi32, #tpu.memory_space<vmem_shared>> -> memref<102528xi32, #tpu.memory_space<vmem_shared>>
    tpu.wait_indirect_dma semaphore(%arg19 : memref<!tpu.dma_semaphore, #tpu.memory_space<semaphore_mem>>) src(%arg9 : memref<128xi32, #tpu.memory_space<vmem>>) dst(%dma_wait3A_499 : memref<102528xi32, #tpu.memory_space<vmem_shared>>)
    %dma_wait3A_500 = arith.constant 26 : i32
    %dma_wait3A_501 = arith.constant 0 : i32
    %dma_wait3A_502 = tpu.memref_slice %arg8[%dma_wait3A_500, %dma_wait3A_501] : memref<32x128xi32, #tpu.memory_space<vmem>> -> memref<1x128xi32, #tpu.memory_space<vmem>>
    %dma_wait3A_503 = tpu.memref_squeeze %dma_wait3A_502 : memref<1x128xi32, #tpu.memory_space<vmem>> -> memref<128xi32, #tpu.memory_space<vmem>>
    %dma_wait3A_504 = arith.constant 0 : i32
    %dma_wait3A_505 = tpu.memref_slice %arg16[%dma_wait3A_504] : memref<102528xi32, #tpu.memory_space<vmem_shared>> -> memref<102528xi32, #tpu.memory_space<vmem_shared>>
    tpu.wait_indirect_dma semaphore(%arg19 : memref<!tpu.dma_semaphore, #tpu.memory_space<semaphore_mem>>) src(%arg9 : memref<128xi32, #tpu.memory_space<vmem>>) dst(%dma_wait3A_505 : memref<102528xi32, #tpu.memory_space<vmem_shared>>)
    %dma_wait3A_506 = arith.constant 27 : i32
    %dma_wait3A_507 = arith.constant 0 : i32
    %dma_wait3A_508 = tpu.memref_slice %arg8[%dma_wait3A_506, %dma_wait3A_507] : memref<32x128xi32, #tpu.memory_space<vmem>> -> memref<1x128xi32, #tpu.memory_space<vmem>>
    %dma_wait3A_509 = tpu.memref_squeeze %dma_wait3A_508 : memref<1x128xi32, #tpu.memory_space<vmem>> -> memref<128xi32, #tpu.memory_space<vmem>>
    %dma_wait3A_510 = arith.constant 0 : i32
    %dma_wait3A_511 = tpu.memref_slice %arg16[%dma_wait3A_510] : memref<102528xi32, #tpu.memory_space<vmem_shared>> -> memref<102528xi32, #tpu.memory_space<vmem_shared>>
    tpu.wait_indirect_dma semaphore(%arg19 : memref<!tpu.dma_semaphore, #tpu.memory_space<semaphore_mem>>) src(%arg9 : memref<128xi32, #tpu.memory_space<vmem>>) dst(%dma_wait3A_511 : memref<102528xi32, #tpu.memory_space<vmem_shared>>)
    %dma_wait3A_512 = arith.constant 28 : i32
    %dma_wait3A_513 = arith.constant 0 : i32
    %dma_wait3A_514 = tpu.memref_slice %arg8[%dma_wait3A_512, %dma_wait3A_513] : memref<32x128xi32, #tpu.memory_space<vmem>> -> memref<1x128xi32, #tpu.memory_space<vmem>>
    %dma_wait3A_515 = tpu.memref_squeeze %dma_wait3A_514 : memref<1x128xi32, #tpu.memory_space<vmem>> -> memref<128xi32, #tpu.memory_space<vmem>>
    %dma_wait3A_516 = arith.constant 0 : i32
    %dma_wait3A_517 = tpu.memref_slice %arg16[%dma_wait3A_516] : memref<102528xi32, #tpu.memory_space<vmem_shared>> -> memref<102528xi32, #tpu.memory_space<vmem_shared>>
    tpu.wait_indirect_dma semaphore(%arg19 : memref<!tpu.dma_semaphore, #tpu.memory_space<semaphore_mem>>) src(%arg9 : memref<128xi32, #tpu.memory_space<vmem>>) dst(%dma_wait3A_517 : memref<102528xi32, #tpu.memory_space<vmem_shared>>)
    %dma_wait3A_518 = arith.constant 29 : i32
    %dma_wait3A_519 = arith.constant 0 : i32
    %dma_wait3A_520 = tpu.memref_slice %arg8[%dma_wait3A_518, %dma_wait3A_519] : memref<32x128xi32, #tpu.memory_space<vmem>> -> memref<1x128xi32, #tpu.memory_space<vmem>>
    %dma_wait3A_521 = tpu.memref_squeeze %dma_wait3A_520 : memref<1x128xi32, #tpu.memory_space<vmem>> -> memref<128xi32, #tpu.memory_space<vmem>>
    %dma_wait3A_522 = arith.constant 0 : i32
    %dma_wait3A_523 = tpu.memref_slice %arg16[%dma_wait3A_522] : memref<102528xi32, #tpu.memory_space<vmem_shared>> -> memref<102528xi32, #tpu.memory_space<vmem_shared>>
    tpu.wait_indirect_dma semaphore(%arg19 : memref<!tpu.dma_semaphore, #tpu.memory_space<semaphore_mem>>) src(%arg9 : memref<128xi32, #tpu.memory_space<vmem>>) dst(%dma_wait3A_523 : memref<102528xi32, #tpu.memory_space<vmem_shared>>)
    %dma_wait3A_524 = arith.constant 30 : i32
    %dma_wait3A_525 = arith.constant 0 : i32
    %dma_wait3A_526 = tpu.memref_slice %arg8[%dma_wait3A_524, %dma_wait3A_525] : memref<32x128xi32, #tpu.memory_space<vmem>> -> memref<1x128xi32, #tpu.memory_space<vmem>>
    %dma_wait3A_527 = tpu.memref_squeeze %dma_wait3A_526 : memref<1x128xi32, #tpu.memory_space<vmem>> -> memref<128xi32, #tpu.memory_space<vmem>>
    %dma_wait3A_528 = arith.constant 0 : i32
    %dma_wait3A_529 = tpu.memref_slice %arg16[%dma_wait3A_528] : memref<102528xi32, #tpu.memory_space<vmem_shared>> -> memref<102528xi32, #tpu.memory_space<vmem_shared>>
    tpu.wait_indirect_dma semaphore(%arg19 : memref<!tpu.dma_semaphore, #tpu.memory_space<semaphore_mem>>) src(%arg9 : memref<128xi32, #tpu.memory_space<vmem>>) dst(%dma_wait3A_529 : memref<102528xi32, #tpu.memory_space<vmem_shared>>)
    %dma_wait3A_530 = arith.constant 31 : i32
    %dma_wait3A_531 = arith.constant 0 : i32
    %dma_wait3A_532 = tpu.memref_slice %arg8[%dma_wait3A_530, %dma_wait3A_531] : memref<32x128xi32, #tpu.memory_space<vmem>> -> memref<1x128xi32, #tpu.memory_space<vmem>>
    %dma_wait3A_533 = tpu.memref_squeeze %dma_wait3A_532 : memref<1x128xi32, #tpu.memory_space<vmem>> -> memref<128xi32, #tpu.memory_space<vmem>>
    %dma_wait3A_534 = arith.constant 0 : i32
    %dma_wait3A_535 = tpu.memref_slice %arg16[%dma_wait3A_534] : memref<102528xi32, #tpu.memory_space<vmem_shared>> -> memref<102528xi32, #tpu.memory_space<vmem_shared>>
    tpu.wait_indirect_dma semaphore(%arg19 : memref<!tpu.dma_semaphore, #tpu.memory_space<semaphore_mem>>) src(%arg9 : memref<128xi32, #tpu.memory_space<vmem>>) dst(%dma_wait3A_535 : memref<102528xi32, #tpu.memory_space<vmem_shared>>)
    "tpu.region"() ({
      %run_scoped3A = tpu.sem_alloc : memref<!tpu.dma_semaphore, #tpu.memory_space<semaphore_mem>>
      %dma_start3A_2428 = tpu.memref_slice %arg16[%mul3A_25] : memref<102528xi32, #tpu.memory_space<vmem_shared>> -> memref<6400xi32, #tpu.memory_space<vmem_shared>>
      %dma_start3A_2429 = tpu.memref_slice %arg16[%mul3A_25] : memref<102528xi32, #tpu.memory_space<vmem_shared>> -> memref<6400xi32, #tpu.memory_space<vmem_shared>>
      tpu.enqueue_dma source(%dma_start3A_2429 : memref<6400xi32, #tpu.memory_space<vmem_shared>>) target(%arg10 : memref<6400xi32, #tpu.memory_space<vmem>>) target_semaphore(%run_scoped3A : memref<!tpu.dma_semaphore, #tpu.memory_space<semaphore_mem>>)
      %dma_wait3A_2430 = tpu.memref_slice %arg16[%mul3A_25] : memref<102528xi32, #tpu.memory_space<vmem_shared>> -> memref<6400xi32, #tpu.memory_space<vmem_shared>>
      %dma_wait3A_2431 = tpu.memref_slice %arg16[%mul3A_25] : memref<102528xi32, #tpu.memory_space<vmem_shared>> -> memref<6400xi32, #tpu.memory_space<vmem_shared>>
      tpu.wait_dma2 semaphore(%run_scoped3A : memref<!tpu.dma_semaphore, #tpu.memory_space<semaphore_mem>>) src(%dma_wait3A_2431 : memref<6400xi32, #tpu.memory_space<vmem_shared>>) dst(%arg10 : memref<6400xi32, #tpu.memory_space<vmem>>)
      tpu.yield
    }) : () -> ()
    %scan3A_536 = arith.constant 0 : i32
    %scan3A_537 = arith.constant 0 : i32
    %scan3A_538 = arith.constant 50 : i32
    %scan3A_539 = arith.addi %scan3A_537, %scan3A_538 : i32
    %scan3A_540 = arith.constant 1 : i32
    %scan3A_541 = scf.for %scan3A_2428 = %scan3A_537 to %scan3A_539 step %scan3A_540 iter_args(%scan3A_2429 = %scan3A_536) -> (i32)  : i32 {
      %mul3A_2430 = arith.constant 128 : i32
      %mul3A_2431 = arith.muli %scan3A_2428, %mul3A_2430 : i32
      %add3A_2432 = arith.constant 0 : i32
      %add3A_2433 = arith.addi %mul3A_2431, %add3A_2432 : i32
      %get3A_2434 = arith.index_cast %add3A_2433 : i32 to index
      %get3A_2435 = tpu.vector_load %arg10[%get3A_2434] {strides = array<i32>} : memref<6400xi32, #tpu.memory_space<vmem>>, vector<16xi32>,
      %broadcast_in_dim3A_2436 = arith.constant true
      %broadcast_in_dim3A_2437 = vector.broadcast %broadcast_in_dim3A_2436 : i1 to vector<16xi1>
      %masked_cumsum3A = tpu.scan <sum>, %get3A_2435 masked %broadcast_in_dim3A_2437 : vector<16xi32>, vector<16xi1> -> vector<16xi32>
      %add3A_2438 = vector.broadcast %scan3A_2429 : i32 to vector<16xi32>
      %add3A_2439 = arith.addi %masked_cumsum3A, %add3A_2438 : vector<16xi32>
      %sub3A_2440 = arith.constant 1 : i32
      %sub3A_2441 = vector.broadcast %sub3A_2440 : i32 to vector<16xi32>
      %sub3A_2442 = arith.subi %add3A_2439, %sub3A_2441 : vector<16xi32>
      %swap3A_2443 = arith.index_cast %scan3A_2428 : i32 to index
      %swap3A_2444 = arith.constant 0 : index
      %swap3A_2445 = tpu.vector_load %arg11[%swap3A_2443, %swap3A_2444] {strides = array<i32>} : memref<50x128xi32, #tpu.memory_space<vmem>>, vector<16xi32>,
      tpu.vector_store %arg11[%swap3A_2443, %swap3A_2444], %sub3A_2442 {strides = array<i32>} : memref<50x128xi32, #tpu.memory_space<vmem>>, vector<16xi32>,
      %reduce_sum3A = arith.constant true
      %reduce_sum3A_2446 = vector.broadcast %reduce_sum3A : i1 to vector<16xi1>
      %reduce_sum3A_2447 = tpu.scan <sum>, %get3A_2435 masked %reduce_sum3A_2446 : vector<16xi32>, vector<16xi1> -> vector<16xi32>
      %reduce_sum3A_2448 = vector.extract %reduce_sum3A_2447[15] : i32 from vector<16xi32>
      %add3A_2449 = arith.addi %scan3A_2429, %reduce_sum3A_2448 : i32
      %mul3A_2450 = arith.constant 128 : i32
      %mul3A_2451 = arith.muli %scan3A_2428, %mul3A_2450 : i32
      %add3A_2452 = arith.constant 16 : i32
      %add3A_2453 = arith.addi %mul3A_2451, %add3A_2452 : i32
      %get3A_2454 = arith.index_cast %add3A_2453 : i32 to index
      %get3A_2455 = tpu.vector_load %arg10[%get3A_2454] {strides = array<i32>} : memref<6400xi32, #tpu.memory_space<vmem>>, vector<16xi32>,
      %broadcast_in_dim3A_2456 = arith.constant true
      %broadcast_in_dim3A_2457 = vector.broadcast %broadcast_in_dim3A_2456 : i1 to vector<16xi1>
      %masked_cumsum3A_2458 = tpu.scan <sum>, %get3A_2455 masked %broadcast_in_dim3A_2457 : vector<16xi32>, vector<16xi1> -> vector<16xi32>
      %add3A_2459 = vector.broadcast %add3A_2449 : i32 to vector<16xi32>
      %add3A_2460 = arith.addi %masked_cumsum3A_2458, %add3A_2459 : vector<16xi32>
      %sub3A_2461 = arith.constant 1 : i32
      %sub3A_2462 = vector.broadcast %sub3A_2461 : i32 to vector<16xi32>
      %sub3A_2463 = arith.subi %add3A_2460, %sub3A_2462 : vector<16xi32>
      %swap3A_2464 = arith.index_cast %scan3A_2428 : i32 to index
      %swap3A_2465 = arith.constant 16 : index
      %swap3A_2466 = tpu.vector_load %arg11[%swap3A_2464, %swap3A_2465] {strides = array<i32>} : memref<50x128xi32, #tpu.memory_space<vmem>>, vector<16xi32>,
      tpu.vector_store %arg11[%swap3A_2464, %swap3A_2465], %sub3A_2463 {strides = array<i32>} : memref<50x128xi32, #tpu.memory_space<vmem>>, vector<16xi32>,
      %reduce_sum3A_2467 = arith.constant true
      %reduce_sum3A_2468 = vector.broadcast %reduce_sum3A_2467 : i1 to vector<16xi1>
      %reduce_sum3A_2469 = tpu.scan <sum>, %get3A_2455 masked %reduce_sum3A_2468 : vector<16xi32>, vector<16xi1> -> vector<16xi32>
      %reduce_sum3A_2470 = vector.extract %reduce_sum3A_2469[15] : i32 from vector<16xi32>
      %add3A_2471 = arith.addi %add3A_2449, %reduce_sum3A_2470 : i32
      %mul3A_2472 = arith.constant 128 : i32
      %mul3A_2473 = arith.muli %scan3A_2428, %mul3A_2472 : i32
      %add3A_2474 = arith.constant 32 : i32
      %add3A_2475 = arith.addi %mul3A_2473, %add3A_2474 : i32
      %get3A_2476 = arith.index_cast %add3A_2475 : i32 to index
      %get3A_2477 = tpu.vector_load %arg10[%get3A_2476] {strides = array<i32>} : memref<6400xi32, #tpu.memory_space<vmem>>, vector<16xi32>,
      %broadcast_in_dim3A_2478 = arith.constant true
      %broadcast_in_dim3A_2479 = vector.broadcast %broadcast_in_dim3A_2478 : i1 to vector<16xi1>
      %masked_cumsum3A_2480 = tpu.scan <sum>, %get3A_2477 masked %broadcast_in_dim3A_2479 : vector<16xi32>, vector<16xi1> -> vector<16xi32>
      %add3A_2481 = vector.broadcast %add3A_2471 : i32 to vector<16xi32>
      %add3A_2482 = arith.addi %masked_cumsum3A_2480, %add3A_2481 : vector<16xi32>
      %sub3A_2483 = arith.constant 1 : i32
      %sub3A_2484 = vector.broadcast %sub3A_2483 : i32 to vector<16xi32>
      %sub3A_2485 = arith.subi %add3A_2482, %sub3A_2484 : vector<16xi32>
      %swap3A_2486 = arith.index_cast %scan3A_2428 : i32 to index
      %swap3A_2487 = arith.constant 32 : index
      %swap3A_2488 = tpu.vector_load %arg11[%swap3A_2486, %swap3A_2487] {strides = array<i32>} : memref<50x128xi32, #tpu.memory_space<vmem>>, vector<16xi32>,
      tpu.vector_store %arg11[%swap3A_2486, %swap3A_2487], %sub3A_2485 {strides = array<i32>} : memref<50x128xi32, #tpu.memory_space<vmem>>, vector<16xi32>,
      %reduce_sum3A_2489 = arith.constant true
      %reduce_sum3A_2490 = vector.broadcast %reduce_sum3A_2489 : i1 to vector<16xi1>
      %reduce_sum3A_2491 = tpu.scan <sum>, %get3A_2477 masked %reduce_sum3A_2490 : vector<16xi32>, vector<16xi1> -> vector<16xi32>
      %reduce_sum3A_2492 = vector.extract %reduce_sum3A_2491[15] : i32 from vector<16xi32>
      %add3A_2493 = arith.addi %add3A_2471, %reduce_sum3A_2492 : i32
      %mul3A_2494 = arith.constant 128 : i32
      %mul3A_2495 = arith.muli %scan3A_2428, %mul3A_2494 : i32
      %add3A_2496 = arith.constant 48 : i32
      %add3A_2497 = arith.addi %mul3A_2495, %add3A_2496 : i32
      %get3A_2498 = arith.index_cast %add3A_2497 : i32 to index
      %get3A_2499 = tpu.vector_load %arg10[%get3A_2498] {strides = array<i32>} : memref<6400xi32, #tpu.memory_space<vmem>>, vector<16xi32>,
      %broadcast_in_dim3A_2500 = arith.constant true
      %broadcast_in_dim3A_2501 = vector.broadcast %broadcast_in_dim3A_2500 : i1 to vector<16xi1>
      %masked_cumsum3A_2502 = tpu.scan <sum>, %get3A_2499 masked %broadcast_in_dim3A_2501 : vector<16xi32>, vector<16xi1> -> vector<16xi32>
      %add3A_2503 = vector.broadcast %add3A_2493 : i32 to vector<16xi32>
      %add3A_2504 = arith.addi %masked_cumsum3A_2502, %add3A_2503 : vector<16xi32>
      %sub3A_2505 = arith.constant 1 : i32
      %sub3A_2506 = vector.broadcast %sub3A_2505 : i32 to vector<16xi32>
      %sub3A_2507 = arith.subi %add3A_2504, %sub3A_2506 : vector<16xi32>
      %swap3A_2508 = arith.index_cast %scan3A_2428 : i32 to index
      %swap3A_2509 = arith.constant 48 : index
      %swap3A_2510 = tpu.vector_load %arg11[%swap3A_2508, %swap3A_2509] {strides = array<i32>} : memref<50x128xi32, #tpu.memory_space<vmem>>, vector<16xi32>,
      tpu.vector_store %arg11[%swap3A_2508, %swap3A_2509], %sub3A_2507 {strides = array<i32>} : memref<50x128xi32, #tpu.memory_space<vmem>>, vector<16xi32>,
      %reduce_sum3A_2511 = arith.constant true
      %reduce_sum3A_2512 = vector.broadcast %reduce_sum3A_2511 : i1 to vector<16xi1>
      %reduce_sum3A_2513 = tpu.scan <sum>, %get3A_2499 masked %reduce_sum3A_2512 : vector<16xi32>, vector<16xi1> -> vector<16xi32>
      %reduce_sum3A_2514 = vector.extract %reduce_sum3A_2513[15] : i32 from vector<16xi32>
      %add3A_2515 = arith.addi %add3A_2493, %reduce_sum3A_2514 : i32
      %mul3A_2516 = arith.constant 128 : i32
      %mul3A_2517 = arith.muli %scan3A_2428, %mul3A_2516 : i32
      %add3A_2518 = arith.constant 64 : i32
      %add3A_2519 = arith.addi %mul3A_2517, %add3A_2518 : i32
      %get3A_2520 = arith.index_cast %add3A_2519 : i32 to index
      %get3A_2521 = tpu.vector_load %arg10[%get3A_2520] {strides = array<i32>} : memref<6400xi32, #tpu.memory_space<vmem>>, vector<16xi32>,
      %broadcast_in_dim3A_2522 = arith.constant true
      %broadcast_in_dim3A_2523 = vector.broadcast %broadcast_in_dim3A_2522 : i1 to vector<16xi1>
      %masked_cumsum3A_2524 = tpu.scan <sum>, %get3A_2521 masked %broadcast_in_dim3A_2523 : vector<16xi32>, vector<16xi1> -> vector<16xi32>
      %add3A_2525 = vector.broadcast %add3A_2515 : i32 to vector<16xi32>
      %add3A_2526 = arith.addi %masked_cumsum3A_2524, %add3A_2525 : vector<16xi32>
      %sub3A_2527 = arith.constant 1 : i32
      %sub3A_2528 = vector.broadcast %sub3A_2527 : i32 to vector<16xi32>
      %sub3A_2529 = arith.subi %add3A_2526, %sub3A_2528 : vector<16xi32>
      %swap3A_2530 = arith.index_cast %scan3A_2428 : i32 to index
      %swap3A_2531 = arith.constant 64 : index
      %swap3A_2532 = tpu.vector_load %arg11[%swap3A_2530, %swap3A_2531] {strides = array<i32>} : memref<50x128xi32, #tpu.memory_space<vmem>>, vector<16xi32>,
      tpu.vector_store %arg11[%swap3A_2530, %swap3A_2531], %sub3A_2529 {strides = array<i32>} : memref<50x128xi32, #tpu.memory_space<vmem>>, vector<16xi32>,
      %reduce_sum3A_2533 = arith.constant true
      %reduce_sum3A_2534 = vector.broadcast %reduce_sum3A_2533 : i1 to vector<16xi1>
      %reduce_sum3A_2535 = tpu.scan <sum>, %get3A_2521 masked %reduce_sum3A_2534 : vector<16xi32>, vector<16xi1> -> vector<16xi32>
      %reduce_sum3A_2536 = vector.extract %reduce_sum3A_2535[15] : i32 from vector<16xi32>
      %add3A_2537 = arith.addi %add3A_2515, %reduce_sum3A_2536 : i32
      %mul3A_2538 = arith.constant 128 : i32
      %mul3A_2539 = arith.muli %scan3A_2428, %mul3A_2538 : i32
      %add3A_2540 = arith.constant 80 : i32
      %add3A_2541 = arith.addi %mul3A_2539, %add3A_2540 : i32
      %get3A_2542 = arith.index_cast %add3A_2541 : i32 to index
      %get3A_2543 = tpu.vector_load %arg10[%get3A_2542] {strides = array<i32>} : memref<6400xi32, #tpu.memory_space<vmem>>, vector<16xi32>,
      %broadcast_in_dim3A_2544 = arith.constant true
      %broadcast_in_dim3A_2545 = vector.broadcast %broadcast_in_dim3A_2544 : i1 to vector<16xi1>
      %masked_cumsum3A_2546 = tpu.scan <sum>, %get3A_2543 masked %broadcast_in_dim3A_2545 : vector<16xi32>, vector<16xi1> -> vector<16xi32>
      %add3A_2547 = vector.broadcast %add3A_2537 : i32 to vector<16xi32>
      %add3A_2548 = arith.addi %masked_cumsum3A_2546, %add3A_2547 : vector<16xi32>
      %sub3A_2549 = arith.constant 1 : i32
      %sub3A_2550 = vector.broadcast %sub3A_2549 : i32 to vector<16xi32>
      %sub3A_2551 = arith.subi %add3A_2548, %sub3A_2550 : vector<16xi32>
      %swap3A_2552 = arith.index_cast %scan3A_2428 : i32 to index
      %swap3A_2553 = arith.constant 80 : index
      %swap3A_2554 = tpu.vector_load %arg11[%swap3A_2552, %swap3A_2553] {strides = array<i32>} : memref<50x128xi32, #tpu.memory_space<vmem>>, vector<16xi32>,
      tpu.vector_store %arg11[%swap3A_2552, %swap3A_2553], %sub3A_2551 {strides = array<i32>} : memref<50x128xi32, #tpu.memory_space<vmem>>, vector<16xi32>,
      %reduce_sum3A_2555 = arith.constant true
      %reduce_sum3A_2556 = vector.broadcast %reduce_sum3A_2555 : i1 to vector<16xi1>
      %reduce_sum3A_2557 = tpu.scan <sum>, %get3A_2543 masked %reduce_sum3A_2556 : vector<16xi32>, vector<16xi1> -> vector<16xi32>
      %reduce_sum3A_2558 = vector.extract %reduce_sum3A_2557[15] : i32 from vector<16xi32>
      %add3A_2559 = arith.addi %add3A_2537, %reduce_sum3A_2558 : i32
      %mul3A_2560 = arith.constant 128 : i32
      %mul3A_2561 = arith.muli %scan3A_2428, %mul3A_2560 : i32
      %add3A_2562 = arith.constant 96 : i32
      %add3A_2563 = arith.addi %mul3A_2561, %add3A_2562 : i32
      %get3A_2564 = arith.index_cast %add3A_2563 : i32 to index
      %get3A_2565 = tpu.vector_load %arg10[%get3A_2564] {strides = array<i32>} : memref<6400xi32, #tpu.memory_space<vmem>>, vector<16xi32>,
      %broadcast_in_dim3A_2566 = arith.constant true
      %broadcast_in_dim3A_2567 = vector.broadcast %broadcast_in_dim3A_2566 : i1 to vector<16xi1>
      %masked_cumsum3A_2568 = tpu.scan <sum>, %get3A_2565 masked %broadcast_in_dim3A_2567 : vector<16xi32>, vector<16xi1> -> vector<16xi32>
      %add3A_2569 = vector.broadcast %add3A_2559 : i32 to vector<16xi32>
      %add3A_2570 = arith.addi %masked_cumsum3A_2568, %add3A_2569 : vector<16xi32>
      %sub3A_2571 = arith.constant 1 : i32
      %sub3A_2572 = vector.broadcast %sub3A_2571 : i32 to vector<16xi32>
      %sub3A_2573 = arith.subi %add3A_2570, %sub3A_2572 : vector<16xi32>
      %swap3A_2574 = arith.index_cast %scan3A_2428 : i32 to index
      %swap3A_2575 = arith.constant 96 : index
      %swap3A_2576 = tpu.vector_load %arg11[%swap3A_2574, %swap3A_2575] {strides = array<i32>} : memref<50x128xi32, #tpu.memory_space<vmem>>, vector<16xi32>,
      tpu.vector_store %arg11[%swap3A_2574, %swap3A_2575], %sub3A_2573 {strides = array<i32>} : memref<50x128xi32, #tpu.memory_space<vmem>>, vector<16xi32>,
      %reduce_sum3A_2577 = arith.constant true
      %reduce_sum3A_2578 = vector.broadcast %reduce_sum3A_2577 : i1 to vector<16xi1>
      %reduce_sum3A_2579 = tpu.scan <sum>, %get3A_2565 masked %reduce_sum3A_2578 : vector<16xi32>, vector<16xi1> -> vector<16xi32>
      %reduce_sum3A_2580 = vector.extract %reduce_sum3A_2579[15] : i32 from vector<16xi32>
      %add3A_2581 = arith.addi %add3A_2559, %reduce_sum3A_2580 : i32
      %mul3A_2582 = arith.constant 128 : i32
      %mul3A_2583 = arith.muli %scan3A_2428, %mul3A_2582 : i32
      %add3A_2584 = arith.constant 112 : i32
      %add3A_2585 = arith.addi %mul3A_2583, %add3A_2584 : i32
      %get3A_2586 = arith.index_cast %add3A_2585 : i32 to index
      %get3A_2587 = tpu.vector_load %arg10[%get3A_2586] {strides = array<i32>} : memref<6400xi32, #tpu.memory_space<vmem>>, vector<16xi32>,
      %broadcast_in_dim3A_2588 = arith.constant true
      %broadcast_in_dim3A_2589 = vector.broadcast %broadcast_in_dim3A_2588 : i1 to vector<16xi1>
      %masked_cumsum3A_2590 = tpu.scan <sum>, %get3A_2587 masked %broadcast_in_dim3A_2589 : vector<16xi32>, vector<16xi1> -> vector<16xi32>
      %add3A_2591 = vector.broadcast %add3A_2581 : i32 to vector<16xi32>
      %add3A_2592 = arith.addi %masked_cumsum3A_2590, %add3A_2591 : vector<16xi32>
      %sub3A_2593 = arith.constant 1 : i32
      %sub3A_2594 = vector.broadcast %sub3A_2593 : i32 to vector<16xi32>
      %sub3A_2595 = arith.subi %add3A_2592, %sub3A_2594 : vector<16xi32>
      %swap3A_2596 = arith.index_cast %scan3A_2428 : i32 to index
      %swap3A_2597 = arith.constant 112 : index
      %swap3A_2598 = tpu.vector_load %arg11[%swap3A_2596, %swap3A_2597] {strides = array<i32>} : memref<50x128xi32, #tpu.memory_space<vmem>>, vector<16xi32>,
      tpu.vector_store %arg11[%swap3A_2596, %swap3A_2597], %sub3A_2595 {strides = array<i32>} : memref<50x128xi32, #tpu.memory_space<vmem>>, vector<16xi32>,
      %reduce_sum3A_2599 = arith.constant true
      %reduce_sum3A_2600 = vector.broadcast %reduce_sum3A_2599 : i1 to vector<16xi1>
      %reduce_sum3A_2601 = tpu.scan <sum>, %get3A_2587 masked %reduce_sum3A_2600 : vector<16xi32>, vector<16xi1> -> vector<16xi32>
      %reduce_sum3A_2602 = vector.extract %reduce_sum3A_2601[15] : i32 from vector<16xi32>
      %add3A_2603 = arith.addi %add3A_2581, %reduce_sum3A_2602 : i32
      scf.yield %add3A_2603 : i32
    }
    %scan3A_542 = arith.constant 50 : i32
    %mul3A_543 = arith.constant 128 : i32
    %mul3A_544 = arith.muli %add3A, %mul3A_543 : i32
    %add3A_545 = arith.constant 0 : i32
    %add3A_546 = arith.addi %mul3A_544, %add3A_545 : i32
    %get3A = arith.index_cast %add3A_546 : i32 to index
    %get3A_547 = tpu.vector_load %arg7[%get3A] {strides = array<i32>} : memref<4112xi32, #tpu.memory_space<vmem>>, vector<16xi32>,
    %add3A_548 = arith.constant 0 : i32
    %add3A_549 = arith.addi %mul3A_544, %add3A_548 : i32
    %add3A_550 = arith.constant 1 : i32
    %add3A_551 = arith.addi %add3A_549, %add3A_550 : i32
    %get3A_552 = arith.index_cast %add3A_551 : i32 to index
    %get3A_553 = tpu.vector_load %arg7[%get3A_552] {strides = array<i32>} : memref<4112xi32, #tpu.memory_space<vmem>>, vector<16xi32>,
    %sub3A = arith.subi %get3A_553, %get3A_547 : vector<16xi32>
    %convert_element_type3A = arith.sitofp %sub3A : vector<16xi32> to vector<16xf32>
    %max3A = arith.constant 1.000000e+00 : f32
    %max3A_554 = vector.broadcast %max3A : f32 to vector<16xf32>
    %max3A_555 = arith.maximumf %convert_element_type3A, %max3A_554 : vector<16xf32>
    %div3A = arith.constant 1.000000e+00 : f32
    %div3A_556 = vector.broadcast %div3A : f32 to vector<16xf32>
    %div3A_557 = arith.divf %div3A_556, %max3A_555 : vector<16xf32>
    %swap3A_558 = arith.constant 0 : index
    %swap3A_559 = tpu.vector_load %arg15[%swap3A_558] {strides = array<i32>} : memref<128xf32, #tpu.memory_space<vmem>>, vector<16xf32>,
    tpu.vector_store %arg15[%swap3A_558], %div3A_557 {strides = array<i32>} : memref<128xf32, #tpu.memory_space<vmem>>, vector<16xf32>,
    %add3A_560 = arith.constant 16 : i32
    %add3A_561 = arith.addi %mul3A_544, %add3A_560 : i32
    %get3A_562 = arith.index_cast %add3A_561 : i32 to index
    %get3A_563 = tpu.vector_load %arg7[%get3A_562] {strides = array<i32>} : memref<4112xi32, #tpu.memory_space<vmem>>, vector<16xi32>,
    %add3A_564 = arith.constant 16 : i32
    %add3A_565 = arith.addi %mul3A_544, %add3A_564 : i32
    %add3A_566 = arith.constant 1 : i32
    %add3A_567 = arith.addi %add3A_565, %add3A_566 : i32
    %get3A_568 = arith.index_cast %add3A_567 : i32 to index
    %get3A_569 = tpu.vector_load %arg7[%get3A_568] {strides = array<i32>} : memref<4112xi32, #tpu.memory_space<vmem>>, vector<16xi32>,
    %sub3A_570 = arith.subi %get3A_569, %get3A_563 : vector<16xi32>
    %convert_element_type3A_571 = arith.sitofp %sub3A_570 : vector<16xi32> to vector<16xf32>
    %max3A_572 = arith.constant 1.000000e+00 : f32
    %max3A_573 = vector.broadcast %max3A_572 : f32 to vector<16xf32>
    %max3A_574 = arith.maximumf %convert_element_type3A_571, %max3A_573 : vector<16xf32>
    %div3A_575 = arith.constant 1.000000e+00 : f32
    %div3A_576 = vector.broadcast %div3A_575 : f32 to vector<16xf32>
    %div3A_577 = arith.divf %div3A_576, %max3A_574 : vector<16xf32>
    %swap3A_578 = arith.constant 16 : index
    %swap3A_579 = tpu.vector_load %arg15[%swap3A_578] {strides = array<i32>} : memref<128xf32, #tpu.memory_space<vmem>>, vector<16xf32>,
    tpu.vector_store %arg15[%swap3A_578], %div3A_577 {strides = array<i32>} : memref<128xf32, #tpu.memory_space<vmem>>, vector<16xf32>,
    %add3A_580 = arith.constant 32 : i32
    %add3A_581 = arith.addi %mul3A_544, %add3A_580 : i32
    %get3A_582 = arith.index_cast %add3A_581 : i32 to index
    %get3A_583 = tpu.vector_load %arg7[%get3A_582] {strides = array<i32>} : memref<4112xi32, #tpu.memory_space<vmem>>, vector<16xi32>,
    %add3A_584 = arith.constant 32 : i32
    %add3A_585 = arith.addi %mul3A_544, %add3A_584 : i32
    %add3A_586 = arith.constant 1 : i32
    %add3A_587 = arith.addi %add3A_585, %add3A_586 : i32
    %get3A_588 = arith.index_cast %add3A_587 : i32 to index
    %get3A_589 = tpu.vector_load %arg7[%get3A_588] {strides = array<i32>} : memref<4112xi32, #tpu.memory_space<vmem>>, vector<16xi32>,
    %sub3A_590 = arith.subi %get3A_589, %get3A_583 : vector<16xi32>
    %convert_element_type3A_591 = arith.sitofp %sub3A_590 : vector<16xi32> to vector<16xf32>
    %max3A_592 = arith.constant 1.000000e+00 : f32
    %max3A_593 = vector.broadcast %max3A_592 : f32 to vector<16xf32>
    %max3A_594 = arith.maximumf %convert_element_type3A_591, %max3A_593 : vector<16xf32>
    %div3A_595 = arith.constant 1.000000e+00 : f32
    %div3A_596 = vector.broadcast %div3A_595 : f32 to vector<16xf32>
    %div3A_597 = arith.divf %div3A_596, %max3A_594 : vector<16xf32>
    %swap3A_598 = arith.constant 32 : index
    %swap3A_599 = tpu.vector_load %arg15[%swap3A_598] {strides = array<i32>} : memref<128xf32, #tpu.memory_space<vmem>>, vector<16xf32>,
    tpu.vector_store %arg15[%swap3A_598], %div3A_597 {strides = array<i32>} : memref<128xf32, #tpu.memory_space<vmem>>, vector<16xf32>,
    %add3A_600 = arith.constant 48 : i32
    %add3A_601 = arith.addi %mul3A_544, %add3A_600 : i32
    %get3A_602 = arith.index_cast %add3A_601 : i32 to index
    %get3A_603 = tpu.vector_load %arg7[%get3A_602] {strides = array<i32>} : memref<4112xi32, #tpu.memory_space<vmem>>, vector<16xi32>,
    %add3A_604 = arith.constant 48 : i32
    %add3A_605 = arith.addi %mul3A_544, %add3A_604 : i32
    %add3A_606 = arith.constant 1 : i32
    %add3A_607 = arith.addi %add3A_605, %add3A_606 : i32
    %get3A_608 = arith.index_cast %add3A_607 : i32 to index
    %get3A_609 = tpu.vector_load %arg7[%get3A_608] {strides = array<i32>} : memref<4112xi32, #tpu.memory_space<vmem>>, vector<16xi32>,
    %sub3A_610 = arith.subi %get3A_609, %get3A_603 : vector<16xi32>
    %convert_element_type3A_611 = arith.sitofp %sub3A_610 : vector<16xi32> to vector<16xf32>
    %max3A_612 = arith.constant 1.000000e+00 : f32
    %max3A_613 = vector.broadcast %max3A_612 : f32 to vector<16xf32>
    %max3A_614 = arith.maximumf %convert_element_type3A_611, %max3A_613 : vector<16xf32>
    %div3A_615 = arith.constant 1.000000e+00 : f32
    %div3A_616 = vector.broadcast %div3A_615 : f32 to vector<16xf32>
    %div3A_617 = arith.divf %div3A_616, %max3A_614 : vector<16xf32>
    %swap3A_618 = arith.constant 48 : index
    %swap3A_619 = tpu.vector_load %arg15[%swap3A_618] {strides = array<i32>} : memref<128xf32, #tpu.memory_space<vmem>>, vector<16xf32>,
    tpu.vector_store %arg15[%swap3A_618], %div3A_617 {strides = array<i32>} : memref<128xf32, #tpu.memory_space<vmem>>, vector<16xf32>,
    %add3A_620 = arith.constant 64 : i32
    %add3A_621 = arith.addi %mul3A_544, %add3A_620 : i32
    %get3A_622 = arith.index_cast %add3A_621 : i32 to index
    %get3A_623 = tpu.vector_load %arg7[%get3A_622] {strides = array<i32>} : memref<4112xi32, #tpu.memory_space<vmem>>, vector<16xi32>,
    %add3A_624 = arith.constant 64 : i32
    %add3A_625 = arith.addi %mul3A_544, %add3A_624 : i32
    %add3A_626 = arith.constant 1 : i32
    %add3A_627 = arith.addi %add3A_625, %add3A_626 : i32
    %get3A_628 = arith.index_cast %add3A_627 : i32 to index
    %get3A_629 = tpu.vector_load %arg7[%get3A_628] {strides = array<i32>} : memref<4112xi32, #tpu.memory_space<vmem>>, vector<16xi32>,
    %sub3A_630 = arith.subi %get3A_629, %get3A_623 : vector<16xi32>
    %convert_element_type3A_631 = arith.sitofp %sub3A_630 : vector<16xi32> to vector<16xf32>
    %max3A_632 = arith.constant 1.000000e+00 : f32
    %max3A_633 = vector.broadcast %max3A_632 : f32 to vector<16xf32>
    %max3A_634 = arith.maximumf %convert_element_type3A_631, %max3A_633 : vector<16xf32>
    %div3A_635 = arith.constant 1.000000e+00 : f32
    %div3A_636 = vector.broadcast %div3A_635 : f32 to vector<16xf32>
    %div3A_637 = arith.divf %div3A_636, %max3A_634 : vector<16xf32>
    %swap3A_638 = arith.constant 64 : index
    %swap3A_639 = tpu.vector_load %arg15[%swap3A_638] {strides = array<i32>} : memref<128xf32, #tpu.memory_space<vmem>>, vector<16xf32>,
    tpu.vector_store %arg15[%swap3A_638], %div3A_637 {strides = array<i32>} : memref<128xf32, #tpu.memory_space<vmem>>, vector<16xf32>,
    %add3A_640 = arith.constant 80 : i32
    %add3A_641 = arith.addi %mul3A_544, %add3A_640 : i32
    %get3A_642 = arith.index_cast %add3A_641 : i32 to index
    %get3A_643 = tpu.vector_load %arg7[%get3A_642] {strides = array<i32>} : memref<4112xi32, #tpu.memory_space<vmem>>, vector<16xi32>,
    %add3A_644 = arith.constant 80 : i32
    %add3A_645 = arith.addi %mul3A_544, %add3A_644 : i32
    %add3A_646 = arith.constant 1 : i32
    %add3A_647 = arith.addi %add3A_645, %add3A_646 : i32
    %get3A_648 = arith.index_cast %add3A_647 : i32 to index
    %get3A_649 = tpu.vector_load %arg7[%get3A_648] {strides = array<i32>} : memref<4112xi32, #tpu.memory_space<vmem>>, vector<16xi32>,
    %sub3A_650 = arith.subi %get3A_649, %get3A_643 : vector<16xi32>
    %convert_element_type3A_651 = arith.sitofp %sub3A_650 : vector<16xi32> to vector<16xf32>
    %max3A_652 = arith.constant 1.000000e+00 : f32
    %max3A_653 = vector.broadcast %max3A_652 : f32 to vector<16xf32>
    %max3A_654 = arith.maximumf %convert_element_type3A_651, %max3A_653 : vector<16xf32>
    %div3A_655 = arith.constant 1.000000e+00 : f32
    %div3A_656 = vector.broadcast %div3A_655 : f32 to vector<16xf32>
    %div3A_657 = arith.divf %div3A_656, %max3A_654 : vector<16xf32>
    %swap3A_658 = arith.constant 80 : index
    %swap3A_659 = tpu.vector_load %arg15[%swap3A_658] {strides = array<i32>} : memref<128xf32, #tpu.memory_space<vmem>>, vector<16xf32>,
    tpu.vector_store %arg15[%swap3A_658], %div3A_657 {strides = array<i32>} : memref<128xf32, #tpu.memory_space<vmem>>, vector<16xf32>,
    %add3A_660 = arith.constant 96 : i32
    %add3A_661 = arith.addi %mul3A_544, %add3A_660 : i32
    %get3A_662 = arith.index_cast %add3A_661 : i32 to index
    %get3A_663 = tpu.vector_load %arg7[%get3A_662] {strides = array<i32>} : memref<4112xi32, #tpu.memory_space<vmem>>, vector<16xi32>,
    %add3A_664 = arith.constant 96 : i32
    %add3A_665 = arith.addi %mul3A_544, %add3A_664 : i32
    %add3A_666 = arith.constant 1 : i32
    %add3A_667 = arith.addi %add3A_665, %add3A_666 : i32
    %get3A_668 = arith.index_cast %add3A_667 : i32 to index
    %get3A_669 = tpu.vector_load %arg7[%get3A_668] {strides = array<i32>} : memref<4112xi32, #tpu.memory_space<vmem>>, vector<16xi32>,
    %sub3A_670 = arith.subi %get3A_669, %get3A_663 : vector<16xi32>
    %convert_element_type3A_671 = arith.sitofp %sub3A_670 : vector<16xi32> to vector<16xf32>
    %max3A_672 = arith.constant 1.000000e+00 : f32
    %max3A_673 = vector.broadcast %max3A_672 : f32 to vector<16xf32>
    %max3A_674 = arith.maximumf %convert_element_type3A_671, %max3A_673 : vector<16xf32>
    %div3A_675 = arith.constant 1.000000e+00 : f32
    %div3A_676 = vector.broadcast %div3A_675 : f32 to vector<16xf32>
    %div3A_677 = arith.divf %div3A_676, %max3A_674 : vector<16xf32>
    %swap3A_678 = arith.constant 96 : index
    %swap3A_679 = tpu.vector_load %arg15[%swap3A_678] {strides = array<i32>} : memref<128xf32, #tpu.memory_space<vmem>>, vector<16xf32>,
    tpu.vector_store %arg15[%swap3A_678], %div3A_677 {strides = array<i32>} : memref<128xf32, #tpu.memory_space<vmem>>, vector<16xf32>,
    %add3A_680 = arith.constant 112 : i32
    %add3A_681 = arith.addi %mul3A_544, %add3A_680 : i32
    %get3A_682 = arith.index_cast %add3A_681 : i32 to index
    %get3A_683 = tpu.vector_load %arg7[%get3A_682] {strides = array<i32>} : memref<4112xi32, #tpu.memory_space<vmem>>, vector<16xi32>,
    %add3A_684 = arith.constant 112 : i32
    %add3A_685 = arith.addi %mul3A_544, %add3A_684 : i32
    %add3A_686 = arith.constant 1 : i32
    %add3A_687 = arith.addi %add3A_685, %add3A_686 : i32
    %get3A_688 = arith.index_cast %add3A_687 : i32 to index
    %get3A_689 = tpu.vector_load %arg7[%get3A_688] {strides = array<i32>} : memref<4112xi32, #tpu.memory_space<vmem>>, vector<16xi32>,
    %sub3A_690 = arith.subi %get3A_689, %get3A_683 : vector<16xi32>
    %convert_element_type3A_691 = arith.sitofp %sub3A_690 : vector<16xi32> to vector<16xf32>
    %max3A_692 = arith.constant 1.000000e+00 : f32
    %max3A_693 = vector.broadcast %max3A_692 : f32 to vector<16xf32>
    %max3A_694 = arith.maximumf %convert_element_type3A_691, %max3A_693 : vector<16xf32>
    %div3A_695 = arith.constant 1.000000e+00 : f32
    %div3A_696 = vector.broadcast %div3A_695 : f32 to vector<16xf32>
    %div3A_697 = arith.divf %div3A_696, %max3A_694 : vector<16xf32>
    %swap3A_698 = arith.constant 112 : index
    %swap3A_699 = tpu.vector_load %arg15[%swap3A_698] {strides = array<i32>} : memref<128xf32, #tpu.memory_space<vmem>>, vector<16xf32>,
    tpu.vector_store %arg15[%swap3A_698], %div3A_697 {strides = array<i32>} : memref<128xf32, #tpu.memory_space<vmem>>, vector<16xf32>,
    "tpu.region"() ({
      %run_scoped3A = tpu.sem_alloc : memref<!tpu.dma_semaphore, #tpu.memory_space<semaphore_mem>>
      %dma_start3A_2428 = tpu.memref_slice %arg6[%mul3A_544] : memref<4096xf32, #tpu.memory_space<hbm>> -> memref<128xf32, #tpu.memory_space<hbm>>
      %dma_start3A_2429 = tpu.memref_slice %arg6[%mul3A_544] : memref<4096xf32, #tpu.memory_space<hbm>> -> memref<128xf32, #tpu.memory_space<hbm>>
      tpu.enqueue_dma source(%arg15 : memref<128xf32, #tpu.memory_space<vmem>>) target(%dma_start3A_2429 : memref<128xf32, #tpu.memory_space<hbm>>) target_semaphore(%run_scoped3A : memref<!tpu.dma_semaphore, #tpu.memory_space<semaphore_mem>>)
      %dma_wait3A_2430 = tpu.memref_slice %arg6[%mul3A_544] : memref<4096xf32, #tpu.memory_space<hbm>> -> memref<128xf32, #tpu.memory_space<hbm>>
      %dma_wait3A_2431 = tpu.memref_slice %arg6[%mul3A_544] : memref<4096xf32, #tpu.memory_space<hbm>> -> memref<128xf32, #tpu.memory_space<hbm>>
      tpu.wait_dma2 semaphore(%run_scoped3A : memref<!tpu.dma_semaphore, #tpu.memory_space<semaphore_mem>>) src(%arg15 : memref<128xf32, #tpu.memory_space<vmem>>) dst(%dma_wait3A_2431 : memref<128xf32, #tpu.memory_space<hbm>>)
      tpu.yield
    }) : () -> ()
    %barrier3A = arith.constant 0 : index
    tpu.barrier barrier_id(%barrier3A)
    %dma_start3A_700 = arith.constant 0 : i32
    %dma_start3A_701 = arith.constant 0 : i32
    %dma_start3A_702 = tpu.memref_slice %arg14[%dma_start3A_700, %dma_start3A_701] : memref<1280x32xf32, #tpu.memory_space<vmem>> -> memref<128x32xf32, #tpu.memory_space<vmem>>
    %dma_start3A_703 = arith.constant 1280 : i32
    %dma_start3A_704 = tpu.memref_slice %arg12[%dma_start3A_703] : memref<6400xi32, #tpu.memory_space<vmem>> -> memref<128xi32, #tpu.memory_space<vmem>>
    %dma_start3A_705 = arith.constant 0 : i32
    %dma_start3A_706 = arith.constant 0 : i32
    %dma_start3A_707 = tpu.memref_slice %arg4[%dma_start3A_705, %dma_start3A_706] : memref<1000000x32xf32, #tpu.memory_space<hbm>> -> memref<1000000x32xf32, #tpu.memory_space<hbm>>
    tpu.enqueue_indirect_dma source(%dma_start3A_707 : memref<1000000x32xf32, #tpu.memory_space<hbm>>) target(%dma_start3A_702 : memref<128x32xf32, #tpu.memory_space<vmem>>) offsets(%dma_start3A_704 : memref<128xi32, #tpu.memory_space<vmem>>) semaphore(%arg21 : memref<!tpu.dma_semaphore, #tpu.memory_space<semaphore_mem>>)
    %dma_start3A_708 = arith.constant 128 : i32
    %dma_start3A_709 = arith.constant 0 : i32
    %dma_start3A_710 = tpu.memref_slice %arg14[%dma_start3A_708, %dma_start3A_709] : memref<1280x32xf32, #tpu.memory_space<vmem>> -> memref<128x32xf32, #tpu.memory_space<vmem>>
    %dma_start3A_711 = arith.constant 1408 : i32
    %dma_start3A_712 = tpu.memref_slice %arg12[%dma_start3A_711] : memref<6400xi32, #tpu.memory_space<vmem>> -> memref<128xi32, #tpu.memory_space<vmem>>
    %dma_start3A_713 = arith.constant 0 : i32
    %dma_start3A_714 = arith.constant 0 : i32
    %dma_start3A_715 = tpu.memref_slice %arg4[%dma_start3A_713, %dma_start3A_714] : memref<1000000x32xf32, #tpu.memory_space<hbm>> -> memref<1000000x32xf32, #tpu.memory_space<hbm>>
    tpu.enqueue_indirect_dma source(%dma_start3A_715 : memref<1000000x32xf32, #tpu.memory_space<hbm>>) target(%dma_start3A_710 : memref<128x32xf32, #tpu.memory_space<vmem>>) offsets(%dma_start3A_712 : memref<128xi32, #tpu.memory_space<vmem>>) semaphore(%arg21 : memref<!tpu.dma_semaphore, #tpu.memory_space<semaphore_mem>>)
    %dma_start3A_716 = arith.constant 256 : i32
    %dma_start3A_717 = arith.constant 0 : i32
    %dma_start3A_718 = tpu.memref_slice %arg14[%dma_start3A_716, %dma_start3A_717] : memref<1280x32xf32, #tpu.memory_space<vmem>> -> memref<128x32xf32, #tpu.memory_space<vmem>>
    %dma_start3A_719 = arith.constant 1536 : i32
    %dma_start3A_720 = tpu.memref_slice %arg12[%dma_start3A_719] : memref<6400xi32, #tpu.memory_space<vmem>> -> memref<128xi32, #tpu.memory_space<vmem>>
    %dma_start3A_721 = arith.constant 0 : i32
    %dma_start3A_722 = arith.constant 0 : i32
    %dma_start3A_723 = tpu.memref_slice %arg4[%dma_start3A_721, %dma_start3A_722] : memref<1000000x32xf32, #tpu.memory_space<hbm>> -> memref<1000000x32xf32, #tpu.memory_space<hbm>>
    tpu.enqueue_indirect_dma source(%dma_start3A_723 : memref<1000000x32xf32, #tpu.memory_space<hbm>>) target(%dma_start3A_718 : memref<128x32xf32, #tpu.memory_space<vmem>>) offsets(%dma_start3A_720 : memref<128xi32, #tpu.memory_space<vmem>>) semaphore(%arg21 : memref<!tpu.dma_semaphore, #tpu.memory_space<semaphore_mem>>)
    %dma_start3A_724 = arith.constant 384 : i32
    %dma_start3A_725 = arith.constant 0 : i32
    %dma_start3A_726 = tpu.memref_slice %arg14[%dma_start3A_724, %dma_start3A_725] : memref<1280x32xf32, #tpu.memory_space<vmem>> -> memref<128x32xf32, #tpu.memory_space<vmem>>
    %dma_start3A_727 = arith.constant 1664 : i32
    %dma_start3A_728 = tpu.memref_slice %arg12[%dma_start3A_727] : memref<6400xi32, #tpu.memory_space<vmem>> -> memref<128xi32, #tpu.memory_space<vmem>>
    %dma_start3A_729 = arith.constant 0 : i32
    %dma_start3A_730 = arith.constant 0 : i32
    %dma_start3A_731 = tpu.memref_slice %arg4[%dma_start3A_729, %dma_start3A_730] : memref<1000000x32xf32, #tpu.memory_space<hbm>> -> memref<1000000x32xf32, #tpu.memory_space<hbm>>
    tpu.enqueue_indirect_dma source(%dma_start3A_731 : memref<1000000x32xf32, #tpu.memory_space<hbm>>) target(%dma_start3A_726 : memref<128x32xf32, #tpu.memory_space<vmem>>) offsets(%dma_start3A_728 : memref<128xi32, #tpu.memory_space<vmem>>) semaphore(%arg21 : memref<!tpu.dma_semaphore, #tpu.memory_space<semaphore_mem>>)
    %dma_start3A_732 = arith.constant 512 : i32
    %dma_start3A_733 = arith.constant 0 : i32
    %dma_start3A_734 = tpu.memref_slice %arg14[%dma_start3A_732, %dma_start3A_733] : memref<1280x32xf32, #tpu.memory_space<vmem>> -> memref<128x32xf32, #tpu.memory_space<vmem>>
    %dma_start3A_735 = arith.constant 1792 : i32
    %dma_start3A_736 = tpu.memref_slice %arg12[%dma_start3A_735] : memref<6400xi32, #tpu.memory_space<vmem>> -> memref<128xi32, #tpu.memory_space<vmem>>
    %dma_start3A_737 = arith.constant 0 : i32
    %dma_start3A_738 = arith.constant 0 : i32
    %dma_start3A_739 = tpu.memref_slice %arg4[%dma_start3A_737, %dma_start3A_738] : memref<1000000x32xf32, #tpu.memory_space<hbm>> -> memref<1000000x32xf32, #tpu.memory_space<hbm>>
    tpu.enqueue_indirect_dma source(%dma_start3A_739 : memref<1000000x32xf32, #tpu.memory_space<hbm>>) target(%dma_start3A_734 : memref<128x32xf32, #tpu.memory_space<vmem>>) offsets(%dma_start3A_736 : memref<128xi32, #tpu.memory_space<vmem>>) semaphore(%arg21 : memref<!tpu.dma_semaphore, #tpu.memory_space<semaphore_mem>>)
    %dma_start3A_740 = arith.constant 640 : i32
    %dma_start3A_741 = arith.constant 0 : i32
    %dma_start3A_742 = tpu.memref_slice %arg14[%dma_start3A_740, %dma_start3A_741] : memref<1280x32xf32, #tpu.memory_space<vmem>> -> memref<128x32xf32, #tpu.memory_space<vmem>>
    %dma_start3A_743 = arith.constant 1920 : i32
    %dma_start3A_744 = tpu.memref_slice %arg12[%dma_start3A_743] : memref<6400xi32, #tpu.memory_space<vmem>> -> memref<128xi32, #tpu.memory_space<vmem>>
    %dma_start3A_745 = arith.constant 0 : i32
    %dma_start3A_746 = arith.constant 0 : i32
    %dma_start3A_747 = tpu.memref_slice %arg4[%dma_start3A_745, %dma_start3A_746] : memref<1000000x32xf32, #tpu.memory_space<hbm>> -> memref<1000000x32xf32, #tpu.memory_space<hbm>>
    tpu.enqueue_indirect_dma source(%dma_start3A_747 : memref<1000000x32xf32, #tpu.memory_space<hbm>>) target(%dma_start3A_742 : memref<128x32xf32, #tpu.memory_space<vmem>>) offsets(%dma_start3A_744 : memref<128xi32, #tpu.memory_space<vmem>>) semaphore(%arg21 : memref<!tpu.dma_semaphore, #tpu.memory_space<semaphore_mem>>)
    %dma_start3A_748 = arith.constant 768 : i32
    %dma_start3A_749 = arith.constant 0 : i32
    %dma_start3A_750 = tpu.memref_slice %arg14[%dma_start3A_748, %dma_start3A_749] : memref<1280x32xf32, #tpu.memory_space<vmem>> -> memref<128x32xf32, #tpu.memory_space<vmem>>
    %dma_start3A_751 = arith.constant 2048 : i32
    %dma_start3A_752 = tpu.memref_slice %arg12[%dma_start3A_751] : memref<6400xi32, #tpu.memory_space<vmem>> -> memref<128xi32, #tpu.memory_space<vmem>>
    %dma_start3A_753 = arith.constant 0 : i32
    %dma_start3A_754 = arith.constant 0 : i32
    %dma_start3A_755 = tpu.memref_slice %arg4[%dma_start3A_753, %dma_start3A_754] : memref<1000000x32xf32, #tpu.memory_space<hbm>> -> memref<1000000x32xf32, #tpu.memory_space<hbm>>
    tpu.enqueue_indirect_dma source(%dma_start3A_755 : memref<1000000x32xf32, #tpu.memory_space<hbm>>) target(%dma_start3A_750 : memref<128x32xf32, #tpu.memory_space<vmem>>) offsets(%dma_start3A_752 : memref<128xi32, #tpu.memory_space<vmem>>) semaphore(%arg21 : memref<!tpu.dma_semaphore, #tpu.memory_space<semaphore_mem>>)
    %dma_start3A_756 = arith.constant 896 : i32
    %dma_start3A_757 = arith.constant 0 : i32
    %dma_start3A_758 = tpu.memref_slice %arg14[%dma_start3A_756, %dma_start3A_757] : memref<1280x32xf32, #tpu.memory_space<vmem>> -> memref<128x32xf32, #tpu.memory_space<vmem>>
    %dma_start3A_759 = arith.constant 2176 : i32
    %dma_start3A_760 = tpu.memref_slice %arg12[%dma_start3A_759] : memref<6400xi32, #tpu.memory_space<vmem>> -> memref<128xi32, #tpu.memory_space<vmem>>
    %dma_start3A_761 = arith.constant 0 : i32
    %dma_start3A_762 = arith.constant 0 : i32
    %dma_start3A_763 = tpu.memref_slice %arg4[%dma_start3A_761, %dma_start3A_762] : memref<1000000x32xf32, #tpu.memory_space<hbm>> -> memref<1000000x32xf32, #tpu.memory_space<hbm>>
    tpu.enqueue_indirect_dma source(%dma_start3A_763 : memref<1000000x32xf32, #tpu.memory_space<hbm>>) target(%dma_start3A_758 : memref<128x32xf32, #tpu.memory_space<vmem>>) offsets(%dma_start3A_760 : memref<128xi32, #tpu.memory_space<vmem>>) semaphore(%arg21 : memref<!tpu.dma_semaphore, #tpu.memory_space<semaphore_mem>>)
    %dma_start3A_764 = arith.constant 1024 : i32
    %dma_start3A_765 = arith.constant 0 : i32
    %dma_start3A_766 = tpu.memref_slice %arg14[%dma_start3A_764, %dma_start3A_765] : memref<1280x32xf32, #tpu.memory_space<vmem>> -> memref<128x32xf32, #tpu.memory_space<vmem>>
    %dma_start3A_767 = arith.constant 2304 : i32
    %dma_start3A_768 = tpu.memref_slice %arg12[%dma_start3A_767] : memref<6400xi32, #tpu.memory_space<vmem>> -> memref<128xi32, #tpu.memory_space<vmem>>
    %dma_start3A_769 = arith.constant 0 : i32
    %dma_start3A_770 = arith.constant 0 : i32
    %dma_start3A_771 = tpu.memref_slice %arg4[%dma_start3A_769, %dma_start3A_770] : memref<1000000x32xf32, #tpu.memory_space<hbm>> -> memref<1000000x32xf32, #tpu.memory_space<hbm>>
    tpu.enqueue_indirect_dma source(%dma_start3A_771 : memref<1000000x32xf32, #tpu.memory_space<hbm>>) target(%dma_start3A_766 : memref<128x32xf32, #tpu.memory_space<vmem>>) offsets(%dma_start3A_768 : memref<128xi32, #tpu.memory_space<vmem>>) semaphore(%arg21 : memref<!tpu.dma_semaphore, #tpu.memory_space<semaphore_mem>>)
    %dma_start3A_772 = arith.constant 1152 : i32
    %dma_start3A_773 = arith.constant 0 : i32
    %dma_start3A_774 = tpu.memref_slice %arg14[%dma_start3A_772, %dma_start3A_773] : memref<1280x32xf32, #tpu.memory_space<vmem>> -> memref<128x32xf32, #tpu.memory_space<vmem>>
    %dma_start3A_775 = arith.constant 2432 : i32
    %dma_start3A_776 = tpu.memref_slice %arg12[%dma_start3A_775] : memref<6400xi32, #tpu.memory_space<vmem>> -> memref<128xi32, #tpu.memory_space<vmem>>
    %dma_start3A_777 = arith.constant 0 : i32
    %dma_start3A_778 = arith.constant 0 : i32
    %dma_start3A_779 = tpu.memref_slice %arg4[%dma_start3A_777, %dma_start3A_778] : memref<1000000x32xf32, #tpu.memory_space<hbm>> -> memref<1000000x32xf32, #tpu.memory_space<hbm>>
    tpu.enqueue_indirect_dma source(%dma_start3A_779 : memref<1000000x32xf32, #tpu.memory_space<hbm>>) target(%dma_start3A_774 : memref<128x32xf32, #tpu.memory_space<vmem>>) offsets(%dma_start3A_776 : memref<128xi32, #tpu.memory_space<vmem>>) semaphore(%arg21 : memref<!tpu.dma_semaphore, #tpu.memory_space<semaphore_mem>>)
    %dma_wait3A_780 = arith.constant 0 : i32
    %dma_wait3A_781 = arith.constant 0 : i32
    %dma_wait3A_782 = tpu.memref_slice %arg13[%dma_wait3A_780, %dma_wait3A_781] : memref<1280x32xf32, #tpu.memory_space<vmem>> -> memref<128x32xf32, #tpu.memory_space<vmem>>
    %dma_wait3A_783 = arith.constant 0 : i32
    %dma_wait3A_784 = tpu.memref_slice %arg12[%dma_wait3A_783] : memref<6400xi32, #tpu.memory_space<vmem>> -> memref<128xi32, #tpu.memory_space<vmem>>
    %dma_wait3A_785 = arith.constant 0 : i32
    %dma_wait3A_786 = arith.constant 0 : i32
    %dma_wait3A_787 = tpu.memref_slice %arg4[%dma_wait3A_785, %dma_wait3A_786] : memref<1000000x32xf32, #tpu.memory_space<hbm>> -> memref<1000000x32xf32, #tpu.memory_space<hbm>>
    tpu.wait_indirect_dma semaphore(%arg20 : memref<!tpu.dma_semaphore, #tpu.memory_space<semaphore_mem>>) src(%dma_wait3A_787 : memref<1000000x32xf32, #tpu.memory_space<hbm>>) dst(%dma_wait3A_782 : memref<128x32xf32, #tpu.memory_space<vmem>>)
    %dma_wait3A_788 = arith.constant 128 : i32
    %dma_wait3A_789 = arith.constant 0 : i32
    %dma_wait3A_790 = tpu.memref_slice %arg13[%dma_wait3A_788, %dma_wait3A_789] : memref<1280x32xf32, #tpu.memory_space<vmem>> -> memref<128x32xf32, #tpu.memory_space<vmem>>
    %dma_wait3A_791 = arith.constant 128 : i32
    %dma_wait3A_792 = tpu.memref_slice %arg12[%dma_wait3A_791] : memref<6400xi32, #tpu.memory_space<vmem>> -> memref<128xi32, #tpu.memory_space<vmem>>
    %dma_wait3A_793 = arith.constant 0 : i32
    %dma_wait3A_794 = arith.constant 0 : i32
    %dma_wait3A_795 = tpu.memref_slice %arg4[%dma_wait3A_793, %dma_wait3A_794] : memref<1000000x32xf32, #tpu.memory_space<hbm>> -> memref<1000000x32xf32, #tpu.memory_space<hbm>>
    tpu.wait_indirect_dma semaphore(%arg20 : memref<!tpu.dma_semaphore, #tpu.memory_space<semaphore_mem>>) src(%dma_wait3A_795 : memref<1000000x32xf32, #tpu.memory_space<hbm>>) dst(%dma_wait3A_790 : memref<128x32xf32, #tpu.memory_space<vmem>>)
    %dma_wait3A_796 = arith.constant 256 : i32
    %dma_wait3A_797 = arith.constant 0 : i32
    %dma_wait3A_798 = tpu.memref_slice %arg13[%dma_wait3A_796, %dma_wait3A_797] : memref<1280x32xf32, #tpu.memory_space<vmem>> -> memref<128x32xf32, #tpu.memory_space<vmem>>
    %dma_wait3A_799 = arith.constant 256 : i32
    %dma_wait3A_800 = tpu.memref_slice %arg12[%dma_wait3A_799] : memref<6400xi32, #tpu.memory_space<vmem>> -> memref<128xi32, #tpu.memory_space<vmem>>
    %dma_wait3A_801 = arith.constant 0 : i32
    %dma_wait3A_802 = arith.constant 0 : i32
    %dma_wait3A_803 = tpu.memref_slice %arg4[%dma_wait3A_801, %dma_wait3A_802] : memref<1000000x32xf32, #tpu.memory_space<hbm>> -> memref<1000000x32xf32, #tpu.memory_space<hbm>>
    tpu.wait_indirect_dma semaphore(%arg20 : memref<!tpu.dma_semaphore, #tpu.memory_space<semaphore_mem>>) src(%dma_wait3A_803 : memref<1000000x32xf32, #tpu.memory_space<hbm>>) dst(%dma_wait3A_798 : memref<128x32xf32, #tpu.memory_space<vmem>>)
    %dma_wait3A_804 = arith.constant 384 : i32
    %dma_wait3A_805 = arith.constant 0 : i32
    %dma_wait3A_806 = tpu.memref_slice %arg13[%dma_wait3A_804, %dma_wait3A_805] : memref<1280x32xf32, #tpu.memory_space<vmem>> -> memref<128x32xf32, #tpu.memory_space<vmem>>
    %dma_wait3A_807 = arith.constant 384 : i32
    %dma_wait3A_808 = tpu.memref_slice %arg12[%dma_wait3A_807] : memref<6400xi32, #tpu.memory_space<vmem>> -> memref<128xi32, #tpu.memory_space<vmem>>
    %dma_wait3A_809 = arith.constant 0 : i32
    %dma_wait3A_810 = arith.constant 0 : i32
    %dma_wait3A_811 = tpu.memref_slice %arg4[%dma_wait3A_809, %dma_wait3A_810] : memref<1000000x32xf32, #tpu.memory_space<hbm>> -> memref<1000000x32xf32, #tpu.memory_space<hbm>>
    tpu.wait_indirect_dma semaphore(%arg20 : memref<!tpu.dma_semaphore, #tpu.memory_space<semaphore_mem>>) src(%dma_wait3A_811 : memref<1000000x32xf32, #tpu.memory_space<hbm>>) dst(%dma_wait3A_806 : memref<128x32xf32, #tpu.memory_space<vmem>>)
    %dma_wait3A_812 = arith.constant 512 : i32
    %dma_wait3A_813 = arith.constant 0 : i32
    %dma_wait3A_814 = tpu.memref_slice %arg13[%dma_wait3A_812, %dma_wait3A_813] : memref<1280x32xf32, #tpu.memory_space<vmem>> -> memref<128x32xf32, #tpu.memory_space<vmem>>
    %dma_wait3A_815 = arith.constant 512 : i32
    %dma_wait3A_816 = tpu.memref_slice %arg12[%dma_wait3A_815] : memref<6400xi32, #tpu.memory_space<vmem>> -> memref<128xi32, #tpu.memory_space<vmem>>
    %dma_wait3A_817 = arith.constant 0 : i32
    %dma_wait3A_818 = arith.constant 0 : i32
    %dma_wait3A_819 = tpu.memref_slice %arg4[%dma_wait3A_817, %dma_wait3A_818] : memref<1000000x32xf32, #tpu.memory_space<hbm>> -> memref<1000000x32xf32, #tpu.memory_space<hbm>>
    tpu.wait_indirect_dma semaphore(%arg20 : memref<!tpu.dma_semaphore, #tpu.memory_space<semaphore_mem>>) src(%dma_wait3A_819 : memref<1000000x32xf32, #tpu.memory_space<hbm>>) dst(%dma_wait3A_814 : memref<128x32xf32, #tpu.memory_space<vmem>>)
    %dma_wait3A_820 = arith.constant 640 : i32
    %dma_wait3A_821 = arith.constant 0 : i32
    %dma_wait3A_822 = tpu.memref_slice %arg13[%dma_wait3A_820, %dma_wait3A_821] : memref<1280x32xf32, #tpu.memory_space<vmem>> -> memref<128x32xf32, #tpu.memory_space<vmem>>
    %dma_wait3A_823 = arith.constant 640 : i32
    %dma_wait3A_824 = tpu.memref_slice %arg12[%dma_wait3A_823] : memref<6400xi32, #tpu.memory_space<vmem>> -> memref<128xi32, #tpu.memory_space<vmem>>
    %dma_wait3A_825 = arith.constant 0 : i32
    %dma_wait3A_826 = arith.constant 0 : i32
    %dma_wait3A_827 = tpu.memref_slice %arg4[%dma_wait3A_825, %dma_wait3A_826] : memref<1000000x32xf32, #tpu.memory_space<hbm>> -> memref<1000000x32xf32, #tpu.memory_space<hbm>>
    tpu.wait_indirect_dma semaphore(%arg20 : memref<!tpu.dma_semaphore, #tpu.memory_space<semaphore_mem>>) src(%dma_wait3A_827 : memref<1000000x32xf32, #tpu.memory_space<hbm>>) dst(%dma_wait3A_822 : memref<128x32xf32, #tpu.memory_space<vmem>>)
    %dma_wait3A_828 = arith.constant 768 : i32
    %dma_wait3A_829 = arith.constant 0 : i32
    %dma_wait3A_830 = tpu.memref_slice %arg13[%dma_wait3A_828, %dma_wait3A_829] : memref<1280x32xf32, #tpu.memory_space<vmem>> -> memref<128x32xf32, #tpu.memory_space<vmem>>
    %dma_wait3A_831 = arith.constant 768 : i32
    %dma_wait3A_832 = tpu.memref_slice %arg12[%dma_wait3A_831] : memref<6400xi32, #tpu.memory_space<vmem>> -> memref<128xi32, #tpu.memory_space<vmem>>
    %dma_wait3A_833 = arith.constant 0 : i32
    %dma_wait3A_834 = arith.constant 0 : i32
    %dma_wait3A_835 = tpu.memref_slice %arg4[%dma_wait3A_833, %dma_wait3A_834] : memref<1000000x32xf32, #tpu.memory_space<hbm>> -> memref<1000000x32xf32, #tpu.memory_space<hbm>>
    tpu.wait_indirect_dma semaphore(%arg20 : memref<!tpu.dma_semaphore, #tpu.memory_space<semaphore_mem>>) src(%dma_wait3A_835 : memref<1000000x32xf32, #tpu.memory_space<hbm>>) dst(%dma_wait3A_830 : memref<128x32xf32, #tpu.memory_space<vmem>>)
    %dma_wait3A_836 = arith.constant 896 : i32
    %dma_wait3A_837 = arith.constant 0 : i32
    %dma_wait3A_838 = tpu.memref_slice %arg13[%dma_wait3A_836, %dma_wait3A_837] : memref<1280x32xf32, #tpu.memory_space<vmem>> -> memref<128x32xf32, #tpu.memory_space<vmem>>
    %dma_wait3A_839 = arith.constant 896 : i32
    %dma_wait3A_840 = tpu.memref_slice %arg12[%dma_wait3A_839] : memref<6400xi32, #tpu.memory_space<vmem>> -> memref<128xi32, #tpu.memory_space<vmem>>
    %dma_wait3A_841 = arith.constant 0 : i32
    %dma_wait3A_842 = arith.constant 0 : i32
    %dma_wait3A_843 = tpu.memref_slice %arg4[%dma_wait3A_841, %dma_wait3A_842] : memref<1000000x32xf32, #tpu.memory_space<hbm>> -> memref<1000000x32xf32, #tpu.memory_space<hbm>>
    tpu.wait_indirect_dma semaphore(%arg20 : memref<!tpu.dma_semaphore, #tpu.memory_space<semaphore_mem>>) src(%dma_wait3A_843 : memref<1000000x32xf32, #tpu.memory_space<hbm>>) dst(%dma_wait3A_838 : memref<128x32xf32, #tpu.memory_space<vmem>>)
    %dma_wait3A_844 = arith.constant 1024 : i32
    %dma_wait3A_845 = arith.constant 0 : i32
    %dma_wait3A_846 = tpu.memref_slice %arg13[%dma_wait3A_844, %dma_wait3A_845] : memref<1280x32xf32, #tpu.memory_space<vmem>> -> memref<128x32xf32, #tpu.memory_space<vmem>>
    %dma_wait3A_847 = arith.constant 1024 : i32
    %dma_wait3A_848 = tpu.memref_slice %arg12[%dma_wait3A_847] : memref<6400xi32, #tpu.memory_space<vmem>> -> memref<128xi32, #tpu.memory_space<vmem>>
    %dma_wait3A_849 = arith.constant 0 : i32
    %dma_wait3A_850 = arith.constant 0 : i32
    %dma_wait3A_851 = tpu.memref_slice %arg4[%dma_wait3A_849, %dma_wait3A_850] : memref<1000000x32xf32, #tpu.memory_space<hbm>> -> memref<1000000x32xf32, #tpu.memory_space<hbm>>
    tpu.wait_indirect_dma semaphore(%arg20 : memref<!tpu.dma_semaphore, #tpu.memory_space<semaphore_mem>>) src(%dma_wait3A_851 : memref<1000000x32xf32, #tpu.memory_space<hbm>>) dst(%dma_wait3A_846 : memref<128x32xf32, #tpu.memory_space<vmem>>)
    %dma_wait3A_852 = arith.constant 1152 : i32
    %dma_wait3A_853 = arith.constant 0 : i32
    %dma_wait3A_854 = tpu.memref_slice %arg13[%dma_wait3A_852, %dma_wait3A_853] : memref<1280x32xf32, #tpu.memory_space<vmem>> -> memref<128x32xf32, #tpu.memory_space<vmem>>
    %dma_wait3A_855 = arith.constant 1152 : i32
    %dma_wait3A_856 = tpu.memref_slice %arg12[%dma_wait3A_855] : memref<6400xi32, #tpu.memory_space<vmem>> -> memref<128xi32, #tpu.memory_space<vmem>>
    %dma_wait3A_857 = arith.constant 0 : i32
    %dma_wait3A_858 = arith.constant 0 : i32
    %dma_wait3A_859 = tpu.memref_slice %arg4[%dma_wait3A_857, %dma_wait3A_858] : memref<1000000x32xf32, #tpu.memory_space<hbm>> -> memref<1000000x32xf32, #tpu.memory_space<hbm>>
    tpu.wait_indirect_dma semaphore(%arg20 : memref<!tpu.dma_semaphore, #tpu.memory_space<semaphore_mem>>) src(%dma_wait3A_859 : memref<1000000x32xf32, #tpu.memory_space<hbm>>) dst(%dma_wait3A_854 : memref<128x32xf32, #tpu.memory_space<vmem>>)
    %dma_start3A_860 = arith.constant 0 : i32
    %dma_start3A_861 = arith.constant 0 : i32
    %dma_start3A_862 = arith.constant 0 : i32
    %dma_start3A_863 = tpu.memref_slice %arg13[%dma_start3A_861, %dma_start3A_862] : memref<1280x32xf32, #tpu.memory_space<vmem>> -> memref<128x32xf32, #tpu.memory_space<vmem>>
    %dma_start3A_864 = arith.constant 0 : i32
    %dma_start3A_865 = tpu.memref_slice %arg11[%dma_start3A_860, %dma_start3A_864] : memref<50x128xi32, #tpu.memory_space<vmem>> -> memref<1x128xi32, #tpu.memory_space<vmem>>
    %dma_start3A_866 = tpu.memref_squeeze %dma_start3A_865 : memref<1x128xi32, #tpu.memory_space<vmem>> -> memref<128xi32, #tpu.memory_space<vmem>>
    %dma_start3A_867 = arith.constant 0 : i32
    %dma_start3A_868 = arith.constant 0 : i32
    %dma_start3A_869 = tpu.memref_slice %arg17[%dma_start3A_867, %dma_start3A_868] : memref<4096x32xf32, #tpu.memory_space<vmem_shared>> -> memref<4096x32xf32, #tpu.memory_space<vmem_shared>>
    tpu.enqueue_indirect_dma source(%dma_start3A_863 : memref<128x32xf32, #tpu.memory_space<vmem>>) target(%dma_start3A_869 : memref<4096x32xf32, #tpu.memory_space<vmem_shared>>) offsets(%dma_start3A_866 : memref<128xi32, #tpu.memory_space<vmem>>) semaphore(%arg22 : memref<!tpu.dma_semaphore, #tpu.memory_space<semaphore_mem>>) {add = true}
    %dma_start3A_870 = arith.constant 1 : i32
    %dma_start3A_871 = arith.constant 128 : i32
    %dma_start3A_872 = arith.constant 0 : i32
    %dma_start3A_873 = tpu.memref_slice %arg13[%dma_start3A_871, %dma_start3A_872] : memref<1280x32xf32, #tpu.memory_space<vmem>> -> memref<128x32xf32, #tpu.memory_space<vmem>>
    %dma_start3A_874 = arith.constant 0 : i32
    %dma_start3A_875 = tpu.memref_slice %arg11[%dma_start3A_870, %dma_start3A_874] : memref<50x128xi32, #tpu.memory_space<vmem>> -> memref<1x128xi32, #tpu.memory_space<vmem>>
    %dma_start3A_876 = tpu.memref_squeeze %dma_start3A_875 : memref<1x128xi32, #tpu.memory_space<vmem>> -> memref<128xi32, #tpu.memory_space<vmem>>
    %dma_start3A_877 = arith.constant 0 : i32
    %dma_start3A_878 = arith.constant 0 : i32
    %dma_start3A_879 = tpu.memref_slice %arg17[%dma_start3A_877, %dma_start3A_878] : memref<4096x32xf32, #tpu.memory_space<vmem_shared>> -> memref<4096x32xf32, #tpu.memory_space<vmem_shared>>
    tpu.enqueue_indirect_dma source(%dma_start3A_873 : memref<128x32xf32, #tpu.memory_space<vmem>>) target(%dma_start3A_879 : memref<4096x32xf32, #tpu.memory_space<vmem_shared>>) offsets(%dma_start3A_876 : memref<128xi32, #tpu.memory_space<vmem>>) semaphore(%arg22 : memref<!tpu.dma_semaphore, #tpu.memory_space<semaphore_mem>>) {add = true}
    %dma_start3A_880 = arith.constant 2 : i32
    %dma_start3A_881 = arith.constant 256 : i32
    %dma_start3A_882 = arith.constant 0 : i32
    %dma_start3A_883 = tpu.memref_slice %arg13[%dma_start3A_881, %dma_start3A_882] : memref<1280x32xf32, #tpu.memory_space<vmem>> -> memref<128x32xf32, #tpu.memory_space<vmem>>
    %dma_start3A_884 = arith.constant 0 : i32
    %dma_start3A_885 = tpu.memref_slice %arg11[%dma_start3A_880, %dma_start3A_884] : memref<50x128xi32, #tpu.memory_space<vmem>> -> memref<1x128xi32, #tpu.memory_space<vmem>>
    %dma_start3A_886 = tpu.memref_squeeze %dma_start3A_885 : memref<1x128xi32, #tpu.memory_space<vmem>> -> memref<128xi32, #tpu.memory_space<vmem>>
    %dma_start3A_887 = arith.constant 0 : i32
    %dma_start3A_888 = arith.constant 0 : i32
    %dma_start3A_889 = tpu.memref_slice %arg17[%dma_start3A_887, %dma_start3A_888] : memref<4096x32xf32, #tpu.memory_space<vmem_shared>> -> memref<4096x32xf32, #tpu.memory_space<vmem_shared>>
    tpu.enqueue_indirect_dma source(%dma_start3A_883 : memref<128x32xf32, #tpu.memory_space<vmem>>) target(%dma_start3A_889 : memref<4096x32xf32, #tpu.memory_space<vmem_shared>>) offsets(%dma_start3A_886 : memref<128xi32, #tpu.memory_space<vmem>>) semaphore(%arg22 : memref<!tpu.dma_semaphore, #tpu.memory_space<semaphore_mem>>) {add = true}
    %dma_start3A_890 = arith.constant 3 : i32
    %dma_start3A_891 = arith.constant 384 : i32
    %dma_start3A_892 = arith.constant 0 : i32
    %dma_start3A_893 = tpu.memref_slice %arg13[%dma_start3A_891, %dma_start3A_892] : memref<1280x32xf32, #tpu.memory_space<vmem>> -> memref<128x32xf32, #tpu.memory_space<vmem>>
    %dma_start3A_894 = arith.constant 0 : i32
    %dma_start3A_895 = tpu.memref_slice %arg11[%dma_start3A_890, %dma_start3A_894] : memref<50x128xi32, #tpu.memory_space<vmem>> -> memref<1x128xi32, #tpu.memory_space<vmem>>
    %dma_start3A_896 = tpu.memref_squeeze %dma_start3A_895 : memref<1x128xi32, #tpu.memory_space<vmem>> -> memref<128xi32, #tpu.memory_space<vmem>>
    %dma_start3A_897 = arith.constant 0 : i32
    %dma_start3A_898 = arith.constant 0 : i32
    %dma_start3A_899 = tpu.memref_slice %arg17[%dma_start3A_897, %dma_start3A_898] : memref<4096x32xf32, #tpu.memory_space<vmem_shared>> -> memref<4096x32xf32, #tpu.memory_space<vmem_shared>>
    tpu.enqueue_indirect_dma source(%dma_start3A_893 : memref<128x32xf32, #tpu.memory_space<vmem>>) target(%dma_start3A_899 : memref<4096x32xf32, #tpu.memory_space<vmem_shared>>) offsets(%dma_start3A_896 : memref<128xi32, #tpu.memory_space<vmem>>) semaphore(%arg22 : memref<!tpu.dma_semaphore, #tpu.memory_space<semaphore_mem>>) {add = true}
    %dma_start3A_900 = arith.constant 4 : i32
    %dma_start3A_901 = arith.constant 512 : i32
    %dma_start3A_902 = arith.constant 0 : i32
    %dma_start3A_903 = tpu.memref_slice %arg13[%dma_start3A_901, %dma_start3A_902] : memref<1280x32xf32, #tpu.memory_space<vmem>> -> memref<128x32xf32, #tpu.memory_space<vmem>>
    %dma_start3A_904 = arith.constant 0 : i32
    %dma_start3A_905 = tpu.memref_slice %arg11[%dma_start3A_900, %dma_start3A_904] : memref<50x128xi32, #tpu.memory_space<vmem>> -> memref<1x128xi32, #tpu.memory_space<vmem>>
    %dma_start3A_906 = tpu.memref_squeeze %dma_start3A_905 : memref<1x128xi32, #tpu.memory_space<vmem>> -> memref<128xi32, #tpu.memory_space<vmem>>
    %dma_start3A_907 = arith.constant 0 : i32
    %dma_start3A_908 = arith.constant 0 : i32
    %dma_start3A_909 = tpu.memref_slice %arg17[%dma_start3A_907, %dma_start3A_908] : memref<4096x32xf32, #tpu.memory_space<vmem_shared>> -> memref<4096x32xf32, #tpu.memory_space<vmem_shared>>
    tpu.enqueue_indirect_dma source(%dma_start3A_903 : memref<128x32xf32, #tpu.memory_space<vmem>>) target(%dma_start3A_909 : memref<4096x32xf32, #tpu.memory_space<vmem_shared>>) offsets(%dma_start3A_906 : memref<128xi32, #tpu.memory_space<vmem>>) semaphore(%arg22 : memref<!tpu.dma_semaphore, #tpu.memory_space<semaphore_mem>>) {add = true}
    %dma_start3A_910 = arith.constant 5 : i32
    %dma_start3A_911 = arith.constant 640 : i32
    %dma_start3A_912 = arith.constant 0 : i32
    %dma_start3A_913 = tpu.memref_slice %arg13[%dma_start3A_911, %dma_start3A_912] : memref<1280x32xf32, #tpu.memory_space<vmem>> -> memref<128x32xf32, #tpu.memory_space<vmem>>
    %dma_start3A_914 = arith.constant 0 : i32
    %dma_start3A_915 = tpu.memref_slice %arg11[%dma_start3A_910, %dma_start3A_914] : memref<50x128xi32, #tpu.memory_space<vmem>> -> memref<1x128xi32, #tpu.memory_space<vmem>>
    %dma_start3A_916 = tpu.memref_squeeze %dma_start3A_915 : memref<1x128xi32, #tpu.memory_space<vmem>> -> memref<128xi32, #tpu.memory_space<vmem>>
    %dma_start3A_917 = arith.constant 0 : i32
    %dma_start3A_918 = arith.constant 0 : i32
    %dma_start3A_919 = tpu.memref_slice %arg17[%dma_start3A_917, %dma_start3A_918] : memref<4096x32xf32, #tpu.memory_space<vmem_shared>> -> memref<4096x32xf32, #tpu.memory_space<vmem_shared>>
    tpu.enqueue_indirect_dma source(%dma_start3A_913 : memref<128x32xf32, #tpu.memory_space<vmem>>) target(%dma_start3A_919 : memref<4096x32xf32, #tpu.memory_space<vmem_shared>>) offsets(%dma_start3A_916 : memref<128xi32, #tpu.memory_space<vmem>>) semaphore(%arg22 : memref<!tpu.dma_semaphore, #tpu.memory_space<semaphore_mem>>) {add = true}
    %dma_start3A_920 = arith.constant 6 : i32
    %dma_start3A_921 = arith.constant 768 : i32
    %dma_start3A_922 = arith.constant 0 : i32
    %dma_start3A_923 = tpu.memref_slice %arg13[%dma_start3A_921, %dma_start3A_922] : memref<1280x32xf32, #tpu.memory_space<vmem>> -> memref<128x32xf32, #tpu.memory_space<vmem>>
    %dma_start3A_924 = arith.constant 0 : i32
    %dma_start3A_925 = tpu.memref_slice %arg11[%dma_start3A_920, %dma_start3A_924] : memref<50x128xi32, #tpu.memory_space<vmem>> -> memref<1x128xi32, #tpu.memory_space<vmem>>
    %dma_start3A_926 = tpu.memref_squeeze %dma_start3A_925 : memref<1x128xi32, #tpu.memory_space<vmem>> -> memref<128xi32, #tpu.memory_space<vmem>>
    %dma_start3A_927 = arith.constant 0 : i32
    %dma_start3A_928 = arith.constant 0 : i32
    %dma_start3A_929 = tpu.memref_slice %arg17[%dma_start3A_927, %dma_start3A_928] : memref<4096x32xf32, #tpu.memory_space<vmem_shared>> -> memref<4096x32xf32, #tpu.memory_space<vmem_shared>>
    tpu.enqueue_indirect_dma source(%dma_start3A_923 : memref<128x32xf32, #tpu.memory_space<vmem>>) target(%dma_start3A_929 : memref<4096x32xf32, #tpu.memory_space<vmem_shared>>) offsets(%dma_start3A_926 : memref<128xi32, #tpu.memory_space<vmem>>) semaphore(%arg22 : memref<!tpu.dma_semaphore, #tpu.memory_space<semaphore_mem>>) {add = true}
    %dma_start3A_930 = arith.constant 7 : i32
    %dma_start3A_931 = arith.constant 896 : i32
    %dma_start3A_932 = arith.constant 0 : i32
    %dma_start3A_933 = tpu.memref_slice %arg13[%dma_start3A_931, %dma_start3A_932] : memref<1280x32xf32, #tpu.memory_space<vmem>> -> memref<128x32xf32, #tpu.memory_space<vmem>>
    %dma_start3A_934 = arith.constant 0 : i32
    %dma_start3A_935 = tpu.memref_slice %arg11[%dma_start3A_930, %dma_start3A_934] : memref<50x128xi32, #tpu.memory_space<vmem>> -> memref<1x128xi32, #tpu.memory_space<vmem>>
    %dma_start3A_936 = tpu.memref_squeeze %dma_start3A_935 : memref<1x128xi32, #tpu.memory_space<vmem>> -> memref<128xi32, #tpu.memory_space<vmem>>
    %dma_start3A_937 = arith.constant 0 : i32
    %dma_start3A_938 = arith.constant 0 : i32
    %dma_start3A_939 = tpu.memref_slice %arg17[%dma_start3A_937, %dma_start3A_938] : memref<4096x32xf32, #tpu.memory_space<vmem_shared>> -> memref<4096x32xf32, #tpu.memory_space<vmem_shared>>
    tpu.enqueue_indirect_dma source(%dma_start3A_933 : memref<128x32xf32, #tpu.memory_space<vmem>>) target(%dma_start3A_939 : memref<4096x32xf32, #tpu.memory_space<vmem_shared>>) offsets(%dma_start3A_936 : memref<128xi32, #tpu.memory_space<vmem>>) semaphore(%arg22 : memref<!tpu.dma_semaphore, #tpu.memory_space<semaphore_mem>>) {add = true}
    %dma_start3A_940 = arith.constant 8 : i32
    %dma_start3A_941 = arith.constant 1024 : i32
    %dma_start3A_942 = arith.constant 0 : i32
    %dma_start3A_943 = tpu.memref_slice %arg13[%dma_start3A_941, %dma_start3A_942] : memref<1280x32xf32, #tpu.memory_space<vmem>> -> memref<128x32xf32, #tpu.memory_space<vmem>>
    %dma_start3A_944 = arith.constant 0 : i32
    %dma_start3A_945 = tpu.memref_slice %arg11[%dma_start3A_940, %dma_start3A_944] : memref<50x128xi32, #tpu.memory_space<vmem>> -> memref<1x128xi32, #tpu.memory_space<vmem>>
    %dma_start3A_946 = tpu.memref_squeeze %dma_start3A_945 : memref<1x128xi32, #tpu.memory_space<vmem>> -> memref<128xi32, #tpu.memory_space<vmem>>
    %dma_start3A_947 = arith.constant 0 : i32
    %dma_start3A_948 = arith.constant 0 : i32
    %dma_start3A_949 = tpu.memref_slice %arg17[%dma_start3A_947, %dma_start3A_948] : memref<4096x32xf32, #tpu.memory_space<vmem_shared>> -> memref<4096x32xf32, #tpu.memory_space<vmem_shared>>
    tpu.enqueue_indirect_dma source(%dma_start3A_943 : memref<128x32xf32, #tpu.memory_space<vmem>>) target(%dma_start3A_949 : memref<4096x32xf32, #tpu.memory_space<vmem_shared>>) offsets(%dma_start3A_946 : memref<128xi32, #tpu.memory_space<vmem>>) semaphore(%arg22 : memref<!tpu.dma_semaphore, #tpu.memory_space<semaphore_mem>>) {add = true}
    %dma_start3A_950 = arith.constant 9 : i32
    %dma_start3A_951 = arith.constant 1152 : i32
    %dma_start3A_952 = arith.constant 0 : i32
    %dma_start3A_953 = tpu.memref_slice %arg13[%dma_start3A_951, %dma_start3A_952] : memref<1280x32xf32, #tpu.memory_space<vmem>> -> memref<128x32xf32, #tpu.memory_space<vmem>>
    %dma_start3A_954 = arith.constant 0 : i32
    %dma_start3A_955 = tpu.memref_slice %arg11[%dma_start3A_950, %dma_start3A_954] : memref<50x128xi32, #tpu.memory_space<vmem>> -> memref<1x128xi32, #tpu.memory_space<vmem>>
    %dma_start3A_956 = tpu.memref_squeeze %dma_start3A_955 : memref<1x128xi32, #tpu.memory_space<vmem>> -> memref<128xi32, #tpu.memory_space<vmem>>
    %dma_start3A_957 = arith.constant 0 : i32
    %dma_start3A_958 = arith.constant 0 : i32
    %dma_start3A_959 = tpu.memref_slice %arg17[%dma_start3A_957, %dma_start3A_958] : memref<4096x32xf32, #tpu.memory_space<vmem_shared>> -> memref<4096x32xf32, #tpu.memory_space<vmem_shared>>
    tpu.enqueue_indirect_dma source(%dma_start3A_953 : memref<128x32xf32, #tpu.memory_space<vmem>>) target(%dma_start3A_959 : memref<4096x32xf32, #tpu.memory_space<vmem_shared>>) offsets(%dma_start3A_956 : memref<128xi32, #tpu.memory_space<vmem>>) semaphore(%arg22 : memref<!tpu.dma_semaphore, #tpu.memory_space<semaphore_mem>>) {add = true}
    %dma_wait3A_960 = arith.constant 0 : i32
    %dma_wait3A_961 = arith.constant 0 : i32
    %dma_wait3A_962 = arith.constant 0 : i32
    %dma_wait3A_963 = tpu.memref_slice %arg13[%dma_wait3A_961, %dma_wait3A_962] : memref<1280x32xf32, #tpu.memory_space<vmem>> -> memref<128x32xf32, #tpu.memory_space<vmem>>
    %dma_wait3A_964 = arith.constant 0 : i32
    %dma_wait3A_965 = tpu.memref_slice %arg11[%dma_wait3A_960, %dma_wait3A_964] : memref<50x128xi32, #tpu.memory_space<vmem>> -> memref<1x128xi32, #tpu.memory_space<vmem>>
    %dma_wait3A_966 = tpu.memref_squeeze %dma_wait3A_965 : memref<1x128xi32, #tpu.memory_space<vmem>> -> memref<128xi32, #tpu.memory_space<vmem>>
    %dma_wait3A_967 = arith.constant 0 : i32
    %dma_wait3A_968 = arith.constant 0 : i32
    %dma_wait3A_969 = tpu.memref_slice %arg17[%dma_wait3A_967, %dma_wait3A_968] : memref<4096x32xf32, #tpu.memory_space<vmem_shared>> -> memref<4096x32xf32, #tpu.memory_space<vmem_shared>>
    tpu.wait_indirect_dma semaphore(%arg22 : memref<!tpu.dma_semaphore, #tpu.memory_space<semaphore_mem>>) src(%dma_wait3A_963 : memref<128x32xf32, #tpu.memory_space<vmem>>) dst(%dma_wait3A_969 : memref<4096x32xf32, #tpu.memory_space<vmem_shared>>)
    %dma_wait3A_970 = arith.constant 1 : i32
    %dma_wait3A_971 = arith.constant 128 : i32
    %dma_wait3A_972 = arith.constant 0 : i32
    %dma_wait3A_973 = tpu.memref_slice %arg13[%dma_wait3A_971, %dma_wait3A_972] : memref<1280x32xf32, #tpu.memory_space<vmem>> -> memref<128x32xf32, #tpu.memory_space<vmem>>
    %dma_wait3A_974 = arith.constant 0 : i32
    %dma_wait3A_975 = tpu.memref_slice %arg11[%dma_wait3A_970, %dma_wait3A_974] : memref<50x128xi32, #tpu.memory_space<vmem>> -> memref<1x128xi32, #tpu.memory_space<vmem>>
    %dma_wait3A_976 = tpu.memref_squeeze %dma_wait3A_975 : memref<1x128xi32, #tpu.memory_space<vmem>> -> memref<128xi32, #tpu.memory_space<vmem>>
    %dma_wait3A_977 = arith.constant 0 : i32
    %dma_wait3A_978 = arith.constant 0 : i32
    %dma_wait3A_979 = tpu.memref_slice %arg17[%dma_wait3A_977, %dma_wait3A_978] : memref<4096x32xf32, #tpu.memory_space<vmem_shared>> -> memref<4096x32xf32, #tpu.memory_space<vmem_shared>>
    tpu.wait_indirect_dma semaphore(%arg22 : memref<!tpu.dma_semaphore, #tpu.memory_space<semaphore_mem>>) src(%dma_wait3A_973 : memref<128x32xf32, #tpu.memory_space<vmem>>) dst(%dma_wait3A_979 : memref<4096x32xf32, #tpu.memory_space<vmem_shared>>)
    %dma_wait3A_980 = arith.constant 2 : i32
    %dma_wait3A_981 = arith.constant 256 : i32
    %dma_wait3A_982 = arith.constant 0 : i32
    %dma_wait3A_983 = tpu.memref_slice %arg13[%dma_wait3A_981, %dma_wait3A_982] : memref<1280x32xf32, #tpu.memory_space<vmem>> -> memref<128x32xf32, #tpu.memory_space<vmem>>
    %dma_wait3A_984 = arith.constant 0 : i32
    %dma_wait3A_985 = tpu.memref_slice %arg11[%dma_wait3A_980, %dma_wait3A_984] : memref<50x128xi32, #tpu.memory_space<vmem>> -> memref<1x128xi32, #tpu.memory_space<vmem>>
    %dma_wait3A_986 = tpu.memref_squeeze %dma_wait3A_985 : memref<1x128xi32, #tpu.memory_space<vmem>> -> memref<128xi32, #tpu.memory_space<vmem>>
    %dma_wait3A_987 = arith.constant 0 : i32
    %dma_wait3A_988 = arith.constant 0 : i32
    %dma_wait3A_989 = tpu.memref_slice %arg17[%dma_wait3A_987, %dma_wait3A_988] : memref<4096x32xf32, #tpu.memory_space<vmem_shared>> -> memref<4096x32xf32, #tpu.memory_space<vmem_shared>>
    tpu.wait_indirect_dma semaphore(%arg22 : memref<!tpu.dma_semaphore, #tpu.memory_space<semaphore_mem>>) src(%dma_wait3A_983 : memref<128x32xf32, #tpu.memory_space<vmem>>) dst(%dma_wait3A_989 : memref<4096x32xf32, #tpu.memory_space<vmem_shared>>)
    %dma_wait3A_990 = arith.constant 3 : i32
    %dma_wait3A_991 = arith.constant 384 : i32
    %dma_wait3A_992 = arith.constant 0 : i32
    %dma_wait3A_993 = tpu.memref_slice %arg13[%dma_wait3A_991, %dma_wait3A_992] : memref<1280x32xf32, #tpu.memory_space<vmem>> -> memref<128x32xf32, #tpu.memory_space<vmem>>
    %dma_wait3A_994 = arith.constant 0 : i32
    %dma_wait3A_995 = tpu.memref_slice %arg11[%dma_wait3A_990, %dma_wait3A_994] : memref<50x128xi32, #tpu.memory_space<vmem>> -> memref<1x128xi32, #tpu.memory_space<vmem>>
    %dma_wait3A_996 = tpu.memref_squeeze %dma_wait3A_995 : memref<1x128xi32, #tpu.memory_space<vmem>> -> memref<128xi32, #tpu.memory_space<vmem>>
    %dma_wait3A_997 = arith.constant 0 : i32
    %dma_wait3A_998 = arith.constant 0 : i32
    %dma_wait3A_999 = tpu.memref_slice %arg17[%dma_wait3A_997, %dma_wait3A_998] : memref<4096x32xf32, #tpu.memory_space<vmem_shared>> -> memref<4096x32xf32, #tpu.memory_space<vmem_shared>>
    tpu.wait_indirect_dma semaphore(%arg22 : memref<!tpu.dma_semaphore, #tpu.memory_space<semaphore_mem>>) src(%dma_wait3A_993 : memref<128x32xf32, #tpu.memory_space<vmem>>) dst(%dma_wait3A_999 : memref<4096x32xf32, #tpu.memory_space<vmem_shared>>)
    %dma_wait3A_1000 = arith.constant 4 : i32
    %dma_wait3A_1001 = arith.constant 512 : i32
    %dma_wait3A_1002 = arith.constant 0 : i32
    %dma_wait3A_1003 = tpu.memref_slice %arg13[%dma_wait3A_1001, %dma_wait3A_1002] : memref<1280x32xf32, #tpu.memory_space<vmem>> -> memref<128x32xf32, #tpu.memory_space<vmem>>
    %dma_wait3A_1004 = arith.constant 0 : i32
    %dma_wait3A_1005 = tpu.memref_slice %arg11[%dma_wait3A_1000, %dma_wait3A_1004] : memref<50x128xi32, #tpu.memory_space<vmem>> -> memref<1x128xi32, #tpu.memory_space<vmem>>
    %dma_wait3A_1006 = tpu.memref_squeeze %dma_wait3A_1005 : memref<1x128xi32, #tpu.memory_space<vmem>> -> memref<128xi32, #tpu.memory_space<vmem>>
    %dma_wait3A_1007 = arith.constant 0 : i32
    %dma_wait3A_1008 = arith.constant 0 : i32
    %dma_wait3A_1009 = tpu.memref_slice %arg17[%dma_wait3A_1007, %dma_wait3A_1008] : memref<4096x32xf32, #tpu.memory_space<vmem_shared>> -> memref<4096x32xf32, #tpu.memory_space<vmem_shared>>
    tpu.wait_indirect_dma semaphore(%arg22 : memref<!tpu.dma_semaphore, #tpu.memory_space<semaphore_mem>>) src(%dma_wait3A_1003 : memref<128x32xf32, #tpu.memory_space<vmem>>) dst(%dma_wait3A_1009 : memref<4096x32xf32, #tpu.memory_space<vmem_shared>>)
    %dma_wait3A_1010 = arith.constant 5 : i32
    %dma_wait3A_1011 = arith.constant 640 : i32
    %dma_wait3A_1012 = arith.constant 0 : i32
    %dma_wait3A_1013 = tpu.memref_slice %arg13[%dma_wait3A_1011, %dma_wait3A_1012] : memref<1280x32xf32, #tpu.memory_space<vmem>> -> memref<128x32xf32, #tpu.memory_space<vmem>>
    %dma_wait3A_1014 = arith.constant 0 : i32
    %dma_wait3A_1015 = tpu.memref_slice %arg11[%dma_wait3A_1010, %dma_wait3A_1014] : memref<50x128xi32, #tpu.memory_space<vmem>> -> memref<1x128xi32, #tpu.memory_space<vmem>>
    %dma_wait3A_1016 = tpu.memref_squeeze %dma_wait3A_1015 : memref<1x128xi32, #tpu.memory_space<vmem>> -> memref<128xi32, #tpu.memory_space<vmem>>
    %dma_wait3A_1017 = arith.constant 0 : i32
    %dma_wait3A_1018 = arith.constant 0 : i32
    %dma_wait3A_1019 = tpu.memref_slice %arg17[%dma_wait3A_1017, %dma_wait3A_1018] : memref<4096x32xf32, #tpu.memory_space<vmem_shared>> -> memref<4096x32xf32, #tpu.memory_space<vmem_shared>>
    tpu.wait_indirect_dma semaphore(%arg22 : memref<!tpu.dma_semaphore, #tpu.memory_space<semaphore_mem>>) src(%dma_wait3A_1013 : memref<128x32xf32, #tpu.memory_space<vmem>>) dst(%dma_wait3A_1019 : memref<4096x32xf32, #tpu.memory_space<vmem_shared>>)
    %dma_wait3A_1020 = arith.constant 6 : i32
    %dma_wait3A_1021 = arith.constant 768 : i32
    %dma_wait3A_1022 = arith.constant 0 : i32
    %dma_wait3A_1023 = tpu.memref_slice %arg13[%dma_wait3A_1021, %dma_wait3A_1022] : memref<1280x32xf32, #tpu.memory_space<vmem>> -> memref<128x32xf32, #tpu.memory_space<vmem>>
    %dma_wait3A_1024 = arith.constant 0 : i32
    %dma_wait3A_1025 = tpu.memref_slice %arg11[%dma_wait3A_1020, %dma_wait3A_1024] : memref<50x128xi32, #tpu.memory_space<vmem>> -> memref<1x128xi32, #tpu.memory_space<vmem>>
    %dma_wait3A_1026 = tpu.memref_squeeze %dma_wait3A_1025 : memref<1x128xi32, #tpu.memory_space<vmem>> -> memref<128xi32, #tpu.memory_space<vmem>>
    %dma_wait3A_1027 = arith.constant 0 : i32
    %dma_wait3A_1028 = arith.constant 0 : i32
    %dma_wait3A_1029 = tpu.memref_slice %arg17[%dma_wait3A_1027, %dma_wait3A_1028] : memref<4096x32xf32, #tpu.memory_space<vmem_shared>> -> memref<4096x32xf32, #tpu.memory_space<vmem_shared>>
    tpu.wait_indirect_dma semaphore(%arg22 : memref<!tpu.dma_semaphore, #tpu.memory_space<semaphore_mem>>) src(%dma_wait3A_1023 : memref<128x32xf32, #tpu.memory_space<vmem>>) dst(%dma_wait3A_1029 : memref<4096x32xf32, #tpu.memory_space<vmem_shared>>)
    %dma_wait3A_1030 = arith.constant 7 : i32
    %dma_wait3A_1031 = arith.constant 896 : i32
    %dma_wait3A_1032 = arith.constant 0 : i32
    %dma_wait3A_1033 = tpu.memref_slice %arg13[%dma_wait3A_1031, %dma_wait3A_1032] : memref<1280x32xf32, #tpu.memory_space<vmem>> -> memref<128x32xf32, #tpu.memory_space<vmem>>
    %dma_wait3A_1034 = arith.constant 0 : i32
    %dma_wait3A_1035 = tpu.memref_slice %arg11[%dma_wait3A_1030, %dma_wait3A_1034] : memref<50x128xi32, #tpu.memory_space<vmem>> -> memref<1x128xi32, #tpu.memory_space<vmem>>
    %dma_wait3A_1036 = tpu.memref_squeeze %dma_wait3A_1035 : memref<1x128xi32, #tpu.memory_space<vmem>> -> memref<128xi32, #tpu.memory_space<vmem>>
    %dma_wait3A_1037 = arith.constant 0 : i32
    %dma_wait3A_1038 = arith.constant 0 : i32
    %dma_wait3A_1039 = tpu.memref_slice %arg17[%dma_wait3A_1037, %dma_wait3A_1038] : memref<4096x32xf32, #tpu.memory_space<vmem_shared>> -> memref<4096x32xf32, #tpu.memory_space<vmem_shared>>
    tpu.wait_indirect_dma semaphore(%arg22 : memref<!tpu.dma_semaphore, #tpu.memory_space<semaphore_mem>>) src(%dma_wait3A_1033 : memref<128x32xf32, #tpu.memory_space<vmem>>) dst(%dma_wait3A_1039 : memref<4096x32xf32, #tpu.memory_space<vmem_shared>>)
    %dma_wait3A_1040 = arith.constant 8 : i32
    %dma_wait3A_1041 = arith.constant 1024 : i32
    %dma_wait3A_1042 = arith.constant 0 : i32
    %dma_wait3A_1043 = tpu.memref_slice %arg13[%dma_wait3A_1041, %dma_wait3A_1042] : memref<1280x32xf32, #tpu.memory_space<vmem>> -> memref<128x32xf32, #tpu.memory_space<vmem>>
    %dma_wait3A_1044 = arith.constant 0 : i32
    %dma_wait3A_1045 = tpu.memref_slice %arg11[%dma_wait3A_1040, %dma_wait3A_1044] : memref<50x128xi32, #tpu.memory_space<vmem>> -> memref<1x128xi32, #tpu.memory_space<vmem>>
    %dma_wait3A_1046 = tpu.memref_squeeze %dma_wait3A_1045 : memref<1x128xi32, #tpu.memory_space<vmem>> -> memref<128xi32, #tpu.memory_space<vmem>>
    %dma_wait3A_1047 = arith.constant 0 : i32
    %dma_wait3A_1048 = arith.constant 0 : i32
    %dma_wait3A_1049 = tpu.memref_slice %arg17[%dma_wait3A_1047, %dma_wait3A_1048] : memref<4096x32xf32, #tpu.memory_space<vmem_shared>> -> memref<4096x32xf32, #tpu.memory_space<vmem_shared>>
    tpu.wait_indirect_dma semaphore(%arg22 : memref<!tpu.dma_semaphore, #tpu.memory_space<semaphore_mem>>) src(%dma_wait3A_1043 : memref<128x32xf32, #tpu.memory_space<vmem>>) dst(%dma_wait3A_1049 : memref<4096x32xf32, #tpu.memory_space<vmem_shared>>)
    %dma_wait3A_1050 = arith.constant 9 : i32
    %dma_wait3A_1051 = arith.constant 1152 : i32
    %dma_wait3A_1052 = arith.constant 0 : i32
    %dma_wait3A_1053 = tpu.memref_slice %arg13[%dma_wait3A_1051, %dma_wait3A_1052] : memref<1280x32xf32, #tpu.memory_space<vmem>> -> memref<128x32xf32, #tpu.memory_space<vmem>>
    %dma_wait3A_1054 = arith.constant 0 : i32
    %dma_wait3A_1055 = tpu.memref_slice %arg11[%dma_wait3A_1050, %dma_wait3A_1054] : memref<50x128xi32, #tpu.memory_space<vmem>> -> memref<1x128xi32, #tpu.memory_space<vmem>>
    %dma_wait3A_1056 = tpu.memref_squeeze %dma_wait3A_1055 : memref<1x128xi32, #tpu.memory_space<vmem>> -> memref<128xi32, #tpu.memory_space<vmem>>
    %dma_wait3A_1057 = arith.constant 0 : i32
    %dma_wait3A_1058 = arith.constant 0 : i32
    %dma_wait3A_1059 = tpu.memref_slice %arg17[%dma_wait3A_1057, %dma_wait3A_1058] : memref<4096x32xf32, #tpu.memory_space<vmem_shared>> -> memref<4096x32xf32, #tpu.memory_space<vmem_shared>>
    tpu.wait_indirect_dma semaphore(%arg22 : memref<!tpu.dma_semaphore, #tpu.memory_space<semaphore_mem>>) src(%dma_wait3A_1053 : memref<128x32xf32, #tpu.memory_space<vmem>>) dst(%dma_wait3A_1059 : memref<4096x32xf32, #tpu.memory_space<vmem_shared>>)
    %dma_start3A_1060 = arith.constant 0 : i32
    %dma_start3A_1061 = arith.constant 0 : i32
    %dma_start3A_1062 = tpu.memref_slice %arg13[%dma_start3A_1060, %dma_start3A_1061] : memref<1280x32xf32, #tpu.memory_space<vmem>> -> memref<128x32xf32, #tpu.memory_space<vmem>>
    %dma_start3A_1063 = arith.constant 2560 : i32
    %dma_start3A_1064 = tpu.memref_slice %arg12[%dma_start3A_1063] : memref<6400xi32, #tpu.memory_space<vmem>> -> memref<128xi32, #tpu.memory_space<vmem>>
    %dma_start3A_1065 = arith.constant 0 : i32
    %dma_start3A_1066 = arith.constant 0 : i32
    %dma_start3A_1067 = tpu.memref_slice %arg4[%dma_start3A_1065, %dma_start3A_1066] : memref<1000000x32xf32, #tpu.memory_space<hbm>> -> memref<1000000x32xf32, #tpu.memory_space<hbm>>
    tpu.enqueue_indirect_dma source(%dma_start3A_1067 : memref<1000000x32xf32, #tpu.memory_space<hbm>>) target(%dma_start3A_1062 : memref<128x32xf32, #tpu.memory_space<vmem>>) offsets(%dma_start3A_1064 : memref<128xi32, #tpu.memory_space<vmem>>) semaphore(%arg20 : memref<!tpu.dma_semaphore, #tpu.memory_space<semaphore_mem>>)
    %dma_start3A_1068 = arith.constant 128 : i32
    %dma_start3A_1069 = arith.constant 0 : i32
    %dma_start3A_1070 = tpu.memref_slice %arg13[%dma_start3A_1068, %dma_start3A_1069] : memref<1280x32xf32, #tpu.memory_space<vmem>> -> memref<128x32xf32, #tpu.memory_space<vmem>>
    %dma_start3A_1071 = arith.constant 2688 : i32
    %dma_start3A_1072 = tpu.memref_slice %arg12[%dma_start3A_1071] : memref<6400xi32, #tpu.memory_space<vmem>> -> memref<128xi32, #tpu.memory_space<vmem>>
    %dma_start3A_1073 = arith.constant 0 : i32
    %dma_start3A_1074 = arith.constant 0 : i32
    %dma_start3A_1075 = tpu.memref_slice %arg4[%dma_start3A_1073, %dma_start3A_1074] : memref<1000000x32xf32, #tpu.memory_space<hbm>> -> memref<1000000x32xf32, #tpu.memory_space<hbm>>
    tpu.enqueue_indirect_dma source(%dma_start3A_1075 : memref<1000000x32xf32, #tpu.memory_space<hbm>>) target(%dma_start3A_1070 : memref<128x32xf32, #tpu.memory_space<vmem>>) offsets(%dma_start3A_1072 : memref<128xi32, #tpu.memory_space<vmem>>) semaphore(%arg20 : memref<!tpu.dma_semaphore, #tpu.memory_space<semaphore_mem>>)
    %dma_start3A_1076 = arith.constant 256 : i32
    %dma_start3A_1077 = arith.constant 0 : i32
    %dma_start3A_1078 = tpu.memref_slice %arg13[%dma_start3A_1076, %dma_start3A_1077] : memref<1280x32xf32, #tpu.memory_space<vmem>> -> memref<128x32xf32, #tpu.memory_space<vmem>>
    %dma_start3A_1079 = arith.constant 2816 : i32
    %dma_start3A_1080 = tpu.memref_slice %arg12[%dma_start3A_1079] : memref<6400xi32, #tpu.memory_space<vmem>> -> memref<128xi32, #tpu.memory_space<vmem>>
    %dma_start3A_1081 = arith.constant 0 : i32
    %dma_start3A_1082 = arith.constant 0 : i32
    %dma_start3A_1083 = tpu.memref_slice %arg4[%dma_start3A_1081, %dma_start3A_1082] : memref<1000000x32xf32, #tpu.memory_space<hbm>> -> memref<1000000x32xf32, #tpu.memory_space<hbm>>
    tpu.enqueue_indirect_dma source(%dma_start3A_1083 : memref<1000000x32xf32, #tpu.memory_space<hbm>>) target(%dma_start3A_1078 : memref<128x32xf32, #tpu.memory_space<vmem>>) offsets(%dma_start3A_1080 : memref<128xi32, #tpu.memory_space<vmem>>) semaphore(%arg20 : memref<!tpu.dma_semaphore, #tpu.memory_space<semaphore_mem>>)
    %dma_start3A_1084 = arith.constant 384 : i32
    %dma_start3A_1085 = arith.constant 0 : i32
    %dma_start3A_1086 = tpu.memref_slice %arg13[%dma_start3A_1084, %dma_start3A_1085] : memref<1280x32xf32, #tpu.memory_space<vmem>> -> memref<128x32xf32, #tpu.memory_space<vmem>>
    %dma_start3A_1087 = arith.constant 2944 : i32
    %dma_start3A_1088 = tpu.memref_slice %arg12[%dma_start3A_1087] : memref<6400xi32, #tpu.memory_space<vmem>> -> memref<128xi32, #tpu.memory_space<vmem>>
    %dma_start3A_1089 = arith.constant 0 : i32
    %dma_start3A_1090 = arith.constant 0 : i32
    %dma_start3A_1091 = tpu.memref_slice %arg4[%dma_start3A_1089, %dma_start3A_1090] : memref<1000000x32xf32, #tpu.memory_space<hbm>> -> memref<1000000x32xf32, #tpu.memory_space<hbm>>
    tpu.enqueue_indirect_dma source(%dma_start3A_1091 : memref<1000000x32xf32, #tpu.memory_space<hbm>>) target(%dma_start3A_1086 : memref<128x32xf32, #tpu.memory_space<vmem>>) offsets(%dma_start3A_1088 : memref<128xi32, #tpu.memory_space<vmem>>) semaphore(%arg20 : memref<!tpu.dma_semaphore, #tpu.memory_space<semaphore_mem>>)
    %dma_start3A_1092 = arith.constant 512 : i32
    %dma_start3A_1093 = arith.constant 0 : i32
    %dma_start3A_1094 = tpu.memref_slice %arg13[%dma_start3A_1092, %dma_start3A_1093] : memref<1280x32xf32, #tpu.memory_space<vmem>> -> memref<128x32xf32, #tpu.memory_space<vmem>>
    %dma_start3A_1095 = arith.constant 3072 : i32
    %dma_start3A_1096 = tpu.memref_slice %arg12[%dma_start3A_1095] : memref<6400xi32, #tpu.memory_space<vmem>> -> memref<128xi32, #tpu.memory_space<vmem>>
    %dma_start3A_1097 = arith.constant 0 : i32
    %dma_start3A_1098 = arith.constant 0 : i32
    %dma_start3A_1099 = tpu.memref_slice %arg4[%dma_start3A_1097, %dma_start3A_1098] : memref<1000000x32xf32, #tpu.memory_space<hbm>> -> memref<1000000x32xf32, #tpu.memory_space<hbm>>
    tpu.enqueue_indirect_dma source(%dma_start3A_1099 : memref<1000000x32xf32, #tpu.memory_space<hbm>>) target(%dma_start3A_1094 : memref<128x32xf32, #tpu.memory_space<vmem>>) offsets(%dma_start3A_1096 : memref<128xi32, #tpu.memory_space<vmem>>) semaphore(%arg20 : memref<!tpu.dma_semaphore, #tpu.memory_space<semaphore_mem>>)
    %dma_start3A_1100 = arith.constant 640 : i32
    %dma_start3A_1101 = arith.constant 0 : i32
    %dma_start3A_1102 = tpu.memref_slice %arg13[%dma_start3A_1100, %dma_start3A_1101] : memref<1280x32xf32, #tpu.memory_space<vmem>> -> memref<128x32xf32, #tpu.memory_space<vmem>>
    %dma_start3A_1103 = arith.constant 3200 : i32
    %dma_start3A_1104 = tpu.memref_slice %arg12[%dma_start3A_1103] : memref<6400xi32, #tpu.memory_space<vmem>> -> memref<128xi32, #tpu.memory_space<vmem>>
    %dma_start3A_1105 = arith.constant 0 : i32
    %dma_start3A_1106 = arith.constant 0 : i32
    %dma_start3A_1107 = tpu.memref_slice %arg4[%dma_start3A_1105, %dma_start3A_1106] : memref<1000000x32xf32, #tpu.memory_space<hbm>> -> memref<1000000x32xf32, #tpu.memory_space<hbm>>
    tpu.enqueue_indirect_dma source(%dma_start3A_1107 : memref<1000000x32xf32, #tpu.memory_space<hbm>>) target(%dma_start3A_1102 : memref<128x32xf32, #tpu.memory_space<vmem>>) offsets(%dma_start3A_1104 : memref<128xi32, #tpu.memory_space<vmem>>) semaphore(%arg20 : memref<!tpu.dma_semaphore, #tpu.memory_space<semaphore_mem>>)
    %dma_start3A_1108 = arith.constant 768 : i32
    %dma_start3A_1109 = arith.constant 0 : i32
    %dma_start3A_1110 = tpu.memref_slice %arg13[%dma_start3A_1108, %dma_start3A_1109] : memref<1280x32xf32, #tpu.memory_space<vmem>> -> memref<128x32xf32, #tpu.memory_space<vmem>>
    %dma_start3A_1111 = arith.constant 3328 : i32
    %dma_start3A_1112 = tpu.memref_slice %arg12[%dma_start3A_1111] : memref<6400xi32, #tpu.memory_space<vmem>> -> memref<128xi32, #tpu.memory_space<vmem>>
    %dma_start3A_1113 = arith.constant 0 : i32
    %dma_start3A_1114 = arith.constant 0 : i32
    %dma_start3A_1115 = tpu.memref_slice %arg4[%dma_start3A_1113, %dma_start3A_1114] : memref<1000000x32xf32, #tpu.memory_space<hbm>> -> memref<1000000x32xf32, #tpu.memory_space<hbm>>
    tpu.enqueue_indirect_dma source(%dma_start3A_1115 : memref<1000000x32xf32, #tpu.memory_space<hbm>>) target(%dma_start3A_1110 : memref<128x32xf32, #tpu.memory_space<vmem>>) offsets(%dma_start3A_1112 : memref<128xi32, #tpu.memory_space<vmem>>) semaphore(%arg20 : memref<!tpu.dma_semaphore, #tpu.memory_space<semaphore_mem>>)
    %dma_start3A_1116 = arith.constant 896 : i32
    %dma_start3A_1117 = arith.constant 0 : i32
    %dma_start3A_1118 = tpu.memref_slice %arg13[%dma_start3A_1116, %dma_start3A_1117] : memref<1280x32xf32, #tpu.memory_space<vmem>> -> memref<128x32xf32, #tpu.memory_space<vmem>>
    %dma_start3A_1119 = arith.constant 3456 : i32
    %dma_start3A_1120 = tpu.memref_slice %arg12[%dma_start3A_1119] : memref<6400xi32, #tpu.memory_space<vmem>> -> memref<128xi32, #tpu.memory_space<vmem>>
    %dma_start3A_1121 = arith.constant 0 : i32
    %dma_start3A_1122 = arith.constant 0 : i32
    %dma_start3A_1123 = tpu.memref_slice %arg4[%dma_start3A_1121, %dma_start3A_1122] : memref<1000000x32xf32, #tpu.memory_space<hbm>> -> memref<1000000x32xf32, #tpu.memory_space<hbm>>
    tpu.enqueue_indirect_dma source(%dma_start3A_1123 : memref<1000000x32xf32, #tpu.memory_space<hbm>>) target(%dma_start3A_1118 : memref<128x32xf32, #tpu.memory_space<vmem>>) offsets(%dma_start3A_1120 : memref<128xi32, #tpu.memory_space<vmem>>) semaphore(%arg20 : memref<!tpu.dma_semaphore, #tpu.memory_space<semaphore_mem>>)
    %dma_start3A_1124 = arith.constant 1024 : i32
    %dma_start3A_1125 = arith.constant 0 : i32
    %dma_start3A_1126 = tpu.memref_slice %arg13[%dma_start3A_1124, %dma_start3A_1125] : memref<1280x32xf32, #tpu.memory_space<vmem>> -> memref<128x32xf32, #tpu.memory_space<vmem>>
    %dma_start3A_1127 = arith.constant 3584 : i32
    %dma_start3A_1128 = tpu.memref_slice %arg12[%dma_start3A_1127] : memref<6400xi32, #tpu.memory_space<vmem>> -> memref<128xi32, #tpu.memory_space<vmem>>
    %dma_start3A_1129 = arith.constant 0 : i32
    %dma_start3A_1130 = arith.constant 0 : i32
    %dma_start3A_1131 = tpu.memref_slice %arg4[%dma_start3A_1129, %dma_start3A_1130] : memref<1000000x32xf32, #tpu.memory_space<hbm>> -> memref<1000000x32xf32, #tpu.memory_space<hbm>>
    tpu.enqueue_indirect_dma source(%dma_start3A_1131 : memref<1000000x32xf32, #tpu.memory_space<hbm>>) target(%dma_start3A_1126 : memref<128x32xf32, #tpu.memory_space<vmem>>) offsets(%dma_start3A_1128 : memref<128xi32, #tpu.memory_space<vmem>>) semaphore(%arg20 : memref<!tpu.dma_semaphore, #tpu.memory_space<semaphore_mem>>)
    %dma_start3A_1132 = arith.constant 1152 : i32
    %dma_start3A_1133 = arith.constant 0 : i32
    %dma_start3A_1134 = tpu.memref_slice %arg13[%dma_start3A_1132, %dma_start3A_1133] : memref<1280x32xf32, #tpu.memory_space<vmem>> -> memref<128x32xf32, #tpu.memory_space<vmem>>
    %dma_start3A_1135 = arith.constant 3712 : i32
    %dma_start3A_1136 = tpu.memref_slice %arg12[%dma_start3A_1135] : memref<6400xi32, #tpu.memory_space<vmem>> -> memref<128xi32, #tpu.memory_space<vmem>>
    %dma_start3A_1137 = arith.constant 0 : i32
    %dma_start3A_1138 = arith.constant 0 : i32
    %dma_start3A_1139 = tpu.memref_slice %arg4[%dma_start3A_1137, %dma_start3A_1138] : memref<1000000x32xf32, #tpu.memory_space<hbm>> -> memref<1000000x32xf32, #tpu.memory_space<hbm>>
    tpu.enqueue_indirect_dma source(%dma_start3A_1139 : memref<1000000x32xf32, #tpu.memory_space<hbm>>) target(%dma_start3A_1134 : memref<128x32xf32, #tpu.memory_space<vmem>>) offsets(%dma_start3A_1136 : memref<128xi32, #tpu.memory_space<vmem>>) semaphore(%arg20 : memref<!tpu.dma_semaphore, #tpu.memory_space<semaphore_mem>>)
    %dma_wait3A_1140 = arith.constant 0 : i32
    %dma_wait3A_1141 = arith.constant 0 : i32
    %dma_wait3A_1142 = tpu.memref_slice %arg14[%dma_wait3A_1140, %dma_wait3A_1141] : memref<1280x32xf32, #tpu.memory_space<vmem>> -> memref<128x32xf32, #tpu.memory_space<vmem>>
    %dma_wait3A_1143 = arith.constant 1280 : i32
    %dma_wait3A_1144 = tpu.memref_slice %arg12[%dma_wait3A_1143] : memref<6400xi32, #tpu.memory_space<vmem>> -> memref<128xi32, #tpu.memory_space<vmem>>
    %dma_wait3A_1145 = arith.constant 0 : i32
    %dma_wait3A_1146 = arith.constant 0 : i32
    %dma_wait3A_1147 = tpu.memref_slice %arg4[%dma_wait3A_1145, %dma_wait3A_1146] : memref<1000000x32xf32, #tpu.memory_space<hbm>> -> memref<1000000x32xf32, #tpu.memory_space<hbm>>
    tpu.wait_indirect_dma semaphore(%arg21 : memref<!tpu.dma_semaphore, #tpu.memory_space<semaphore_mem>>) src(%dma_wait3A_1147 : memref<1000000x32xf32, #tpu.memory_space<hbm>>) dst(%dma_wait3A_1142 : memref<128x32xf32, #tpu.memory_space<vmem>>)
    %dma_wait3A_1148 = arith.constant 128 : i32
    %dma_wait3A_1149 = arith.constant 0 : i32
    %dma_wait3A_1150 = tpu.memref_slice %arg14[%dma_wait3A_1148, %dma_wait3A_1149] : memref<1280x32xf32, #tpu.memory_space<vmem>> -> memref<128x32xf32, #tpu.memory_space<vmem>>
    %dma_wait3A_1151 = arith.constant 1408 : i32
    %dma_wait3A_1152 = tpu.memref_slice %arg12[%dma_wait3A_1151] : memref<6400xi32, #tpu.memory_space<vmem>> -> memref<128xi32, #tpu.memory_space<vmem>>
    %dma_wait3A_1153 = arith.constant 0 : i32
    %dma_wait3A_1154 = arith.constant 0 : i32
    %dma_wait3A_1155 = tpu.memref_slice %arg4[%dma_wait3A_1153, %dma_wait3A_1154] : memref<1000000x32xf32, #tpu.memory_space<hbm>> -> memref<1000000x32xf32, #tpu.memory_space<hbm>>
    tpu.wait_indirect_dma semaphore(%arg21 : memref<!tpu.dma_semaphore, #tpu.memory_space<semaphore_mem>>) src(%dma_wait3A_1155 : memref<1000000x32xf32, #tpu.memory_space<hbm>>) dst(%dma_wait3A_1150 : memref<128x32xf32, #tpu.memory_space<vmem>>)
    %dma_wait3A_1156 = arith.constant 256 : i32
    %dma_wait3A_1157 = arith.constant 0 : i32
    %dma_wait3A_1158 = tpu.memref_slice %arg14[%dma_wait3A_1156, %dma_wait3A_1157] : memref<1280x32xf32, #tpu.memory_space<vmem>> -> memref<128x32xf32, #tpu.memory_space<vmem>>
    %dma_wait3A_1159 = arith.constant 1536 : i32
    %dma_wait3A_1160 = tpu.memref_slice %arg12[%dma_wait3A_1159] : memref<6400xi32, #tpu.memory_space<vmem>> -> memref<128xi32, #tpu.memory_space<vmem>>
    %dma_wait3A_1161 = arith.constant 0 : i32
    %dma_wait3A_1162 = arith.constant 0 : i32
    %dma_wait3A_1163 = tpu.memref_slice %arg4[%dma_wait3A_1161, %dma_wait3A_1162] : memref<1000000x32xf32, #tpu.memory_space<hbm>> -> memref<1000000x32xf32, #tpu.memory_space<hbm>>
    tpu.wait_indirect_dma semaphore(%arg21 : memref<!tpu.dma_semaphore, #tpu.memory_space<semaphore_mem>>) src(%dma_wait3A_1163 : memref<1000000x32xf32, #tpu.memory_space<hbm>>) dst(%dma_wait3A_1158 : memref<128x32xf32, #tpu.memory_space<vmem>>)
    %dma_wait3A_1164 = arith.constant 384 : i32
    %dma_wait3A_1165 = arith.constant 0 : i32
    %dma_wait3A_1166 = tpu.memref_slice %arg14[%dma_wait3A_1164, %dma_wait3A_1165] : memref<1280x32xf32, #tpu.memory_space<vmem>> -> memref<128x32xf32, #tpu.memory_space<vmem>>
    %dma_wait3A_1167 = arith.constant 1664 : i32
    %dma_wait3A_1168 = tpu.memref_slice %arg12[%dma_wait3A_1167] : memref<6400xi32, #tpu.memory_space<vmem>> -> memref<128xi32, #tpu.memory_space<vmem>>
    %dma_wait3A_1169 = arith.constant 0 : i32
    %dma_wait3A_1170 = arith.constant 0 : i32
    %dma_wait3A_1171 = tpu.memref_slice %arg4[%dma_wait3A_1169, %dma_wait3A_1170] : memref<1000000x32xf32, #tpu.memory_space<hbm>> -> memref<1000000x32xf32, #tpu.memory_space<hbm>>
    tpu.wait_indirect_dma semaphore(%arg21 : memref<!tpu.dma_semaphore, #tpu.memory_space<semaphore_mem>>) src(%dma_wait3A_1171 : memref<1000000x32xf32, #tpu.memory_space<hbm>>) dst(%dma_wait3A_1166 : memref<128x32xf32, #tpu.memory_space<vmem>>)
    %dma_wait3A_1172 = arith.constant 512 : i32
    %dma_wait3A_1173 = arith.constant 0 : i32
    %dma_wait3A_1174 = tpu.memref_slice %arg14[%dma_wait3A_1172, %dma_wait3A_1173] : memref<1280x32xf32, #tpu.memory_space<vmem>> -> memref<128x32xf32, #tpu.memory_space<vmem>>
    %dma_wait3A_1175 = arith.constant 1792 : i32
    %dma_wait3A_1176 = tpu.memref_slice %arg12[%dma_wait3A_1175] : memref<6400xi32, #tpu.memory_space<vmem>> -> memref<128xi32, #tpu.memory_space<vmem>>
    %dma_wait3A_1177 = arith.constant 0 : i32
    %dma_wait3A_1178 = arith.constant 0 : i32
    %dma_wait3A_1179 = tpu.memref_slice %arg4[%dma_wait3A_1177, %dma_wait3A_1178] : memref<1000000x32xf32, #tpu.memory_space<hbm>> -> memref<1000000x32xf32, #tpu.memory_space<hbm>>
    tpu.wait_indirect_dma semaphore(%arg21 : memref<!tpu.dma_semaphore, #tpu.memory_space<semaphore_mem>>) src(%dma_wait3A_1179 : memref<1000000x32xf32, #tpu.memory_space<hbm>>) dst(%dma_wait3A_1174 : memref<128x32xf32, #tpu.memory_space<vmem>>)
    %dma_wait3A_1180 = arith.constant 640 : i32
    %dma_wait3A_1181 = arith.constant 0 : i32
    %dma_wait3A_1182 = tpu.memref_slice %arg14[%dma_wait3A_1180, %dma_wait3A_1181] : memref<1280x32xf32, #tpu.memory_space<vmem>> -> memref<128x32xf32, #tpu.memory_space<vmem>>
    %dma_wait3A_1183 = arith.constant 1920 : i32
    %dma_wait3A_1184 = tpu.memref_slice %arg12[%dma_wait3A_1183] : memref<6400xi32, #tpu.memory_space<vmem>> -> memref<128xi32, #tpu.memory_space<vmem>>
    %dma_wait3A_1185 = arith.constant 0 : i32
    %dma_wait3A_1186 = arith.constant 0 : i32
    %dma_wait3A_1187 = tpu.memref_slice %arg4[%dma_wait3A_1185, %dma_wait3A_1186] : memref<1000000x32xf32, #tpu.memory_space<hbm>> -> memref<1000000x32xf32, #tpu.memory_space<hbm>>
    tpu.wait_indirect_dma semaphore(%arg21 : memref<!tpu.dma_semaphore, #tpu.memory_space<semaphore_mem>>) src(%dma_wait3A_1187 : memref<1000000x32xf32, #tpu.memory_space<hbm>>) dst(%dma_wait3A_1182 : memref<128x32xf32, #tpu.memory_space<vmem>>)
    %dma_wait3A_1188 = arith.constant 768 : i32
    %dma_wait3A_1189 = arith.constant 0 : i32
    %dma_wait3A_1190 = tpu.memref_slice %arg14[%dma_wait3A_1188, %dma_wait3A_1189] : memref<1280x32xf32, #tpu.memory_space<vmem>> -> memref<128x32xf32, #tpu.memory_space<vmem>>
    %dma_wait3A_1191 = arith.constant 2048 : i32
    %dma_wait3A_1192 = tpu.memref_slice %arg12[%dma_wait3A_1191] : memref<6400xi32, #tpu.memory_space<vmem>> -> memref<128xi32, #tpu.memory_space<vmem>>
    %dma_wait3A_1193 = arith.constant 0 : i32
    %dma_wait3A_1194 = arith.constant 0 : i32
    %dma_wait3A_1195 = tpu.memref_slice %arg4[%dma_wait3A_1193, %dma_wait3A_1194] : memref<1000000x32xf32, #tpu.memory_space<hbm>> -> memref<1000000x32xf32, #tpu.memory_space<hbm>>
    tpu.wait_indirect_dma semaphore(%arg21 : memref<!tpu.dma_semaphore, #tpu.memory_space<semaphore_mem>>) src(%dma_wait3A_1195 : memref<1000000x32xf32, #tpu.memory_space<hbm>>) dst(%dma_wait3A_1190 : memref<128x32xf32, #tpu.memory_space<vmem>>)
    %dma_wait3A_1196 = arith.constant 896 : i32
    %dma_wait3A_1197 = arith.constant 0 : i32
    %dma_wait3A_1198 = tpu.memref_slice %arg14[%dma_wait3A_1196, %dma_wait3A_1197] : memref<1280x32xf32, #tpu.memory_space<vmem>> -> memref<128x32xf32, #tpu.memory_space<vmem>>
    %dma_wait3A_1199 = arith.constant 2176 : i32
    %dma_wait3A_1200 = tpu.memref_slice %arg12[%dma_wait3A_1199] : memref<6400xi32, #tpu.memory_space<vmem>> -> memref<128xi32, #tpu.memory_space<vmem>>
    %dma_wait3A_1201 = arith.constant 0 : i32
    %dma_wait3A_1202 = arith.constant 0 : i32
    %dma_wait3A_1203 = tpu.memref_slice %arg4[%dma_wait3A_1201, %dma_wait3A_1202] : memref<1000000x32xf32, #tpu.memory_space<hbm>> -> memref<1000000x32xf32, #tpu.memory_space<hbm>>
    tpu.wait_indirect_dma semaphore(%arg21 : memref<!tpu.dma_semaphore, #tpu.memory_space<semaphore_mem>>) src(%dma_wait3A_1203 : memref<1000000x32xf32, #tpu.memory_space<hbm>>) dst(%dma_wait3A_1198 : memref<128x32xf32, #tpu.memory_space<vmem>>)
    %dma_wait3A_1204 = arith.constant 1024 : i32
    %dma_wait3A_1205 = arith.constant 0 : i32
    %dma_wait3A_1206 = tpu.memref_slice %arg14[%dma_wait3A_1204, %dma_wait3A_1205] : memref<1280x32xf32, #tpu.memory_space<vmem>> -> memref<128x32xf32, #tpu.memory_space<vmem>>
    %dma_wait3A_1207 = arith.constant 2304 : i32
    %dma_wait3A_1208 = tpu.memref_slice %arg12[%dma_wait3A_1207] : memref<6400xi32, #tpu.memory_space<vmem>> -> memref<128xi32, #tpu.memory_space<vmem>>
    %dma_wait3A_1209 = arith.constant 0 : i32
    %dma_wait3A_1210 = arith.constant 0 : i32
    %dma_wait3A_1211 = tpu.memref_slice %arg4[%dma_wait3A_1209, %dma_wait3A_1210] : memref<1000000x32xf32, #tpu.memory_space<hbm>> -> memref<1000000x32xf32, #tpu.memory_space<hbm>>
    tpu.wait_indirect_dma semaphore(%arg21 : memref<!tpu.dma_semaphore, #tpu.memory_space<semaphore_mem>>) src(%dma_wait3A_1211 : memref<1000000x32xf32, #tpu.memory_space<hbm>>) dst(%dma_wait3A_1206 : memref<128x32xf32, #tpu.memory_space<vmem>>)
    %dma_wait3A_1212 = arith.constant 1152 : i32
    %dma_wait3A_1213 = arith.constant 0 : i32
    %dma_wait3A_1214 = tpu.memref_slice %arg14[%dma_wait3A_1212, %dma_wait3A_1213] : memref<1280x32xf32, #tpu.memory_space<vmem>> -> memref<128x32xf32, #tpu.memory_space<vmem>>
    %dma_wait3A_1215 = arith.constant 2432 : i32
    %dma_wait3A_1216 = tpu.memref_slice %arg12[%dma_wait3A_1215] : memref<6400xi32, #tpu.memory_space<vmem>> -> memref<128xi32, #tpu.memory_space<vmem>>
    %dma_wait3A_1217 = arith.constant 0 : i32
    %dma_wait3A_1218 = arith.constant 0 : i32
    %dma_wait3A_1219 = tpu.memref_slice %arg4[%dma_wait3A_1217, %dma_wait3A_1218] : memref<1000000x32xf32, #tpu.memory_space<hbm>> -> memref<1000000x32xf32, #tpu.memory_space<hbm>>
    tpu.wait_indirect_dma semaphore(%arg21 : memref<!tpu.dma_semaphore, #tpu.memory_space<semaphore_mem>>) src(%dma_wait3A_1219 : memref<1000000x32xf32, #tpu.memory_space<hbm>>) dst(%dma_wait3A_1214 : memref<128x32xf32, #tpu.memory_space<vmem>>)
    %dma_start3A_1220 = arith.constant 10 : i32
    %dma_start3A_1221 = arith.constant 0 : i32
    %dma_start3A_1222 = arith.constant 0 : i32
    %dma_start3A_1223 = tpu.memref_slice %arg14[%dma_start3A_1221, %dma_start3A_1222] : memref<1280x32xf32, #tpu.memory_space<vmem>> -> memref<128x32xf32, #tpu.memory_space<vmem>>
    %dma_start3A_1224 = arith.constant 0 : i32
    %dma_start3A_1225 = tpu.memref_slice %arg11[%dma_start3A_1220, %dma_start3A_1224] : memref<50x128xi32, #tpu.memory_space<vmem>> -> memref<1x128xi32, #tpu.memory_space<vmem>>
    %dma_start3A_1226 = tpu.memref_squeeze %dma_start3A_1225 : memref<1x128xi32, #tpu.memory_space<vmem>> -> memref<128xi32, #tpu.memory_space<vmem>>
    %dma_start3A_1227 = arith.constant 0 : i32
    %dma_start3A_1228 = arith.constant 0 : i32
    %dma_start3A_1229 = tpu.memref_slice %arg17[%dma_start3A_1227, %dma_start3A_1228] : memref<4096x32xf32, #tpu.memory_space<vmem_shared>> -> memref<4096x32xf32, #tpu.memory_space<vmem_shared>>
    tpu.enqueue_indirect_dma source(%dma_start3A_1223 : memref<128x32xf32, #tpu.memory_space<vmem>>) target(%dma_start3A_1229 : memref<4096x32xf32, #tpu.memory_space<vmem_shared>>) offsets(%dma_start3A_1226 : memref<128xi32, #tpu.memory_space<vmem>>) semaphore(%arg23 : memref<!tpu.dma_semaphore, #tpu.memory_space<semaphore_mem>>) {add = true}
    %dma_start3A_1230 = arith.constant 11 : i32
    %dma_start3A_1231 = arith.constant 128 : i32
    %dma_start3A_1232 = arith.constant 0 : i32
    %dma_start3A_1233 = tpu.memref_slice %arg14[%dma_start3A_1231, %dma_start3A_1232] : memref<1280x32xf32, #tpu.memory_space<vmem>> -> memref<128x32xf32, #tpu.memory_space<vmem>>
    %dma_start3A_1234 = arith.constant 0 : i32
    %dma_start3A_1235 = tpu.memref_slice %arg11[%dma_start3A_1230, %dma_start3A_1234] : memref<50x128xi32, #tpu.memory_space<vmem>> -> memref<1x128xi32, #tpu.memory_space<vmem>>
    %dma_start3A_1236 = tpu.memref_squeeze %dma_start3A_1235 : memref<1x128xi32, #tpu.memory_space<vmem>> -> memref<128xi32, #tpu.memory_space<vmem>>
    %dma_start3A_1237 = arith.constant 0 : i32
    %dma_start3A_1238 = arith.constant 0 : i32
    %dma_start3A_1239 = tpu.memref_slice %arg17[%dma_start3A_1237, %dma_start3A_1238] : memref<4096x32xf32, #tpu.memory_space<vmem_shared>> -> memref<4096x32xf32, #tpu.memory_space<vmem_shared>>
    tpu.enqueue_indirect_dma source(%dma_start3A_1233 : memref<128x32xf32, #tpu.memory_space<vmem>>) target(%dma_start3A_1239 : memref<4096x32xf32, #tpu.memory_space<vmem_shared>>) offsets(%dma_start3A_1236 : memref<128xi32, #tpu.memory_space<vmem>>) semaphore(%arg23 : memref<!tpu.dma_semaphore, #tpu.memory_space<semaphore_mem>>) {add = true}
    %dma_start3A_1240 = arith.constant 12 : i32
    %dma_start3A_1241 = arith.constant 256 : i32
    %dma_start3A_1242 = arith.constant 0 : i32
    %dma_start3A_1243 = tpu.memref_slice %arg14[%dma_start3A_1241, %dma_start3A_1242] : memref<1280x32xf32, #tpu.memory_space<vmem>> -> memref<128x32xf32, #tpu.memory_space<vmem>>
    %dma_start3A_1244 = arith.constant 0 : i32
    %dma_start3A_1245 = tpu.memref_slice %arg11[%dma_start3A_1240, %dma_start3A_1244] : memref<50x128xi32, #tpu.memory_space<vmem>> -> memref<1x128xi32, #tpu.memory_space<vmem>>
    %dma_start3A_1246 = tpu.memref_squeeze %dma_start3A_1245 : memref<1x128xi32, #tpu.memory_space<vmem>> -> memref<128xi32, #tpu.memory_space<vmem>>
    %dma_start3A_1247 = arith.constant 0 : i32
    %dma_start3A_1248 = arith.constant 0 : i32
    %dma_start3A_1249 = tpu.memref_slice %arg17[%dma_start3A_1247, %dma_start3A_1248] : memref<4096x32xf32, #tpu.memory_space<vmem_shared>> -> memref<4096x32xf32, #tpu.memory_space<vmem_shared>>
    tpu.enqueue_indirect_dma source(%dma_start3A_1243 : memref<128x32xf32, #tpu.memory_space<vmem>>) target(%dma_start3A_1249 : memref<4096x32xf32, #tpu.memory_space<vmem_shared>>) offsets(%dma_start3A_1246 : memref<128xi32, #tpu.memory_space<vmem>>) semaphore(%arg23 : memref<!tpu.dma_semaphore, #tpu.memory_space<semaphore_mem>>) {add = true}
    %dma_start3A_1250 = arith.constant 13 : i32
    %dma_start3A_1251 = arith.constant 384 : i32
    %dma_start3A_1252 = arith.constant 0 : i32
    %dma_start3A_1253 = tpu.memref_slice %arg14[%dma_start3A_1251, %dma_start3A_1252] : memref<1280x32xf32, #tpu.memory_space<vmem>> -> memref<128x32xf32, #tpu.memory_space<vmem>>
    %dma_start3A_1254 = arith.constant 0 : i32
    %dma_start3A_1255 = tpu.memref_slice %arg11[%dma_start3A_1250, %dma_start3A_1254] : memref<50x128xi32, #tpu.memory_space<vmem>> -> memref<1x128xi32, #tpu.memory_space<vmem>>
    %dma_start3A_1256 = tpu.memref_squeeze %dma_start3A_1255 : memref<1x128xi32, #tpu.memory_space<vmem>> -> memref<128xi32, #tpu.memory_space<vmem>>
    %dma_start3A_1257 = arith.constant 0 : i32
    %dma_start3A_1258 = arith.constant 0 : i32
    %dma_start3A_1259 = tpu.memref_slice %arg17[%dma_start3A_1257, %dma_start3A_1258] : memref<4096x32xf32, #tpu.memory_space<vmem_shared>> -> memref<4096x32xf32, #tpu.memory_space<vmem_shared>>
    tpu.enqueue_indirect_dma source(%dma_start3A_1253 : memref<128x32xf32, #tpu.memory_space<vmem>>) target(%dma_start3A_1259 : memref<4096x32xf32, #tpu.memory_space<vmem_shared>>) offsets(%dma_start3A_1256 : memref<128xi32, #tpu.memory_space<vmem>>) semaphore(%arg23 : memref<!tpu.dma_semaphore, #tpu.memory_space<semaphore_mem>>) {add = true}
    %dma_start3A_1260 = arith.constant 14 : i32
    %dma_start3A_1261 = arith.constant 512 : i32
    %dma_start3A_1262 = arith.constant 0 : i32
    %dma_start3A_1263 = tpu.memref_slice %arg14[%dma_start3A_1261, %dma_start3A_1262] : memref<1280x32xf32, #tpu.memory_space<vmem>> -> memref<128x32xf32, #tpu.memory_space<vmem>>
    %dma_start3A_1264 = arith.constant 0 : i32
    %dma_start3A_1265 = tpu.memref_slice %arg11[%dma_start3A_1260, %dma_start3A_1264] : memref<50x128xi32, #tpu.memory_space<vmem>> -> memref<1x128xi32, #tpu.memory_space<vmem>>
    %dma_start3A_1266 = tpu.memref_squeeze %dma_start3A_1265 : memref<1x128xi32, #tpu.memory_space<vmem>> -> memref<128xi32, #tpu.memory_space<vmem>>
    %dma_start3A_1267 = arith.constant 0 : i32
    %dma_start3A_1268 = arith.constant 0 : i32
    %dma_start3A_1269 = tpu.memref_slice %arg17[%dma_start3A_1267, %dma_start3A_1268] : memref<4096x32xf32, #tpu.memory_space<vmem_shared>> -> memref<4096x32xf32, #tpu.memory_space<vmem_shared>>
    tpu.enqueue_indirect_dma source(%dma_start3A_1263 : memref<128x32xf32, #tpu.memory_space<vmem>>) target(%dma_start3A_1269 : memref<4096x32xf32, #tpu.memory_space<vmem_shared>>) offsets(%dma_start3A_1266 : memref<128xi32, #tpu.memory_space<vmem>>) semaphore(%arg23 : memref<!tpu.dma_semaphore, #tpu.memory_space<semaphore_mem>>) {add = true}
    %dma_start3A_1270 = arith.constant 15 : i32
    %dma_start3A_1271 = arith.constant 640 : i32
    %dma_start3A_1272 = arith.constant 0 : i32
    %dma_start3A_1273 = tpu.memref_slice %arg14[%dma_start3A_1271, %dma_start3A_1272] : memref<1280x32xf32, #tpu.memory_space<vmem>> -> memref<128x32xf32, #tpu.memory_space<vmem>>
    %dma_start3A_1274 = arith.constant 0 : i32
    %dma_start3A_1275 = tpu.memref_slice %arg11[%dma_start3A_1270, %dma_start3A_1274] : memref<50x128xi32, #tpu.memory_space<vmem>> -> memref<1x128xi32, #tpu.memory_space<vmem>>
    %dma_start3A_1276 = tpu.memref_squeeze %dma_start3A_1275 : memref<1x128xi32, #tpu.memory_space<vmem>> -> memref<128xi32, #tpu.memory_space<vmem>>
    %dma_start3A_1277 = arith.constant 0 : i32
    %dma_start3A_1278 = arith.constant 0 : i32
    %dma_start3A_1279 = tpu.memref_slice %arg17[%dma_start3A_1277, %dma_start3A_1278] : memref<4096x32xf32, #tpu.memory_space<vmem_shared>> -> memref<4096x32xf32, #tpu.memory_space<vmem_shared>>
    tpu.enqueue_indirect_dma source(%dma_start3A_1273 : memref<128x32xf32, #tpu.memory_space<vmem>>) target(%dma_start3A_1279 : memref<4096x32xf32, #tpu.memory_space<vmem_shared>>) offsets(%dma_start3A_1276 : memref<128xi32, #tpu.memory_space<vmem>>) semaphore(%arg23 : memref<!tpu.dma_semaphore, #tpu.memory_space<semaphore_mem>>) {add = true}
    %dma_start3A_1280 = arith.constant 16 : i32
    %dma_start3A_1281 = arith.constant 768 : i32
    %dma_start3A_1282 = arith.constant 0 : i32
    %dma_start3A_1283 = tpu.memref_slice %arg14[%dma_start3A_1281, %dma_start3A_1282] : memref<1280x32xf32, #tpu.memory_space<vmem>> -> memref<128x32xf32, #tpu.memory_space<vmem>>
    %dma_start3A_1284 = arith.constant 0 : i32
    %dma_start3A_1285 = tpu.memref_slice %arg11[%dma_start3A_1280, %dma_start3A_1284] : memref<50x128xi32, #tpu.memory_space<vmem>> -> memref<1x128xi32, #tpu.memory_space<vmem>>
    %dma_start3A_1286 = tpu.memref_squeeze %dma_start3A_1285 : memref<1x128xi32, #tpu.memory_space<vmem>> -> memref<128xi32, #tpu.memory_space<vmem>>
    %dma_start3A_1287 = arith.constant 0 : i32
    %dma_start3A_1288 = arith.constant 0 : i32
    %dma_start3A_1289 = tpu.memref_slice %arg17[%dma_start3A_1287, %dma_start3A_1288] : memref<4096x32xf32, #tpu.memory_space<vmem_shared>> -> memref<4096x32xf32, #tpu.memory_space<vmem_shared>>
    tpu.enqueue_indirect_dma source(%dma_start3A_1283 : memref<128x32xf32, #tpu.memory_space<vmem>>) target(%dma_start3A_1289 : memref<4096x32xf32, #tpu.memory_space<vmem_shared>>) offsets(%dma_start3A_1286 : memref<128xi32, #tpu.memory_space<vmem>>) semaphore(%arg23 : memref<!tpu.dma_semaphore, #tpu.memory_space<semaphore_mem>>) {add = true}
    %dma_start3A_1290 = arith.constant 17 : i32
    %dma_start3A_1291 = arith.constant 896 : i32
    %dma_start3A_1292 = arith.constant 0 : i32
    %dma_start3A_1293 = tpu.memref_slice %arg14[%dma_start3A_1291, %dma_start3A_1292] : memref<1280x32xf32, #tpu.memory_space<vmem>> -> memref<128x32xf32, #tpu.memory_space<vmem>>
    %dma_start3A_1294 = arith.constant 0 : i32
    %dma_start3A_1295 = tpu.memref_slice %arg11[%dma_start3A_1290, %dma_start3A_1294] : memref<50x128xi32, #tpu.memory_space<vmem>> -> memref<1x128xi32, #tpu.memory_space<vmem>>
    %dma_start3A_1296 = tpu.memref_squeeze %dma_start3A_1295 : memref<1x128xi32, #tpu.memory_space<vmem>> -> memref<128xi32, #tpu.memory_space<vmem>>
    %dma_start3A_1297 = arith.constant 0 : i32
    %dma_start3A_1298 = arith.constant 0 : i32
    %dma_start3A_1299 = tpu.memref_slice %arg17[%dma_start3A_1297, %dma_start3A_1298] : memref<4096x32xf32, #tpu.memory_space<vmem_shared>> -> memref<4096x32xf32, #tpu.memory_space<vmem_shared>>
    tpu.enqueue_indirect_dma source(%dma_start3A_1293 : memref<128x32xf32, #tpu.memory_space<vmem>>) target(%dma_start3A_1299 : memref<4096x32xf32, #tpu.memory_space<vmem_shared>>) offsets(%dma_start3A_1296 : memref<128xi32, #tpu.memory_space<vmem>>) semaphore(%arg23 : memref<!tpu.dma_semaphore, #tpu.memory_space<semaphore_mem>>) {add = true}
    %dma_start3A_1300 = arith.constant 18 : i32
    %dma_start3A_1301 = arith.constant 1024 : i32
    %dma_start3A_1302 = arith.constant 0 : i32
    %dma_start3A_1303 = tpu.memref_slice %arg14[%dma_start3A_1301, %dma_start3A_1302] : memref<1280x32xf32, #tpu.memory_space<vmem>> -> memref<128x32xf32, #tpu.memory_space<vmem>>
    %dma_start3A_1304 = arith.constant 0 : i32
    %dma_start3A_1305 = tpu.memref_slice %arg11[%dma_start3A_1300, %dma_start3A_1304] : memref<50x128xi32, #tpu.memory_space<vmem>> -> memref<1x128xi32, #tpu.memory_space<vmem>>
    %dma_start3A_1306 = tpu.memref_squeeze %dma_start3A_1305 : memref<1x128xi32, #tpu.memory_space<vmem>> -> memref<128xi32, #tpu.memory_space<vmem>>
    %dma_start3A_1307 = arith.constant 0 : i32
    %dma_start3A_1308 = arith.constant 0 : i32
    %dma_start3A_1309 = tpu.memref_slice %arg17[%dma_start3A_1307, %dma_start3A_1308] : memref<4096x32xf32, #tpu.memory_space<vmem_shared>> -> memref<4096x32xf32, #tpu.memory_space<vmem_shared>>
    tpu.enqueue_indirect_dma source(%dma_start3A_1303 : memref<128x32xf32, #tpu.memory_space<vmem>>) target(%dma_start3A_1309 : memref<4096x32xf32, #tpu.memory_space<vmem_shared>>) offsets(%dma_start3A_1306 : memref<128xi32, #tpu.memory_space<vmem>>) semaphore(%arg23 : memref<!tpu.dma_semaphore, #tpu.memory_space<semaphore_mem>>) {add = true}
    %dma_start3A_1310 = arith.constant 19 : i32
    %dma_start3A_1311 = arith.constant 1152 : i32
    %dma_start3A_1312 = arith.constant 0 : i32
    %dma_start3A_1313 = tpu.memref_slice %arg14[%dma_start3A_1311, %dma_start3A_1312] : memref<1280x32xf32, #tpu.memory_space<vmem>> -> memref<128x32xf32, #tpu.memory_space<vmem>>
    %dma_start3A_1314 = arith.constant 0 : i32
    %dma_start3A_1315 = tpu.memref_slice %arg11[%dma_start3A_1310, %dma_start3A_1314] : memref<50x128xi32, #tpu.memory_space<vmem>> -> memref<1x128xi32, #tpu.memory_space<vmem>>
    %dma_start3A_1316 = tpu.memref_squeeze %dma_start3A_1315 : memref<1x128xi32, #tpu.memory_space<vmem>> -> memref<128xi32, #tpu.memory_space<vmem>>
    %dma_start3A_1317 = arith.constant 0 : i32
    %dma_start3A_1318 = arith.constant 0 : i32
    %dma_start3A_1319 = tpu.memref_slice %arg17[%dma_start3A_1317, %dma_start3A_1318] : memref<4096x32xf32, #tpu.memory_space<vmem_shared>> -> memref<4096x32xf32, #tpu.memory_space<vmem_shared>>
    tpu.enqueue_indirect_dma source(%dma_start3A_1313 : memref<128x32xf32, #tpu.memory_space<vmem>>) target(%dma_start3A_1319 : memref<4096x32xf32, #tpu.memory_space<vmem_shared>>) offsets(%dma_start3A_1316 : memref<128xi32, #tpu.memory_space<vmem>>) semaphore(%arg23 : memref<!tpu.dma_semaphore, #tpu.memory_space<semaphore_mem>>) {add = true}
    %dma_wait3A_1320 = arith.constant 10 : i32
    %dma_wait3A_1321 = arith.constant 0 : i32
    %dma_wait3A_1322 = arith.constant 0 : i32
    %dma_wait3A_1323 = tpu.memref_slice %arg14[%dma_wait3A_1321, %dma_wait3A_1322] : memref<1280x32xf32, #tpu.memory_space<vmem>> -> memref<128x32xf32, #tpu.memory_space<vmem>>
    %dma_wait3A_1324 = arith.constant 0 : i32
    %dma_wait3A_1325 = tpu.memref_slice %arg11[%dma_wait3A_1320, %dma_wait3A_1324] : memref<50x128xi32, #tpu.memory_space<vmem>> -> memref<1x128xi32, #tpu.memory_space<vmem>>
    %dma_wait3A_1326 = tpu.memref_squeeze %dma_wait3A_1325 : memref<1x128xi32, #tpu.memory_space<vmem>> -> memref<128xi32, #tpu.memory_space<vmem>>
    %dma_wait3A_1327 = arith.constant 0 : i32
    %dma_wait3A_1328 = arith.constant 0 : i32
    %dma_wait3A_1329 = tpu.memref_slice %arg17[%dma_wait3A_1327, %dma_wait3A_1328] : memref<4096x32xf32, #tpu.memory_space<vmem_shared>> -> memref<4096x32xf32, #tpu.memory_space<vmem_shared>>
    tpu.wait_indirect_dma semaphore(%arg23 : memref<!tpu.dma_semaphore, #tpu.memory_space<semaphore_mem>>) src(%dma_wait3A_1323 : memref<128x32xf32, #tpu.memory_space<vmem>>) dst(%dma_wait3A_1329 : memref<4096x32xf32, #tpu.memory_space<vmem_shared>>)
    %dma_wait3A_1330 = arith.constant 11 : i32
    %dma_wait3A_1331 = arith.constant 128 : i32
    %dma_wait3A_1332 = arith.constant 0 : i32
    %dma_wait3A_1333 = tpu.memref_slice %arg14[%dma_wait3A_1331, %dma_wait3A_1332] : memref<1280x32xf32, #tpu.memory_space<vmem>> -> memref<128x32xf32, #tpu.memory_space<vmem>>
    %dma_wait3A_1334 = arith.constant 0 : i32
    %dma_wait3A_1335 = tpu.memref_slice %arg11[%dma_wait3A_1330, %dma_wait3A_1334] : memref<50x128xi32, #tpu.memory_space<vmem>> -> memref<1x128xi32, #tpu.memory_space<vmem>>
    %dma_wait3A_1336 = tpu.memref_squeeze %dma_wait3A_1335 : memref<1x128xi32, #tpu.memory_space<vmem>> -> memref<128xi32, #tpu.memory_space<vmem>>
    %dma_wait3A_1337 = arith.constant 0 : i32
    %dma_wait3A_1338 = arith.constant 0 : i32
    %dma_wait3A_1339 = tpu.memref_slice %arg17[%dma_wait3A_1337, %dma_wait3A_1338] : memref<4096x32xf32, #tpu.memory_space<vmem_shared>> -> memref<4096x32xf32, #tpu.memory_space<vmem_shared>>
    tpu.wait_indirect_dma semaphore(%arg23 : memref<!tpu.dma_semaphore, #tpu.memory_space<semaphore_mem>>) src(%dma_wait3A_1333 : memref<128x32xf32, #tpu.memory_space<vmem>>) dst(%dma_wait3A_1339 : memref<4096x32xf32, #tpu.memory_space<vmem_shared>>)
    %dma_wait3A_1340 = arith.constant 12 : i32
    %dma_wait3A_1341 = arith.constant 256 : i32
    %dma_wait3A_1342 = arith.constant 0 : i32
    %dma_wait3A_1343 = tpu.memref_slice %arg14[%dma_wait3A_1341, %dma_wait3A_1342] : memref<1280x32xf32, #tpu.memory_space<vmem>> -> memref<128x32xf32, #tpu.memory_space<vmem>>
    %dma_wait3A_1344 = arith.constant 0 : i32
    %dma_wait3A_1345 = tpu.memref_slice %arg11[%dma_wait3A_1340, %dma_wait3A_1344] : memref<50x128xi32, #tpu.memory_space<vmem>> -> memref<1x128xi32, #tpu.memory_space<vmem>>
    %dma_wait3A_1346 = tpu.memref_squeeze %dma_wait3A_1345 : memref<1x128xi32, #tpu.memory_space<vmem>> -> memref<128xi32, #tpu.memory_space<vmem>>
    %dma_wait3A_1347 = arith.constant 0 : i32
    %dma_wait3A_1348 = arith.constant 0 : i32
    %dma_wait3A_1349 = tpu.memref_slice %arg17[%dma_wait3A_1347, %dma_wait3A_1348] : memref<4096x32xf32, #tpu.memory_space<vmem_shared>> -> memref<4096x32xf32, #tpu.memory_space<vmem_shared>>
    tpu.wait_indirect_dma semaphore(%arg23 : memref<!tpu.dma_semaphore, #tpu.memory_space<semaphore_mem>>) src(%dma_wait3A_1343 : memref<128x32xf32, #tpu.memory_space<vmem>>) dst(%dma_wait3A_1349 : memref<4096x32xf32, #tpu.memory_space<vmem_shared>>)
    %dma_wait3A_1350 = arith.constant 13 : i32
    %dma_wait3A_1351 = arith.constant 384 : i32
    %dma_wait3A_1352 = arith.constant 0 : i32
    %dma_wait3A_1353 = tpu.memref_slice %arg14[%dma_wait3A_1351, %dma_wait3A_1352] : memref<1280x32xf32, #tpu.memory_space<vmem>> -> memref<128x32xf32, #tpu.memory_space<vmem>>
    %dma_wait3A_1354 = arith.constant 0 : i32
    %dma_wait3A_1355 = tpu.memref_slice %arg11[%dma_wait3A_1350, %dma_wait3A_1354] : memref<50x128xi32, #tpu.memory_space<vmem>> -> memref<1x128xi32, #tpu.memory_space<vmem>>
    %dma_wait3A_1356 = tpu.memref_squeeze %dma_wait3A_1355 : memref<1x128xi32, #tpu.memory_space<vmem>> -> memref<128xi32, #tpu.memory_space<vmem>>
    %dma_wait3A_1357 = arith.constant 0 : i32
    %dma_wait3A_1358 = arith.constant 0 : i32
    %dma_wait3A_1359 = tpu.memref_slice %arg17[%dma_wait3A_1357, %dma_wait3A_1358] : memref<4096x32xf32, #tpu.memory_space<vmem_shared>> -> memref<4096x32xf32, #tpu.memory_space<vmem_shared>>
    tpu.wait_indirect_dma semaphore(%arg23 : memref<!tpu.dma_semaphore, #tpu.memory_space<semaphore_mem>>) src(%dma_wait3A_1353 : memref<128x32xf32, #tpu.memory_space<vmem>>) dst(%dma_wait3A_1359 : memref<4096x32xf32, #tpu.memory_space<vmem_shared>>)
    %dma_wait3A_1360 = arith.constant 14 : i32
    %dma_wait3A_1361 = arith.constant 512 : i32
    %dma_wait3A_1362 = arith.constant 0 : i32
    %dma_wait3A_1363 = tpu.memref_slice %arg14[%dma_wait3A_1361, %dma_wait3A_1362] : memref<1280x32xf32, #tpu.memory_space<vmem>> -> memref<128x32xf32, #tpu.memory_space<vmem>>
    %dma_wait3A_1364 = arith.constant 0 : i32
    %dma_wait3A_1365 = tpu.memref_slice %arg11[%dma_wait3A_1360, %dma_wait3A_1364] : memref<50x128xi32, #tpu.memory_space<vmem>> -> memref<1x128xi32, #tpu.memory_space<vmem>>
    %dma_wait3A_1366 = tpu.memref_squeeze %dma_wait3A_1365 : memref<1x128xi32, #tpu.memory_space<vmem>> -> memref<128xi32, #tpu.memory_space<vmem>>
    %dma_wait3A_1367 = arith.constant 0 : i32
    %dma_wait3A_1368 = arith.constant 0 : i32
    %dma_wait3A_1369 = tpu.memref_slice %arg17[%dma_wait3A_1367, %dma_wait3A_1368] : memref<4096x32xf32, #tpu.memory_space<vmem_shared>> -> memref<4096x32xf32, #tpu.memory_space<vmem_shared>>
    tpu.wait_indirect_dma semaphore(%arg23 : memref<!tpu.dma_semaphore, #tpu.memory_space<semaphore_mem>>) src(%dma_wait3A_1363 : memref<128x32xf32, #tpu.memory_space<vmem>>) dst(%dma_wait3A_1369 : memref<4096x32xf32, #tpu.memory_space<vmem_shared>>)
    %dma_wait3A_1370 = arith.constant 15 : i32
    %dma_wait3A_1371 = arith.constant 640 : i32
    %dma_wait3A_1372 = arith.constant 0 : i32
    %dma_wait3A_1373 = tpu.memref_slice %arg14[%dma_wait3A_1371, %dma_wait3A_1372] : memref<1280x32xf32, #tpu.memory_space<vmem>> -> memref<128x32xf32, #tpu.memory_space<vmem>>
    %dma_wait3A_1374 = arith.constant 0 : i32
    %dma_wait3A_1375 = tpu.memref_slice %arg11[%dma_wait3A_1370, %dma_wait3A_1374] : memref<50x128xi32, #tpu.memory_space<vmem>> -> memref<1x128xi32, #tpu.memory_space<vmem>>
    %dma_wait3A_1376 = tpu.memref_squeeze %dma_wait3A_1375 : memref<1x128xi32, #tpu.memory_space<vmem>> -> memref<128xi32, #tpu.memory_space<vmem>>
    %dma_wait3A_1377 = arith.constant 0 : i32
    %dma_wait3A_1378 = arith.constant 0 : i32
    %dma_wait3A_1379 = tpu.memref_slice %arg17[%dma_wait3A_1377, %dma_wait3A_1378] : memref<4096x32xf32, #tpu.memory_space<vmem_shared>> -> memref<4096x32xf32, #tpu.memory_space<vmem_shared>>
    tpu.wait_indirect_dma semaphore(%arg23 : memref<!tpu.dma_semaphore, #tpu.memory_space<semaphore_mem>>) src(%dma_wait3A_1373 : memref<128x32xf32, #tpu.memory_space<vmem>>) dst(%dma_wait3A_1379 : memref<4096x32xf32, #tpu.memory_space<vmem_shared>>)
    %dma_wait3A_1380 = arith.constant 16 : i32
    %dma_wait3A_1381 = arith.constant 768 : i32
    %dma_wait3A_1382 = arith.constant 0 : i32
    %dma_wait3A_1383 = tpu.memref_slice %arg14[%dma_wait3A_1381, %dma_wait3A_1382] : memref<1280x32xf32, #tpu.memory_space<vmem>> -> memref<128x32xf32, #tpu.memory_space<vmem>>
    %dma_wait3A_1384 = arith.constant 0 : i32
    %dma_wait3A_1385 = tpu.memref_slice %arg11[%dma_wait3A_1380, %dma_wait3A_1384] : memref<50x128xi32, #tpu.memory_space<vmem>> -> memref<1x128xi32, #tpu.memory_space<vmem>>
    %dma_wait3A_1386 = tpu.memref_squeeze %dma_wait3A_1385 : memref<1x128xi32, #tpu.memory_space<vmem>> -> memref<128xi32, #tpu.memory_space<vmem>>
    %dma_wait3A_1387 = arith.constant 0 : i32
    %dma_wait3A_1388 = arith.constant 0 : i32
    %dma_wait3A_1389 = tpu.memref_slice %arg17[%dma_wait3A_1387, %dma_wait3A_1388] : memref<4096x32xf32, #tpu.memory_space<vmem_shared>> -> memref<4096x32xf32, #tpu.memory_space<vmem_shared>>
    tpu.wait_indirect_dma semaphore(%arg23 : memref<!tpu.dma_semaphore, #tpu.memory_space<semaphore_mem>>) src(%dma_wait3A_1383 : memref<128x32xf32, #tpu.memory_space<vmem>>) dst(%dma_wait3A_1389 : memref<4096x32xf32, #tpu.memory_space<vmem_shared>>)
    %dma_wait3A_1390 = arith.constant 17 : i32
    %dma_wait3A_1391 = arith.constant 896 : i32
    %dma_wait3A_1392 = arith.constant 0 : i32
    %dma_wait3A_1393 = tpu.memref_slice %arg14[%dma_wait3A_1391, %dma_wait3A_1392] : memref<1280x32xf32, #tpu.memory_space<vmem>> -> memref<128x32xf32, #tpu.memory_space<vmem>>
    %dma_wait3A_1394 = arith.constant 0 : i32
    %dma_wait3A_1395 = tpu.memref_slice %arg11[%dma_wait3A_1390, %dma_wait3A_1394] : memref<50x128xi32, #tpu.memory_space<vmem>> -> memref<1x128xi32, #tpu.memory_space<vmem>>
    %dma_wait3A_1396 = tpu.memref_squeeze %dma_wait3A_1395 : memref<1x128xi32, #tpu.memory_space<vmem>> -> memref<128xi32, #tpu.memory_space<vmem>>
    %dma_wait3A_1397 = arith.constant 0 : i32
    %dma_wait3A_1398 = arith.constant 0 : i32
    %dma_wait3A_1399 = tpu.memref_slice %arg17[%dma_wait3A_1397, %dma_wait3A_1398] : memref<4096x32xf32, #tpu.memory_space<vmem_shared>> -> memref<4096x32xf32, #tpu.memory_space<vmem_shared>>
    tpu.wait_indirect_dma semaphore(%arg23 : memref<!tpu.dma_semaphore, #tpu.memory_space<semaphore_mem>>) src(%dma_wait3A_1393 : memref<128x32xf32, #tpu.memory_space<vmem>>) dst(%dma_wait3A_1399 : memref<4096x32xf32, #tpu.memory_space<vmem_shared>>)
    %dma_wait3A_1400 = arith.constant 18 : i32
    %dma_wait3A_1401 = arith.constant 1024 : i32
    %dma_wait3A_1402 = arith.constant 0 : i32
    %dma_wait3A_1403 = tpu.memref_slice %arg14[%dma_wait3A_1401, %dma_wait3A_1402] : memref<1280x32xf32, #tpu.memory_space<vmem>> -> memref<128x32xf32, #tpu.memory_space<vmem>>
    %dma_wait3A_1404 = arith.constant 0 : i32
    %dma_wait3A_1405 = tpu.memref_slice %arg11[%dma_wait3A_1400, %dma_wait3A_1404] : memref<50x128xi32, #tpu.memory_space<vmem>> -> memref<1x128xi32, #tpu.memory_space<vmem>>
    %dma_wait3A_1406 = tpu.memref_squeeze %dma_wait3A_1405 : memref<1x128xi32, #tpu.memory_space<vmem>> -> memref<128xi32, #tpu.memory_space<vmem>>
    %dma_wait3A_1407 = arith.constant 0 : i32
    %dma_wait3A_1408 = arith.constant 0 : i32
    %dma_wait3A_1409 = tpu.memref_slice %arg17[%dma_wait3A_1407, %dma_wait3A_1408] : memref<4096x32xf32, #tpu.memory_space<vmem_shared>> -> memref<4096x32xf32, #tpu.memory_space<vmem_shared>>
    tpu.wait_indirect_dma semaphore(%arg23 : memref<!tpu.dma_semaphore, #tpu.memory_space<semaphore_mem>>) src(%dma_wait3A_1403 : memref<128x32xf32, #tpu.memory_space<vmem>>) dst(%dma_wait3A_1409 : memref<4096x32xf32, #tpu.memory_space<vmem_shared>>)
    %dma_wait3A_1410 = arith.constant 19 : i32
    %dma_wait3A_1411 = arith.constant 1152 : i32
    %dma_wait3A_1412 = arith.constant 0 : i32
    %dma_wait3A_1413 = tpu.memref_slice %arg14[%dma_wait3A_1411, %dma_wait3A_1412] : memref<1280x32xf32, #tpu.memory_space<vmem>> -> memref<128x32xf32, #tpu.memory_space<vmem>>
    %dma_wait3A_1414 = arith.constant 0 : i32
    %dma_wait3A_1415 = tpu.memref_slice %arg11[%dma_wait3A_1410, %dma_wait3A_1414] : memref<50x128xi32, #tpu.memory_space<vmem>> -> memref<1x128xi32, #tpu.memory_space<vmem>>
    %dma_wait3A_1416 = tpu.memref_squeeze %dma_wait3A_1415 : memref<1x128xi32, #tpu.memory_space<vmem>> -> memref<128xi32, #tpu.memory_space<vmem>>
    %dma_wait3A_1417 = arith.constant 0 : i32
    %dma_wait3A_1418 = arith.constant 0 : i32
    %dma_wait3A_1419 = tpu.memref_slice %arg17[%dma_wait3A_1417, %dma_wait3A_1418] : memref<4096x32xf32, #tpu.memory_space<vmem_shared>> -> memref<4096x32xf32, #tpu.memory_space<vmem_shared>>
    tpu.wait_indirect_dma semaphore(%arg23 : memref<!tpu.dma_semaphore, #tpu.memory_space<semaphore_mem>>) src(%dma_wait3A_1413 : memref<128x32xf32, #tpu.memory_space<vmem>>) dst(%dma_wait3A_1419 : memref<4096x32xf32, #tpu.memory_space<vmem_shared>>)
    %dma_start3A_1420 = arith.constant 0 : i32
    %dma_start3A_1421 = arith.constant 0 : i32
    %dma_start3A_1422 = tpu.memref_slice %arg14[%dma_start3A_1420, %dma_start3A_1421] : memref<1280x32xf32, #tpu.memory_space<vmem>> -> memref<128x32xf32, #tpu.memory_space<vmem>>
    %dma_start3A_1423 = arith.constant 3840 : i32
    %dma_start3A_1424 = tpu.memref_slice %arg12[%dma_start3A_1423] : memref<6400xi32, #tpu.memory_space<vmem>> -> memref<128xi32, #tpu.memory_space<vmem>>
    %dma_start3A_1425 = arith.constant 0 : i32
    %dma_start3A_1426 = arith.constant 0 : i32
    %dma_start3A_1427 = tpu.memref_slice %arg4[%dma_start3A_1425, %dma_start3A_1426] : memref<1000000x32xf32, #tpu.memory_space<hbm>> -> memref<1000000x32xf32, #tpu.memory_space<hbm>>
    tpu.enqueue_indirect_dma source(%dma_start3A_1427 : memref<1000000x32xf32, #tpu.memory_space<hbm>>) target(%dma_start3A_1422 : memref<128x32xf32, #tpu.memory_space<vmem>>) offsets(%dma_start3A_1424 : memref<128xi32, #tpu.memory_space<vmem>>) semaphore(%arg21 : memref<!tpu.dma_semaphore, #tpu.memory_space<semaphore_mem>>)
    %dma_start3A_1428 = arith.constant 128 : i32
    %dma_start3A_1429 = arith.constant 0 : i32
    %dma_start3A_1430 = tpu.memref_slice %arg14[%dma_start3A_1428, %dma_start3A_1429] : memref<1280x32xf32, #tpu.memory_space<vmem>> -> memref<128x32xf32, #tpu.memory_space<vmem>>
    %dma_start3A_1431 = arith.constant 3968 : i32
    %dma_start3A_1432 = tpu.memref_slice %arg12[%dma_start3A_1431] : memref<6400xi32, #tpu.memory_space<vmem>> -> memref<128xi32, #tpu.memory_space<vmem>>
    %dma_start3A_1433 = arith.constant 0 : i32
    %dma_start3A_1434 = arith.constant 0 : i32
    %dma_start3A_1435 = tpu.memref_slice %arg4[%dma_start3A_1433, %dma_start3A_1434] : memref<1000000x32xf32, #tpu.memory_space<hbm>> -> memref<1000000x32xf32, #tpu.memory_space<hbm>>
    tpu.enqueue_indirect_dma source(%dma_start3A_1435 : memref<1000000x32xf32, #tpu.memory_space<hbm>>) target(%dma_start3A_1430 : memref<128x32xf32, #tpu.memory_space<vmem>>) offsets(%dma_start3A_1432 : memref<128xi32, #tpu.memory_space<vmem>>) semaphore(%arg21 : memref<!tpu.dma_semaphore, #tpu.memory_space<semaphore_mem>>)
    %dma_start3A_1436 = arith.constant 256 : i32
    %dma_start3A_1437 = arith.constant 0 : i32
    %dma_start3A_1438 = tpu.memref_slice %arg14[%dma_start3A_1436, %dma_start3A_1437] : memref<1280x32xf32, #tpu.memory_space<vmem>> -> memref<128x32xf32, #tpu.memory_space<vmem>>
    %dma_start3A_1439 = arith.constant 4096 : i32
    %dma_start3A_1440 = tpu.memref_slice %arg12[%dma_start3A_1439] : memref<6400xi32, #tpu.memory_space<vmem>> -> memref<128xi32, #tpu.memory_space<vmem>>
    %dma_start3A_1441 = arith.constant 0 : i32
    %dma_start3A_1442 = arith.constant 0 : i32
    %dma_start3A_1443 = tpu.memref_slice %arg4[%dma_start3A_1441, %dma_start3A_1442] : memref<1000000x32xf32, #tpu.memory_space<hbm>> -> memref<1000000x32xf32, #tpu.memory_space<hbm>>
    tpu.enqueue_indirect_dma source(%dma_start3A_1443 : memref<1000000x32xf32, #tpu.memory_space<hbm>>) target(%dma_start3A_1438 : memref<128x32xf32, #tpu.memory_space<vmem>>) offsets(%dma_start3A_1440 : memref<128xi32, #tpu.memory_space<vmem>>) semaphore(%arg21 : memref<!tpu.dma_semaphore, #tpu.memory_space<semaphore_mem>>)
    %dma_start3A_1444 = arith.constant 384 : i32
    %dma_start3A_1445 = arith.constant 0 : i32
    %dma_start3A_1446 = tpu.memref_slice %arg14[%dma_start3A_1444, %dma_start3A_1445] : memref<1280x32xf32, #tpu.memory_space<vmem>> -> memref<128x32xf32, #tpu.memory_space<vmem>>
    %dma_start3A_1447 = arith.constant 4224 : i32
    %dma_start3A_1448 = tpu.memref_slice %arg12[%dma_start3A_1447] : memref<6400xi32, #tpu.memory_space<vmem>> -> memref<128xi32, #tpu.memory_space<vmem>>
    %dma_start3A_1449 = arith.constant 0 : i32
    %dma_start3A_1450 = arith.constant 0 : i32
    %dma_start3A_1451 = tpu.memref_slice %arg4[%dma_start3A_1449, %dma_start3A_1450] : memref<1000000x32xf32, #tpu.memory_space<hbm>> -> memref<1000000x32xf32, #tpu.memory_space<hbm>>
    tpu.enqueue_indirect_dma source(%dma_start3A_1451 : memref<1000000x32xf32, #tpu.memory_space<hbm>>) target(%dma_start3A_1446 : memref<128x32xf32, #tpu.memory_space<vmem>>) offsets(%dma_start3A_1448 : memref<128xi32, #tpu.memory_space<vmem>>) semaphore(%arg21 : memref<!tpu.dma_semaphore, #tpu.memory_space<semaphore_mem>>)
    %dma_start3A_1452 = arith.constant 512 : i32
    %dma_start3A_1453 = arith.constant 0 : i32
    %dma_start3A_1454 = tpu.memref_slice %arg14[%dma_start3A_1452, %dma_start3A_1453] : memref<1280x32xf32, #tpu.memory_space<vmem>> -> memref<128x32xf32, #tpu.memory_space<vmem>>
    %dma_start3A_1455 = arith.constant 4352 : i32
    %dma_start3A_1456 = tpu.memref_slice %arg12[%dma_start3A_1455] : memref<6400xi32, #tpu.memory_space<vmem>> -> memref<128xi32, #tpu.memory_space<vmem>>
    %dma_start3A_1457 = arith.constant 0 : i32
    %dma_start3A_1458 = arith.constant 0 : i32
    %dma_start3A_1459 = tpu.memref_slice %arg4[%dma_start3A_1457, %dma_start3A_1458] : memref<1000000x32xf32, #tpu.memory_space<hbm>> -> memref<1000000x32xf32, #tpu.memory_space<hbm>>
    tpu.enqueue_indirect_dma source(%dma_start3A_1459 : memref<1000000x32xf32, #tpu.memory_space<hbm>>) target(%dma_start3A_1454 : memref<128x32xf32, #tpu.memory_space<vmem>>) offsets(%dma_start3A_1456 : memref<128xi32, #tpu.memory_space<vmem>>) semaphore(%arg21 : memref<!tpu.dma_semaphore, #tpu.memory_space<semaphore_mem>>)
    %dma_start3A_1460 = arith.constant 640 : i32
    %dma_start3A_1461 = arith.constant 0 : i32
    %dma_start3A_1462 = tpu.memref_slice %arg14[%dma_start3A_1460, %dma_start3A_1461] : memref<1280x32xf32, #tpu.memory_space<vmem>> -> memref<128x32xf32, #tpu.memory_space<vmem>>
    %dma_start3A_1463 = arith.constant 4480 : i32
    %dma_start3A_1464 = tpu.memref_slice %arg12[%dma_start3A_1463] : memref<6400xi32, #tpu.memory_space<vmem>> -> memref<128xi32, #tpu.memory_space<vmem>>
    %dma_start3A_1465 = arith.constant 0 : i32
    %dma_start3A_1466 = arith.constant 0 : i32
    %dma_start3A_1467 = tpu.memref_slice %arg4[%dma_start3A_1465, %dma_start3A_1466] : memref<1000000x32xf32, #tpu.memory_space<hbm>> -> memref<1000000x32xf32, #tpu.memory_space<hbm>>
    tpu.enqueue_indirect_dma source(%dma_start3A_1467 : memref<1000000x32xf32, #tpu.memory_space<hbm>>) target(%dma_start3A_1462 : memref<128x32xf32, #tpu.memory_space<vmem>>) offsets(%dma_start3A_1464 : memref<128xi32, #tpu.memory_space<vmem>>) semaphore(%arg21 : memref<!tpu.dma_semaphore, #tpu.memory_space<semaphore_mem>>)
    %dma_start3A_1468 = arith.constant 768 : i32
    %dma_start3A_1469 = arith.constant 0 : i32
    %dma_start3A_1470 = tpu.memref_slice %arg14[%dma_start3A_1468, %dma_start3A_1469] : memref<1280x32xf32, #tpu.memory_space<vmem>> -> memref<128x32xf32, #tpu.memory_space<vmem>>
    %dma_start3A_1471 = arith.constant 4608 : i32
    %dma_start3A_1472 = tpu.memref_slice %arg12[%dma_start3A_1471] : memref<6400xi32, #tpu.memory_space<vmem>> -> memref<128xi32, #tpu.memory_space<vmem>>
    %dma_start3A_1473 = arith.constant 0 : i32
    %dma_start3A_1474 = arith.constant 0 : i32
    %dma_start3A_1475 = tpu.memref_slice %arg4[%dma_start3A_1473, %dma_start3A_1474] : memref<1000000x32xf32, #tpu.memory_space<hbm>> -> memref<1000000x32xf32, #tpu.memory_space<hbm>>
    tpu.enqueue_indirect_dma source(%dma_start3A_1475 : memref<1000000x32xf32, #tpu.memory_space<hbm>>) target(%dma_start3A_1470 : memref<128x32xf32, #tpu.memory_space<vmem>>) offsets(%dma_start3A_1472 : memref<128xi32, #tpu.memory_space<vmem>>) semaphore(%arg21 : memref<!tpu.dma_semaphore, #tpu.memory_space<semaphore_mem>>)
    %dma_start3A_1476 = arith.constant 896 : i32
    %dma_start3A_1477 = arith.constant 0 : i32
    %dma_start3A_1478 = tpu.memref_slice %arg14[%dma_start3A_1476, %dma_start3A_1477] : memref<1280x32xf32, #tpu.memory_space<vmem>> -> memref<128x32xf32, #tpu.memory_space<vmem>>
    %dma_start3A_1479 = arith.constant 4736 : i32
    %dma_start3A_1480 = tpu.memref_slice %arg12[%dma_start3A_1479] : memref<6400xi32, #tpu.memory_space<vmem>> -> memref<128xi32, #tpu.memory_space<vmem>>
    %dma_start3A_1481 = arith.constant 0 : i32
    %dma_start3A_1482 = arith.constant 0 : i32
    %dma_start3A_1483 = tpu.memref_slice %arg4[%dma_start3A_1481, %dma_start3A_1482] : memref<1000000x32xf32, #tpu.memory_space<hbm>> -> memref<1000000x32xf32, #tpu.memory_space<hbm>>
    tpu.enqueue_indirect_dma source(%dma_start3A_1483 : memref<1000000x32xf32, #tpu.memory_space<hbm>>) target(%dma_start3A_1478 : memref<128x32xf32, #tpu.memory_space<vmem>>) offsets(%dma_start3A_1480 : memref<128xi32, #tpu.memory_space<vmem>>) semaphore(%arg21 : memref<!tpu.dma_semaphore, #tpu.memory_space<semaphore_mem>>)
    %dma_start3A_1484 = arith.constant 1024 : i32
    %dma_start3A_1485 = arith.constant 0 : i32
    %dma_start3A_1486 = tpu.memref_slice %arg14[%dma_start3A_1484, %dma_start3A_1485] : memref<1280x32xf32, #tpu.memory_space<vmem>> -> memref<128x32xf32, #tpu.memory_space<vmem>>
    %dma_start3A_1487 = arith.constant 4864 : i32
    %dma_start3A_1488 = tpu.memref_slice %arg12[%dma_start3A_1487] : memref<6400xi32, #tpu.memory_space<vmem>> -> memref<128xi32, #tpu.memory_space<vmem>>
    %dma_start3A_1489 = arith.constant 0 : i32
    %dma_start3A_1490 = arith.constant 0 : i32
    %dma_start3A_1491 = tpu.memref_slice %arg4[%dma_start3A_1489, %dma_start3A_1490] : memref<1000000x32xf32, #tpu.memory_space<hbm>> -> memref<1000000x32xf32, #tpu.memory_space<hbm>>
    tpu.enqueue_indirect_dma source(%dma_start3A_1491 : memref<1000000x32xf32, #tpu.memory_space<hbm>>) target(%dma_start3A_1486 : memref<128x32xf32, #tpu.memory_space<vmem>>) offsets(%dma_start3A_1488 : memref<128xi32, #tpu.memory_space<vmem>>) semaphore(%arg21 : memref<!tpu.dma_semaphore, #tpu.memory_space<semaphore_mem>>)
    %dma_start3A_1492 = arith.constant 1152 : i32
    %dma_start3A_1493 = arith.constant 0 : i32
    %dma_start3A_1494 = tpu.memref_slice %arg14[%dma_start3A_1492, %dma_start3A_1493] : memref<1280x32xf32, #tpu.memory_space<vmem>> -> memref<128x32xf32, #tpu.memory_space<vmem>>
    %dma_start3A_1495 = arith.constant 4992 : i32
    %dma_start3A_1496 = tpu.memref_slice %arg12[%dma_start3A_1495] : memref<6400xi32, #tpu.memory_space<vmem>> -> memref<128xi32, #tpu.memory_space<vmem>>
    %dma_start3A_1497 = arith.constant 0 : i32
    %dma_start3A_1498 = arith.constant 0 : i32
    %dma_start3A_1499 = tpu.memref_slice %arg4[%dma_start3A_1497, %dma_start3A_1498] : memref<1000000x32xf32, #tpu.memory_space<hbm>> -> memref<1000000x32xf32, #tpu.memory_space<hbm>>
    tpu.enqueue_indirect_dma source(%dma_start3A_1499 : memref<1000000x32xf32, #tpu.memory_space<hbm>>) target(%dma_start3A_1494 : memref<128x32xf32, #tpu.memory_space<vmem>>) offsets(%dma_start3A_1496 : memref<128xi32, #tpu.memory_space<vmem>>) semaphore(%arg21 : memref<!tpu.dma_semaphore, #tpu.memory_space<semaphore_mem>>)
    %dma_wait3A_1500 = arith.constant 0 : i32
    %dma_wait3A_1501 = arith.constant 0 : i32
    %dma_wait3A_1502 = tpu.memref_slice %arg13[%dma_wait3A_1500, %dma_wait3A_1501] : memref<1280x32xf32, #tpu.memory_space<vmem>> -> memref<128x32xf32, #tpu.memory_space<vmem>>
    %dma_wait3A_1503 = arith.constant 2560 : i32
    %dma_wait3A_1504 = tpu.memref_slice %arg12[%dma_wait3A_1503] : memref<6400xi32, #tpu.memory_space<vmem>> -> memref<128xi32, #tpu.memory_space<vmem>>
    %dma_wait3A_1505 = arith.constant 0 : i32
    %dma_wait3A_1506 = arith.constant 0 : i32
    %dma_wait3A_1507 = tpu.memref_slice %arg4[%dma_wait3A_1505, %dma_wait3A_1506] : memref<1000000x32xf32, #tpu.memory_space<hbm>> -> memref<1000000x32xf32, #tpu.memory_space<hbm>>
    tpu.wait_indirect_dma semaphore(%arg20 : memref<!tpu.dma_semaphore, #tpu.memory_space<semaphore_mem>>) src(%dma_wait3A_1507 : memref<1000000x32xf32, #tpu.memory_space<hbm>>) dst(%dma_wait3A_1502 : memref<128x32xf32, #tpu.memory_space<vmem>>)
    %dma_wait3A_1508 = arith.constant 128 : i32
    %dma_wait3A_1509 = arith.constant 0 : i32
    %dma_wait3A_1510 = tpu.memref_slice %arg13[%dma_wait3A_1508, %dma_wait3A_1509] : memref<1280x32xf32, #tpu.memory_space<vmem>> -> memref<128x32xf32, #tpu.memory_space<vmem>>
    %dma_wait3A_1511 = arith.constant 2688 : i32
    %dma_wait3A_1512 = tpu.memref_slice %arg12[%dma_wait3A_1511] : memref<6400xi32, #tpu.memory_space<vmem>> -> memref<128xi32, #tpu.memory_space<vmem>>
    %dma_wait3A_1513 = arith.constant 0 : i32
    %dma_wait3A_1514 = arith.constant 0 : i32
    %dma_wait3A_1515 = tpu.memref_slice %arg4[%dma_wait3A_1513, %dma_wait3A_1514] : memref<1000000x32xf32, #tpu.memory_space<hbm>> -> memref<1000000x32xf32, #tpu.memory_space<hbm>>
    tpu.wait_indirect_dma semaphore(%arg20 : memref<!tpu.dma_semaphore, #tpu.memory_space<semaphore_mem>>) src(%dma_wait3A_1515 : memref<1000000x32xf32, #tpu.memory_space<hbm>>) dst(%dma_wait3A_1510 : memref<128x32xf32, #tpu.memory_space<vmem>>)
    %dma_wait3A_1516 = arith.constant 256 : i32
    %dma_wait3A_1517 = arith.constant 0 : i32
    %dma_wait3A_1518 = tpu.memref_slice %arg13[%dma_wait3A_1516, %dma_wait3A_1517] : memref<1280x32xf32, #tpu.memory_space<vmem>> -> memref<128x32xf32, #tpu.memory_space<vmem>>
    %dma_wait3A_1519 = arith.constant 2816 : i32
    %dma_wait3A_1520 = tpu.memref_slice %arg12[%dma_wait3A_1519] : memref<6400xi32, #tpu.memory_space<vmem>> -> memref<128xi32, #tpu.memory_space<vmem>>
    %dma_wait3A_1521 = arith.constant 0 : i32
    %dma_wait3A_1522 = arith.constant 0 : i32
    %dma_wait3A_1523 = tpu.memref_slice %arg4[%dma_wait3A_1521, %dma_wait3A_1522] : memref<1000000x32xf32, #tpu.memory_space<hbm>> -> memref<1000000x32xf32, #tpu.memory_space<hbm>>
    tpu.wait_indirect_dma semaphore(%arg20 : memref<!tpu.dma_semaphore, #tpu.memory_space<semaphore_mem>>) src(%dma_wait3A_1523 : memref<1000000x32xf32, #tpu.memory_space<hbm>>) dst(%dma_wait3A_1518 : memref<128x32xf32, #tpu.memory_space<vmem>>)
    %dma_wait3A_1524 = arith.constant 384 : i32
    %dma_wait3A_1525 = arith.constant 0 : i32
    %dma_wait3A_1526 = tpu.memref_slice %arg13[%dma_wait3A_1524, %dma_wait3A_1525] : memref<1280x32xf32, #tpu.memory_space<vmem>> -> memref<128x32xf32, #tpu.memory_space<vmem>>
    %dma_wait3A_1527 = arith.constant 2944 : i32
    %dma_wait3A_1528 = tpu.memref_slice %arg12[%dma_wait3A_1527] : memref<6400xi32, #tpu.memory_space<vmem>> -> memref<128xi32, #tpu.memory_space<vmem>>
    %dma_wait3A_1529 = arith.constant 0 : i32
    %dma_wait3A_1530 = arith.constant 0 : i32
    %dma_wait3A_1531 = tpu.memref_slice %arg4[%dma_wait3A_1529, %dma_wait3A_1530] : memref<1000000x32xf32, #tpu.memory_space<hbm>> -> memref<1000000x32xf32, #tpu.memory_space<hbm>>
    tpu.wait_indirect_dma semaphore(%arg20 : memref<!tpu.dma_semaphore, #tpu.memory_space<semaphore_mem>>) src(%dma_wait3A_1531 : memref<1000000x32xf32, #tpu.memory_space<hbm>>) dst(%dma_wait3A_1526 : memref<128x32xf32, #tpu.memory_space<vmem>>)
    %dma_wait3A_1532 = arith.constant 512 : i32
    %dma_wait3A_1533 = arith.constant 0 : i32
    %dma_wait3A_1534 = tpu.memref_slice %arg13[%dma_wait3A_1532, %dma_wait3A_1533] : memref<1280x32xf32, #tpu.memory_space<vmem>> -> memref<128x32xf32, #tpu.memory_space<vmem>>
    %dma_wait3A_1535 = arith.constant 3072 : i32
    %dma_wait3A_1536 = tpu.memref_slice %arg12[%dma_wait3A_1535] : memref<6400xi32, #tpu.memory_space<vmem>> -> memref<128xi32, #tpu.memory_space<vmem>>
    %dma_wait3A_1537 = arith.constant 0 : i32
    %dma_wait3A_1538 = arith.constant 0 : i32
    %dma_wait3A_1539 = tpu.memref_slice %arg4[%dma_wait3A_1537, %dma_wait3A_1538] : memref<1000000x32xf32, #tpu.memory_space<hbm>> -> memref<1000000x32xf32, #tpu.memory_space<hbm>>
    tpu.wait_indirect_dma semaphore(%arg20 : memref<!tpu.dma_semaphore, #tpu.memory_space<semaphore_mem>>) src(%dma_wait3A_1539 : memref<1000000x32xf32, #tpu.memory_space<hbm>>) dst(%dma_wait3A_1534 : memref<128x32xf32, #tpu.memory_space<vmem>>)
    %dma_wait3A_1540 = arith.constant 640 : i32
    %dma_wait3A_1541 = arith.constant 0 : i32
    %dma_wait3A_1542 = tpu.memref_slice %arg13[%dma_wait3A_1540, %dma_wait3A_1541] : memref<1280x32xf32, #tpu.memory_space<vmem>> -> memref<128x32xf32, #tpu.memory_space<vmem>>
    %dma_wait3A_1543 = arith.constant 3200 : i32
    %dma_wait3A_1544 = tpu.memref_slice %arg12[%dma_wait3A_1543] : memref<6400xi32, #tpu.memory_space<vmem>> -> memref<128xi32, #tpu.memory_space<vmem>>
    %dma_wait3A_1545 = arith.constant 0 : i32
    %dma_wait3A_1546 = arith.constant 0 : i32
    %dma_wait3A_1547 = tpu.memref_slice %arg4[%dma_wait3A_1545, %dma_wait3A_1546] : memref<1000000x32xf32, #tpu.memory_space<hbm>> -> memref<1000000x32xf32, #tpu.memory_space<hbm>>
    tpu.wait_indirect_dma semaphore(%arg20 : memref<!tpu.dma_semaphore, #tpu.memory_space<semaphore_mem>>) src(%dma_wait3A_1547 : memref<1000000x32xf32, #tpu.memory_space<hbm>>) dst(%dma_wait3A_1542 : memref<128x32xf32, #tpu.memory_space<vmem>>)
    %dma_wait3A_1548 = arith.constant 768 : i32
    %dma_wait3A_1549 = arith.constant 0 : i32
    %dma_wait3A_1550 = tpu.memref_slice %arg13[%dma_wait3A_1548, %dma_wait3A_1549] : memref<1280x32xf32, #tpu.memory_space<vmem>> -> memref<128x32xf32, #tpu.memory_space<vmem>>
    %dma_wait3A_1551 = arith.constant 3328 : i32
    %dma_wait3A_1552 = tpu.memref_slice %arg12[%dma_wait3A_1551] : memref<6400xi32, #tpu.memory_space<vmem>> -> memref<128xi32, #tpu.memory_space<vmem>>
    %dma_wait3A_1553 = arith.constant 0 : i32
    %dma_wait3A_1554 = arith.constant 0 : i32
    %dma_wait3A_1555 = tpu.memref_slice %arg4[%dma_wait3A_1553, %dma_wait3A_1554] : memref<1000000x32xf32, #tpu.memory_space<hbm>> -> memref<1000000x32xf32, #tpu.memory_space<hbm>>
    tpu.wait_indirect_dma semaphore(%arg20 : memref<!tpu.dma_semaphore, #tpu.memory_space<semaphore_mem>>) src(%dma_wait3A_1555 : memref<1000000x32xf32, #tpu.memory_space<hbm>>) dst(%dma_wait3A_1550 : memref<128x32xf32, #tpu.memory_space<vmem>>)
    %dma_wait3A_1556 = arith.constant 896 : i32
    %dma_wait3A_1557 = arith.constant 0 : i32
    %dma_wait3A_1558 = tpu.memref_slice %arg13[%dma_wait3A_1556, %dma_wait3A_1557] : memref<1280x32xf32, #tpu.memory_space<vmem>> -> memref<128x32xf32, #tpu.memory_space<vmem>>
    %dma_wait3A_1559 = arith.constant 3456 : i32
    %dma_wait3A_1560 = tpu.memref_slice %arg12[%dma_wait3A_1559] : memref<6400xi32, #tpu.memory_space<vmem>> -> memref<128xi32, #tpu.memory_space<vmem>>
    %dma_wait3A_1561 = arith.constant 0 : i32
    %dma_wait3A_1562 = arith.constant 0 : i32
    %dma_wait3A_1563 = tpu.memref_slice %arg4[%dma_wait3A_1561, %dma_wait3A_1562] : memref<1000000x32xf32, #tpu.memory_space<hbm>> -> memref<1000000x32xf32, #tpu.memory_space<hbm>>
    tpu.wait_indirect_dma semaphore(%arg20 : memref<!tpu.dma_semaphore, #tpu.memory_space<semaphore_mem>>) src(%dma_wait3A_1563 : memref<1000000x32xf32, #tpu.memory_space<hbm>>) dst(%dma_wait3A_1558 : memref<128x32xf32, #tpu.memory_space<vmem>>)
    %dma_wait3A_1564 = arith.constant 1024 : i32
    %dma_wait3A_1565 = arith.constant 0 : i32
    %dma_wait3A_1566 = tpu.memref_slice %arg13[%dma_wait3A_1564, %dma_wait3A_1565] : memref<1280x32xf32, #tpu.memory_space<vmem>> -> memref<128x32xf32, #tpu.memory_space<vmem>>
    %dma_wait3A_1567 = arith.constant 3584 : i32
    %dma_wait3A_1568 = tpu.memref_slice %arg12[%dma_wait3A_1567] : memref<6400xi32, #tpu.memory_space<vmem>> -> memref<128xi32, #tpu.memory_space<vmem>>
    %dma_wait3A_1569 = arith.constant 0 : i32
    %dma_wait3A_1570 = arith.constant 0 : i32
    %dma_wait3A_1571 = tpu.memref_slice %arg4[%dma_wait3A_1569, %dma_wait3A_1570] : memref<1000000x32xf32, #tpu.memory_space<hbm>> -> memref<1000000x32xf32, #tpu.memory_space<hbm>>
    tpu.wait_indirect_dma semaphore(%arg20 : memref<!tpu.dma_semaphore, #tpu.memory_space<semaphore_mem>>) src(%dma_wait3A_1571 : memref<1000000x32xf32, #tpu.memory_space<hbm>>) dst(%dma_wait3A_1566 : memref<128x32xf32, #tpu.memory_space<vmem>>)
    %dma_wait3A_1572 = arith.constant 1152 : i32
    %dma_wait3A_1573 = arith.constant 0 : i32
    %dma_wait3A_1574 = tpu.memref_slice %arg13[%dma_wait3A_1572, %dma_wait3A_1573] : memref<1280x32xf32, #tpu.memory_space<vmem>> -> memref<128x32xf32, #tpu.memory_space<vmem>>
    %dma_wait3A_1575 = arith.constant 3712 : i32
    %dma_wait3A_1576 = tpu.memref_slice %arg12[%dma_wait3A_1575] : memref<6400xi32, #tpu.memory_space<vmem>> -> memref<128xi32, #tpu.memory_space<vmem>>
    %dma_wait3A_1577 = arith.constant 0 : i32
    %dma_wait3A_1578 = arith.constant 0 : i32
    %dma_wait3A_1579 = tpu.memref_slice %arg4[%dma_wait3A_1577, %dma_wait3A_1578] : memref<1000000x32xf32, #tpu.memory_space<hbm>> -> memref<1000000x32xf32, #tpu.memory_space<hbm>>
    tpu.wait_indirect_dma semaphore(%arg20 : memref<!tpu.dma_semaphore, #tpu.memory_space<semaphore_mem>>) src(%dma_wait3A_1579 : memref<1000000x32xf32, #tpu.memory_space<hbm>>) dst(%dma_wait3A_1574 : memref<128x32xf32, #tpu.memory_space<vmem>>)
    %dma_start3A_1580 = arith.constant 20 : i32
    %dma_start3A_1581 = arith.constant 0 : i32
    %dma_start3A_1582 = arith.constant 0 : i32
    %dma_start3A_1583 = tpu.memref_slice %arg13[%dma_start3A_1581, %dma_start3A_1582] : memref<1280x32xf32, #tpu.memory_space<vmem>> -> memref<128x32xf32, #tpu.memory_space<vmem>>
    %dma_start3A_1584 = arith.constant 0 : i32
    %dma_start3A_1585 = tpu.memref_slice %arg11[%dma_start3A_1580, %dma_start3A_1584] : memref<50x128xi32, #tpu.memory_space<vmem>> -> memref<1x128xi32, #tpu.memory_space<vmem>>
    %dma_start3A_1586 = tpu.memref_squeeze %dma_start3A_1585 : memref<1x128xi32, #tpu.memory_space<vmem>> -> memref<128xi32, #tpu.memory_space<vmem>>
    %dma_start3A_1587 = arith.constant 0 : i32
    %dma_start3A_1588 = arith.constant 0 : i32
    %dma_start3A_1589 = tpu.memref_slice %arg17[%dma_start3A_1587, %dma_start3A_1588] : memref<4096x32xf32, #tpu.memory_space<vmem_shared>> -> memref<4096x32xf32, #tpu.memory_space<vmem_shared>>
    tpu.enqueue_indirect_dma source(%dma_start3A_1583 : memref<128x32xf32, #tpu.memory_space<vmem>>) target(%dma_start3A_1589 : memref<4096x32xf32, #tpu.memory_space<vmem_shared>>) offsets(%dma_start3A_1586 : memref<128xi32, #tpu.memory_space<vmem>>) semaphore(%arg22 : memref<!tpu.dma_semaphore, #tpu.memory_space<semaphore_mem>>) {add = true}
    %dma_start3A_1590 = arith.constant 21 : i32
    %dma_start3A_1591 = arith.constant 128 : i32
    %dma_start3A_1592 = arith.constant 0 : i32
    %dma_start3A_1593 = tpu.memref_slice %arg13[%dma_start3A_1591, %dma_start3A_1592] : memref<1280x32xf32, #tpu.memory_space<vmem>> -> memref<128x32xf32, #tpu.memory_space<vmem>>
    %dma_start3A_1594 = arith.constant 0 : i32
    %dma_start3A_1595 = tpu.memref_slice %arg11[%dma_start3A_1590, %dma_start3A_1594] : memref<50x128xi32, #tpu.memory_space<vmem>> -> memref<1x128xi32, #tpu.memory_space<vmem>>
    %dma_start3A_1596 = tpu.memref_squeeze %dma_start3A_1595 : memref<1x128xi32, #tpu.memory_space<vmem>> -> memref<128xi32, #tpu.memory_space<vmem>>
    %dma_start3A_1597 = arith.constant 0 : i32
    %dma_start3A_1598 = arith.constant 0 : i32
    %dma_start3A_1599 = tpu.memref_slice %arg17[%dma_start3A_1597, %dma_start3A_1598] : memref<4096x32xf32, #tpu.memory_space<vmem_shared>> -> memref<4096x32xf32, #tpu.memory_space<vmem_shared>>
    tpu.enqueue_indirect_dma source(%dma_start3A_1593 : memref<128x32xf32, #tpu.memory_space<vmem>>) target(%dma_start3A_1599 : memref<4096x32xf32, #tpu.memory_space<vmem_shared>>) offsets(%dma_start3A_1596 : memref<128xi32, #tpu.memory_space<vmem>>) semaphore(%arg22 : memref<!tpu.dma_semaphore, #tpu.memory_space<semaphore_mem>>) {add = true}
    %dma_start3A_1600 = arith.constant 22 : i32
    %dma_start3A_1601 = arith.constant 256 : i32
    %dma_start3A_1602 = arith.constant 0 : i32
    %dma_start3A_1603 = tpu.memref_slice %arg13[%dma_start3A_1601, %dma_start3A_1602] : memref<1280x32xf32, #tpu.memory_space<vmem>> -> memref<128x32xf32, #tpu.memory_space<vmem>>
    %dma_start3A_1604 = arith.constant 0 : i32
    %dma_start3A_1605 = tpu.memref_slice %arg11[%dma_start3A_1600, %dma_start3A_1604] : memref<50x128xi32, #tpu.memory_space<vmem>> -> memref<1x128xi32, #tpu.memory_space<vmem>>
    %dma_start3A_1606 = tpu.memref_squeeze %dma_start3A_1605 : memref<1x128xi32, #tpu.memory_space<vmem>> -> memref<128xi32, #tpu.memory_space<vmem>>
    %dma_start3A_1607 = arith.constant 0 : i32
    %dma_start3A_1608 = arith.constant 0 : i32
    %dma_start3A_1609 = tpu.memref_slice %arg17[%dma_start3A_1607, %dma_start3A_1608] : memref<4096x32xf32, #tpu.memory_space<vmem_shared>> -> memref<4096x32xf32, #tpu.memory_space<vmem_shared>>
    tpu.enqueue_indirect_dma source(%dma_start3A_1603 : memref<128x32xf32, #tpu.memory_space<vmem>>) target(%dma_start3A_1609 : memref<4096x32xf32, #tpu.memory_space<vmem_shared>>) offsets(%dma_start3A_1606 : memref<128xi32, #tpu.memory_space<vmem>>) semaphore(%arg22 : memref<!tpu.dma_semaphore, #tpu.memory_space<semaphore_mem>>) {add = true}
    %dma_start3A_1610 = arith.constant 23 : i32
    %dma_start3A_1611 = arith.constant 384 : i32
    %dma_start3A_1612 = arith.constant 0 : i32
    %dma_start3A_1613 = tpu.memref_slice %arg13[%dma_start3A_1611, %dma_start3A_1612] : memref<1280x32xf32, #tpu.memory_space<vmem>> -> memref<128x32xf32, #tpu.memory_space<vmem>>
    %dma_start3A_1614 = arith.constant 0 : i32
    %dma_start3A_1615 = tpu.memref_slice %arg11[%dma_start3A_1610, %dma_start3A_1614] : memref<50x128xi32, #tpu.memory_space<vmem>> -> memref<1x128xi32, #tpu.memory_space<vmem>>
    %dma_start3A_1616 = tpu.memref_squeeze %dma_start3A_1615 : memref<1x128xi32, #tpu.memory_space<vmem>> -> memref<128xi32, #tpu.memory_space<vmem>>
    %dma_start3A_1617 = arith.constant 0 : i32
    %dma_start3A_1618 = arith.constant 0 : i32
    %dma_start3A_1619 = tpu.memref_slice %arg17[%dma_start3A_1617, %dma_start3A_1618] : memref<4096x32xf32, #tpu.memory_space<vmem_shared>> -> memref<4096x32xf32, #tpu.memory_space<vmem_shared>>
    tpu.enqueue_indirect_dma source(%dma_start3A_1613 : memref<128x32xf32, #tpu.memory_space<vmem>>) target(%dma_start3A_1619 : memref<4096x32xf32, #tpu.memory_space<vmem_shared>>) offsets(%dma_start3A_1616 : memref<128xi32, #tpu.memory_space<vmem>>) semaphore(%arg22 : memref<!tpu.dma_semaphore, #tpu.memory_space<semaphore_mem>>) {add = true}
    %dma_start3A_1620 = arith.constant 24 : i32
    %dma_start3A_1621 = arith.constant 512 : i32
    %dma_start3A_1622 = arith.constant 0 : i32
    %dma_start3A_1623 = tpu.memref_slice %arg13[%dma_start3A_1621, %dma_start3A_1622] : memref<1280x32xf32, #tpu.memory_space<vmem>> -> memref<128x32xf32, #tpu.memory_space<vmem>>
    %dma_start3A_1624 = arith.constant 0 : i32
    %dma_start3A_1625 = tpu.memref_slice %arg11[%dma_start3A_1620, %dma_start3A_1624] : memref<50x128xi32, #tpu.memory_space<vmem>> -> memref<1x128xi32, #tpu.memory_space<vmem>>
    %dma_start3A_1626 = tpu.memref_squeeze %dma_start3A_1625 : memref<1x128xi32, #tpu.memory_space<vmem>> -> memref<128xi32, #tpu.memory_space<vmem>>
    %dma_start3A_1627 = arith.constant 0 : i32
    %dma_start3A_1628 = arith.constant 0 : i32
    %dma_start3A_1629 = tpu.memref_slice %arg17[%dma_start3A_1627, %dma_start3A_1628] : memref<4096x32xf32, #tpu.memory_space<vmem_shared>> -> memref<4096x32xf32, #tpu.memory_space<vmem_shared>>
    tpu.enqueue_indirect_dma source(%dma_start3A_1623 : memref<128x32xf32, #tpu.memory_space<vmem>>) target(%dma_start3A_1629 : memref<4096x32xf32, #tpu.memory_space<vmem_shared>>) offsets(%dma_start3A_1626 : memref<128xi32, #tpu.memory_space<vmem>>) semaphore(%arg22 : memref<!tpu.dma_semaphore, #tpu.memory_space<semaphore_mem>>) {add = true}
    %dma_start3A_1630 = arith.constant 25 : i32
    %dma_start3A_1631 = arith.constant 640 : i32
    %dma_start3A_1632 = arith.constant 0 : i32
    %dma_start3A_1633 = tpu.memref_slice %arg13[%dma_start3A_1631, %dma_start3A_1632] : memref<1280x32xf32, #tpu.memory_space<vmem>> -> memref<128x32xf32, #tpu.memory_space<vmem>>
    %dma_start3A_1634 = arith.constant 0 : i32
    %dma_start3A_1635 = tpu.memref_slice %arg11[%dma_start3A_1630, %dma_start3A_1634] : memref<50x128xi32, #tpu.memory_space<vmem>> -> memref<1x128xi32, #tpu.memory_space<vmem>>
    %dma_start3A_1636 = tpu.memref_squeeze %dma_start3A_1635 : memref<1x128xi32, #tpu.memory_space<vmem>> -> memref<128xi32, #tpu.memory_space<vmem>>
    %dma_start3A_1637 = arith.constant 0 : i32
    %dma_start3A_1638 = arith.constant 0 : i32
    %dma_start3A_1639 = tpu.memref_slice %arg17[%dma_start3A_1637, %dma_start3A_1638] : memref<4096x32xf32, #tpu.memory_space<vmem_shared>> -> memref<4096x32xf32, #tpu.memory_space<vmem_shared>>
    tpu.enqueue_indirect_dma source(%dma_start3A_1633 : memref<128x32xf32, #tpu.memory_space<vmem>>) target(%dma_start3A_1639 : memref<4096x32xf32, #tpu.memory_space<vmem_shared>>) offsets(%dma_start3A_1636 : memref<128xi32, #tpu.memory_space<vmem>>) semaphore(%arg22 : memref<!tpu.dma_semaphore, #tpu.memory_space<semaphore_mem>>) {add = true}
    %dma_start3A_1640 = arith.constant 26 : i32
    %dma_start3A_1641 = arith.constant 768 : i32
    %dma_start3A_1642 = arith.constant 0 : i32
    %dma_start3A_1643 = tpu.memref_slice %arg13[%dma_start3A_1641, %dma_start3A_1642] : memref<1280x32xf32, #tpu.memory_space<vmem>> -> memref<128x32xf32, #tpu.memory_space<vmem>>
    %dma_start3A_1644 = arith.constant 0 : i32
    %dma_start3A_1645 = tpu.memref_slice %arg11[%dma_start3A_1640, %dma_start3A_1644] : memref<50x128xi32, #tpu.memory_space<vmem>> -> memref<1x128xi32, #tpu.memory_space<vmem>>
    %dma_start3A_1646 = tpu.memref_squeeze %dma_start3A_1645 : memref<1x128xi32, #tpu.memory_space<vmem>> -> memref<128xi32, #tpu.memory_space<vmem>>
    %dma_start3A_1647 = arith.constant 0 : i32
    %dma_start3A_1648 = arith.constant 0 : i32
    %dma_start3A_1649 = tpu.memref_slice %arg17[%dma_start3A_1647, %dma_start3A_1648] : memref<4096x32xf32, #tpu.memory_space<vmem_shared>> -> memref<4096x32xf32, #tpu.memory_space<vmem_shared>>
    tpu.enqueue_indirect_dma source(%dma_start3A_1643 : memref<128x32xf32, #tpu.memory_space<vmem>>) target(%dma_start3A_1649 : memref<4096x32xf32, #tpu.memory_space<vmem_shared>>) offsets(%dma_start3A_1646 : memref<128xi32, #tpu.memory_space<vmem>>) semaphore(%arg22 : memref<!tpu.dma_semaphore, #tpu.memory_space<semaphore_mem>>) {add = true}
    %dma_start3A_1650 = arith.constant 27 : i32
    %dma_start3A_1651 = arith.constant 896 : i32
    %dma_start3A_1652 = arith.constant 0 : i32
    %dma_start3A_1653 = tpu.memref_slice %arg13[%dma_start3A_1651, %dma_start3A_1652] : memref<1280x32xf32, #tpu.memory_space<vmem>> -> memref<128x32xf32, #tpu.memory_space<vmem>>
    %dma_start3A_1654 = arith.constant 0 : i32
    %dma_start3A_1655 = tpu.memref_slice %arg11[%dma_start3A_1650, %dma_start3A_1654] : memref<50x128xi32, #tpu.memory_space<vmem>> -> memref<1x128xi32, #tpu.memory_space<vmem>>
    %dma_start3A_1656 = tpu.memref_squeeze %dma_start3A_1655 : memref<1x128xi32, #tpu.memory_space<vmem>> -> memref<128xi32, #tpu.memory_space<vmem>>
    %dma_start3A_1657 = arith.constant 0 : i32
    %dma_start3A_1658 = arith.constant 0 : i32
    %dma_start3A_1659 = tpu.memref_slice %arg17[%dma_start3A_1657, %dma_start3A_1658] : memref<4096x32xf32, #tpu.memory_space<vmem_shared>> -> memref<4096x32xf32, #tpu.memory_space<vmem_shared>>
    tpu.enqueue_indirect_dma source(%dma_start3A_1653 : memref<128x32xf32, #tpu.memory_space<vmem>>) target(%dma_start3A_1659 : memref<4096x32xf32, #tpu.memory_space<vmem_shared>>) offsets(%dma_start3A_1656 : memref<128xi32, #tpu.memory_space<vmem>>) semaphore(%arg22 : memref<!tpu.dma_semaphore, #tpu.memory_space<semaphore_mem>>) {add = true}
    %dma_start3A_1660 = arith.constant 28 : i32
    %dma_start3A_1661 = arith.constant 1024 : i32
    %dma_start3A_1662 = arith.constant 0 : i32
    %dma_start3A_1663 = tpu.memref_slice %arg13[%dma_start3A_1661, %dma_start3A_1662] : memref<1280x32xf32, #tpu.memory_space<vmem>> -> memref<128x32xf32, #tpu.memory_space<vmem>>
    %dma_start3A_1664 = arith.constant 0 : i32
    %dma_start3A_1665 = tpu.memref_slice %arg11[%dma_start3A_1660, %dma_start3A_1664] : memref<50x128xi32, #tpu.memory_space<vmem>> -> memref<1x128xi32, #tpu.memory_space<vmem>>
    %dma_start3A_1666 = tpu.memref_squeeze %dma_start3A_1665 : memref<1x128xi32, #tpu.memory_space<vmem>> -> memref<128xi32, #tpu.memory_space<vmem>>
    %dma_start3A_1667 = arith.constant 0 : i32
    %dma_start3A_1668 = arith.constant 0 : i32
    %dma_start3A_1669 = tpu.memref_slice %arg17[%dma_start3A_1667, %dma_start3A_1668] : memref<4096x32xf32, #tpu.memory_space<vmem_shared>> -> memref<4096x32xf32, #tpu.memory_space<vmem_shared>>
    tpu.enqueue_indirect_dma source(%dma_start3A_1663 : memref<128x32xf32, #tpu.memory_space<vmem>>) target(%dma_start3A_1669 : memref<4096x32xf32, #tpu.memory_space<vmem_shared>>) offsets(%dma_start3A_1666 : memref<128xi32, #tpu.memory_space<vmem>>) semaphore(%arg22 : memref<!tpu.dma_semaphore, #tpu.memory_space<semaphore_mem>>) {add = true}
    %dma_start3A_1670 = arith.constant 29 : i32
    %dma_start3A_1671 = arith.constant 1152 : i32
    %dma_start3A_1672 = arith.constant 0 : i32
    %dma_start3A_1673 = tpu.memref_slice %arg13[%dma_start3A_1671, %dma_start3A_1672] : memref<1280x32xf32, #tpu.memory_space<vmem>> -> memref<128x32xf32, #tpu.memory_space<vmem>>
    %dma_start3A_1674 = arith.constant 0 : i32
    %dma_start3A_1675 = tpu.memref_slice %arg11[%dma_start3A_1670, %dma_start3A_1674] : memref<50x128xi32, #tpu.memory_space<vmem>> -> memref<1x128xi32, #tpu.memory_space<vmem>>
    %dma_start3A_1676 = tpu.memref_squeeze %dma_start3A_1675 : memref<1x128xi32, #tpu.memory_space<vmem>> -> memref<128xi32, #tpu.memory_space<vmem>>
    %dma_start3A_1677 = arith.constant 0 : i32
    %dma_start3A_1678 = arith.constant 0 : i32
    %dma_start3A_1679 = tpu.memref_slice %arg17[%dma_start3A_1677, %dma_start3A_1678] : memref<4096x32xf32, #tpu.memory_space<vmem_shared>> -> memref<4096x32xf32, #tpu.memory_space<vmem_shared>>
    tpu.enqueue_indirect_dma source(%dma_start3A_1673 : memref<128x32xf32, #tpu.memory_space<vmem>>) target(%dma_start3A_1679 : memref<4096x32xf32, #tpu.memory_space<vmem_shared>>) offsets(%dma_start3A_1676 : memref<128xi32, #tpu.memory_space<vmem>>) semaphore(%arg22 : memref<!tpu.dma_semaphore, #tpu.memory_space<semaphore_mem>>) {add = true}
    %dma_wait3A_1680 = arith.constant 20 : i32
    %dma_wait3A_1681 = arith.constant 0 : i32
    %dma_wait3A_1682 = arith.constant 0 : i32
    %dma_wait3A_1683 = tpu.memref_slice %arg13[%dma_wait3A_1681, %dma_wait3A_1682] : memref<1280x32xf32, #tpu.memory_space<vmem>> -> memref<128x32xf32, #tpu.memory_space<vmem>>
    %dma_wait3A_1684 = arith.constant 0 : i32
    %dma_wait3A_1685 = tpu.memref_slice %arg11[%dma_wait3A_1680, %dma_wait3A_1684] : memref<50x128xi32, #tpu.memory_space<vmem>> -> memref<1x128xi32, #tpu.memory_space<vmem>>
    %dma_wait3A_1686 = tpu.memref_squeeze %dma_wait3A_1685 : memref<1x128xi32, #tpu.memory_space<vmem>> -> memref<128xi32, #tpu.memory_space<vmem>>
    %dma_wait3A_1687 = arith.constant 0 : i32
    %dma_wait3A_1688 = arith.constant 0 : i32
    %dma_wait3A_1689 = tpu.memref_slice %arg17[%dma_wait3A_1687, %dma_wait3A_1688] : memref<4096x32xf32, #tpu.memory_space<vmem_shared>> -> memref<4096x32xf32, #tpu.memory_space<vmem_shared>>
    tpu.wait_indirect_dma semaphore(%arg22 : memref<!tpu.dma_semaphore, #tpu.memory_space<semaphore_mem>>) src(%dma_wait3A_1683 : memref<128x32xf32, #tpu.memory_space<vmem>>) dst(%dma_wait3A_1689 : memref<4096x32xf32, #tpu.memory_space<vmem_shared>>)
    %dma_wait3A_1690 = arith.constant 21 : i32
    %dma_wait3A_1691 = arith.constant 128 : i32
    %dma_wait3A_1692 = arith.constant 0 : i32
    %dma_wait3A_1693 = tpu.memref_slice %arg13[%dma_wait3A_1691, %dma_wait3A_1692] : memref<1280x32xf32, #tpu.memory_space<vmem>> -> memref<128x32xf32, #tpu.memory_space<vmem>>
    %dma_wait3A_1694 = arith.constant 0 : i32
    %dma_wait3A_1695 = tpu.memref_slice %arg11[%dma_wait3A_1690, %dma_wait3A_1694] : memref<50x128xi32, #tpu.memory_space<vmem>> -> memref<1x128xi32, #tpu.memory_space<vmem>>
    %dma_wait3A_1696 = tpu.memref_squeeze %dma_wait3A_1695 : memref<1x128xi32, #tpu.memory_space<vmem>> -> memref<128xi32, #tpu.memory_space<vmem>>
    %dma_wait3A_1697 = arith.constant 0 : i32
    %dma_wait3A_1698 = arith.constant 0 : i32
    %dma_wait3A_1699 = tpu.memref_slice %arg17[%dma_wait3A_1697, %dma_wait3A_1698] : memref<4096x32xf32, #tpu.memory_space<vmem_shared>> -> memref<4096x32xf32, #tpu.memory_space<vmem_shared>>
    tpu.wait_indirect_dma semaphore(%arg22 : memref<!tpu.dma_semaphore, #tpu.memory_space<semaphore_mem>>) src(%dma_wait3A_1693 : memref<128x32xf32, #tpu.memory_space<vmem>>) dst(%dma_wait3A_1699 : memref<4096x32xf32, #tpu.memory_space<vmem_shared>>)
    %dma_wait3A_1700 = arith.constant 22 : i32
    %dma_wait3A_1701 = arith.constant 256 : i32
    %dma_wait3A_1702 = arith.constant 0 : i32
    %dma_wait3A_1703 = tpu.memref_slice %arg13[%dma_wait3A_1701, %dma_wait3A_1702] : memref<1280x32xf32, #tpu.memory_space<vmem>> -> memref<128x32xf32, #tpu.memory_space<vmem>>
    %dma_wait3A_1704 = arith.constant 0 : i32
    %dma_wait3A_1705 = tpu.memref_slice %arg11[%dma_wait3A_1700, %dma_wait3A_1704] : memref<50x128xi32, #tpu.memory_space<vmem>> -> memref<1x128xi32, #tpu.memory_space<vmem>>
    %dma_wait3A_1706 = tpu.memref_squeeze %dma_wait3A_1705 : memref<1x128xi32, #tpu.memory_space<vmem>> -> memref<128xi32, #tpu.memory_space<vmem>>
    %dma_wait3A_1707 = arith.constant 0 : i32
    %dma_wait3A_1708 = arith.constant 0 : i32
    %dma_wait3A_1709 = tpu.memref_slice %arg17[%dma_wait3A_1707, %dma_wait3A_1708] : memref<4096x32xf32, #tpu.memory_space<vmem_shared>> -> memref<4096x32xf32, #tpu.memory_space<vmem_shared>>
    tpu.wait_indirect_dma semaphore(%arg22 : memref<!tpu.dma_semaphore, #tpu.memory_space<semaphore_mem>>) src(%dma_wait3A_1703 : memref<128x32xf32, #tpu.memory_space<vmem>>) dst(%dma_wait3A_1709 : memref<4096x32xf32, #tpu.memory_space<vmem_shared>>)
    %dma_wait3A_1710 = arith.constant 23 : i32
    %dma_wait3A_1711 = arith.constant 384 : i32
    %dma_wait3A_1712 = arith.constant 0 : i32
    %dma_wait3A_1713 = tpu.memref_slice %arg13[%dma_wait3A_1711, %dma_wait3A_1712] : memref<1280x32xf32, #tpu.memory_space<vmem>> -> memref<128x32xf32, #tpu.memory_space<vmem>>
    %dma_wait3A_1714 = arith.constant 0 : i32
    %dma_wait3A_1715 = tpu.memref_slice %arg11[%dma_wait3A_1710, %dma_wait3A_1714] : memref<50x128xi32, #tpu.memory_space<vmem>> -> memref<1x128xi32, #tpu.memory_space<vmem>>
    %dma_wait3A_1716 = tpu.memref_squeeze %dma_wait3A_1715 : memref<1x128xi32, #tpu.memory_space<vmem>> -> memref<128xi32, #tpu.memory_space<vmem>>
    %dma_wait3A_1717 = arith.constant 0 : i32
    %dma_wait3A_1718 = arith.constant 0 : i32
    %dma_wait3A_1719 = tpu.memref_slice %arg17[%dma_wait3A_1717, %dma_wait3A_1718] : memref<4096x32xf32, #tpu.memory_space<vmem_shared>> -> memref<4096x32xf32, #tpu.memory_space<vmem_shared>>
    tpu.wait_indirect_dma semaphore(%arg22 : memref<!tpu.dma_semaphore, #tpu.memory_space<semaphore_mem>>) src(%dma_wait3A_1713 : memref<128x32xf32, #tpu.memory_space<vmem>>) dst(%dma_wait3A_1719 : memref<4096x32xf32, #tpu.memory_space<vmem_shared>>)
    %dma_wait3A_1720 = arith.constant 24 : i32
    %dma_wait3A_1721 = arith.constant 512 : i32
    %dma_wait3A_1722 = arith.constant 0 : i32
    %dma_wait3A_1723 = tpu.memref_slice %arg13[%dma_wait3A_1721, %dma_wait3A_1722] : memref<1280x32xf32, #tpu.memory_space<vmem>> -> memref<128x32xf32, #tpu.memory_space<vmem>>
    %dma_wait3A_1724 = arith.constant 0 : i32
    %dma_wait3A_1725 = tpu.memref_slice %arg11[%dma_wait3A_1720, %dma_wait3A_1724] : memref<50x128xi32, #tpu.memory_space<vmem>> -> memref<1x128xi32, #tpu.memory_space<vmem>>
    %dma_wait3A_1726 = tpu.memref_squeeze %dma_wait3A_1725 : memref<1x128xi32, #tpu.memory_space<vmem>> -> memref<128xi32, #tpu.memory_space<vmem>>
    %dma_wait3A_1727 = arith.constant 0 : i32
    %dma_wait3A_1728 = arith.constant 0 : i32
    %dma_wait3A_1729 = tpu.memref_slice %arg17[%dma_wait3A_1727, %dma_wait3A_1728] : memref<4096x32xf32, #tpu.memory_space<vmem_shared>> -> memref<4096x32xf32, #tpu.memory_space<vmem_shared>>
    tpu.wait_indirect_dma semaphore(%arg22 : memref<!tpu.dma_semaphore, #tpu.memory_space<semaphore_mem>>) src(%dma_wait3A_1723 : memref<128x32xf32, #tpu.memory_space<vmem>>) dst(%dma_wait3A_1729 : memref<4096x32xf32, #tpu.memory_space<vmem_shared>>)
    %dma_wait3A_1730 = arith.constant 25 : i32
    %dma_wait3A_1731 = arith.constant 640 : i32
    %dma_wait3A_1732 = arith.constant 0 : i32
    %dma_wait3A_1733 = tpu.memref_slice %arg13[%dma_wait3A_1731, %dma_wait3A_1732] : memref<1280x32xf32, #tpu.memory_space<vmem>> -> memref<128x32xf32, #tpu.memory_space<vmem>>
    %dma_wait3A_1734 = arith.constant 0 : i32
    %dma_wait3A_1735 = tpu.memref_slice %arg11[%dma_wait3A_1730, %dma_wait3A_1734] : memref<50x128xi32, #tpu.memory_space<vmem>> -> memref<1x128xi32, #tpu.memory_space<vmem>>
    %dma_wait3A_1736 = tpu.memref_squeeze %dma_wait3A_1735 : memref<1x128xi32, #tpu.memory_space<vmem>> -> memref<128xi32, #tpu.memory_space<vmem>>
    %dma_wait3A_1737 = arith.constant 0 : i32
    %dma_wait3A_1738 = arith.constant 0 : i32
    %dma_wait3A_1739 = tpu.memref_slice %arg17[%dma_wait3A_1737, %dma_wait3A_1738] : memref<4096x32xf32, #tpu.memory_space<vmem_shared>> -> memref<4096x32xf32, #tpu.memory_space<vmem_shared>>
    tpu.wait_indirect_dma semaphore(%arg22 : memref<!tpu.dma_semaphore, #tpu.memory_space<semaphore_mem>>) src(%dma_wait3A_1733 : memref<128x32xf32, #tpu.memory_space<vmem>>) dst(%dma_wait3A_1739 : memref<4096x32xf32, #tpu.memory_space<vmem_shared>>)
    %dma_wait3A_1740 = arith.constant 26 : i32
    %dma_wait3A_1741 = arith.constant 768 : i32
    %dma_wait3A_1742 = arith.constant 0 : i32
    %dma_wait3A_1743 = tpu.memref_slice %arg13[%dma_wait3A_1741, %dma_wait3A_1742] : memref<1280x32xf32, #tpu.memory_space<vmem>> -> memref<128x32xf32, #tpu.memory_space<vmem>>
    %dma_wait3A_1744 = arith.constant 0 : i32
    %dma_wait3A_1745 = tpu.memref_slice %arg11[%dma_wait3A_1740, %dma_wait3A_1744] : memref<50x128xi32, #tpu.memory_space<vmem>> -> memref<1x128xi32, #tpu.memory_space<vmem>>
    %dma_wait3A_1746 = tpu.memref_squeeze %dma_wait3A_1745 : memref<1x128xi32, #tpu.memory_space<vmem>> -> memref<128xi32, #tpu.memory_space<vmem>>
    %dma_wait3A_1747 = arith.constant 0 : i32
    %dma_wait3A_1748 = arith.constant 0 : i32
    %dma_wait3A_1749 = tpu.memref_slice %arg17[%dma_wait3A_1747, %dma_wait3A_1748] : memref<4096x32xf32, #tpu.memory_space<vmem_shared>> -> memref<4096x32xf32, #tpu.memory_space<vmem_shared>>
    tpu.wait_indirect_dma semaphore(%arg22 : memref<!tpu.dma_semaphore, #tpu.memory_space<semaphore_mem>>) src(%dma_wait3A_1743 : memref<128x32xf32, #tpu.memory_space<vmem>>) dst(%dma_wait3A_1749 : memref<4096x32xf32, #tpu.memory_space<vmem_shared>>)
    %dma_wait3A_1750 = arith.constant 27 : i32
    %dma_wait3A_1751 = arith.constant 896 : i32
    %dma_wait3A_1752 = arith.constant 0 : i32
    %dma_wait3A_1753 = tpu.memref_slice %arg13[%dma_wait3A_1751, %dma_wait3A_1752] : memref<1280x32xf32, #tpu.memory_space<vmem>> -> memref<128x32xf32, #tpu.memory_space<vmem>>
    %dma_wait3A_1754 = arith.constant 0 : i32
    %dma_wait3A_1755 = tpu.memref_slice %arg11[%dma_wait3A_1750, %dma_wait3A_1754] : memref<50x128xi32, #tpu.memory_space<vmem>> -> memref<1x128xi32, #tpu.memory_space<vmem>>
    %dma_wait3A_1756 = tpu.memref_squeeze %dma_wait3A_1755 : memref<1x128xi32, #tpu.memory_space<vmem>> -> memref<128xi32, #tpu.memory_space<vmem>>
    %dma_wait3A_1757 = arith.constant 0 : i32
    %dma_wait3A_1758 = arith.constant 0 : i32
    %dma_wait3A_1759 = tpu.memref_slice %arg17[%dma_wait3A_1757, %dma_wait3A_1758] : memref<4096x32xf32, #tpu.memory_space<vmem_shared>> -> memref<4096x32xf32, #tpu.memory_space<vmem_shared>>
    tpu.wait_indirect_dma semaphore(%arg22 : memref<!tpu.dma_semaphore, #tpu.memory_space<semaphore_mem>>) src(%dma_wait3A_1753 : memref<128x32xf32, #tpu.memory_space<vmem>>) dst(%dma_wait3A_1759 : memref<4096x32xf32, #tpu.memory_space<vmem_shared>>)
    %dma_wait3A_1760 = arith.constant 28 : i32
    %dma_wait3A_1761 = arith.constant 1024 : i32
    %dma_wait3A_1762 = arith.constant 0 : i32
    %dma_wait3A_1763 = tpu.memref_slice %arg13[%dma_wait3A_1761, %dma_wait3A_1762] : memref<1280x32xf32, #tpu.memory_space<vmem>> -> memref<128x32xf32, #tpu.memory_space<vmem>>
    %dma_wait3A_1764 = arith.constant 0 : i32
    %dma_wait3A_1765 = tpu.memref_slice %arg11[%dma_wait3A_1760, %dma_wait3A_1764] : memref<50x128xi32, #tpu.memory_space<vmem>> -> memref<1x128xi32, #tpu.memory_space<vmem>>
    %dma_wait3A_1766 = tpu.memref_squeeze %dma_wait3A_1765 : memref<1x128xi32, #tpu.memory_space<vmem>> -> memref<128xi32, #tpu.memory_space<vmem>>
    %dma_wait3A_1767 = arith.constant 0 : i32
    %dma_wait3A_1768 = arith.constant 0 : i32
    %dma_wait3A_1769 = tpu.memref_slice %arg17[%dma_wait3A_1767, %dma_wait3A_1768] : memref<4096x32xf32, #tpu.memory_space<vmem_shared>> -> memref<4096x32xf32, #tpu.memory_space<vmem_shared>>
    tpu.wait_indirect_dma semaphore(%arg22 : memref<!tpu.dma_semaphore, #tpu.memory_space<semaphore_mem>>) src(%dma_wait3A_1763 : memref<128x32xf32, #tpu.memory_space<vmem>>) dst(%dma_wait3A_1769 : memref<4096x32xf32, #tpu.memory_space<vmem_shared>>)
    %dma_wait3A_1770 = arith.constant 29 : i32
    %dma_wait3A_1771 = arith.constant 1152 : i32
    %dma_wait3A_1772 = arith.constant 0 : i32
    %dma_wait3A_1773 = tpu.memref_slice %arg13[%dma_wait3A_1771, %dma_wait3A_1772] : memref<1280x32xf32, #tpu.memory_space<vmem>> -> memref<128x32xf32, #tpu.memory_space<vmem>>
    %dma_wait3A_1774 = arith.constant 0 : i32
    %dma_wait3A_1775 = tpu.memref_slice %arg11[%dma_wait3A_1770, %dma_wait3A_1774] : memref<50x128xi32, #tpu.memory_space<vmem>> -> memref<1x128xi32, #tpu.memory_space<vmem>>
    %dma_wait3A_1776 = tpu.memref_squeeze %dma_wait3A_1775 : memref<1x128xi32, #tpu.memory_space<vmem>> -> memref<128xi32, #tpu.memory_space<vmem>>
    %dma_wait3A_1777 = arith.constant 0 : i32
    %dma_wait3A_1778 = arith.constant 0 : i32
    %dma_wait3A_1779 = tpu.memref_slice %arg17[%dma_wait3A_1777, %dma_wait3A_1778] : memref<4096x32xf32, #tpu.memory_space<vmem_shared>> -> memref<4096x32xf32, #tpu.memory_space<vmem_shared>>
    tpu.wait_indirect_dma semaphore(%arg22 : memref<!tpu.dma_semaphore, #tpu.memory_space<semaphore_mem>>) src(%dma_wait3A_1773 : memref<128x32xf32, #tpu.memory_space<vmem>>) dst(%dma_wait3A_1779 : memref<4096x32xf32, #tpu.memory_space<vmem_shared>>)
    %dma_start3A_1780 = arith.constant 0 : i32
    %dma_start3A_1781 = arith.constant 0 : i32
    %dma_start3A_1782 = tpu.memref_slice %arg13[%dma_start3A_1780, %dma_start3A_1781] : memref<1280x32xf32, #tpu.memory_space<vmem>> -> memref<128x32xf32, #tpu.memory_space<vmem>>
    %dma_start3A_1783 = arith.constant 5120 : i32
    %dma_start3A_1784 = tpu.memref_slice %arg12[%dma_start3A_1783] : memref<6400xi32, #tpu.memory_space<vmem>> -> memref<128xi32, #tpu.memory_space<vmem>>
    %dma_start3A_1785 = arith.constant 0 : i32
    %dma_start3A_1786 = arith.constant 0 : i32
    %dma_start3A_1787 = tpu.memref_slice %arg4[%dma_start3A_1785, %dma_start3A_1786] : memref<1000000x32xf32, #tpu.memory_space<hbm>> -> memref<1000000x32xf32, #tpu.memory_space<hbm>>
    tpu.enqueue_indirect_dma source(%dma_start3A_1787 : memref<1000000x32xf32, #tpu.memory_space<hbm>>) target(%dma_start3A_1782 : memref<128x32xf32, #tpu.memory_space<vmem>>) offsets(%dma_start3A_1784 : memref<128xi32, #tpu.memory_space<vmem>>) semaphore(%arg20 : memref<!tpu.dma_semaphore, #tpu.memory_space<semaphore_mem>>)
    %dma_start3A_1788 = arith.constant 128 : i32
    %dma_start3A_1789 = arith.constant 0 : i32
    %dma_start3A_1790 = tpu.memref_slice %arg13[%dma_start3A_1788, %dma_start3A_1789] : memref<1280x32xf32, #tpu.memory_space<vmem>> -> memref<128x32xf32, #tpu.memory_space<vmem>>
    %dma_start3A_1791 = arith.constant 5248 : i32
    %dma_start3A_1792 = tpu.memref_slice %arg12[%dma_start3A_1791] : memref<6400xi32, #tpu.memory_space<vmem>> -> memref<128xi32, #tpu.memory_space<vmem>>
    %dma_start3A_1793 = arith.constant 0 : i32
    %dma_start3A_1794 = arith.constant 0 : i32
    %dma_start3A_1795 = tpu.memref_slice %arg4[%dma_start3A_1793, %dma_start3A_1794] : memref<1000000x32xf32, #tpu.memory_space<hbm>> -> memref<1000000x32xf32, #tpu.memory_space<hbm>>
    tpu.enqueue_indirect_dma source(%dma_start3A_1795 : memref<1000000x32xf32, #tpu.memory_space<hbm>>) target(%dma_start3A_1790 : memref<128x32xf32, #tpu.memory_space<vmem>>) offsets(%dma_start3A_1792 : memref<128xi32, #tpu.memory_space<vmem>>) semaphore(%arg20 : memref<!tpu.dma_semaphore, #tpu.memory_space<semaphore_mem>>)
    %dma_start3A_1796 = arith.constant 256 : i32
    %dma_start3A_1797 = arith.constant 0 : i32
    %dma_start3A_1798 = tpu.memref_slice %arg13[%dma_start3A_1796, %dma_start3A_1797] : memref<1280x32xf32, #tpu.memory_space<vmem>> -> memref<128x32xf32, #tpu.memory_space<vmem>>
    %dma_start3A_1799 = arith.constant 5376 : i32
    %dma_start3A_1800 = tpu.memref_slice %arg12[%dma_start3A_1799] : memref<6400xi32, #tpu.memory_space<vmem>> -> memref<128xi32, #tpu.memory_space<vmem>>
    %dma_start3A_1801 = arith.constant 0 : i32
    %dma_start3A_1802 = arith.constant 0 : i32
    %dma_start3A_1803 = tpu.memref_slice %arg4[%dma_start3A_1801, %dma_start3A_1802] : memref<1000000x32xf32, #tpu.memory_space<hbm>> -> memref<1000000x32xf32, #tpu.memory_space<hbm>>
    tpu.enqueue_indirect_dma source(%dma_start3A_1803 : memref<1000000x32xf32, #tpu.memory_space<hbm>>) target(%dma_start3A_1798 : memref<128x32xf32, #tpu.memory_space<vmem>>) offsets(%dma_start3A_1800 : memref<128xi32, #tpu.memory_space<vmem>>) semaphore(%arg20 : memref<!tpu.dma_semaphore, #tpu.memory_space<semaphore_mem>>)
    %dma_start3A_1804 = arith.constant 384 : i32
    %dma_start3A_1805 = arith.constant 0 : i32
    %dma_start3A_1806 = tpu.memref_slice %arg13[%dma_start3A_1804, %dma_start3A_1805] : memref<1280x32xf32, #tpu.memory_space<vmem>> -> memref<128x32xf32, #tpu.memory_space<vmem>>
    %dma_start3A_1807 = arith.constant 5504 : i32
    %dma_start3A_1808 = tpu.memref_slice %arg12[%dma_start3A_1807] : memref<6400xi32, #tpu.memory_space<vmem>> -> memref<128xi32, #tpu.memory_space<vmem>>
    %dma_start3A_1809 = arith.constant 0 : i32
    %dma_start3A_1810 = arith.constant 0 : i32
    %dma_start3A_1811 = tpu.memref_slice %arg4[%dma_start3A_1809, %dma_start3A_1810] : memref<1000000x32xf32, #tpu.memory_space<hbm>> -> memref<1000000x32xf32, #tpu.memory_space<hbm>>
    tpu.enqueue_indirect_dma source(%dma_start3A_1811 : memref<1000000x32xf32, #tpu.memory_space<hbm>>) target(%dma_start3A_1806 : memref<128x32xf32, #tpu.memory_space<vmem>>) offsets(%dma_start3A_1808 : memref<128xi32, #tpu.memory_space<vmem>>) semaphore(%arg20 : memref<!tpu.dma_semaphore, #tpu.memory_space<semaphore_mem>>)
    %dma_start3A_1812 = arith.constant 512 : i32
    %dma_start3A_1813 = arith.constant 0 : i32
    %dma_start3A_1814 = tpu.memref_slice %arg13[%dma_start3A_1812, %dma_start3A_1813] : memref<1280x32xf32, #tpu.memory_space<vmem>> -> memref<128x32xf32, #tpu.memory_space<vmem>>
    %dma_start3A_1815 = arith.constant 5632 : i32
    %dma_start3A_1816 = tpu.memref_slice %arg12[%dma_start3A_1815] : memref<6400xi32, #tpu.memory_space<vmem>> -> memref<128xi32, #tpu.memory_space<vmem>>
    %dma_start3A_1817 = arith.constant 0 : i32
    %dma_start3A_1818 = arith.constant 0 : i32
    %dma_start3A_1819 = tpu.memref_slice %arg4[%dma_start3A_1817, %dma_start3A_1818] : memref<1000000x32xf32, #tpu.memory_space<hbm>> -> memref<1000000x32xf32, #tpu.memory_space<hbm>>
    tpu.enqueue_indirect_dma source(%dma_start3A_1819 : memref<1000000x32xf32, #tpu.memory_space<hbm>>) target(%dma_start3A_1814 : memref<128x32xf32, #tpu.memory_space<vmem>>) offsets(%dma_start3A_1816 : memref<128xi32, #tpu.memory_space<vmem>>) semaphore(%arg20 : memref<!tpu.dma_semaphore, #tpu.memory_space<semaphore_mem>>)
    %dma_start3A_1820 = arith.constant 640 : i32
    %dma_start3A_1821 = arith.constant 0 : i32
    %dma_start3A_1822 = tpu.memref_slice %arg13[%dma_start3A_1820, %dma_start3A_1821] : memref<1280x32xf32, #tpu.memory_space<vmem>> -> memref<128x32xf32, #tpu.memory_space<vmem>>
    %dma_start3A_1823 = arith.constant 5760 : i32
    %dma_start3A_1824 = tpu.memref_slice %arg12[%dma_start3A_1823] : memref<6400xi32, #tpu.memory_space<vmem>> -> memref<128xi32, #tpu.memory_space<vmem>>
    %dma_start3A_1825 = arith.constant 0 : i32
    %dma_start3A_1826 = arith.constant 0 : i32
    %dma_start3A_1827 = tpu.memref_slice %arg4[%dma_start3A_1825, %dma_start3A_1826] : memref<1000000x32xf32, #tpu.memory_space<hbm>> -> memref<1000000x32xf32, #tpu.memory_space<hbm>>
    tpu.enqueue_indirect_dma source(%dma_start3A_1827 : memref<1000000x32xf32, #tpu.memory_space<hbm>>) target(%dma_start3A_1822 : memref<128x32xf32, #tpu.memory_space<vmem>>) offsets(%dma_start3A_1824 : memref<128xi32, #tpu.memory_space<vmem>>) semaphore(%arg20 : memref<!tpu.dma_semaphore, #tpu.memory_space<semaphore_mem>>)
    %dma_start3A_1828 = arith.constant 768 : i32
    %dma_start3A_1829 = arith.constant 0 : i32
    %dma_start3A_1830 = tpu.memref_slice %arg13[%dma_start3A_1828, %dma_start3A_1829] : memref<1280x32xf32, #tpu.memory_space<vmem>> -> memref<128x32xf32, #tpu.memory_space<vmem>>
    %dma_start3A_1831 = arith.constant 5888 : i32
    %dma_start3A_1832 = tpu.memref_slice %arg12[%dma_start3A_1831] : memref<6400xi32, #tpu.memory_space<vmem>> -> memref<128xi32, #tpu.memory_space<vmem>>
    %dma_start3A_1833 = arith.constant 0 : i32
    %dma_start3A_1834 = arith.constant 0 : i32
    %dma_start3A_1835 = tpu.memref_slice %arg4[%dma_start3A_1833, %dma_start3A_1834] : memref<1000000x32xf32, #tpu.memory_space<hbm>> -> memref<1000000x32xf32, #tpu.memory_space<hbm>>
    tpu.enqueue_indirect_dma source(%dma_start3A_1835 : memref<1000000x32xf32, #tpu.memory_space<hbm>>) target(%dma_start3A_1830 : memref<128x32xf32, #tpu.memory_space<vmem>>) offsets(%dma_start3A_1832 : memref<128xi32, #tpu.memory_space<vmem>>) semaphore(%arg20 : memref<!tpu.dma_semaphore, #tpu.memory_space<semaphore_mem>>)
    %dma_start3A_1836 = arith.constant 896 : i32
    %dma_start3A_1837 = arith.constant 0 : i32
    %dma_start3A_1838 = tpu.memref_slice %arg13[%dma_start3A_1836, %dma_start3A_1837] : memref<1280x32xf32, #tpu.memory_space<vmem>> -> memref<128x32xf32, #tpu.memory_space<vmem>>
    %dma_start3A_1839 = arith.constant 6016 : i32
    %dma_start3A_1840 = tpu.memref_slice %arg12[%dma_start3A_1839] : memref<6400xi32, #tpu.memory_space<vmem>> -> memref<128xi32, #tpu.memory_space<vmem>>
    %dma_start3A_1841 = arith.constant 0 : i32
    %dma_start3A_1842 = arith.constant 0 : i32
    %dma_start3A_1843 = tpu.memref_slice %arg4[%dma_start3A_1841, %dma_start3A_1842] : memref<1000000x32xf32, #tpu.memory_space<hbm>> -> memref<1000000x32xf32, #tpu.memory_space<hbm>>
    tpu.enqueue_indirect_dma source(%dma_start3A_1843 : memref<1000000x32xf32, #tpu.memory_space<hbm>>) target(%dma_start3A_1838 : memref<128x32xf32, #tpu.memory_space<vmem>>) offsets(%dma_start3A_1840 : memref<128xi32, #tpu.memory_space<vmem>>) semaphore(%arg20 : memref<!tpu.dma_semaphore, #tpu.memory_space<semaphore_mem>>)
    %dma_start3A_1844 = arith.constant 1024 : i32
    %dma_start3A_1845 = arith.constant 0 : i32
    %dma_start3A_1846 = tpu.memref_slice %arg13[%dma_start3A_1844, %dma_start3A_1845] : memref<1280x32xf32, #tpu.memory_space<vmem>> -> memref<128x32xf32, #tpu.memory_space<vmem>>
    %dma_start3A_1847 = arith.constant 6144 : i32
    %dma_start3A_1848 = tpu.memref_slice %arg12[%dma_start3A_1847] : memref<6400xi32, #tpu.memory_space<vmem>> -> memref<128xi32, #tpu.memory_space<vmem>>
    %dma_start3A_1849 = arith.constant 0 : i32
    %dma_start3A_1850 = arith.constant 0 : i32
    %dma_start3A_1851 = tpu.memref_slice %arg4[%dma_start3A_1849, %dma_start3A_1850] : memref<1000000x32xf32, #tpu.memory_space<hbm>> -> memref<1000000x32xf32, #tpu.memory_space<hbm>>
    tpu.enqueue_indirect_dma source(%dma_start3A_1851 : memref<1000000x32xf32, #tpu.memory_space<hbm>>) target(%dma_start3A_1846 : memref<128x32xf32, #tpu.memory_space<vmem>>) offsets(%dma_start3A_1848 : memref<128xi32, #tpu.memory_space<vmem>>) semaphore(%arg20 : memref<!tpu.dma_semaphore, #tpu.memory_space<semaphore_mem>>)
    %dma_start3A_1852 = arith.constant 1152 : i32
    %dma_start3A_1853 = arith.constant 0 : i32
    %dma_start3A_1854 = tpu.memref_slice %arg13[%dma_start3A_1852, %dma_start3A_1853] : memref<1280x32xf32, #tpu.memory_space<vmem>> -> memref<128x32xf32, #tpu.memory_space<vmem>>
    %dma_start3A_1855 = arith.constant 6272 : i32
    %dma_start3A_1856 = tpu.memref_slice %arg12[%dma_start3A_1855] : memref<6400xi32, #tpu.memory_space<vmem>> -> memref<128xi32, #tpu.memory_space<vmem>>
    %dma_start3A_1857 = arith.constant 0 : i32
    %dma_start3A_1858 = arith.constant 0 : i32
    %dma_start3A_1859 = tpu.memref_slice %arg4[%dma_start3A_1857, %dma_start3A_1858] : memref<1000000x32xf32, #tpu.memory_space<hbm>> -> memref<1000000x32xf32, #tpu.memory_space<hbm>>
    tpu.enqueue_indirect_dma source(%dma_start3A_1859 : memref<1000000x32xf32, #tpu.memory_space<hbm>>) target(%dma_start3A_1854 : memref<128x32xf32, #tpu.memory_space<vmem>>) offsets(%dma_start3A_1856 : memref<128xi32, #tpu.memory_space<vmem>>) semaphore(%arg20 : memref<!tpu.dma_semaphore, #tpu.memory_space<semaphore_mem>>)
    %dma_wait3A_1860 = arith.constant 0 : i32
    %dma_wait3A_1861 = arith.constant 0 : i32
    %dma_wait3A_1862 = tpu.memref_slice %arg14[%dma_wait3A_1860, %dma_wait3A_1861] : memref<1280x32xf32, #tpu.memory_space<vmem>> -> memref<128x32xf32, #tpu.memory_space<vmem>>
    %dma_wait3A_1863 = arith.constant 3840 : i32
    %dma_wait3A_1864 = tpu.memref_slice %arg12[%dma_wait3A_1863] : memref<6400xi32, #tpu.memory_space<vmem>> -> memref<128xi32, #tpu.memory_space<vmem>>
    %dma_wait3A_1865 = arith.constant 0 : i32
    %dma_wait3A_1866 = arith.constant 0 : i32
    %dma_wait3A_1867 = tpu.memref_slice %arg4[%dma_wait3A_1865, %dma_wait3A_1866] : memref<1000000x32xf32, #tpu.memory_space<hbm>> -> memref<1000000x32xf32, #tpu.memory_space<hbm>>
    tpu.wait_indirect_dma semaphore(%arg21 : memref<!tpu.dma_semaphore, #tpu.memory_space<semaphore_mem>>) src(%dma_wait3A_1867 : memref<1000000x32xf32, #tpu.memory_space<hbm>>) dst(%dma_wait3A_1862 : memref<128x32xf32, #tpu.memory_space<vmem>>)
    %dma_wait3A_1868 = arith.constant 128 : i32
    %dma_wait3A_1869 = arith.constant 0 : i32
    %dma_wait3A_1870 = tpu.memref_slice %arg14[%dma_wait3A_1868, %dma_wait3A_1869] : memref<1280x32xf32, #tpu.memory_space<vmem>> -> memref<128x32xf32, #tpu.memory_space<vmem>>
    %dma_wait3A_1871 = arith.constant 3968 : i32
    %dma_wait3A_1872 = tpu.memref_slice %arg12[%dma_wait3A_1871] : memref<6400xi32, #tpu.memory_space<vmem>> -> memref<128xi32, #tpu.memory_space<vmem>>
    %dma_wait3A_1873 = arith.constant 0 : i32
    %dma_wait3A_1874 = arith.constant 0 : i32
    %dma_wait3A_1875 = tpu.memref_slice %arg4[%dma_wait3A_1873, %dma_wait3A_1874] : memref<1000000x32xf32, #tpu.memory_space<hbm>> -> memref<1000000x32xf32, #tpu.memory_space<hbm>>
    tpu.wait_indirect_dma semaphore(%arg21 : memref<!tpu.dma_semaphore, #tpu.memory_space<semaphore_mem>>) src(%dma_wait3A_1875 : memref<1000000x32xf32, #tpu.memory_space<hbm>>) dst(%dma_wait3A_1870 : memref<128x32xf32, #tpu.memory_space<vmem>>)
    %dma_wait3A_1876 = arith.constant 256 : i32
    %dma_wait3A_1877 = arith.constant 0 : i32
    %dma_wait3A_1878 = tpu.memref_slice %arg14[%dma_wait3A_1876, %dma_wait3A_1877] : memref<1280x32xf32, #tpu.memory_space<vmem>> -> memref<128x32xf32, #tpu.memory_space<vmem>>
    %dma_wait3A_1879 = arith.constant 4096 : i32
    %dma_wait3A_1880 = tpu.memref_slice %arg12[%dma_wait3A_1879] : memref<6400xi32, #tpu.memory_space<vmem>> -> memref<128xi32, #tpu.memory_space<vmem>>
    %dma_wait3A_1881 = arith.constant 0 : i32
    %dma_wait3A_1882 = arith.constant 0 : i32
    %dma_wait3A_1883 = tpu.memref_slice %arg4[%dma_wait3A_1881, %dma_wait3A_1882] : memref<1000000x32xf32, #tpu.memory_space<hbm>> -> memref<1000000x32xf32, #tpu.memory_space<hbm>>
    tpu.wait_indirect_dma semaphore(%arg21 : memref<!tpu.dma_semaphore, #tpu.memory_space<semaphore_mem>>) src(%dma_wait3A_1883 : memref<1000000x32xf32, #tpu.memory_space<hbm>>) dst(%dma_wait3A_1878 : memref<128x32xf32, #tpu.memory_space<vmem>>)
    %dma_wait3A_1884 = arith.constant 384 : i32
    %dma_wait3A_1885 = arith.constant 0 : i32
    %dma_wait3A_1886 = tpu.memref_slice %arg14[%dma_wait3A_1884, %dma_wait3A_1885] : memref<1280x32xf32, #tpu.memory_space<vmem>> -> memref<128x32xf32, #tpu.memory_space<vmem>>
    %dma_wait3A_1887 = arith.constant 4224 : i32
    %dma_wait3A_1888 = tpu.memref_slice %arg12[%dma_wait3A_1887] : memref<6400xi32, #tpu.memory_space<vmem>> -> memref<128xi32, #tpu.memory_space<vmem>>
    %dma_wait3A_1889 = arith.constant 0 : i32
    %dma_wait3A_1890 = arith.constant 0 : i32
    %dma_wait3A_1891 = tpu.memref_slice %arg4[%dma_wait3A_1889, %dma_wait3A_1890] : memref<1000000x32xf32, #tpu.memory_space<hbm>> -> memref<1000000x32xf32, #tpu.memory_space<hbm>>
    tpu.wait_indirect_dma semaphore(%arg21 : memref<!tpu.dma_semaphore, #tpu.memory_space<semaphore_mem>>) src(%dma_wait3A_1891 : memref<1000000x32xf32, #tpu.memory_space<hbm>>) dst(%dma_wait3A_1886 : memref<128x32xf32, #tpu.memory_space<vmem>>)
    %dma_wait3A_1892 = arith.constant 512 : i32
    %dma_wait3A_1893 = arith.constant 0 : i32
    %dma_wait3A_1894 = tpu.memref_slice %arg14[%dma_wait3A_1892, %dma_wait3A_1893] : memref<1280x32xf32, #tpu.memory_space<vmem>> -> memref<128x32xf32, #tpu.memory_space<vmem>>
    %dma_wait3A_1895 = arith.constant 4352 : i32
    %dma_wait3A_1896 = tpu.memref_slice %arg12[%dma_wait3A_1895] : memref<6400xi32, #tpu.memory_space<vmem>> -> memref<128xi32, #tpu.memory_space<vmem>>
    %dma_wait3A_1897 = arith.constant 0 : i32
    %dma_wait3A_1898 = arith.constant 0 : i32
    %dma_wait3A_1899 = tpu.memref_slice %arg4[%dma_wait3A_1897, %dma_wait3A_1898] : memref<1000000x32xf32, #tpu.memory_space<hbm>> -> memref<1000000x32xf32, #tpu.memory_space<hbm>>
    tpu.wait_indirect_dma semaphore(%arg21 : memref<!tpu.dma_semaphore, #tpu.memory_space<semaphore_mem>>) src(%dma_wait3A_1899 : memref<1000000x32xf32, #tpu.memory_space<hbm>>) dst(%dma_wait3A_1894 : memref<128x32xf32, #tpu.memory_space<vmem>>)
    %dma_wait3A_1900 = arith.constant 640 : i32
    %dma_wait3A_1901 = arith.constant 0 : i32
    %dma_wait3A_1902 = tpu.memref_slice %arg14[%dma_wait3A_1900, %dma_wait3A_1901] : memref<1280x32xf32, #tpu.memory_space<vmem>> -> memref<128x32xf32, #tpu.memory_space<vmem>>
    %dma_wait3A_1903 = arith.constant 4480 : i32
    %dma_wait3A_1904 = tpu.memref_slice %arg12[%dma_wait3A_1903] : memref<6400xi32, #tpu.memory_space<vmem>> -> memref<128xi32, #tpu.memory_space<vmem>>
    %dma_wait3A_1905 = arith.constant 0 : i32
    %dma_wait3A_1906 = arith.constant 0 : i32
    %dma_wait3A_1907 = tpu.memref_slice %arg4[%dma_wait3A_1905, %dma_wait3A_1906] : memref<1000000x32xf32, #tpu.memory_space<hbm>> -> memref<1000000x32xf32, #tpu.memory_space<hbm>>
    tpu.wait_indirect_dma semaphore(%arg21 : memref<!tpu.dma_semaphore, #tpu.memory_space<semaphore_mem>>) src(%dma_wait3A_1907 : memref<1000000x32xf32, #tpu.memory_space<hbm>>) dst(%dma_wait3A_1902 : memref<128x32xf32, #tpu.memory_space<vmem>>)
    %dma_wait3A_1908 = arith.constant 768 : i32
    %dma_wait3A_1909 = arith.constant 0 : i32
    %dma_wait3A_1910 = tpu.memref_slice %arg14[%dma_wait3A_1908, %dma_wait3A_1909] : memref<1280x32xf32, #tpu.memory_space<vmem>> -> memref<128x32xf32, #tpu.memory_space<vmem>>
    %dma_wait3A_1911 = arith.constant 4608 : i32
    %dma_wait3A_1912 = tpu.memref_slice %arg12[%dma_wait3A_1911] : memref<6400xi32, #tpu.memory_space<vmem>> -> memref<128xi32, #tpu.memory_space<vmem>>
    %dma_wait3A_1913 = arith.constant 0 : i32
    %dma_wait3A_1914 = arith.constant 0 : i32
    %dma_wait3A_1915 = tpu.memref_slice %arg4[%dma_wait3A_1913, %dma_wait3A_1914] : memref<1000000x32xf32, #tpu.memory_space<hbm>> -> memref<1000000x32xf32, #tpu.memory_space<hbm>>
    tpu.wait_indirect_dma semaphore(%arg21 : memref<!tpu.dma_semaphore, #tpu.memory_space<semaphore_mem>>) src(%dma_wait3A_1915 : memref<1000000x32xf32, #tpu.memory_space<hbm>>) dst(%dma_wait3A_1910 : memref<128x32xf32, #tpu.memory_space<vmem>>)
    %dma_wait3A_1916 = arith.constant 896 : i32
    %dma_wait3A_1917 = arith.constant 0 : i32
    %dma_wait3A_1918 = tpu.memref_slice %arg14[%dma_wait3A_1916, %dma_wait3A_1917] : memref<1280x32xf32, #tpu.memory_space<vmem>> -> memref<128x32xf32, #tpu.memory_space<vmem>>
    %dma_wait3A_1919 = arith.constant 4736 : i32
    %dma_wait3A_1920 = tpu.memref_slice %arg12[%dma_wait3A_1919] : memref<6400xi32, #tpu.memory_space<vmem>> -> memref<128xi32, #tpu.memory_space<vmem>>
    %dma_wait3A_1921 = arith.constant 0 : i32
    %dma_wait3A_1922 = arith.constant 0 : i32
    %dma_wait3A_1923 = tpu.memref_slice %arg4[%dma_wait3A_1921, %dma_wait3A_1922] : memref<1000000x32xf32, #tpu.memory_space<hbm>> -> memref<1000000x32xf32, #tpu.memory_space<hbm>>
    tpu.wait_indirect_dma semaphore(%arg21 : memref<!tpu.dma_semaphore, #tpu.memory_space<semaphore_mem>>) src(%dma_wait3A_1923 : memref<1000000x32xf32, #tpu.memory_space<hbm>>) dst(%dma_wait3A_1918 : memref<128x32xf32, #tpu.memory_space<vmem>>)
    %dma_wait3A_1924 = arith.constant 1024 : i32
    %dma_wait3A_1925 = arith.constant 0 : i32
    %dma_wait3A_1926 = tpu.memref_slice %arg14[%dma_wait3A_1924, %dma_wait3A_1925] : memref<1280x32xf32, #tpu.memory_space<vmem>> -> memref<128x32xf32, #tpu.memory_space<vmem>>
    %dma_wait3A_1927 = arith.constant 4864 : i32
    %dma_wait3A_1928 = tpu.memref_slice %arg12[%dma_wait3A_1927] : memref<6400xi32, #tpu.memory_space<vmem>> -> memref<128xi32, #tpu.memory_space<vmem>>
    %dma_wait3A_1929 = arith.constant 0 : i32
    %dma_wait3A_1930 = arith.constant 0 : i32
    %dma_wait3A_1931 = tpu.memref_slice %arg4[%dma_wait3A_1929, %dma_wait3A_1930] : memref<1000000x32xf32, #tpu.memory_space<hbm>> -> memref<1000000x32xf32, #tpu.memory_space<hbm>>
    tpu.wait_indirect_dma semaphore(%arg21 : memref<!tpu.dma_semaphore, #tpu.memory_space<semaphore_mem>>) src(%dma_wait3A_1931 : memref<1000000x32xf32, #tpu.memory_space<hbm>>) dst(%dma_wait3A_1926 : memref<128x32xf32, #tpu.memory_space<vmem>>)
    %dma_wait3A_1932 = arith.constant 1152 : i32
    %dma_wait3A_1933 = arith.constant 0 : i32
    %dma_wait3A_1934 = tpu.memref_slice %arg14[%dma_wait3A_1932, %dma_wait3A_1933] : memref<1280x32xf32, #tpu.memory_space<vmem>> -> memref<128x32xf32, #tpu.memory_space<vmem>>
    %dma_wait3A_1935 = arith.constant 4992 : i32
    %dma_wait3A_1936 = tpu.memref_slice %arg12[%dma_wait3A_1935] : memref<6400xi32, #tpu.memory_space<vmem>> -> memref<128xi32, #tpu.memory_space<vmem>>
    %dma_wait3A_1937 = arith.constant 0 : i32
    %dma_wait3A_1938 = arith.constant 0 : i32
    %dma_wait3A_1939 = tpu.memref_slice %arg4[%dma_wait3A_1937, %dma_wait3A_1938] : memref<1000000x32xf32, #tpu.memory_space<hbm>> -> memref<1000000x32xf32, #tpu.memory_space<hbm>>
    tpu.wait_indirect_dma semaphore(%arg21 : memref<!tpu.dma_semaphore, #tpu.memory_space<semaphore_mem>>) src(%dma_wait3A_1939 : memref<1000000x32xf32, #tpu.memory_space<hbm>>) dst(%dma_wait3A_1934 : memref<128x32xf32, #tpu.memory_space<vmem>>)
    %dma_start3A_1940 = arith.constant 30 : i32
    %dma_start3A_1941 = arith.constant 0 : i32
    %dma_start3A_1942 = arith.constant 0 : i32
    %dma_start3A_1943 = tpu.memref_slice %arg14[%dma_start3A_1941, %dma_start3A_1942] : memref<1280x32xf32, #tpu.memory_space<vmem>> -> memref<128x32xf32, #tpu.memory_space<vmem>>
    %dma_start3A_1944 = arith.constant 0 : i32
    %dma_start3A_1945 = tpu.memref_slice %arg11[%dma_start3A_1940, %dma_start3A_1944] : memref<50x128xi32, #tpu.memory_space<vmem>> -> memref<1x128xi32, #tpu.memory_space<vmem>>
    %dma_start3A_1946 = tpu.memref_squeeze %dma_start3A_1945 : memref<1x128xi32, #tpu.memory_space<vmem>> -> memref<128xi32, #tpu.memory_space<vmem>>
    %dma_start3A_1947 = arith.constant 0 : i32
    %dma_start3A_1948 = arith.constant 0 : i32
    %dma_start3A_1949 = tpu.memref_slice %arg17[%dma_start3A_1947, %dma_start3A_1948] : memref<4096x32xf32, #tpu.memory_space<vmem_shared>> -> memref<4096x32xf32, #tpu.memory_space<vmem_shared>>
    tpu.enqueue_indirect_dma source(%dma_start3A_1943 : memref<128x32xf32, #tpu.memory_space<vmem>>) target(%dma_start3A_1949 : memref<4096x32xf32, #tpu.memory_space<vmem_shared>>) offsets(%dma_start3A_1946 : memref<128xi32, #tpu.memory_space<vmem>>) semaphore(%arg23 : memref<!tpu.dma_semaphore, #tpu.memory_space<semaphore_mem>>) {add = true}
    %dma_start3A_1950 = arith.constant 31 : i32
    %dma_start3A_1951 = arith.constant 128 : i32
    %dma_start3A_1952 = arith.constant 0 : i32
    %dma_start3A_1953 = tpu.memref_slice %arg14[%dma_start3A_1951, %dma_start3A_1952] : memref<1280x32xf32, #tpu.memory_space<vmem>> -> memref<128x32xf32, #tpu.memory_space<vmem>>
    %dma_start3A_1954 = arith.constant 0 : i32
    %dma_start3A_1955 = tpu.memref_slice %arg11[%dma_start3A_1950, %dma_start3A_1954] : memref<50x128xi32, #tpu.memory_space<vmem>> -> memref<1x128xi32, #tpu.memory_space<vmem>>
    %dma_start3A_1956 = tpu.memref_squeeze %dma_start3A_1955 : memref<1x128xi32, #tpu.memory_space<vmem>> -> memref<128xi32, #tpu.memory_space<vmem>>
    %dma_start3A_1957 = arith.constant 0 : i32
    %dma_start3A_1958 = arith.constant 0 : i32
    %dma_start3A_1959 = tpu.memref_slice %arg17[%dma_start3A_1957, %dma_start3A_1958] : memref<4096x32xf32, #tpu.memory_space<vmem_shared>> -> memref<4096x32xf32, #tpu.memory_space<vmem_shared>>
    tpu.enqueue_indirect_dma source(%dma_start3A_1953 : memref<128x32xf32, #tpu.memory_space<vmem>>) target(%dma_start3A_1959 : memref<4096x32xf32, #tpu.memory_space<vmem_shared>>) offsets(%dma_start3A_1956 : memref<128xi32, #tpu.memory_space<vmem>>) semaphore(%arg23 : memref<!tpu.dma_semaphore, #tpu.memory_space<semaphore_mem>>) {add = true}
    %dma_start3A_1960 = arith.constant 32 : i32
    %dma_start3A_1961 = arith.constant 256 : i32
    %dma_start3A_1962 = arith.constant 0 : i32
    %dma_start3A_1963 = tpu.memref_slice %arg14[%dma_start3A_1961, %dma_start3A_1962] : memref<1280x32xf32, #tpu.memory_space<vmem>> -> memref<128x32xf32, #tpu.memory_space<vmem>>
    %dma_start3A_1964 = arith.constant 0 : i32
    %dma_start3A_1965 = tpu.memref_slice %arg11[%dma_start3A_1960, %dma_start3A_1964] : memref<50x128xi32, #tpu.memory_space<vmem>> -> memref<1x128xi32, #tpu.memory_space<vmem>>
    %dma_start3A_1966 = tpu.memref_squeeze %dma_start3A_1965 : memref<1x128xi32, #tpu.memory_space<vmem>> -> memref<128xi32, #tpu.memory_space<vmem>>
    %dma_start3A_1967 = arith.constant 0 : i32
    %dma_start3A_1968 = arith.constant 0 : i32
    %dma_start3A_1969 = tpu.memref_slice %arg17[%dma_start3A_1967, %dma_start3A_1968] : memref<4096x32xf32, #tpu.memory_space<vmem_shared>> -> memref<4096x32xf32, #tpu.memory_space<vmem_shared>>
    tpu.enqueue_indirect_dma source(%dma_start3A_1963 : memref<128x32xf32, #tpu.memory_space<vmem>>) target(%dma_start3A_1969 : memref<4096x32xf32, #tpu.memory_space<vmem_shared>>) offsets(%dma_start3A_1966 : memref<128xi32, #tpu.memory_space<vmem>>) semaphore(%arg23 : memref<!tpu.dma_semaphore, #tpu.memory_space<semaphore_mem>>) {add = true}
    %dma_start3A_1970 = arith.constant 33 : i32
    %dma_start3A_1971 = arith.constant 384 : i32
    %dma_start3A_1972 = arith.constant 0 : i32
    %dma_start3A_1973 = tpu.memref_slice %arg14[%dma_start3A_1971, %dma_start3A_1972] : memref<1280x32xf32, #tpu.memory_space<vmem>> -> memref<128x32xf32, #tpu.memory_space<vmem>>
    %dma_start3A_1974 = arith.constant 0 : i32
    %dma_start3A_1975 = tpu.memref_slice %arg11[%dma_start3A_1970, %dma_start3A_1974] : memref<50x128xi32, #tpu.memory_space<vmem>> -> memref<1x128xi32, #tpu.memory_space<vmem>>
    %dma_start3A_1976 = tpu.memref_squeeze %dma_start3A_1975 : memref<1x128xi32, #tpu.memory_space<vmem>> -> memref<128xi32, #tpu.memory_space<vmem>>
    %dma_start3A_1977 = arith.constant 0 : i32
    %dma_start3A_1978 = arith.constant 0 : i32
    %dma_start3A_1979 = tpu.memref_slice %arg17[%dma_start3A_1977, %dma_start3A_1978] : memref<4096x32xf32, #tpu.memory_space<vmem_shared>> -> memref<4096x32xf32, #tpu.memory_space<vmem_shared>>
    tpu.enqueue_indirect_dma source(%dma_start3A_1973 : memref<128x32xf32, #tpu.memory_space<vmem>>) target(%dma_start3A_1979 : memref<4096x32xf32, #tpu.memory_space<vmem_shared>>) offsets(%dma_start3A_1976 : memref<128xi32, #tpu.memory_space<vmem>>) semaphore(%arg23 : memref<!tpu.dma_semaphore, #tpu.memory_space<semaphore_mem>>) {add = true}
    %dma_start3A_1980 = arith.constant 34 : i32
    %dma_start3A_1981 = arith.constant 512 : i32
    %dma_start3A_1982 = arith.constant 0 : i32
    %dma_start3A_1983 = tpu.memref_slice %arg14[%dma_start3A_1981, %dma_start3A_1982] : memref<1280x32xf32, #tpu.memory_space<vmem>> -> memref<128x32xf32, #tpu.memory_space<vmem>>
    %dma_start3A_1984 = arith.constant 0 : i32
    %dma_start3A_1985 = tpu.memref_slice %arg11[%dma_start3A_1980, %dma_start3A_1984] : memref<50x128xi32, #tpu.memory_space<vmem>> -> memref<1x128xi32, #tpu.memory_space<vmem>>
    %dma_start3A_1986 = tpu.memref_squeeze %dma_start3A_1985 : memref<1x128xi32, #tpu.memory_space<vmem>> -> memref<128xi32, #tpu.memory_space<vmem>>
    %dma_start3A_1987 = arith.constant 0 : i32
    %dma_start3A_1988 = arith.constant 0 : i32
    %dma_start3A_1989 = tpu.memref_slice %arg17[%dma_start3A_1987, %dma_start3A_1988] : memref<4096x32xf32, #tpu.memory_space<vmem_shared>> -> memref<4096x32xf32, #tpu.memory_space<vmem_shared>>
    tpu.enqueue_indirect_dma source(%dma_start3A_1983 : memref<128x32xf32, #tpu.memory_space<vmem>>) target(%dma_start3A_1989 : memref<4096x32xf32, #tpu.memory_space<vmem_shared>>) offsets(%dma_start3A_1986 : memref<128xi32, #tpu.memory_space<vmem>>) semaphore(%arg23 : memref<!tpu.dma_semaphore, #tpu.memory_space<semaphore_mem>>) {add = true}
    %dma_start3A_1990 = arith.constant 35 : i32
    %dma_start3A_1991 = arith.constant 640 : i32
    %dma_start3A_1992 = arith.constant 0 : i32
    %dma_start3A_1993 = tpu.memref_slice %arg14[%dma_start3A_1991, %dma_start3A_1992] : memref<1280x32xf32, #tpu.memory_space<vmem>> -> memref<128x32xf32, #tpu.memory_space<vmem>>
    %dma_start3A_1994 = arith.constant 0 : i32
    %dma_start3A_1995 = tpu.memref_slice %arg11[%dma_start3A_1990, %dma_start3A_1994] : memref<50x128xi32, #tpu.memory_space<vmem>> -> memref<1x128xi32, #tpu.memory_space<vmem>>
    %dma_start3A_1996 = tpu.memref_squeeze %dma_start3A_1995 : memref<1x128xi32, #tpu.memory_space<vmem>> -> memref<128xi32, #tpu.memory_space<vmem>>
    %dma_start3A_1997 = arith.constant 0 : i32
    %dma_start3A_1998 = arith.constant 0 : i32
    %dma_start3A_1999 = tpu.memref_slice %arg17[%dma_start3A_1997, %dma_start3A_1998] : memref<4096x32xf32, #tpu.memory_space<vmem_shared>> -> memref<4096x32xf32, #tpu.memory_space<vmem_shared>>
    tpu.enqueue_indirect_dma source(%dma_start3A_1993 : memref<128x32xf32, #tpu.memory_space<vmem>>) target(%dma_start3A_1999 : memref<4096x32xf32, #tpu.memory_space<vmem_shared>>) offsets(%dma_start3A_1996 : memref<128xi32, #tpu.memory_space<vmem>>) semaphore(%arg23 : memref<!tpu.dma_semaphore, #tpu.memory_space<semaphore_mem>>) {add = true}
    %dma_start3A_2000 = arith.constant 36 : i32
    %dma_start3A_2001 = arith.constant 768 : i32
    %dma_start3A_2002 = arith.constant 0 : i32
    %dma_start3A_2003 = tpu.memref_slice %arg14[%dma_start3A_2001, %dma_start3A_2002] : memref<1280x32xf32, #tpu.memory_space<vmem>> -> memref<128x32xf32, #tpu.memory_space<vmem>>
    %dma_start3A_2004 = arith.constant 0 : i32
    %dma_start3A_2005 = tpu.memref_slice %arg11[%dma_start3A_2000, %dma_start3A_2004] : memref<50x128xi32, #tpu.memory_space<vmem>> -> memref<1x128xi32, #tpu.memory_space<vmem>>
    %dma_start3A_2006 = tpu.memref_squeeze %dma_start3A_2005 : memref<1x128xi32, #tpu.memory_space<vmem>> -> memref<128xi32, #tpu.memory_space<vmem>>
    %dma_start3A_2007 = arith.constant 0 : i32
    %dma_start3A_2008 = arith.constant 0 : i32
    %dma_start3A_2009 = tpu.memref_slice %arg17[%dma_start3A_2007, %dma_start3A_2008] : memref<4096x32xf32, #tpu.memory_space<vmem_shared>> -> memref<4096x32xf32, #tpu.memory_space<vmem_shared>>
    tpu.enqueue_indirect_dma source(%dma_start3A_2003 : memref<128x32xf32, #tpu.memory_space<vmem>>) target(%dma_start3A_2009 : memref<4096x32xf32, #tpu.memory_space<vmem_shared>>) offsets(%dma_start3A_2006 : memref<128xi32, #tpu.memory_space<vmem>>) semaphore(%arg23 : memref<!tpu.dma_semaphore, #tpu.memory_space<semaphore_mem>>) {add = true}
    %dma_start3A_2010 = arith.constant 37 : i32
    %dma_start3A_2011 = arith.constant 896 : i32
    %dma_start3A_2012 = arith.constant 0 : i32
    %dma_start3A_2013 = tpu.memref_slice %arg14[%dma_start3A_2011, %dma_start3A_2012] : memref<1280x32xf32, #tpu.memory_space<vmem>> -> memref<128x32xf32, #tpu.memory_space<vmem>>
    %dma_start3A_2014 = arith.constant 0 : i32
    %dma_start3A_2015 = tpu.memref_slice %arg11[%dma_start3A_2010, %dma_start3A_2014] : memref<50x128xi32, #tpu.memory_space<vmem>> -> memref<1x128xi32, #tpu.memory_space<vmem>>
    %dma_start3A_2016 = tpu.memref_squeeze %dma_start3A_2015 : memref<1x128xi32, #tpu.memory_space<vmem>> -> memref<128xi32, #tpu.memory_space<vmem>>
    %dma_start3A_2017 = arith.constant 0 : i32
    %dma_start3A_2018 = arith.constant 0 : i32
    %dma_start3A_2019 = tpu.memref_slice %arg17[%dma_start3A_2017, %dma_start3A_2018] : memref<4096x32xf32, #tpu.memory_space<vmem_shared>> -> memref<4096x32xf32, #tpu.memory_space<vmem_shared>>
    tpu.enqueue_indirect_dma source(%dma_start3A_2013 : memref<128x32xf32, #tpu.memory_space<vmem>>) target(%dma_start3A_2019 : memref<4096x32xf32, #tpu.memory_space<vmem_shared>>) offsets(%dma_start3A_2016 : memref<128xi32, #tpu.memory_space<vmem>>) semaphore(%arg23 : memref<!tpu.dma_semaphore, #tpu.memory_space<semaphore_mem>>) {add = true}
    %dma_start3A_2020 = arith.constant 38 : i32
    %dma_start3A_2021 = arith.constant 1024 : i32
    %dma_start3A_2022 = arith.constant 0 : i32
    %dma_start3A_2023 = tpu.memref_slice %arg14[%dma_start3A_2021, %dma_start3A_2022] : memref<1280x32xf32, #tpu.memory_space<vmem>> -> memref<128x32xf32, #tpu.memory_space<vmem>>
    %dma_start3A_2024 = arith.constant 0 : i32
    %dma_start3A_2025 = tpu.memref_slice %arg11[%dma_start3A_2020, %dma_start3A_2024] : memref<50x128xi32, #tpu.memory_space<vmem>> -> memref<1x128xi32, #tpu.memory_space<vmem>>
    %dma_start3A_2026 = tpu.memref_squeeze %dma_start3A_2025 : memref<1x128xi32, #tpu.memory_space<vmem>> -> memref<128xi32, #tpu.memory_space<vmem>>
    %dma_start3A_2027 = arith.constant 0 : i32
    %dma_start3A_2028 = arith.constant 0 : i32
    %dma_start3A_2029 = tpu.memref_slice %arg17[%dma_start3A_2027, %dma_start3A_2028] : memref<4096x32xf32, #tpu.memory_space<vmem_shared>> -> memref<4096x32xf32, #tpu.memory_space<vmem_shared>>
    tpu.enqueue_indirect_dma source(%dma_start3A_2023 : memref<128x32xf32, #tpu.memory_space<vmem>>) target(%dma_start3A_2029 : memref<4096x32xf32, #tpu.memory_space<vmem_shared>>) offsets(%dma_start3A_2026 : memref<128xi32, #tpu.memory_space<vmem>>) semaphore(%arg23 : memref<!tpu.dma_semaphore, #tpu.memory_space<semaphore_mem>>) {add = true}
    %dma_start3A_2030 = arith.constant 39 : i32
    %dma_start3A_2031 = arith.constant 1152 : i32
    %dma_start3A_2032 = arith.constant 0 : i32
    %dma_start3A_2033 = tpu.memref_slice %arg14[%dma_start3A_2031, %dma_start3A_2032] : memref<1280x32xf32, #tpu.memory_space<vmem>> -> memref<128x32xf32, #tpu.memory_space<vmem>>
    %dma_start3A_2034 = arith.constant 0 : i32
    %dma_start3A_2035 = tpu.memref_slice %arg11[%dma_start3A_2030, %dma_start3A_2034] : memref<50x128xi32, #tpu.memory_space<vmem>> -> memref<1x128xi32, #tpu.memory_space<vmem>>
    %dma_start3A_2036 = tpu.memref_squeeze %dma_start3A_2035 : memref<1x128xi32, #tpu.memory_space<vmem>> -> memref<128xi32, #tpu.memory_space<vmem>>
    %dma_start3A_2037 = arith.constant 0 : i32
    %dma_start3A_2038 = arith.constant 0 : i32
    %dma_start3A_2039 = tpu.memref_slice %arg17[%dma_start3A_2037, %dma_start3A_2038] : memref<4096x32xf32, #tpu.memory_space<vmem_shared>> -> memref<4096x32xf32, #tpu.memory_space<vmem_shared>>
    tpu.enqueue_indirect_dma source(%dma_start3A_2033 : memref<128x32xf32, #tpu.memory_space<vmem>>) target(%dma_start3A_2039 : memref<4096x32xf32, #tpu.memory_space<vmem_shared>>) offsets(%dma_start3A_2036 : memref<128xi32, #tpu.memory_space<vmem>>) semaphore(%arg23 : memref<!tpu.dma_semaphore, #tpu.memory_space<semaphore_mem>>) {add = true}
    %dma_wait3A_2040 = arith.constant 0 : i32
    %dma_wait3A_2041 = arith.constant 0 : i32
    %dma_wait3A_2042 = tpu.memref_slice %arg13[%dma_wait3A_2040, %dma_wait3A_2041] : memref<1280x32xf32, #tpu.memory_space<vmem>> -> memref<128x32xf32, #tpu.memory_space<vmem>>
    %dma_wait3A_2043 = arith.constant 5120 : i32
    %dma_wait3A_2044 = tpu.memref_slice %arg12[%dma_wait3A_2043] : memref<6400xi32, #tpu.memory_space<vmem>> -> memref<128xi32, #tpu.memory_space<vmem>>
    %dma_wait3A_2045 = arith.constant 0 : i32
    %dma_wait3A_2046 = arith.constant 0 : i32
    %dma_wait3A_2047 = tpu.memref_slice %arg4[%dma_wait3A_2045, %dma_wait3A_2046] : memref<1000000x32xf32, #tpu.memory_space<hbm>> -> memref<1000000x32xf32, #tpu.memory_space<hbm>>
    tpu.wait_indirect_dma semaphore(%arg20 : memref<!tpu.dma_semaphore, #tpu.memory_space<semaphore_mem>>) src(%dma_wait3A_2047 : memref<1000000x32xf32, #tpu.memory_space<hbm>>) dst(%dma_wait3A_2042 : memref<128x32xf32, #tpu.memory_space<vmem>>)
    %dma_wait3A_2048 = arith.constant 128 : i32
    %dma_wait3A_2049 = arith.constant 0 : i32
    %dma_wait3A_2050 = tpu.memref_slice %arg13[%dma_wait3A_2048, %dma_wait3A_2049] : memref<1280x32xf32, #tpu.memory_space<vmem>> -> memref<128x32xf32, #tpu.memory_space<vmem>>
    %dma_wait3A_2051 = arith.constant 5248 : i32
    %dma_wait3A_2052 = tpu.memref_slice %arg12[%dma_wait3A_2051] : memref<6400xi32, #tpu.memory_space<vmem>> -> memref<128xi32, #tpu.memory_space<vmem>>
    %dma_wait3A_2053 = arith.constant 0 : i32
    %dma_wait3A_2054 = arith.constant 0 : i32
    %dma_wait3A_2055 = tpu.memref_slice %arg4[%dma_wait3A_2053, %dma_wait3A_2054] : memref<1000000x32xf32, #tpu.memory_space<hbm>> -> memref<1000000x32xf32, #tpu.memory_space<hbm>>
    tpu.wait_indirect_dma semaphore(%arg20 : memref<!tpu.dma_semaphore, #tpu.memory_space<semaphore_mem>>) src(%dma_wait3A_2055 : memref<1000000x32xf32, #tpu.memory_space<hbm>>) dst(%dma_wait3A_2050 : memref<128x32xf32, #tpu.memory_space<vmem>>)
    %dma_wait3A_2056 = arith.constant 256 : i32
    %dma_wait3A_2057 = arith.constant 0 : i32
    %dma_wait3A_2058 = tpu.memref_slice %arg13[%dma_wait3A_2056, %dma_wait3A_2057] : memref<1280x32xf32, #tpu.memory_space<vmem>> -> memref<128x32xf32, #tpu.memory_space<vmem>>
    %dma_wait3A_2059 = arith.constant 5376 : i32
    %dma_wait3A_2060 = tpu.memref_slice %arg12[%dma_wait3A_2059] : memref<6400xi32, #tpu.memory_space<vmem>> -> memref<128xi32, #tpu.memory_space<vmem>>
    %dma_wait3A_2061 = arith.constant 0 : i32
    %dma_wait3A_2062 = arith.constant 0 : i32
    %dma_wait3A_2063 = tpu.memref_slice %arg4[%dma_wait3A_2061, %dma_wait3A_2062] : memref<1000000x32xf32, #tpu.memory_space<hbm>> -> memref<1000000x32xf32, #tpu.memory_space<hbm>>
    tpu.wait_indirect_dma semaphore(%arg20 : memref<!tpu.dma_semaphore, #tpu.memory_space<semaphore_mem>>) src(%dma_wait3A_2063 : memref<1000000x32xf32, #tpu.memory_space<hbm>>) dst(%dma_wait3A_2058 : memref<128x32xf32, #tpu.memory_space<vmem>>)
    %dma_wait3A_2064 = arith.constant 384 : i32
    %dma_wait3A_2065 = arith.constant 0 : i32
    %dma_wait3A_2066 = tpu.memref_slice %arg13[%dma_wait3A_2064, %dma_wait3A_2065] : memref<1280x32xf32, #tpu.memory_space<vmem>> -> memref<128x32xf32, #tpu.memory_space<vmem>>
    %dma_wait3A_2067 = arith.constant 5504 : i32
    %dma_wait3A_2068 = tpu.memref_slice %arg12[%dma_wait3A_2067] : memref<6400xi32, #tpu.memory_space<vmem>> -> memref<128xi32, #tpu.memory_space<vmem>>
    %dma_wait3A_2069 = arith.constant 0 : i32
    %dma_wait3A_2070 = arith.constant 0 : i32
    %dma_wait3A_2071 = tpu.memref_slice %arg4[%dma_wait3A_2069, %dma_wait3A_2070] : memref<1000000x32xf32, #tpu.memory_space<hbm>> -> memref<1000000x32xf32, #tpu.memory_space<hbm>>
    tpu.wait_indirect_dma semaphore(%arg20 : memref<!tpu.dma_semaphore, #tpu.memory_space<semaphore_mem>>) src(%dma_wait3A_2071 : memref<1000000x32xf32, #tpu.memory_space<hbm>>) dst(%dma_wait3A_2066 : memref<128x32xf32, #tpu.memory_space<vmem>>)
    %dma_wait3A_2072 = arith.constant 512 : i32
    %dma_wait3A_2073 = arith.constant 0 : i32
    %dma_wait3A_2074 = tpu.memref_slice %arg13[%dma_wait3A_2072, %dma_wait3A_2073] : memref<1280x32xf32, #tpu.memory_space<vmem>> -> memref<128x32xf32, #tpu.memory_space<vmem>>
    %dma_wait3A_2075 = arith.constant 5632 : i32
    %dma_wait3A_2076 = tpu.memref_slice %arg12[%dma_wait3A_2075] : memref<6400xi32, #tpu.memory_space<vmem>> -> memref<128xi32, #tpu.memory_space<vmem>>
    %dma_wait3A_2077 = arith.constant 0 : i32
    %dma_wait3A_2078 = arith.constant 0 : i32
    %dma_wait3A_2079 = tpu.memref_slice %arg4[%dma_wait3A_2077, %dma_wait3A_2078] : memref<1000000x32xf32, #tpu.memory_space<hbm>> -> memref<1000000x32xf32, #tpu.memory_space<hbm>>
    tpu.wait_indirect_dma semaphore(%arg20 : memref<!tpu.dma_semaphore, #tpu.memory_space<semaphore_mem>>) src(%dma_wait3A_2079 : memref<1000000x32xf32, #tpu.memory_space<hbm>>) dst(%dma_wait3A_2074 : memref<128x32xf32, #tpu.memory_space<vmem>>)
    %dma_wait3A_2080 = arith.constant 640 : i32
    %dma_wait3A_2081 = arith.constant 0 : i32
    %dma_wait3A_2082 = tpu.memref_slice %arg13[%dma_wait3A_2080, %dma_wait3A_2081] : memref<1280x32xf32, #tpu.memory_space<vmem>> -> memref<128x32xf32, #tpu.memory_space<vmem>>
    %dma_wait3A_2083 = arith.constant 5760 : i32
    %dma_wait3A_2084 = tpu.memref_slice %arg12[%dma_wait3A_2083] : memref<6400xi32, #tpu.memory_space<vmem>> -> memref<128xi32, #tpu.memory_space<vmem>>
    %dma_wait3A_2085 = arith.constant 0 : i32
    %dma_wait3A_2086 = arith.constant 0 : i32
    %dma_wait3A_2087 = tpu.memref_slice %arg4[%dma_wait3A_2085, %dma_wait3A_2086] : memref<1000000x32xf32, #tpu.memory_space<hbm>> -> memref<1000000x32xf32, #tpu.memory_space<hbm>>
    tpu.wait_indirect_dma semaphore(%arg20 : memref<!tpu.dma_semaphore, #tpu.memory_space<semaphore_mem>>) src(%dma_wait3A_2087 : memref<1000000x32xf32, #tpu.memory_space<hbm>>) dst(%dma_wait3A_2082 : memref<128x32xf32, #tpu.memory_space<vmem>>)
    %dma_wait3A_2088 = arith.constant 768 : i32
    %dma_wait3A_2089 = arith.constant 0 : i32
    %dma_wait3A_2090 = tpu.memref_slice %arg13[%dma_wait3A_2088, %dma_wait3A_2089] : memref<1280x32xf32, #tpu.memory_space<vmem>> -> memref<128x32xf32, #tpu.memory_space<vmem>>
    %dma_wait3A_2091 = arith.constant 5888 : i32
    %dma_wait3A_2092 = tpu.memref_slice %arg12[%dma_wait3A_2091] : memref<6400xi32, #tpu.memory_space<vmem>> -> memref<128xi32, #tpu.memory_space<vmem>>
    %dma_wait3A_2093 = arith.constant 0 : i32
    %dma_wait3A_2094 = arith.constant 0 : i32
    %dma_wait3A_2095 = tpu.memref_slice %arg4[%dma_wait3A_2093, %dma_wait3A_2094] : memref<1000000x32xf32, #tpu.memory_space<hbm>> -> memref<1000000x32xf32, #tpu.memory_space<hbm>>
    tpu.wait_indirect_dma semaphore(%arg20 : memref<!tpu.dma_semaphore, #tpu.memory_space<semaphore_mem>>) src(%dma_wait3A_2095 : memref<1000000x32xf32, #tpu.memory_space<hbm>>) dst(%dma_wait3A_2090 : memref<128x32xf32, #tpu.memory_space<vmem>>)
    %dma_wait3A_2096 = arith.constant 896 : i32
    %dma_wait3A_2097 = arith.constant 0 : i32
    %dma_wait3A_2098 = tpu.memref_slice %arg13[%dma_wait3A_2096, %dma_wait3A_2097] : memref<1280x32xf32, #tpu.memory_space<vmem>> -> memref<128x32xf32, #tpu.memory_space<vmem>>
    %dma_wait3A_2099 = arith.constant 6016 : i32
    %dma_wait3A_2100 = tpu.memref_slice %arg12[%dma_wait3A_2099] : memref<6400xi32, #tpu.memory_space<vmem>> -> memref<128xi32, #tpu.memory_space<vmem>>
    %dma_wait3A_2101 = arith.constant 0 : i32
    %dma_wait3A_2102 = arith.constant 0 : i32
    %dma_wait3A_2103 = tpu.memref_slice %arg4[%dma_wait3A_2101, %dma_wait3A_2102] : memref<1000000x32xf32, #tpu.memory_space<hbm>> -> memref<1000000x32xf32, #tpu.memory_space<hbm>>
    tpu.wait_indirect_dma semaphore(%arg20 : memref<!tpu.dma_semaphore, #tpu.memory_space<semaphore_mem>>) src(%dma_wait3A_2103 : memref<1000000x32xf32, #tpu.memory_space<hbm>>) dst(%dma_wait3A_2098 : memref<128x32xf32, #tpu.memory_space<vmem>>)
    %dma_wait3A_2104 = arith.constant 1024 : i32
    %dma_wait3A_2105 = arith.constant 0 : i32
    %dma_wait3A_2106 = tpu.memref_slice %arg13[%dma_wait3A_2104, %dma_wait3A_2105] : memref<1280x32xf32, #tpu.memory_space<vmem>> -> memref<128x32xf32, #tpu.memory_space<vmem>>
    %dma_wait3A_2107 = arith.constant 6144 : i32
    %dma_wait3A_2108 = tpu.memref_slice %arg12[%dma_wait3A_2107] : memref<6400xi32, #tpu.memory_space<vmem>> -> memref<128xi32, #tpu.memory_space<vmem>>
    %dma_wait3A_2109 = arith.constant 0 : i32
    %dma_wait3A_2110 = arith.constant 0 : i32
    %dma_wait3A_2111 = tpu.memref_slice %arg4[%dma_wait3A_2109, %dma_wait3A_2110] : memref<1000000x32xf32, #tpu.memory_space<hbm>> -> memref<1000000x32xf32, #tpu.memory_space<hbm>>
    tpu.wait_indirect_dma semaphore(%arg20 : memref<!tpu.dma_semaphore, #tpu.memory_space<semaphore_mem>>) src(%dma_wait3A_2111 : memref<1000000x32xf32, #tpu.memory_space<hbm>>) dst(%dma_wait3A_2106 : memref<128x32xf32, #tpu.memory_space<vmem>>)
    %dma_wait3A_2112 = arith.constant 1152 : i32
    %dma_wait3A_2113 = arith.constant 0 : i32
    %dma_wait3A_2114 = tpu.memref_slice %arg13[%dma_wait3A_2112, %dma_wait3A_2113] : memref<1280x32xf32, #tpu.memory_space<vmem>> -> memref<128x32xf32, #tpu.memory_space<vmem>>
    %dma_wait3A_2115 = arith.constant 6272 : i32
    %dma_wait3A_2116 = tpu.memref_slice %arg12[%dma_wait3A_2115] : memref<6400xi32, #tpu.memory_space<vmem>> -> memref<128xi32, #tpu.memory_space<vmem>>
    %dma_wait3A_2117 = arith.constant 0 : i32
    %dma_wait3A_2118 = arith.constant 0 : i32
    %dma_wait3A_2119 = tpu.memref_slice %arg4[%dma_wait3A_2117, %dma_wait3A_2118] : memref<1000000x32xf32, #tpu.memory_space<hbm>> -> memref<1000000x32xf32, #tpu.memory_space<hbm>>
    tpu.wait_indirect_dma semaphore(%arg20 : memref<!tpu.dma_semaphore, #tpu.memory_space<semaphore_mem>>) src(%dma_wait3A_2119 : memref<1000000x32xf32, #tpu.memory_space<hbm>>) dst(%dma_wait3A_2114 : memref<128x32xf32, #tpu.memory_space<vmem>>)
    %dma_start3A_2120 = arith.constant 40 : i32
    %dma_start3A_2121 = arith.constant 0 : i32
    %dma_start3A_2122 = arith.constant 0 : i32
    %dma_start3A_2123 = tpu.memref_slice %arg13[%dma_start3A_2121, %dma_start3A_2122] : memref<1280x32xf32, #tpu.memory_space<vmem>> -> memref<128x32xf32, #tpu.memory_space<vmem>>
    %dma_start3A_2124 = arith.constant 0 : i32
    %dma_start3A_2125 = tpu.memref_slice %arg11[%dma_start3A_2120, %dma_start3A_2124] : memref<50x128xi32, #tpu.memory_space<vmem>> -> memref<1x128xi32, #tpu.memory_space<vmem>>
    %dma_start3A_2126 = tpu.memref_squeeze %dma_start3A_2125 : memref<1x128xi32, #tpu.memory_space<vmem>> -> memref<128xi32, #tpu.memory_space<vmem>>
    %dma_start3A_2127 = arith.constant 0 : i32
    %dma_start3A_2128 = arith.constant 0 : i32
    %dma_start3A_2129 = tpu.memref_slice %arg17[%dma_start3A_2127, %dma_start3A_2128] : memref<4096x32xf32, #tpu.memory_space<vmem_shared>> -> memref<4096x32xf32, #tpu.memory_space<vmem_shared>>
    tpu.enqueue_indirect_dma source(%dma_start3A_2123 : memref<128x32xf32, #tpu.memory_space<vmem>>) target(%dma_start3A_2129 : memref<4096x32xf32, #tpu.memory_space<vmem_shared>>) offsets(%dma_start3A_2126 : memref<128xi32, #tpu.memory_space<vmem>>) semaphore(%arg22 : memref<!tpu.dma_semaphore, #tpu.memory_space<semaphore_mem>>) {add = true}
    %dma_start3A_2130 = arith.constant 41 : i32
    %dma_start3A_2131 = arith.constant 128 : i32
    %dma_start3A_2132 = arith.constant 0 : i32
    %dma_start3A_2133 = tpu.memref_slice %arg13[%dma_start3A_2131, %dma_start3A_2132] : memref<1280x32xf32, #tpu.memory_space<vmem>> -> memref<128x32xf32, #tpu.memory_space<vmem>>
    %dma_start3A_2134 = arith.constant 0 : i32
    %dma_start3A_2135 = tpu.memref_slice %arg11[%dma_start3A_2130, %dma_start3A_2134] : memref<50x128xi32, #tpu.memory_space<vmem>> -> memref<1x128xi32, #tpu.memory_space<vmem>>
    %dma_start3A_2136 = tpu.memref_squeeze %dma_start3A_2135 : memref<1x128xi32, #tpu.memory_space<vmem>> -> memref<128xi32, #tpu.memory_space<vmem>>
    %dma_start3A_2137 = arith.constant 0 : i32
    %dma_start3A_2138 = arith.constant 0 : i32
    %dma_start3A_2139 = tpu.memref_slice %arg17[%dma_start3A_2137, %dma_start3A_2138] : memref<4096x32xf32, #tpu.memory_space<vmem_shared>> -> memref<4096x32xf32, #tpu.memory_space<vmem_shared>>
    tpu.enqueue_indirect_dma source(%dma_start3A_2133 : memref<128x32xf32, #tpu.memory_space<vmem>>) target(%dma_start3A_2139 : memref<4096x32xf32, #tpu.memory_space<vmem_shared>>) offsets(%dma_start3A_2136 : memref<128xi32, #tpu.memory_space<vmem>>) semaphore(%arg22 : memref<!tpu.dma_semaphore, #tpu.memory_space<semaphore_mem>>) {add = true}
    %dma_start3A_2140 = arith.constant 42 : i32
    %dma_start3A_2141 = arith.constant 256 : i32
    %dma_start3A_2142 = arith.constant 0 : i32
    %dma_start3A_2143 = tpu.memref_slice %arg13[%dma_start3A_2141, %dma_start3A_2142] : memref<1280x32xf32, #tpu.memory_space<vmem>> -> memref<128x32xf32, #tpu.memory_space<vmem>>
    %dma_start3A_2144 = arith.constant 0 : i32
    %dma_start3A_2145 = tpu.memref_slice %arg11[%dma_start3A_2140, %dma_start3A_2144] : memref<50x128xi32, #tpu.memory_space<vmem>> -> memref<1x128xi32, #tpu.memory_space<vmem>>
    %dma_start3A_2146 = tpu.memref_squeeze %dma_start3A_2145 : memref<1x128xi32, #tpu.memory_space<vmem>> -> memref<128xi32, #tpu.memory_space<vmem>>
    %dma_start3A_2147 = arith.constant 0 : i32
    %dma_start3A_2148 = arith.constant 0 : i32
    %dma_start3A_2149 = tpu.memref_slice %arg17[%dma_start3A_2147, %dma_start3A_2148] : memref<4096x32xf32, #tpu.memory_space<vmem_shared>> -> memref<4096x32xf32, #tpu.memory_space<vmem_shared>>
    tpu.enqueue_indirect_dma source(%dma_start3A_2143 : memref<128x32xf32, #tpu.memory_space<vmem>>) target(%dma_start3A_2149 : memref<4096x32xf32, #tpu.memory_space<vmem_shared>>) offsets(%dma_start3A_2146 : memref<128xi32, #tpu.memory_space<vmem>>) semaphore(%arg22 : memref<!tpu.dma_semaphore, #tpu.memory_space<semaphore_mem>>) {add = true}
    %dma_start3A_2150 = arith.constant 43 : i32
    %dma_start3A_2151 = arith.constant 384 : i32
    %dma_start3A_2152 = arith.constant 0 : i32
    %dma_start3A_2153 = tpu.memref_slice %arg13[%dma_start3A_2151, %dma_start3A_2152] : memref<1280x32xf32, #tpu.memory_space<vmem>> -> memref<128x32xf32, #tpu.memory_space<vmem>>
    %dma_start3A_2154 = arith.constant 0 : i32
    %dma_start3A_2155 = tpu.memref_slice %arg11[%dma_start3A_2150, %dma_start3A_2154] : memref<50x128xi32, #tpu.memory_space<vmem>> -> memref<1x128xi32, #tpu.memory_space<vmem>>
    %dma_start3A_2156 = tpu.memref_squeeze %dma_start3A_2155 : memref<1x128xi32, #tpu.memory_space<vmem>> -> memref<128xi32, #tpu.memory_space<vmem>>
    %dma_start3A_2157 = arith.constant 0 : i32
    %dma_start3A_2158 = arith.constant 0 : i32
    %dma_start3A_2159 = tpu.memref_slice %arg17[%dma_start3A_2157, %dma_start3A_2158] : memref<4096x32xf32, #tpu.memory_space<vmem_shared>> -> memref<4096x32xf32, #tpu.memory_space<vmem_shared>>
    tpu.enqueue_indirect_dma source(%dma_start3A_2153 : memref<128x32xf32, #tpu.memory_space<vmem>>) target(%dma_start3A_2159 : memref<4096x32xf32, #tpu.memory_space<vmem_shared>>) offsets(%dma_start3A_2156 : memref<128xi32, #tpu.memory_space<vmem>>) semaphore(%arg22 : memref<!tpu.dma_semaphore, #tpu.memory_space<semaphore_mem>>) {add = true}
    %dma_start3A_2160 = arith.constant 44 : i32
    %dma_start3A_2161 = arith.constant 512 : i32
    %dma_start3A_2162 = arith.constant 0 : i32
    %dma_start3A_2163 = tpu.memref_slice %arg13[%dma_start3A_2161, %dma_start3A_2162] : memref<1280x32xf32, #tpu.memory_space<vmem>> -> memref<128x32xf32, #tpu.memory_space<vmem>>
    %dma_start3A_2164 = arith.constant 0 : i32
    %dma_start3A_2165 = tpu.memref_slice %arg11[%dma_start3A_2160, %dma_start3A_2164] : memref<50x128xi32, #tpu.memory_space<vmem>> -> memref<1x128xi32, #tpu.memory_space<vmem>>
    %dma_start3A_2166 = tpu.memref_squeeze %dma_start3A_2165 : memref<1x128xi32, #tpu.memory_space<vmem>> -> memref<128xi32, #tpu.memory_space<vmem>>
    %dma_start3A_2167 = arith.constant 0 : i32
    %dma_start3A_2168 = arith.constant 0 : i32
    %dma_start3A_2169 = tpu.memref_slice %arg17[%dma_start3A_2167, %dma_start3A_2168] : memref<4096x32xf32, #tpu.memory_space<vmem_shared>> -> memref<4096x32xf32, #tpu.memory_space<vmem_shared>>
    tpu.enqueue_indirect_dma source(%dma_start3A_2163 : memref<128x32xf32, #tpu.memory_space<vmem>>) target(%dma_start3A_2169 : memref<4096x32xf32, #tpu.memory_space<vmem_shared>>) offsets(%dma_start3A_2166 : memref<128xi32, #tpu.memory_space<vmem>>) semaphore(%arg22 : memref<!tpu.dma_semaphore, #tpu.memory_space<semaphore_mem>>) {add = true}
    %dma_start3A_2170 = arith.constant 45 : i32
    %dma_start3A_2171 = arith.constant 640 : i32
    %dma_start3A_2172 = arith.constant 0 : i32
    %dma_start3A_2173 = tpu.memref_slice %arg13[%dma_start3A_2171, %dma_start3A_2172] : memref<1280x32xf32, #tpu.memory_space<vmem>> -> memref<128x32xf32, #tpu.memory_space<vmem>>
    %dma_start3A_2174 = arith.constant 0 : i32
    %dma_start3A_2175 = tpu.memref_slice %arg11[%dma_start3A_2170, %dma_start3A_2174] : memref<50x128xi32, #tpu.memory_space<vmem>> -> memref<1x128xi32, #tpu.memory_space<vmem>>
    %dma_start3A_2176 = tpu.memref_squeeze %dma_start3A_2175 : memref<1x128xi32, #tpu.memory_space<vmem>> -> memref<128xi32, #tpu.memory_space<vmem>>
    %dma_start3A_2177 = arith.constant 0 : i32
    %dma_start3A_2178 = arith.constant 0 : i32
    %dma_start3A_2179 = tpu.memref_slice %arg17[%dma_start3A_2177, %dma_start3A_2178] : memref<4096x32xf32, #tpu.memory_space<vmem_shared>> -> memref<4096x32xf32, #tpu.memory_space<vmem_shared>>
    tpu.enqueue_indirect_dma source(%dma_start3A_2173 : memref<128x32xf32, #tpu.memory_space<vmem>>) target(%dma_start3A_2179 : memref<4096x32xf32, #tpu.memory_space<vmem_shared>>) offsets(%dma_start3A_2176 : memref<128xi32, #tpu.memory_space<vmem>>) semaphore(%arg22 : memref<!tpu.dma_semaphore, #tpu.memory_space<semaphore_mem>>) {add = true}
    %dma_start3A_2180 = arith.constant 46 : i32
    %dma_start3A_2181 = arith.constant 768 : i32
    %dma_start3A_2182 = arith.constant 0 : i32
    %dma_start3A_2183 = tpu.memref_slice %arg13[%dma_start3A_2181, %dma_start3A_2182] : memref<1280x32xf32, #tpu.memory_space<vmem>> -> memref<128x32xf32, #tpu.memory_space<vmem>>
    %dma_start3A_2184 = arith.constant 0 : i32
    %dma_start3A_2185 = tpu.memref_slice %arg11[%dma_start3A_2180, %dma_start3A_2184] : memref<50x128xi32, #tpu.memory_space<vmem>> -> memref<1x128xi32, #tpu.memory_space<vmem>>
    %dma_start3A_2186 = tpu.memref_squeeze %dma_start3A_2185 : memref<1x128xi32, #tpu.memory_space<vmem>> -> memref<128xi32, #tpu.memory_space<vmem>>
    %dma_start3A_2187 = arith.constant 0 : i32
    %dma_start3A_2188 = arith.constant 0 : i32
    %dma_start3A_2189 = tpu.memref_slice %arg17[%dma_start3A_2187, %dma_start3A_2188] : memref<4096x32xf32, #tpu.memory_space<vmem_shared>> -> memref<4096x32xf32, #tpu.memory_space<vmem_shared>>
    tpu.enqueue_indirect_dma source(%dma_start3A_2183 : memref<128x32xf32, #tpu.memory_space<vmem>>) target(%dma_start3A_2189 : memref<4096x32xf32, #tpu.memory_space<vmem_shared>>) offsets(%dma_start3A_2186 : memref<128xi32, #tpu.memory_space<vmem>>) semaphore(%arg22 : memref<!tpu.dma_semaphore, #tpu.memory_space<semaphore_mem>>) {add = true}
    %dma_start3A_2190 = arith.constant 47 : i32
    %dma_start3A_2191 = arith.constant 896 : i32
    %dma_start3A_2192 = arith.constant 0 : i32
    %dma_start3A_2193 = tpu.memref_slice %arg13[%dma_start3A_2191, %dma_start3A_2192] : memref<1280x32xf32, #tpu.memory_space<vmem>> -> memref<128x32xf32, #tpu.memory_space<vmem>>
    %dma_start3A_2194 = arith.constant 0 : i32
    %dma_start3A_2195 = tpu.memref_slice %arg11[%dma_start3A_2190, %dma_start3A_2194] : memref<50x128xi32, #tpu.memory_space<vmem>> -> memref<1x128xi32, #tpu.memory_space<vmem>>
    %dma_start3A_2196 = tpu.memref_squeeze %dma_start3A_2195 : memref<1x128xi32, #tpu.memory_space<vmem>> -> memref<128xi32, #tpu.memory_space<vmem>>
    %dma_start3A_2197 = arith.constant 0 : i32
    %dma_start3A_2198 = arith.constant 0 : i32
    %dma_start3A_2199 = tpu.memref_slice %arg17[%dma_start3A_2197, %dma_start3A_2198] : memref<4096x32xf32, #tpu.memory_space<vmem_shared>> -> memref<4096x32xf32, #tpu.memory_space<vmem_shared>>
    tpu.enqueue_indirect_dma source(%dma_start3A_2193 : memref<128x32xf32, #tpu.memory_space<vmem>>) target(%dma_start3A_2199 : memref<4096x32xf32, #tpu.memory_space<vmem_shared>>) offsets(%dma_start3A_2196 : memref<128xi32, #tpu.memory_space<vmem>>) semaphore(%arg22 : memref<!tpu.dma_semaphore, #tpu.memory_space<semaphore_mem>>) {add = true}
    %dma_start3A_2200 = arith.constant 48 : i32
    %dma_start3A_2201 = arith.constant 1024 : i32
    %dma_start3A_2202 = arith.constant 0 : i32
    %dma_start3A_2203 = tpu.memref_slice %arg13[%dma_start3A_2201, %dma_start3A_2202] : memref<1280x32xf32, #tpu.memory_space<vmem>> -> memref<128x32xf32, #tpu.memory_space<vmem>>
    %dma_start3A_2204 = arith.constant 0 : i32
    %dma_start3A_2205 = tpu.memref_slice %arg11[%dma_start3A_2200, %dma_start3A_2204] : memref<50x128xi32, #tpu.memory_space<vmem>> -> memref<1x128xi32, #tpu.memory_space<vmem>>
    %dma_start3A_2206 = tpu.memref_squeeze %dma_start3A_2205 : memref<1x128xi32, #tpu.memory_space<vmem>> -> memref<128xi32, #tpu.memory_space<vmem>>
    %dma_start3A_2207 = arith.constant 0 : i32
    %dma_start3A_2208 = arith.constant 0 : i32
    %dma_start3A_2209 = tpu.memref_slice %arg17[%dma_start3A_2207, %dma_start3A_2208] : memref<4096x32xf32, #tpu.memory_space<vmem_shared>> -> memref<4096x32xf32, #tpu.memory_space<vmem_shared>>
    tpu.enqueue_indirect_dma source(%dma_start3A_2203 : memref<128x32xf32, #tpu.memory_space<vmem>>) target(%dma_start3A_2209 : memref<4096x32xf32, #tpu.memory_space<vmem_shared>>) offsets(%dma_start3A_2206 : memref<128xi32, #tpu.memory_space<vmem>>) semaphore(%arg22 : memref<!tpu.dma_semaphore, #tpu.memory_space<semaphore_mem>>) {add = true}
    %dma_start3A_2210 = arith.constant 49 : i32
    %dma_start3A_2211 = arith.constant 1152 : i32
    %dma_start3A_2212 = arith.constant 0 : i32
    %dma_start3A_2213 = tpu.memref_slice %arg13[%dma_start3A_2211, %dma_start3A_2212] : memref<1280x32xf32, #tpu.memory_space<vmem>> -> memref<128x32xf32, #tpu.memory_space<vmem>>
    %dma_start3A_2214 = arith.constant 0 : i32
    %dma_start3A_2215 = tpu.memref_slice %arg11[%dma_start3A_2210, %dma_start3A_2214] : memref<50x128xi32, #tpu.memory_space<vmem>> -> memref<1x128xi32, #tpu.memory_space<vmem>>
    %dma_start3A_2216 = tpu.memref_squeeze %dma_start3A_2215 : memref<1x128xi32, #tpu.memory_space<vmem>> -> memref<128xi32, #tpu.memory_space<vmem>>
    %dma_start3A_2217 = arith.constant 0 : i32
    %dma_start3A_2218 = arith.constant 0 : i32
    %dma_start3A_2219 = tpu.memref_slice %arg17[%dma_start3A_2217, %dma_start3A_2218] : memref<4096x32xf32, #tpu.memory_space<vmem_shared>> -> memref<4096x32xf32, #tpu.memory_space<vmem_shared>>
    tpu.enqueue_indirect_dma source(%dma_start3A_2213 : memref<128x32xf32, #tpu.memory_space<vmem>>) target(%dma_start3A_2219 : memref<4096x32xf32, #tpu.memory_space<vmem_shared>>) offsets(%dma_start3A_2216 : memref<128xi32, #tpu.memory_space<vmem>>) semaphore(%arg22 : memref<!tpu.dma_semaphore, #tpu.memory_space<semaphore_mem>>) {add = true}
    %dma_wait3A_2220 = arith.constant 40 : i32
    %dma_wait3A_2221 = arith.constant 0 : i32
    %dma_wait3A_2222 = arith.constant 0 : i32
    %dma_wait3A_2223 = tpu.memref_slice %arg13[%dma_wait3A_2221, %dma_wait3A_2222] : memref<1280x32xf32, #tpu.memory_space<vmem>> -> memref<128x32xf32, #tpu.memory_space<vmem>>
    %dma_wait3A_2224 = arith.constant 0 : i32
    %dma_wait3A_2225 = tpu.memref_slice %arg11[%dma_wait3A_2220, %dma_wait3A_2224] : memref<50x128xi32, #tpu.memory_space<vmem>> -> memref<1x128xi32, #tpu.memory_space<vmem>>
    %dma_wait3A_2226 = tpu.memref_squeeze %dma_wait3A_2225 : memref<1x128xi32, #tpu.memory_space<vmem>> -> memref<128xi32, #tpu.memory_space<vmem>>
    %dma_wait3A_2227 = arith.constant 0 : i32
    %dma_wait3A_2228 = arith.constant 0 : i32
    %dma_wait3A_2229 = tpu.memref_slice %arg17[%dma_wait3A_2227, %dma_wait3A_2228] : memref<4096x32xf32, #tpu.memory_space<vmem_shared>> -> memref<4096x32xf32, #tpu.memory_space<vmem_shared>>
    tpu.wait_indirect_dma semaphore(%arg22 : memref<!tpu.dma_semaphore, #tpu.memory_space<semaphore_mem>>) src(%dma_wait3A_2223 : memref<128x32xf32, #tpu.memory_space<vmem>>) dst(%dma_wait3A_2229 : memref<4096x32xf32, #tpu.memory_space<vmem_shared>>)
    %dma_wait3A_2230 = arith.constant 41 : i32
    %dma_wait3A_2231 = arith.constant 128 : i32
    %dma_wait3A_2232 = arith.constant 0 : i32
    %dma_wait3A_2233 = tpu.memref_slice %arg13[%dma_wait3A_2231, %dma_wait3A_2232] : memref<1280x32xf32, #tpu.memory_space<vmem>> -> memref<128x32xf32, #tpu.memory_space<vmem>>
    %dma_wait3A_2234 = arith.constant 0 : i32
    %dma_wait3A_2235 = tpu.memref_slice %arg11[%dma_wait3A_2230, %dma_wait3A_2234] : memref<50x128xi32, #tpu.memory_space<vmem>> -> memref<1x128xi32, #tpu.memory_space<vmem>>
    %dma_wait3A_2236 = tpu.memref_squeeze %dma_wait3A_2235 : memref<1x128xi32, #tpu.memory_space<vmem>> -> memref<128xi32, #tpu.memory_space<vmem>>
    %dma_wait3A_2237 = arith.constant 0 : i32
    %dma_wait3A_2238 = arith.constant 0 : i32
    %dma_wait3A_2239 = tpu.memref_slice %arg17[%dma_wait3A_2237, %dma_wait3A_2238] : memref<4096x32xf32, #tpu.memory_space<vmem_shared>> -> memref<4096x32xf32, #tpu.memory_space<vmem_shared>>
    tpu.wait_indirect_dma semaphore(%arg22 : memref<!tpu.dma_semaphore, #tpu.memory_space<semaphore_mem>>) src(%dma_wait3A_2233 : memref<128x32xf32, #tpu.memory_space<vmem>>) dst(%dma_wait3A_2239 : memref<4096x32xf32, #tpu.memory_space<vmem_shared>>)
    %dma_wait3A_2240 = arith.constant 42 : i32
    %dma_wait3A_2241 = arith.constant 256 : i32
    %dma_wait3A_2242 = arith.constant 0 : i32
    %dma_wait3A_2243 = tpu.memref_slice %arg13[%dma_wait3A_2241, %dma_wait3A_2242] : memref<1280x32xf32, #tpu.memory_space<vmem>> -> memref<128x32xf32, #tpu.memory_space<vmem>>
    %dma_wait3A_2244 = arith.constant 0 : i32
    %dma_wait3A_2245 = tpu.memref_slice %arg11[%dma_wait3A_2240, %dma_wait3A_2244] : memref<50x128xi32, #tpu.memory_space<vmem>> -> memref<1x128xi32, #tpu.memory_space<vmem>>
    %dma_wait3A_2246 = tpu.memref_squeeze %dma_wait3A_2245 : memref<1x128xi32, #tpu.memory_space<vmem>> -> memref<128xi32, #tpu.memory_space<vmem>>
    %dma_wait3A_2247 = arith.constant 0 : i32
    %dma_wait3A_2248 = arith.constant 0 : i32
    %dma_wait3A_2249 = tpu.memref_slice %arg17[%dma_wait3A_2247, %dma_wait3A_2248] : memref<4096x32xf32, #tpu.memory_space<vmem_shared>> -> memref<4096x32xf32, #tpu.memory_space<vmem_shared>>
    tpu.wait_indirect_dma semaphore(%arg22 : memref<!tpu.dma_semaphore, #tpu.memory_space<semaphore_mem>>) src(%dma_wait3A_2243 : memref<128x32xf32, #tpu.memory_space<vmem>>) dst(%dma_wait3A_2249 : memref<4096x32xf32, #tpu.memory_space<vmem_shared>>)
    %dma_wait3A_2250 = arith.constant 43 : i32
    %dma_wait3A_2251 = arith.constant 384 : i32
    %dma_wait3A_2252 = arith.constant 0 : i32
    %dma_wait3A_2253 = tpu.memref_slice %arg13[%dma_wait3A_2251, %dma_wait3A_2252] : memref<1280x32xf32, #tpu.memory_space<vmem>> -> memref<128x32xf32, #tpu.memory_space<vmem>>
    %dma_wait3A_2254 = arith.constant 0 : i32
    %dma_wait3A_2255 = tpu.memref_slice %arg11[%dma_wait3A_2250, %dma_wait3A_2254] : memref<50x128xi32, #tpu.memory_space<vmem>> -> memref<1x128xi32, #tpu.memory_space<vmem>>
    %dma_wait3A_2256 = tpu.memref_squeeze %dma_wait3A_2255 : memref<1x128xi32, #tpu.memory_space<vmem>> -> memref<128xi32, #tpu.memory_space<vmem>>
    %dma_wait3A_2257 = arith.constant 0 : i32
    %dma_wait3A_2258 = arith.constant 0 : i32
    %dma_wait3A_2259 = tpu.memref_slice %arg17[%dma_wait3A_2257, %dma_wait3A_2258] : memref<4096x32xf32, #tpu.memory_space<vmem_shared>> -> memref<4096x32xf32, #tpu.memory_space<vmem_shared>>
    tpu.wait_indirect_dma semaphore(%arg22 : memref<!tpu.dma_semaphore, #tpu.memory_space<semaphore_mem>>) src(%dma_wait3A_2253 : memref<128x32xf32, #tpu.memory_space<vmem>>) dst(%dma_wait3A_2259 : memref<4096x32xf32, #tpu.memory_space<vmem_shared>>)
    %dma_wait3A_2260 = arith.constant 44 : i32
    %dma_wait3A_2261 = arith.constant 512 : i32
    %dma_wait3A_2262 = arith.constant 0 : i32
    %dma_wait3A_2263 = tpu.memref_slice %arg13[%dma_wait3A_2261, %dma_wait3A_2262] : memref<1280x32xf32, #tpu.memory_space<vmem>> -> memref<128x32xf32, #tpu.memory_space<vmem>>
    %dma_wait3A_2264 = arith.constant 0 : i32
    %dma_wait3A_2265 = tpu.memref_slice %arg11[%dma_wait3A_2260, %dma_wait3A_2264] : memref<50x128xi32, #tpu.memory_space<vmem>> -> memref<1x128xi32, #tpu.memory_space<vmem>>
    %dma_wait3A_2266 = tpu.memref_squeeze %dma_wait3A_2265 : memref<1x128xi32, #tpu.memory_space<vmem>> -> memref<128xi32, #tpu.memory_space<vmem>>
    %dma_wait3A_2267 = arith.constant 0 : i32
    %dma_wait3A_2268 = arith.constant 0 : i32
    %dma_wait3A_2269 = tpu.memref_slice %arg17[%dma_wait3A_2267, %dma_wait3A_2268] : memref<4096x32xf32, #tpu.memory_space<vmem_shared>> -> memref<4096x32xf32, #tpu.memory_space<vmem_shared>>
    tpu.wait_indirect_dma semaphore(%arg22 : memref<!tpu.dma_semaphore, #tpu.memory_space<semaphore_mem>>) src(%dma_wait3A_2263 : memref<128x32xf32, #tpu.memory_space<vmem>>) dst(%dma_wait3A_2269 : memref<4096x32xf32, #tpu.memory_space<vmem_shared>>)
    %dma_wait3A_2270 = arith.constant 45 : i32
    %dma_wait3A_2271 = arith.constant 640 : i32
    %dma_wait3A_2272 = arith.constant 0 : i32
    %dma_wait3A_2273 = tpu.memref_slice %arg13[%dma_wait3A_2271, %dma_wait3A_2272] : memref<1280x32xf32, #tpu.memory_space<vmem>> -> memref<128x32xf32, #tpu.memory_space<vmem>>
    %dma_wait3A_2274 = arith.constant 0 : i32
    %dma_wait3A_2275 = tpu.memref_slice %arg11[%dma_wait3A_2270, %dma_wait3A_2274] : memref<50x128xi32, #tpu.memory_space<vmem>> -> memref<1x128xi32, #tpu.memory_space<vmem>>
    %dma_wait3A_2276 = tpu.memref_squeeze %dma_wait3A_2275 : memref<1x128xi32, #tpu.memory_space<vmem>> -> memref<128xi32, #tpu.memory_space<vmem>>
    %dma_wait3A_2277 = arith.constant 0 : i32
    %dma_wait3A_2278 = arith.constant 0 : i32
    %dma_wait3A_2279 = tpu.memref_slice %arg17[%dma_wait3A_2277, %dma_wait3A_2278] : memref<4096x32xf32, #tpu.memory_space<vmem_shared>> -> memref<4096x32xf32, #tpu.memory_space<vmem_shared>>
    tpu.wait_indirect_dma semaphore(%arg22 : memref<!tpu.dma_semaphore, #tpu.memory_space<semaphore_mem>>) src(%dma_wait3A_2273 : memref<128x32xf32, #tpu.memory_space<vmem>>) dst(%dma_wait3A_2279 : memref<4096x32xf32, #tpu.memory_space<vmem_shared>>)
    %dma_wait3A_2280 = arith.constant 46 : i32
    %dma_wait3A_2281 = arith.constant 768 : i32
    %dma_wait3A_2282 = arith.constant 0 : i32
    %dma_wait3A_2283 = tpu.memref_slice %arg13[%dma_wait3A_2281, %dma_wait3A_2282] : memref<1280x32xf32, #tpu.memory_space<vmem>> -> memref<128x32xf32, #tpu.memory_space<vmem>>
    %dma_wait3A_2284 = arith.constant 0 : i32
    %dma_wait3A_2285 = tpu.memref_slice %arg11[%dma_wait3A_2280, %dma_wait3A_2284] : memref<50x128xi32, #tpu.memory_space<vmem>> -> memref<1x128xi32, #tpu.memory_space<vmem>>
    %dma_wait3A_2286 = tpu.memref_squeeze %dma_wait3A_2285 : memref<1x128xi32, #tpu.memory_space<vmem>> -> memref<128xi32, #tpu.memory_space<vmem>>
    %dma_wait3A_2287 = arith.constant 0 : i32
    %dma_wait3A_2288 = arith.constant 0 : i32
    %dma_wait3A_2289 = tpu.memref_slice %arg17[%dma_wait3A_2287, %dma_wait3A_2288] : memref<4096x32xf32, #tpu.memory_space<vmem_shared>> -> memref<4096x32xf32, #tpu.memory_space<vmem_shared>>
    tpu.wait_indirect_dma semaphore(%arg22 : memref<!tpu.dma_semaphore, #tpu.memory_space<semaphore_mem>>) src(%dma_wait3A_2283 : memref<128x32xf32, #tpu.memory_space<vmem>>) dst(%dma_wait3A_2289 : memref<4096x32xf32, #tpu.memory_space<vmem_shared>>)
    %dma_wait3A_2290 = arith.constant 47 : i32
    %dma_wait3A_2291 = arith.constant 896 : i32
    %dma_wait3A_2292 = arith.constant 0 : i32
    %dma_wait3A_2293 = tpu.memref_slice %arg13[%dma_wait3A_2291, %dma_wait3A_2292] : memref<1280x32xf32, #tpu.memory_space<vmem>> -> memref<128x32xf32, #tpu.memory_space<vmem>>
    %dma_wait3A_2294 = arith.constant 0 : i32
    %dma_wait3A_2295 = tpu.memref_slice %arg11[%dma_wait3A_2290, %dma_wait3A_2294] : memref<50x128xi32, #tpu.memory_space<vmem>> -> memref<1x128xi32, #tpu.memory_space<vmem>>
    %dma_wait3A_2296 = tpu.memref_squeeze %dma_wait3A_2295 : memref<1x128xi32, #tpu.memory_space<vmem>> -> memref<128xi32, #tpu.memory_space<vmem>>
    %dma_wait3A_2297 = arith.constant 0 : i32
    %dma_wait3A_2298 = arith.constant 0 : i32
    %dma_wait3A_2299 = tpu.memref_slice %arg17[%dma_wait3A_2297, %dma_wait3A_2298] : memref<4096x32xf32, #tpu.memory_space<vmem_shared>> -> memref<4096x32xf32, #tpu.memory_space<vmem_shared>>
    tpu.wait_indirect_dma semaphore(%arg22 : memref<!tpu.dma_semaphore, #tpu.memory_space<semaphore_mem>>) src(%dma_wait3A_2293 : memref<128x32xf32, #tpu.memory_space<vmem>>) dst(%dma_wait3A_2299 : memref<4096x32xf32, #tpu.memory_space<vmem_shared>>)
    %dma_wait3A_2300 = arith.constant 48 : i32
    %dma_wait3A_2301 = arith.constant 1024 : i32
    %dma_wait3A_2302 = arith.constant 0 : i32
    %dma_wait3A_2303 = tpu.memref_slice %arg13[%dma_wait3A_2301, %dma_wait3A_2302] : memref<1280x32xf32, #tpu.memory_space<vmem>> -> memref<128x32xf32, #tpu.memory_space<vmem>>
    %dma_wait3A_2304 = arith.constant 0 : i32
    %dma_wait3A_2305 = tpu.memref_slice %arg11[%dma_wait3A_2300, %dma_wait3A_2304] : memref<50x128xi32, #tpu.memory_space<vmem>> -> memref<1x128xi32, #tpu.memory_space<vmem>>
    %dma_wait3A_2306 = tpu.memref_squeeze %dma_wait3A_2305 : memref<1x128xi32, #tpu.memory_space<vmem>> -> memref<128xi32, #tpu.memory_space<vmem>>
    %dma_wait3A_2307 = arith.constant 0 : i32
    %dma_wait3A_2308 = arith.constant 0 : i32
    %dma_wait3A_2309 = tpu.memref_slice %arg17[%dma_wait3A_2307, %dma_wait3A_2308] : memref<4096x32xf32, #tpu.memory_space<vmem_shared>> -> memref<4096x32xf32, #tpu.memory_space<vmem_shared>>
    tpu.wait_indirect_dma semaphore(%arg22 : memref<!tpu.dma_semaphore, #tpu.memory_space<semaphore_mem>>) src(%dma_wait3A_2303 : memref<128x32xf32, #tpu.memory_space<vmem>>) dst(%dma_wait3A_2309 : memref<4096x32xf32, #tpu.memory_space<vmem_shared>>)
    %dma_wait3A_2310 = arith.constant 49 : i32
    %dma_wait3A_2311 = arith.constant 1152 : i32
    %dma_wait3A_2312 = arith.constant 0 : i32
    %dma_wait3A_2313 = tpu.memref_slice %arg13[%dma_wait3A_2311, %dma_wait3A_2312] : memref<1280x32xf32, #tpu.memory_space<vmem>> -> memref<128x32xf32, #tpu.memory_space<vmem>>
    %dma_wait3A_2314 = arith.constant 0 : i32
    %dma_wait3A_2315 = tpu.memref_slice %arg11[%dma_wait3A_2310, %dma_wait3A_2314] : memref<50x128xi32, #tpu.memory_space<vmem>> -> memref<1x128xi32, #tpu.memory_space<vmem>>
    %dma_wait3A_2316 = tpu.memref_squeeze %dma_wait3A_2315 : memref<1x128xi32, #tpu.memory_space<vmem>> -> memref<128xi32, #tpu.memory_space<vmem>>
    %dma_wait3A_2317 = arith.constant 0 : i32
    %dma_wait3A_2318 = arith.constant 0 : i32
    %dma_wait3A_2319 = tpu.memref_slice %arg17[%dma_wait3A_2317, %dma_wait3A_2318] : memref<4096x32xf32, #tpu.memory_space<vmem_shared>> -> memref<4096x32xf32, #tpu.memory_space<vmem_shared>>
    tpu.wait_indirect_dma semaphore(%arg22 : memref<!tpu.dma_semaphore, #tpu.memory_space<semaphore_mem>>) src(%dma_wait3A_2313 : memref<128x32xf32, #tpu.memory_space<vmem>>) dst(%dma_wait3A_2319 : memref<4096x32xf32, #tpu.memory_space<vmem_shared>>)
    %dma_wait3A_2320 = arith.constant 30 : i32
    %dma_wait3A_2321 = arith.constant 0 : i32
    %dma_wait3A_2322 = arith.constant 0 : i32
    %dma_wait3A_2323 = tpu.memref_slice %arg14[%dma_wait3A_2321, %dma_wait3A_2322] : memref<1280x32xf32, #tpu.memory_space<vmem>> -> memref<128x32xf32, #tpu.memory_space<vmem>>
    %dma_wait3A_2324 = arith.constant 0 : i32
    %dma_wait3A_2325 = tpu.memref_slice %arg11[%dma_wait3A_2320, %dma_wait3A_2324] : memref<50x128xi32, #tpu.memory_space<vmem>> -> memref<1x128xi32, #tpu.memory_space<vmem>>
    %dma_wait3A_2326 = tpu.memref_squeeze %dma_wait3A_2325 : memref<1x128xi32, #tpu.memory_space<vmem>> -> memref<128xi32, #tpu.memory_space<vmem>>
    %dma_wait3A_2327 = arith.constant 0 : i32
    %dma_wait3A_2328 = arith.constant 0 : i32
    %dma_wait3A_2329 = tpu.memref_slice %arg17[%dma_wait3A_2327, %dma_wait3A_2328] : memref<4096x32xf32, #tpu.memory_space<vmem_shared>> -> memref<4096x32xf32, #tpu.memory_space<vmem_shared>>
    tpu.wait_indirect_dma semaphore(%arg23 : memref<!tpu.dma_semaphore, #tpu.memory_space<semaphore_mem>>) src(%dma_wait3A_2323 : memref<128x32xf32, #tpu.memory_space<vmem>>) dst(%dma_wait3A_2329 : memref<4096x32xf32, #tpu.memory_space<vmem_shared>>)
    %dma_wait3A_2330 = arith.constant 31 : i32
    %dma_wait3A_2331 = arith.constant 128 : i32
    %dma_wait3A_2332 = arith.constant 0 : i32
    %dma_wait3A_2333 = tpu.memref_slice %arg14[%dma_wait3A_2331, %dma_wait3A_2332] : memref<1280x32xf32, #tpu.memory_space<vmem>> -> memref<128x32xf32, #tpu.memory_space<vmem>>
    %dma_wait3A_2334 = arith.constant 0 : i32
    %dma_wait3A_2335 = tpu.memref_slice %arg11[%dma_wait3A_2330, %dma_wait3A_2334] : memref<50x128xi32, #tpu.memory_space<vmem>> -> memref<1x128xi32, #tpu.memory_space<vmem>>
    %dma_wait3A_2336 = tpu.memref_squeeze %dma_wait3A_2335 : memref<1x128xi32, #tpu.memory_space<vmem>> -> memref<128xi32, #tpu.memory_space<vmem>>
    %dma_wait3A_2337 = arith.constant 0 : i32
    %dma_wait3A_2338 = arith.constant 0 : i32
    %dma_wait3A_2339 = tpu.memref_slice %arg17[%dma_wait3A_2337, %dma_wait3A_2338] : memref<4096x32xf32, #tpu.memory_space<vmem_shared>> -> memref<4096x32xf32, #tpu.memory_space<vmem_shared>>
    tpu.wait_indirect_dma semaphore(%arg23 : memref<!tpu.dma_semaphore, #tpu.memory_space<semaphore_mem>>) src(%dma_wait3A_2333 : memref<128x32xf32, #tpu.memory_space<vmem>>) dst(%dma_wait3A_2339 : memref<4096x32xf32, #tpu.memory_space<vmem_shared>>)
    %dma_wait3A_2340 = arith.constant 32 : i32
    %dma_wait3A_2341 = arith.constant 256 : i32
    %dma_wait3A_2342 = arith.constant 0 : i32
    %dma_wait3A_2343 = tpu.memref_slice %arg14[%dma_wait3A_2341, %dma_wait3A_2342] : memref<1280x32xf32, #tpu.memory_space<vmem>> -> memref<128x32xf32, #tpu.memory_space<vmem>>
    %dma_wait3A_2344 = arith.constant 0 : i32
    %dma_wait3A_2345 = tpu.memref_slice %arg11[%dma_wait3A_2340, %dma_wait3A_2344] : memref<50x128xi32, #tpu.memory_space<vmem>> -> memref<1x128xi32, #tpu.memory_space<vmem>>
    %dma_wait3A_2346 = tpu.memref_squeeze %dma_wait3A_2345 : memref<1x128xi32, #tpu.memory_space<vmem>> -> memref<128xi32, #tpu.memory_space<vmem>>
    %dma_wait3A_2347 = arith.constant 0 : i32
    %dma_wait3A_2348 = arith.constant 0 : i32
    %dma_wait3A_2349 = tpu.memref_slice %arg17[%dma_wait3A_2347, %dma_wait3A_2348] : memref<4096x32xf32, #tpu.memory_space<vmem_shared>> -> memref<4096x32xf32, #tpu.memory_space<vmem_shared>>
    tpu.wait_indirect_dma semaphore(%arg23 : memref<!tpu.dma_semaphore, #tpu.memory_space<semaphore_mem>>) src(%dma_wait3A_2343 : memref<128x32xf32, #tpu.memory_space<vmem>>) dst(%dma_wait3A_2349 : memref<4096x32xf32, #tpu.memory_space<vmem_shared>>)
    %dma_wait3A_2350 = arith.constant 33 : i32
    %dma_wait3A_2351 = arith.constant 384 : i32
    %dma_wait3A_2352 = arith.constant 0 : i32
    %dma_wait3A_2353 = tpu.memref_slice %arg14[%dma_wait3A_2351, %dma_wait3A_2352] : memref<1280x32xf32, #tpu.memory_space<vmem>> -> memref<128x32xf32, #tpu.memory_space<vmem>>
    %dma_wait3A_2354 = arith.constant 0 : i32
    %dma_wait3A_2355 = tpu.memref_slice %arg11[%dma_wait3A_2350, %dma_wait3A_2354] : memref<50x128xi32, #tpu.memory_space<vmem>> -> memref<1x128xi32, #tpu.memory_space<vmem>>
    %dma_wait3A_2356 = tpu.memref_squeeze %dma_wait3A_2355 : memref<1x128xi32, #tpu.memory_space<vmem>> -> memref<128xi32, #tpu.memory_space<vmem>>
    %dma_wait3A_2357 = arith.constant 0 : i32
    %dma_wait3A_2358 = arith.constant 0 : i32
    %dma_wait3A_2359 = tpu.memref_slice %arg17[%dma_wait3A_2357, %dma_wait3A_2358] : memref<4096x32xf32, #tpu.memory_space<vmem_shared>> -> memref<4096x32xf32, #tpu.memory_space<vmem_shared>>
    tpu.wait_indirect_dma semaphore(%arg23 : memref<!tpu.dma_semaphore, #tpu.memory_space<semaphore_mem>>) src(%dma_wait3A_2353 : memref<128x32xf32, #tpu.memory_space<vmem>>) dst(%dma_wait3A_2359 : memref<4096x32xf32, #tpu.memory_space<vmem_shared>>)
    %dma_wait3A_2360 = arith.constant 34 : i32
    %dma_wait3A_2361 = arith.constant 512 : i32
    %dma_wait3A_2362 = arith.constant 0 : i32
    %dma_wait3A_2363 = tpu.memref_slice %arg14[%dma_wait3A_2361, %dma_wait3A_2362] : memref<1280x32xf32, #tpu.memory_space<vmem>> -> memref<128x32xf32, #tpu.memory_space<vmem>>
    %dma_wait3A_2364 = arith.constant 0 : i32
    %dma_wait3A_2365 = tpu.memref_slice %arg11[%dma_wait3A_2360, %dma_wait3A_2364] : memref<50x128xi32, #tpu.memory_space<vmem>> -> memref<1x128xi32, #tpu.memory_space<vmem>>
    %dma_wait3A_2366 = tpu.memref_squeeze %dma_wait3A_2365 : memref<1x128xi32, #tpu.memory_space<vmem>> -> memref<128xi32, #tpu.memory_space<vmem>>
    %dma_wait3A_2367 = arith.constant 0 : i32
    %dma_wait3A_2368 = arith.constant 0 : i32
    %dma_wait3A_2369 = tpu.memref_slice %arg17[%dma_wait3A_2367, %dma_wait3A_2368] : memref<4096x32xf32, #tpu.memory_space<vmem_shared>> -> memref<4096x32xf32, #tpu.memory_space<vmem_shared>>
    tpu.wait_indirect_dma semaphore(%arg23 : memref<!tpu.dma_semaphore, #tpu.memory_space<semaphore_mem>>) src(%dma_wait3A_2363 : memref<128x32xf32, #tpu.memory_space<vmem>>) dst(%dma_wait3A_2369 : memref<4096x32xf32, #tpu.memory_space<vmem_shared>>)
    %dma_wait3A_2370 = arith.constant 35 : i32
    %dma_wait3A_2371 = arith.constant 640 : i32
    %dma_wait3A_2372 = arith.constant 0 : i32
    %dma_wait3A_2373 = tpu.memref_slice %arg14[%dma_wait3A_2371, %dma_wait3A_2372] : memref<1280x32xf32, #tpu.memory_space<vmem>> -> memref<128x32xf32, #tpu.memory_space<vmem>>
    %dma_wait3A_2374 = arith.constant 0 : i32
    %dma_wait3A_2375 = tpu.memref_slice %arg11[%dma_wait3A_2370, %dma_wait3A_2374] : memref<50x128xi32, #tpu.memory_space<vmem>> -> memref<1x128xi32, #tpu.memory_space<vmem>>
    %dma_wait3A_2376 = tpu.memref_squeeze %dma_wait3A_2375 : memref<1x128xi32, #tpu.memory_space<vmem>> -> memref<128xi32, #tpu.memory_space<vmem>>
    %dma_wait3A_2377 = arith.constant 0 : i32
    %dma_wait3A_2378 = arith.constant 0 : i32
    %dma_wait3A_2379 = tpu.memref_slice %arg17[%dma_wait3A_2377, %dma_wait3A_2378] : memref<4096x32xf32, #tpu.memory_space<vmem_shared>> -> memref<4096x32xf32, #tpu.memory_space<vmem_shared>>
    tpu.wait_indirect_dma semaphore(%arg23 : memref<!tpu.dma_semaphore, #tpu.memory_space<semaphore_mem>>) src(%dma_wait3A_2373 : memref<128x32xf32, #tpu.memory_space<vmem>>) dst(%dma_wait3A_2379 : memref<4096x32xf32, #tpu.memory_space<vmem_shared>>)
    %dma_wait3A_2380 = arith.constant 36 : i32
    %dma_wait3A_2381 = arith.constant 768 : i32
    %dma_wait3A_2382 = arith.constant 0 : i32
    %dma_wait3A_2383 = tpu.memref_slice %arg14[%dma_wait3A_2381, %dma_wait3A_2382] : memref<1280x32xf32, #tpu.memory_space<vmem>> -> memref<128x32xf32, #tpu.memory_space<vmem>>
    %dma_wait3A_2384 = arith.constant 0 : i32
    %dma_wait3A_2385 = tpu.memref_slice %arg11[%dma_wait3A_2380, %dma_wait3A_2384] : memref<50x128xi32, #tpu.memory_space<vmem>> -> memref<1x128xi32, #tpu.memory_space<vmem>>
    %dma_wait3A_2386 = tpu.memref_squeeze %dma_wait3A_2385 : memref<1x128xi32, #tpu.memory_space<vmem>> -> memref<128xi32, #tpu.memory_space<vmem>>
    %dma_wait3A_2387 = arith.constant 0 : i32
    %dma_wait3A_2388 = arith.constant 0 : i32
    %dma_wait3A_2389 = tpu.memref_slice %arg17[%dma_wait3A_2387, %dma_wait3A_2388] : memref<4096x32xf32, #tpu.memory_space<vmem_shared>> -> memref<4096x32xf32, #tpu.memory_space<vmem_shared>>
    tpu.wait_indirect_dma semaphore(%arg23 : memref<!tpu.dma_semaphore, #tpu.memory_space<semaphore_mem>>) src(%dma_wait3A_2383 : memref<128x32xf32, #tpu.memory_space<vmem>>) dst(%dma_wait3A_2389 : memref<4096x32xf32, #tpu.memory_space<vmem_shared>>)
    %dma_wait3A_2390 = arith.constant 37 : i32
    %dma_wait3A_2391 = arith.constant 896 : i32
    %dma_wait3A_2392 = arith.constant 0 : i32
    %dma_wait3A_2393 = tpu.memref_slice %arg14[%dma_wait3A_2391, %dma_wait3A_2392] : memref<1280x32xf32, #tpu.memory_space<vmem>> -> memref<128x32xf32, #tpu.memory_space<vmem>>
    %dma_wait3A_2394 = arith.constant 0 : i32
    %dma_wait3A_2395 = tpu.memref_slice %arg11[%dma_wait3A_2390, %dma_wait3A_2394] : memref<50x128xi32, #tpu.memory_space<vmem>> -> memref<1x128xi32, #tpu.memory_space<vmem>>
    %dma_wait3A_2396 = tpu.memref_squeeze %dma_wait3A_2395 : memref<1x128xi32, #tpu.memory_space<vmem>> -> memref<128xi32, #tpu.memory_space<vmem>>
    %dma_wait3A_2397 = arith.constant 0 : i32
    %dma_wait3A_2398 = arith.constant 0 : i32
    %dma_wait3A_2399 = tpu.memref_slice %arg17[%dma_wait3A_2397, %dma_wait3A_2398] : memref<4096x32xf32, #tpu.memory_space<vmem_shared>> -> memref<4096x32xf32, #tpu.memory_space<vmem_shared>>
    tpu.wait_indirect_dma semaphore(%arg23 : memref<!tpu.dma_semaphore, #tpu.memory_space<semaphore_mem>>) src(%dma_wait3A_2393 : memref<128x32xf32, #tpu.memory_space<vmem>>) dst(%dma_wait3A_2399 : memref<4096x32xf32, #tpu.memory_space<vmem_shared>>)
    %dma_wait3A_2400 = arith.constant 38 : i32
    %dma_wait3A_2401 = arith.constant 1024 : i32
    %dma_wait3A_2402 = arith.constant 0 : i32
    %dma_wait3A_2403 = tpu.memref_slice %arg14[%dma_wait3A_2401, %dma_wait3A_2402] : memref<1280x32xf32, #tpu.memory_space<vmem>> -> memref<128x32xf32, #tpu.memory_space<vmem>>
    %dma_wait3A_2404 = arith.constant 0 : i32
    %dma_wait3A_2405 = tpu.memref_slice %arg11[%dma_wait3A_2400, %dma_wait3A_2404] : memref<50x128xi32, #tpu.memory_space<vmem>> -> memref<1x128xi32, #tpu.memory_space<vmem>>
    %dma_wait3A_2406 = tpu.memref_squeeze %dma_wait3A_2405 : memref<1x128xi32, #tpu.memory_space<vmem>> -> memref<128xi32, #tpu.memory_space<vmem>>
    %dma_wait3A_2407 = arith.constant 0 : i32
    %dma_wait3A_2408 = arith.constant 0 : i32
    %dma_wait3A_2409 = tpu.memref_slice %arg17[%dma_wait3A_2407, %dma_wait3A_2408] : memref<4096x32xf32, #tpu.memory_space<vmem_shared>> -> memref<4096x32xf32, #tpu.memory_space<vmem_shared>>
    tpu.wait_indirect_dma semaphore(%arg23 : memref<!tpu.dma_semaphore, #tpu.memory_space<semaphore_mem>>) src(%dma_wait3A_2403 : memref<128x32xf32, #tpu.memory_space<vmem>>) dst(%dma_wait3A_2409 : memref<4096x32xf32, #tpu.memory_space<vmem_shared>>)
    %dma_wait3A_2410 = arith.constant 39 : i32
    %dma_wait3A_2411 = arith.constant 1152 : i32
    %dma_wait3A_2412 = arith.constant 0 : i32
    %dma_wait3A_2413 = tpu.memref_slice %arg14[%dma_wait3A_2411, %dma_wait3A_2412] : memref<1280x32xf32, #tpu.memory_space<vmem>> -> memref<128x32xf32, #tpu.memory_space<vmem>>
    %dma_wait3A_2414 = arith.constant 0 : i32
    %dma_wait3A_2415 = tpu.memref_slice %arg11[%dma_wait3A_2410, %dma_wait3A_2414] : memref<50x128xi32, #tpu.memory_space<vmem>> -> memref<1x128xi32, #tpu.memory_space<vmem>>
    %dma_wait3A_2416 = tpu.memref_squeeze %dma_wait3A_2415 : memref<1x128xi32, #tpu.memory_space<vmem>> -> memref<128xi32, #tpu.memory_space<vmem>>
    %dma_wait3A_2417 = arith.constant 0 : i32
    %dma_wait3A_2418 = arith.constant 0 : i32
    %dma_wait3A_2419 = tpu.memref_slice %arg17[%dma_wait3A_2417, %dma_wait3A_2418] : memref<4096x32xf32, #tpu.memory_space<vmem_shared>> -> memref<4096x32xf32, #tpu.memory_space<vmem_shared>>
    tpu.wait_indirect_dma semaphore(%arg23 : memref<!tpu.dma_semaphore, #tpu.memory_space<semaphore_mem>>) src(%dma_wait3A_2413 : memref<128x32xf32, #tpu.memory_space<vmem>>) dst(%dma_wait3A_2419 : memref<4096x32xf32, #tpu.memory_space<vmem_shared>>)
    %barrier3A_2420 = arith.constant 0 : index
    tpu.barrier barrier_id(%barrier3A_2420)
    %mul3A_2421 = arith.constant 4096 : i32
    %mul3A_2422 = arith.muli %arg0, %mul3A_2421 : i32
    %mul3A_2423 = arith.constant 256 : i32
    %mul3A_2424 = arith.muli %arg1, %mul3A_2423 : i32
    %add3A_2425 = arith.addi %mul3A_2422, %mul3A_2424 : i32
    %mul3A_2426 = arith.constant 256 : i32
    %mul3A_2427 = arith.muli %arg1, %mul3A_2426 : i32
    "tpu.region"() ({
      %run_scoped3A = tpu.sem_alloc : memref<!tpu.dma_semaphore, #tpu.memory_space<semaphore_mem>>
      %dma_start3A_2428 = arith.constant 0 : i32
      %dma_start3A_2429 = tpu.memref_slice %arg5[%add3A_2425, %dma_start3A_2428] : memref<8192x32xf32, #tpu.memory_space<hbm>> -> memref<256x32xf32, #tpu.memory_space<hbm>>
      %dma_start3A_2430 = arith.constant 0 : i32
      %dma_start3A_2431 = tpu.memref_slice %arg17[%mul3A_2427, %dma_start3A_2430] : memref<4096x32xf32, #tpu.memory_space<vmem_shared>> -> memref<256x32xf32, #tpu.memory_space<vmem_shared>>
      tpu.enqueue_dma source(%dma_start3A_2431 : memref<256x32xf32, #tpu.memory_space<vmem_shared>>) target(%dma_start3A_2429 : memref<256x32xf32, #tpu.memory_space<hbm>>) target_semaphore(%run_scoped3A : memref<!tpu.dma_semaphore, #tpu.memory_space<semaphore_mem>>)
      %dma_wait3A_2432 = arith.constant 0 : i32
      %dma_wait3A_2433 = tpu.memref_slice %arg5[%add3A_2425, %dma_wait3A_2432] : memref<8192x32xf32, #tpu.memory_space<hbm>> -> memref<256x32xf32, #tpu.memory_space<hbm>>
      %dma_wait3A_2434 = arith.constant 0 : i32
      %dma_wait3A_2435 = tpu.memref_slice %arg17[%mul3A_2427, %dma_wait3A_2434] : memref<4096x32xf32, #tpu.memory_space<vmem_shared>> -> memref<256x32xf32, #tpu.memory_space<vmem_shared>>
      tpu.wait_dma2 semaphore(%run_scoped3A : memref<!tpu.dma_semaphore, #tpu.memory_space<semaphore_mem>>) src(%dma_wait3A_2435 : memref<256x32xf32, #tpu.memory_space<vmem_shared>>) dst(%dma_wait3A_2433 : memref<256x32xf32, #tpu.memory_space<hbm>>)
      tpu.yield
    }) : () -> ()
    return
  }
}

module attributes {stable_mosaic.version = 14 : i64} {
  func.func @_tc_body(%arg0: memref<8192x32xf32, #tpu.memory_space<vmem>>, %arg1: memref<4096x1xf32, #tpu.memory_space<vmem>>, %arg2: memref<4x32xf32, #tpu.memory_space<vmem>>, %arg3: memref<1x4xf32, #tpu.memory_space<vmem>>, %arg4: memref<4096x4xf32, #tpu.memory_space<vmem>>) attributes {dimension_semantics = [], scalar_prefetch = 0 : i64, scratch_operands = 0 : i64, tpu.core_type = #tpu.core_type<tc>} {
    %get3A = arith.constant 0 : index
    %get3A_0 = arith.constant 0 : index
    %get3A_1 = vector.load %arg0[%get3A, %get3A_0] : memref<8192x32xf32, #tpu.memory_space<vmem>>, vector<4096x32xf32>
    %get3A_2 = arith.constant 4096 : index
    %get3A_3 = arith.constant 0 : index
    %get3A_4 = vector.load %arg0[%get3A_2, %get3A_3] : memref<8192x32xf32, #tpu.memory_space<vmem>>, vector<4096x32xf32>
    %add3A = arith.addf %get3A_1, %get3A_4 : vector<4096x32xf32>
    %get3A_5 = arith.constant 0 : index
    %get3A_6 = arith.constant 0 : index
    %get3A_7 = vector.load %arg1[%get3A_5, %get3A_6] : memref<4096x1xf32, #tpu.memory_space<vmem>>, vector<4096x1xf32>
    %mul3A = vector.broadcast %get3A_7 : vector<4096x1xf32> to vector<4096x32xf32>
    %mul3A_8 = arith.mulf %add3A, %mul3A : vector<4096x32xf32>
    %get3A_9 = arith.constant 0 : index
    %get3A_10 = arith.constant 0 : index
    %get3A_11 = vector.load %arg2[%get3A_9, %get3A_10] : memref<4x32xf32, #tpu.memory_space<vmem>>, vector<4x32xf32>
    %dot_general3A = arith.constant dense<0.000000e+00> : vector<4096x4xf32>
    %dot_general3A_12 = tpu.matmul %mul3A_8, %get3A_11, %dot_general3A {dimension_numbers = #tpu.dot_dimension_numbers<[1], [1], [0], [0], [0, 0, 1, 0], [], []>, transpose_lhs_hint = false} : vector<4096x32xf32>, vector<4x32xf32>, vector<4096x4xf32> -> vector<4096x4xf32>
    %get3A_13 = arith.constant 0 : index
    %get3A_14 = arith.constant 0 : index
    %get3A_15 = vector.load %arg3[%get3A_13, %get3A_14] : memref<1x4xf32, #tpu.memory_space<vmem>>, vector<1x4xf32>
    %add3A_16 = vector.broadcast %get3A_15 : vector<1x4xf32> to vector<4096x4xf32>
    %add3A_17 = arith.addf %dot_general3A_12, %add3A_16 : vector<4096x4xf32>
    %swap3A = arith.constant 0 : index
    %swap3A_18 = arith.constant 0 : index
    %swap3A_19 = vector.load %arg4[%swap3A, %swap3A_18] : memref<4096x4xf32, #tpu.memory_space<vmem>>, vector<4096x4xf32>
    tpu.vector_store %arg4[%swap3A, %swap3A_18], %add3A_17 {strides = array<i32>} : memref<4096x4xf32, #tpu.memory_space<vmem>>, vector<4096x4xf32>,
    return
  }
}

</mosaic_0001>

<sc_bundles>
// kernel: kernel.4.cloned.1.call-start
scs
__scs_entry_jumppad:
0x0: {  	(pc) =	sbr.rel $0x88, $3  }
0x1: {  	(tag) =	ssettag $0x0;
	lr =	simm.s32 $0x1  }
0x2: {  	[smem:$0x3F9C] =	sst lr;
	_ =	strace $0xD0000000  }
0x3: {  	_ = 	snop  }
0x4: {  	_ = 	snop  }
0x5: {  	_ = 	snop  }
0x6: {  	_ = 	snop  }
0x7: {  	_ = 	snop  }
__scs_overlays_trampoline_lowered:
0x8: {  	[smem:$0x3FAB] =	sst s0  }
0x9: {  	[smem:$0x3FAC] =	sst s1  }
0xa: {  	[smem:$0x3FAD] =	sst s2  }
0xb: {  	[smem:$0x3FAE] =	sst s3  }
0xc: {  	[smem:$0x3FAF] =	sst s4  }
0xd: {  	[smem:$0x3FB0] =	sst s5  }
0xe: {  	[smem:$0x3FB1] =	sst s6  }
0xf: {  	[smem:$0x3FB2] =	sst s7  }
0x10: {  	[smem:$0x3FB3] =	sst s8  }
0x11: {  	[smem:$0x3FB4] =	sst s9;
	s0 =	simm.s32 @!p0 $0x0  }
0x12: {  	s1 =	sld [smem:$0x3F9A];
	s0 =	simm.s32 @p0 $0x1  }
0x13: {  	[smem:$0x3FB5] =	sst s0;
	s0 =	simm.s32 @!p1 $0x0  }
0x14: {  	s2 =	sld [smem:$0x3F99];
	s0 =	simm.s32 @p1 $0x1  }
0x15: {  	[smem:$0x3FB6] =	sst s0;
	s0 =	simm.s32 @!p2 $0x0  }
0x16: {  	s3 =	sld [smem:$0x3FDB];
	s0 =	simm.s32 @p2 $0x1  }
0x17: {  	s4 =	simm.s32 $0x1BF5;
	[smem:$0x3FB8] =	sst s0  }
0x18: {  	s0 =	sld [smem:$0x3F9B];
	_ =	swait.ge [sflag:s4], $0x0  }
0x19: {  	s7 =	sld [smem:$0x3F9C]  }
0x1a: {  	s8 =	sadd.s32 $0xFFFFE003, lr  }
0x1b: {  	s9 =	sadd.s32 $0xFFFFFEF7, lr;
	s5 =	simm.s32 $0xFFFFFFFF;
	p2 =	slt.u32 s8, $0xFFFFF086  }
0x1c: {  	p1 =	slt.u32 s9, $0xF7A;
	s5 =	simm.s32 @!p2 $0x0  }
0x1d: {  	s5 =	simm.s32 @p1 $0x1;
	p0 =	seq.s32 s7, s2  }
0x1e: {  	s7 =	smul.u32 @!p0 $0xF7A, s2;
	p2 =	seq.s32 @!p0 s5, $0x0  }
0x1f: {  	s9 =	smul.u32 $0xF7A, s1;
	s8 =	simm.s32 @!p0 $0x1BF5;
	p2 =	por !p2, p0  }
0x20: {  	[sflag:s8] =	ssyncset.s32 @!p0 $0xFFFFF086;
	s6 =	sadd.s32 @!p0 s3, s7;
	s7 =	simm.s32 @!p0 $0x108  }
0x21: {  	s3 =	sadd.s32 s3, s9;
	s6 =	sadd.s32 @!p0 $0x88, s6;
	s7 =	simm.s32 @p2 $0x1082  }
0x22: {  	[simem:s7], [sflag:s8] =	dma.local @!p0 [hbm:s6], $0xF7A  }
0x23: {  	s9 =	sor.u32 $0xD0000000, s2;
	s6 =	simm.s32 $0x108;
	_ =	swait.ge @!p0 [sflag:s8], $0x0  }
0x24: {  	s3 =	sadd.s32 $0x88, s3;
	s6 =	simm.s32 @!p1 $0x1082;
	[sflag:s4] =	ssyncset.s32 $0xFFFFF086  }
0x25: {  	[simem:s6], [sflag:s4] =	dma.local [hbm:s3], $0xF7A  }
0x26: {  	[smem:$0x3F9C] =	sst s1;
	(tag) =	ssettag s2;
	_ =	strace s9  }
0x27: {  	s1 =	sld [smem:$0x3FAC]  }
0x28: {  	s2 =	sld [smem:$0x3FAD]  }
0x29: {  	s4 =	sld [smem:$0x3FAF]  }
0x2a: {  	p0 =	seq.s32 s5, $0x0;
	s5 =	sld [smem:$0x3FB0]  }
0x2b: {  	s6 =	sld [smem:$0x3FB1]  }
0x2c: {  	s7 =	sld [smem:$0x3FB2]  }
0x2d: {  	s3 =	simm.s32 $0x108;
	s8 =	sld [smem:$0x3FB3]  }
0x2e: {  	s3 =	simm.s32 @!p0 $0x1082;
	s9 =	sld [smem:$0x3FB4]  }
0x2f: {  	lr =	sadd.s32 s0, s3;
	s0 =	sld [smem:$0x3FAB]  }
0x30: {  	s3 =	sld [smem:$0x3FAE]  }
0x31: {  	[smem:$0x3FB7] =	sst s10  }
0x32: {  	s10 =	sld [smem:$0x3FB5];
	_ =	sdelay $0x3  }
0x33: {  	p0 =	seq.s32 s10, $0x1;
	s10 =	sld [smem:$0x3FB7];
	_ =	sdelay $0x3  }
0x34: {  	[smem:$0x3FB7] =	sst s10  }
0x35: {  	s10 =	sld [smem:$0x3FB6];
	_ =	sdelay $0x3  }
0x36: {  	p1 =	seq.s32 s10, $0x1;
	s10 =	sld [smem:$0x3FB7];
	_ =	sdelay $0x3  }
0x37: {  	[smem:$0x3FB7] =	sst s10  }
0x38: {  	s10 =	sld [smem:$0x3FB8]  }
0x39: {  	_ = 	snop;
	(pc) =	sbr.ind lr, $3  }
0x3a: {  	_ = 	snop  }
0x3b: {  	_ = 	snop  }
0x3c: {  	p2 =	seq.s32 s10, $0x1;
	s10 =	sld [smem:$0x3FB7]  }
0x3d: {  	_ =	shalt  }
0x3e: {  	_ =	shalt  }
0x3f: {  	_ =	shalt  }
0x40: {  	_ =	shalt  }
0x41: {  	_ =	shalt  }
0x42: {  	_ =	shalt  }
0x43: {  	_ =	shalt  }
0x44: {  	_ =	shalt  }
0x45: {  	_ =	shalt  }
0x46: {  	_ =	shalt  }
0x47: {  	_ =	shalt  }
0x48: {  	_ =	shalt  }
0x49: {  	_ =	shalt  }
0x4a: {  	_ =	shalt  }
0x4b: {  	_ =	shalt  }
0x4c: {  	_ =	shalt  }
0x4d: {  	_ =	shalt  }
0x4e: {  	_ =	shalt  }
0x4f: {  	_ =	shalt  }
0x50: {  	_ =	shalt  }
0x51: {  	_ =	shalt  }
0x52: {  	_ =	shalt  }
0x53: {  	_ =	shalt  }
0x54: {  	_ =	shalt  }
0x55: {  	_ =	shalt  }
0x56: {  	_ =	shalt  }
0x57: {  	_ =	shalt  }
0x58: {  	_ =	shalt  }
0x59: {  	_ =	shalt  }
0x5a: {  	_ =	shalt  }
0x5b: {  	_ =	shalt  }
0x5c: {  	_ =	shalt  }
0x5d: {  	_ =	shalt  }
0x5e: {  	_ =	shalt  }
0x5f: {  	_ =	shalt  }
0x60: {  	_ =	shalt  }
0x61: {  	_ =	shalt  }
0x62: {  	_ =	shalt  }
0x63: {  	_ =	shalt  }
0x64: {  	_ =	shalt  }
0x65: {  	_ =	shalt  }
0x66: {  	_ =	shalt  }
0x67: {  	_ =	shalt  }
0x68: {  	_ =	shalt  }
0x69: {  	_ =	shalt  }
0x6a: {  	_ =	shalt  }
0x6b: {  	_ =	shalt  }
0x6c: {  	_ =	shalt  }
0x6d: {  	_ =	shalt  }
0x6e: {  	_ =	shalt  }
0x6f: {  	_ =	shalt  }
0x70: {  	_ =	shalt  }
0x71: {  	_ =	shalt  }
0x72: {  	_ =	shalt  }
0x73: {  	_ =	shalt  }
0x74: {  	_ =	shalt  }
0x75: {  	_ =	shalt  }
0x76: {  	_ =	shalt  }
0x77: {  	_ =	shalt  }
0x78: {  	_ =	shalt  }
0x79: {  	_ =	shalt  }
0x7a: {  	_ =	shalt  }
0x7b: {  	_ =	shalt  }
0x7c: {  	_ =	shalt  }
0x7d: {  	_ =	shalt  }
0x7e: {  	_ =	shalt  }
0x7f: {  	_ =	shalt  }
0x80: {  	_ =	shalt  }
0x81: {  	_ =	shalt  }
0x82: {  	_ =	shalt  }
0x83: {  	_ =	shalt  }
0x84: {  	_ =	shalt  }
0x85: {  	_ =	shalt  }
0x86: {  	_ =	shalt  }
0x87: {  	_ =	shalt  }
.Lfunc_end0:
.L_simem_size_0:
called_computation_lowered:
.L_overlay_start_0:
0x88: {  	s2 =	sld [smem:$0x3FD9]  }
0x89: {  	s3 =	sld [smem:$0x3FFE];
	_ =	sdelay $0x1  }
0x8a: {  	s1 =	srdreg.scid  }
0x8b: {  	s0 =	sand.u32 $0x1, s1  }
0x8c: {  	s17 =	sshll.u32 s0, $0xA;
	s2 =	sadd.s32 s3, s2  }
0x8d: {  	s2 =	sadd.s32 s2, s17  }
0x8e: {  	[smem:$0x3FC3] =	sst s2  }
0x8f: {  	_ = 	snop  }
0x90: {  	s2 =	sld [smem:$0x3FC9]  }
0x91: {  	s18 =	sld [smem:$0x3FC8]  }
0x92: {  	s4 =	sld [smem:$0x3FD0];
	(tm) =	ssettm $0x1  }
0x93: {  	s5 =	sld [smem:$0x3FFB];
	_ =	sdelay $0x3  }
0x94: {  	_ =	strace s5  }
0x95: {  	s5 =	sld [smem:$0x3FFC];
	_ =	sdelay $0x3  }
0x96: {  	_ =	strace s5  }
0x97: {  	s5 =	sld [smem:$0x3FFD];
	_ =	sdelay $0x3  }
0x98: {  	_ =	strace s5  }
0x99: {  	_ =	strace $0x8FFFFFFF  }
0x9a: {  	s19 =	sld [smem:$0x3FDB];
	_ =	sdelay $0x1  }
0x9b: {  	s6 =	simm.s32 $_scs_section_size  }
0x9c: {  	s7 =	simm.s32 $_size__tile_overlayer_lowered;
	s8 =	simm.s32 $_tile_overlayer_lowered  }
0x9d: {  	s22 =	simm.s32 $0x1BFF;
	s21 =	sshll.u32 s8, $0x1;
	s5 =	sadd.s32 s6, s19  }
0x9e: {  	s9 =	simm.s32 $0x0;
	s20 =	sshll.u32 s7, $0x1;
	s7 =	sadd.s32 s21, s5  }
0x9f: {  	[timem:s9], [sflag:s22] =	dma.local [hbm:s7], s20  }
0xa0: {  	_ =	swait.ge [sflag:s22], s20  }
0xa1: {  	s6 =	ssub.s32 $0x0, s20;
	[sflag:s22] =	ssyncset.done $0x0  }
0xa2: {  	[sflag:s22] =	ssyncadd.s32 s6;
	_ =	sdelay $0x1  }
0xa3: {  	s23 =	simm.s32 $0x1B8B  }
0xa4: {  	_ =	swait.ge [sflag:s23], $0x1  }
0xa5: {  	[sflag:s23] =	ssyncset.done $0x0  }
0xa6: {  	s25 =	simm.s32 $0x1B8E;
	s24 =	sld [smem:$0x3FFE];
	[sflag:s23] =	ssyncadd.s32 $0xFFFFFFFF  }
0xa7: {  	s26 =	simm.s32 $execute0_lowered;
	[smem:$0x3FD2] =	sst s25  }
0xa8: {  	s7 =	sshll.u32 s26, $0x1;
	_ =	strace $0x80000046;
	[dreg:$0x1] =	wrdreg $0xFFFFFFFF  }
0xa9: {  	s28 =	simm.s32 $_size_execute0_lowered;
	s5 =	sadd.s32 s5, s7;
	[dreg:$0x0] =	wrdreg $0x0  }
0xaa: {  	s7 =	sshll.u32 s28, $0x1;
	[dreg:$0x2] =	wrdreg s5  }
0xab: {  	[dreg:$0x3] =	wrdreg s7  }
0xac: {  	[dreg:$0x4] =	wrdreg $0xC0  }
0xad: {  	_ =	task [dreg:s9], $0x5FFFF  }
0xae: {  	[dreg:$0x1] =	wrdreg $0xFFFFFFFF  }
0xaf: {  	[dreg:$0x0] =	wrdreg $0x60  }
0xb0: {  	[dreg:$0x2] =	wrdreg s2  }
0xb1: {  	[dreg:$0x3] =	wrdreg s18  }
0xb2: {  	[dreg:$0x4] =	wrdreg s24  }
0xb3: {  	[dreg:$0x5] =	wrdreg s4  }
0xb4: {  	[dreg:$0x6] =	wrdreg $0x1C5180  }
0xb5: {  	[dreg:$0x7] =	wrdreg $0x1AC100  }
0xb6: {  	[dreg:$0x8] =	wrdreg $0x9  }
0xb7: {  	_ =	task.clear_ibuf [dreg:s9], $0x9FFFF;
	_ =	strace $0x90000046  }
0xb8: {  	s29 =	simm.s32 $0x9;
	_ =	strace $0x80000048  }
0xb9: {  	_ =	swait.ge [sflag:s29], $0x1  }
0xba: {  	[sflag:s29] =	ssyncadd.s32 $0xFFFFFFFF  }
0xbb: {  	_ =	strace $0x90000048  }
0xbc: {  	_ =	sfence  }
0xbd: {  	s30 =	sld [smem:$0x0];
	_ =	sdelay $0x2  }
0xbe: {  	s31 =	sshll.u32 s1, $0xD;
	s1 =	sshrl.u32 s1, $0x2  }
0xbf: {  	s3 =	sand.u32 $0x4000, s31;
	s1 =	sadd.s32 s1, s30  }
0xc0: {  	s0 =	sor.u32 s3, s0;
	s1 =	sshll.u32 s1, $0x11  }
0xc1: {  	s0 =	sor.u32 s1, s0  }
0xc2: {  	s0 =	sadd.s32 $0x8F2B, s0  }
0xc3: {  	[sflag:s0] =	ssyncadd.remote.s32 $0x1  }
0xc4: {  	_ =	sfence.sel $0xFFFF  }
0xc5: {  	[dreg:$0x0] =	wrdreg $0xFFFFFFFF;
	(pc) =	sbr.abs _section_cstart, $3  }
0xc6: {  	[dreg:$0x1] =	wrdreg $0xFFFFFFFF  }
0xc7: {  	_ =	task.clear_ibuf [dreg:s9], $0x2FFFF;
	_ =	strace $0x9FFFFFFF  }
0xc8: {  	(tm) =	ssettm $0x7FFFFFFF  }
0xc9: {  	_ =	shalt  }
tec
execute0_lowered:
.L_overlay_start_1:
0x0: {  	(tag) =	ssettag $0x1  }
0x1: {  	s0 =	rddreg [dreg:$0x0]  }
0x2: {  	s1 =	rddreg [dreg:$0x2]  }
0x3: {  	s5 =	rddreg [dreg:$0x3]  }
0x4: {  	s2 =	rddreg [dreg:$0x4]  }
0x5: {  	s3 =	rddreg [dreg:$0x5];
	s4 =	srdreg.scid  }
0x6: {  	s18 =	simm.s32 $0x0;
	s13 =	stileid.u32;
	s17 =	simm.s32 $0x5290  }
0x7: {  	s15 =	simm.s32 $0x6B90;
	s16 =	simm.s32 $0x7;
	s14 =	simm.s32 $0x2090  }
0x8: {  	s19 =	simm.s32 $0x80;
	s21 =	simm.s32 $0x7B90;
	s28 =	simm.s32 $0xAB90  }
0x9: {  	s20 =	simm.s32 $0xCB90;
	s29 =	simm.s32 $0xEB90;
	s30 =	simm.s32 $0xFB90  }
0xa: {  	s31 =	simm.s32 $0x4;
	s8 =	sand.u32 $0x1, s4;
	[smem:$0x7FF] =	sst s18  }
0xb: {  	s10 =	sshll.u32 s13, $0xA;
	s6 =	sadd.s32 $0xF43000, s1;
	s12 =	sshll.u32 s13, $0xD  }
0xc: {  	s4 =	sshll.u32 s8, $0x4;
	_ =	strace $0x80000047;
	s7 =	ssub.s32 $0x2, s8  }
0xd: {  	s1 =	sadd.s32 s10, s1;
	s12 =	sadd.s32 s12, s2;
	s23 =	sshll.u32 s8, $0xE  }
0xe: {  	s8 =	simm.s32 $0x3;
	s9 =	sor.u32 s13, s4;
	s11 =	sshrl.u32 s7, $0x1  }
0xf: {  	[dreg:$0x8] =	wrdreg s12;
	s4 =	smul.u32 $0x1900, s9;
	s11 =	ssub.s32 s7, s11  }
0x10: {  	s7 =	smul.u32 $0x1908, s13;
	s24 =	sshll.u32 s9, $0x4;
	s10 =	sshll.u32 s9, $0x7  }
0x11: {  	s9 =	simm.s32 $0x5;
	s25 =	sadd.s32 s5, s24;
	s26 =	smax.u32 s11, $0x1  }
0x12: {  	s24 =	simm.s32 $0xDB90;
	s22 =	sshrl.u32 s4, $0x3;
	[dreg:$0x9] =	wrdreg s25  }
0x13: {  	s13 =	sadd.s32 s7, s3;
	[dreg:$0xb] =	wrdreg s26;
	s25 =	simm.s32 $0x9B90  }
0x14: {  	s26 =	simm.s32 $0x2;
	v0 =	vmov s4;
	s4 =	simm.s32 $0x0;
	s0 =	sadd.s32 s0, s22  }
0x15: {  	s22 =	simm.s32 $0x6;
	[dreg:$0x7] =	wrdreg s0;
	s0 =	sadd.s32 s23, s1  }
0x16: {  	v2 =	vimm.f32 $0.0e+00;
	v3 =	vimm.s32 $0x0;
	[dreg:$0xc] =	wrdreg s13;
	s23 =	simm.s32 $0x8B90;
	s0 =	sadd.s32 $0xC00, s0  }
0x17: {  	v4 =	vimm.s32 $0x32000;
	v5 =	vimm.s32 $0x1;
	v1 =	vmov s7;
	s1 =	simm.s32 $0x2010;
	[dreg:$0xa] =	wrdreg s0;
	s0 =	simm.s32 $0xBB90  }
.LBB2_1:
0x18: {  	s5 =	rddreg [dreg:$0x1]  }
0x19: {  	[tilespmem:s18], [sflag:$0x1] =	stream.linear.gather [hbm4b:s5+s18], $0x1000, $0x38;
	[tilespmem:$0x1E518] =	vst v63  }
0x1a: {  	s11 =	rddreg [dreg:$0x7];
	s7 =	simm.s32 $0x0;
	s5 =	simm.s32 $0x80  }
0x1b: {  	[tilespmem:s17], [sflag:$0x1] =	stream.linear.gather [hbm4b:s11+s18], $0x1900, $0x38;
	[tilespmem:$0x1E518] =	vst v63  }
.LBB2_2:
0x1c: {  	p0 =	sne.s32 s5, $0x7F80;
	[tilespmem:s7+$0x6B90] =	vst v2;
	s11 =	smov.u32 s5;
	s5 =	sadd.s32 $0x80, s5  }
.Ltmp0:
0x1d: {  	[tilespmem:s7+$0x6BA0] =	vst v2;
	(pc) =	sbr.rel @p0 .LBB2_2-.Ltmp0, $2  }
0x1e: {  	_ =	sdelay $0x2  }
0x1f: {  	s7 =	sshra.s32 s11, $0x2  }
0x20: {  	[tilespmem:s7+$0x6B90] =	vst v2  }
0x21: {  	[tilespmem:s7+$0x6BA0] =	vst v2  }
0x22: {  	[spmem:s12] =	stream.linear.scatter [tilespmem:s15], [sflag:$0x7], $0x2000, $0x38;
	[tilespmem:$0x1E518] =	vst v63  }
0x23: {  	_ =	swait.ge [sflag:s16], $0x2000  }
0x24: {  	[sflag:s16] =	ssyncset.done $0x0  }
0x25: {  	s5 =	simm.s32 $0x40;
	s7 =	simm.s32 $0x0;
	[sflag:s16] =	ssyncadd.s32 $0xFFFFE000  }
.LBB2_4:
0x26: {  	p0 =	sne.s32 s5, $0x63C0;
	[tilespmem:s7+$0x2090] =	vst v3;
	s7 =	smov.u32 s5;
	s5 =	sadd.s32 $0x40, s5  }
.Ltmp1:
0x27: {  	(pc) =	sbr.rel @p0 .LBB2_4-.Ltmp1, $2  }
0x28: {  	_ =	sdelay $0x2  }
0x29: {  	s7 =	sshra.s32 s7, $0x2  }
0x2a: {  	[tilespmem:s7+$0x2090] =	vst v3  }
0x2b: {  	[spmem:s13] =	stream.linear.scatter [tilespmem:s14], [sflag:$0x7], $0x1900, $0x38;
	[tilespmem:$0x1E518] =	vst v63  }
0x2c: {  	_ =	swait.ge [sflag:s16], $0x1900  }
0x2d: {  	[sflag:s16] =	ssyncset.done $0x0  }
0x2e: {  	s5 =	simm.s32 $0x1;
	[sflag:s16] =	ssyncadd.s32 $0xFFFFE700  }
0x2f: {  	_ =	swait.ge [sflag:s5], $0x1900  }
0x30: {  	[sflag:s5] =	ssyncset.done $0x0  }
0x31: {  	[sflag:s5] =	ssyncadd.s32 $0xFFFFE700  }
0x32: {  	[tilespmem:s15], [sflag:$0x3] =	stream.indirect.gather [hbm4b:s6+s19], $0x20, s17, s19, $0xb8;
	[tilespmem:$0x1E518] =	vst v63  }
0x33: {  	s12 =	simm.s32 $0x5310  }
0x34: {  	[tilespmem:s21], [sflag:$0x3] =	stream.indirect.gather [hbm4b:s6+s19], $0x20, s12, s19, $0xb8;
	[tilespmem:$0x1E518] =	vst v63  }
0x35: {  	s15 =	simm.s32 $0x5390  }
0x36: {  	[tilespmem:s23], [sflag:$0x3] =	stream.indirect.gather [hbm4b:s6+s19], $0x20, s15, s19, $0xb8;
	[tilespmem:$0x1E518] =	vst v63  }
0x37: {  	s17 =	simm.s32 $0x5410  }
0x38: {  	[tilespmem:s25], [sflag:$0x3] =	stream.indirect.gather [hbm4b:s6+s19], $0x20, s17, s19, $0xb8;
	[tilespmem:$0x1E518] =	vst v63  }
0x39: {  	s18 =	simm.s32 $0x5490  }
0x3a: {  	[tilespmem:s28], [sflag:$0x3] =	stream.indirect.gather [hbm4b:s6+s19], $0x20, s18, s19, $0xb8;
	[tilespmem:$0x1E518] =	vst v63  }
0x3b: {  	s21 =	simm.s32 $0x5510  }
0x3c: {  	[tilespmem:s0], [sflag:$0x3] =	stream.indirect.gather [hbm4b:s6+s19], $0x20, s21, s19, $0xb8;
	[tilespmem:$0x1E518] =	vst v63  }
0x3d: {  	s23 =	simm.s32 $0x5590  }
0x3e: {  	[tilespmem:s20], [sflag:$0x3] =	stream.indirect.gather [hbm4b:s6+s19], $0x20, s23, s19, $0xb8;
	[tilespmem:$0x1E518] =	vst v63  }
0x3f: {  	s25 =	simm.s32 $0x5610  }
0x40: {  	[tilespmem:s24], [sflag:$0x3] =	stream.indirect.gather [hbm4b:s6+s19], $0x20, s25, s19, $0xb8;
	[tilespmem:$0x1E518] =	vst v63  }
0x41: {  	s28 =	simm.s32 $0x5690  }
0x42: {  	[tilespmem:s29], [sflag:$0x3] =	stream.indirect.gather [hbm4b:s6+s19], $0x20, s28, s19, $0xb8;
	[tilespmem:$0x1E518] =	vst v63  }
0x43: {  	s29 =	simm.s32 $0x5710  }
0x44: {  	[tilespmem:s30], [sflag:$0x3] =	stream.indirect.gather [hbm4b:s6+s19], $0x20, s29, s19, $0xb8;
	[tilespmem:$0x1E518] =	vst v63  }
0x45: {  	_ =	swait.ge [sflag:s5], $0x1000  }
0x46: {  	[sflag:s5] =	ssyncset.done $0x0  }
0x47: {  	s7 =	simm.s32 $0x0;
	[sflag:s5] =	ssyncadd.s32 $0xFFFFF000  }
0x48: {  	[tilespmem:$0x1000] =	vst v4;
	v11 =	vld [tilespmem:s7+$0x40]  }
0x49: {  	v6 =	vld [tilespmem:s7+$0x70]  }
0x4a: {  	v7 =	vld [tilespmem:s7+$0x0]  }
0x4b: {  	v8 =	vld [tilespmem:s7+$0x10]  }
0x4c: {  	v9 =	vld [tilespmem:s7+$0x20]  }
0x4d: {  	v10 =	vld [tilespmem:s7+$0x30]  }
0x4e: {  	v12 =	vld [tilespmem:s7+$0x50]  }
0x4f: {  	v13 =	vld [tilespmem:s7+$0x60];
	_ =	sdelay $0x2  }
0x50: {  	v16 =	vsub.s32 v11, v0;
	v6 =	vsub.s32 v6, v0;
	v7 =	vsub.s32 v7, v0  }
0x51: {  	v8 =	vsub.s32 v8, v0;
	v14 =	vsub.s32 v9, v0;
	v10 =	vsub.s32 v10, v0  }
0x52: {  	vm3 =	vgt.s32 v16, $0x0;
	v9 =	vsub.s32 v12, v0;
	v12 =	vsub.s32 v13, v0  }
0x53: {  	vm0 =	vgt.s32 v6, $0x0;
	vm1 =	vgt.s32 v7, $0x0;
	vm2 =	vgt.s32 v14, $0x0  }
0x54: {  	v6 =	vnsel vm0, $0x0, v6;
	v7 =	vnsel vm1, $0x0, v7;
	vm1 =	vgt.s32 v10, $0x0  }
0x55: {  	vm0 =	vgt.s32 v8, $0x0;
	v6 =	vmin.u32 v6, $0x1900;
	v11 =	vnsel vm1, $0x0, v10  }
0x56: {  	v10 =	vnsel vm3, $0x0, v16;
	vm1 =	vgt.s32 v12, $0x0;
	v15 =	vadd.s32 v1, v6  }
0x57: {  	s11 =	simm.s32 $0x80;
	s12 =	simm.s32 $0x400;
	v6 =	vnsel vm0, $0x0, v8;
	v8 =	vnsel vm2, $0x0, v14;
	vm0 =	vgt.s32 v9, $0x0;
	[tilespmem:s7+$0x1080] =	vst v15  }
.LBB2_6:
0x58: {  	p0 =	sne.s32 s12, $0x3E00;
	v13 =	vld [tilespmem:s11+$0x70];
	v7 =	vmin.u32 v7, $0x1900;
	v9 =	vnsel vm0, $0x0, v9;
	v12 =	vnsel vm1, $0x0, v12  }
0x59: {  	v6 =	vmin.u32 v6, $0x1900;
	v8 =	vmin.u32 v8, $0x1900;
	v11 =	vmin.u32 v11, $0x1900;
	v14 =	vld [tilespmem:s11+$0x0]  }
0x5a: {  	v10 =	vmin.u32 v10, $0x1900;
	v9 =	vmin.u32 v9, $0x1900;
	v12 =	vmin.u32 v12, $0x1900;
	v15 =	vld [tilespmem:s11+$0x10]  }
0x5b: {  	v7 =	vadd.s32 v1, v7;
	v6 =	vadd.s32 v1, v6;
	v8 =	vadd.s32 v1, v8;
	v16 =	vld [tilespmem:s11+$0x20]  }
0x5c: {  	v10 =	vadd.s32 v1, v10;
	v9 =	vadd.s32 v1, v9;
	v17 =	vld [tilespmem:s11+$0x30];
	[tilespmem:s7+$0x1010] =	vst v7;
	v7 =	vadd.s32 v1, v11  }
0x5d: {  	v12 =	vadd.s32 v1, v12;
	v11 =	vld [tilespmem:s11+$0x40];
	v13 =	vsub.s32 v13, v0;
	[tilespmem:s7+$0x1020] =	vst v6  }
0x5e: {  	v6 =	vsub.s32 v14, v0;
	v14 =	vld [tilespmem:s11+$0x50];
	vm0 =	vgt.s32 v13, $0x0;
	[tilespmem:s7+$0x1030] =	vst v8  }
0x5f: {  	vm1 =	vgt.s32 v6, $0x0;
	v8 =	vsub.s32 v15, v0;
	v15 =	vld [tilespmem:s11+$0x60];
	v13 =	vnsel vm0, $0x0, v13;
	[tilespmem:s7+$0x1040] =	vst v7  }
0x60: {  	vm0 =	vgt.s32 v8, $0x0;
	v16 =	vsub.s32 v16, v0;
	v7 =	vmin.u32 v13, $0x1900;
	[tilespmem:s7+$0x1050] =	vst v10  }
.Ltmp2:
0x61: {  	vm2 =	vgt.s32 v16, $0x0;
	v10 =	vsub.s32 v17, v0;
	v13 =	vadd.s32 v1, v7;
	[tilespmem:s7+$0x1060] =	vst v9;
	(pc) =	sbr.rel @p0 .LBB2_6-.Ltmp2, $4  }
0x62: {  	v7 =	vnsel vm1, $0x0, v6;
	vm1 =	vgt.s32 v10, $0x0;
	v17 =	vsub.s32 v11, v0;
	[tilespmem:s11+$0x1080] =	vst v13  }
0x63: {  	v6 =	vnsel vm0, $0x0, v8;
	vm3 =	vgt.s32 v17, $0x0;
	v9 =	vsub.s32 v14, v0;
	[tilespmem:s7+$0x1070] =	vst v12;
	s7 =	smov.u32 s11  }
0x64: {  	v8 =	vnsel vm2, $0x0, v16;
	vm0 =	vgt.s32 v9, $0x0;
	v12 =	vsub.s32 v15, v0  }
0x65: {  	s11 =	sshra.s32 s12, $0x2;
	s12 =	sadd.s32 $0x200, s12;
	v11 =	vnsel vm1, $0x0, v10;
	v10 =	vnsel vm3, $0x0, v17;
	vm1 =	vgt.s32 v12, $0x0  }
0x66: {  	v13 =	vld [tilespmem:s11+$0x70]  }
0x67: {  	v14 =	vld [tilespmem:s11+$0x0]  }
0x68: {  	v15 =	vld [tilespmem:s11+$0x10];
	v7 =	vmin.u32 v7, $0x1900;
	v9 =	vnsel vm0, $0x0, v9  }
0x69: {  	v16 =	vld [tilespmem:s11+$0x20];
	v12 =	vnsel vm1, $0x0, v12;
	v6 =	vmin.u32 v6, $0x1900;
	v8 =	vmin.u32 v8, $0x1900  }
0x6a: {  	v11 =	vmin.u32 v11, $0x1900;
	v10 =	vmin.u32 v10, $0x1900;
	v7 =	vadd.s32 v1, v7  }
0x6b: {  	v17 =	vld [tilespmem:s11+$0x30];
	v6 =	vadd.s32 v1, v6;
	v8 =	vadd.s32 v1, v8;
	v11 =	vadd.s32 v1, v11  }
0x6c: {  	v10 =	vadd.s32 v1, v10;
	[tilespmem:s7+$0x1010] =	vst v7;
	v7 =	vmin.u32 v9, $0x1900;
	v9 =	vmin.u32 v12, $0x1900  }
0x6d: {  	v12 =	vld [tilespmem:s11+$0x40];
	[tilespmem:s7+$0x1020] =	vst v6;
	v6 =	vadd.s32 v1, v7;
	v9 =	vadd.s32 v1, v9;
	v7 =	vsub.s32 v13, v0  }
0x6e: {  	v13 =	vsub.s32 v14, v0;
	v14 =	vld [tilespmem:s11+$0x50];
	[tilespmem:s7+$0x1030] =	vst v8;
	v8 =	vsub.s32 v15, v0;
	v16 =	vsub.s32 v16, v0  }
0x6f: {  	vm9 =	vgt.s32 v7, $0x0;
	vm10 =	vgt.s32 v13, $0x0;
	vm11 =	vgt.s32 v8, $0x0  }
0x70: {  	v15 =	vld [tilespmem:s11+$0x60];
	vm2 =	vgt.s32 v16, $0x0;
	[tilespmem:s7+$0x1040] =	vst v11;
	v11 =	vsub.s32 v17, v0;
	v7 =	vnsel vm9, $0x0, v7  }
0x71: {  	v13 =	vnsel vm10, $0x0, v13;
	vm12 =	vgt.s32 v11, $0x0;
	v8 =	vnsel vm11, $0x0, v8  }
0x72: {  	[tilespmem:s7+$0x1050] =	vst v10;
	v7 =	vmin.u32 v7, $0x1900;
	v10 =	vsub.s32 v12, v0;
	v12 =	vnsel vm2, $0x0, v16  }
0x73: {  	[tilespmem:s7+$0x1060] =	vst v6;
	v13 =	vmin.u32 v13, $0x1900;
	v8 =	vmin.u32 v8, $0x1900;
	v7 =	vadd.s32 v1, v7  }
0x74: {  	vm13 =	vgt.s32 v10, $0x0;
	v12 =	vmin.u32 v12, $0x1900;
	v8 =	vadd.s32 v1, v8;
	[tilespmem:s11+$0x1080] =	vst v7  }
0x75: {  	v6 =	vsub.s32 v14, v0;
	[tilespmem:s7+$0x1070] =	vst v9;
	v9 =	vnsel vm12, $0x0, v11;
	v11 =	vadd.s32 v1, v13  }
0x76: {  	v10 =	vnsel vm13, $0x0, v10;
	vm14 =	vgt.s32 v6, $0x0;
	v7 =	vsub.s32 v15, v0;
	[tilespmem:s11+$0x1010] =	vst v11  }
0x77: {  	vm15 =	vgt.s32 v7, $0x0;
	v9 =	vmin.u32 v9, $0x1900;
	v11 =	vadd.s32 v1, v12;
	[tilespmem:s11+$0x1020] =	vst v8  }
0x78: {  	v6 =	vnsel vm14, $0x0, v6;
	v8 =	vmin.u32 v10, $0x1900;
	v9 =	vadd.s32 v1, v9;
	[tilespmem:s11+$0x1030] =	vst v11  }
0x79: {  	v7 =	vnsel vm15, $0x0, v7;
	v6 =	vmin.u32 v6, $0x1900;
	v8 =	vadd.s32 v1, v8;
	[tilespmem:s11+$0x1040] =	vst v9  }
0x7a: {  	v7 =	vmin.u32 v7, $0x1900;
	v6 =	vadd.s32 v1, v6;
	[tilespmem:s11+$0x1050] =	vst v8  }
0x7b: {  	v7 =	vadd.s32 v1, v7;
	[tilespmem:s11+$0x1060] =	vst v6  }
0x7c: {  	[tilespmem:s11+$0x1070] =	vst v7  }
0x7d: {  	[tilespmem:$0x2010] =	vst v5  }
0x7e: {  	[tilespmem:$0x2020] =	vst v5  }
0x7f: {  	[tilespmem:$0x2030] =	vst v5  }
0x80: {  	[tilespmem:$0x2040] =	vst v5  }
0x81: {  	[tilespmem:$0x2050] =	vst v5  }
0x82: {  	[tilespmem:$0x2060] =	vst v5  }
0x83: {  	[tilespmem:$0x2070] =	vst v5  }
0x84: {  	s0 =	simm.s32 $0x1010;
	s3 =	rddreg [dreg:$0x5];
	[tilespmem:$0x2080] =	vst v5  }
0x85: {  	[spmem:s3] =	stream.indirect.scatter.add.s32 [tilespmem:s1], [sflag:$0x2], $0x1, s0, s19, $0xb8;
	[tilespmem:$0x1E518] =	vst v63  }
0x86: {  	s21 =	simm.s32 $0x1090  }
0x87: {  	[spmem:s3] =	stream.indirect.scatter.add.s32 [tilespmem:s1], [sflag:$0x2], $0x1, s21, s19, $0xb8;
	[tilespmem:$0x1E518] =	vst v63  }
0x88: {  	s23 =	simm.s32 $0x1110  }
0x89: {  	[spmem:s3] =	stream.indirect.scatter.add.s32 [tilespmem:s1], [sflag:$0x2], $0x1, s23, s19, $0xb8;
	[tilespmem:$0x1E518] =	vst v63  }
0x8a: {  	s24 =	simm.s32 $0x1190  }
0x8b: {  	[spmem:s3] =	stream.indirect.scatter.add.s32 [tilespmem:s1], [sflag:$0x2], $0x1, s24, s19, $0xb8;
	[tilespmem:$0x1E518] =	vst v63  }
0x8c: {  	s25 =	simm.s32 $0x1210  }
0x8d: {  	[spmem:s3] =	stream.indirect.scatter.add.s32 [tilespmem:s1], [sflag:$0x2], $0x1, s25, s19, $0xb8;
	[tilespmem:$0x1E518] =	vst v63  }
0x8e: {  	s28 =	simm.s32 $0x1290  }
0x8f: {  	[spmem:s3] =	stream.indirect.scatter.add.s32 [tilespmem:s1], [sflag:$0x2], $0x1, s28, s19, $0xb8;
	[tilespmem:$0x1E518] =	vst v63  }
0x90: {  	s29 =	simm.s32 $0x1310  }
0x91: {  	[spmem:s3] =	stream.indirect.scatter.add.s32 [tilespmem:s1], [sflag:$0x2], $0x1, s29, s19, $0xb8;
	[tilespmem:$0x1E518] =	vst v63  }
0x92: {  	s30 =	simm.s32 $0x1390  }
0x93: {  	[spmem:s3] =	stream.indirect.scatter.add.s32 [tilespmem:s1], [sflag:$0x2], $0x1, s30, s19, $0xb8;
	[tilespmem:$0x1E518] =	vst v63  }
0x94: {  	[dreg:$0xd] =	wrdreg s4;
	s4 =	simm.s32 $0x1410  }
0x95: {  	[spmem:s3] =	stream.indirect.scatter.add.s32 [tilespmem:s1], [sflag:$0x2], $0x1, s4, s19, $0xb8;
	[tilespmem:$0x1E518] =	vst v63  }
0x96: {  	s5 =	simm.s32 $0x1490  }
0x97: {  	[spmem:s3] =	stream.indirect.scatter.add.s32 [tilespmem:s1], [sflag:$0x2], $0x1, s5, s19, $0xb8;
	[tilespmem:$0x1E518] =	vst v63  }
0x98: {  	s7 =	simm.s32 $0x1510  }
0x99: {  	[spmem:s3] =	stream.indirect.scatter.add.s32 [tilespmem:s1], [sflag:$0x2], $0x1, s7, s19, $0xb8;
	[tilespmem:$0x1E518] =	vst v63  }
0x9a: {  	s11 =	simm.s32 $0x1590  }
0x9b: {  	[spmem:s3] =	stream.indirect.scatter.add.s32 [tilespmem:s1], [sflag:$0x2], $0x1, s11, s19, $0xb8;
	[tilespmem:$0x1E518] =	vst v63  }
0x9c: {  	s12 =	simm.s32 $0x1610  }
0x9d: {  	[spmem:s3] =	stream.indirect.scatter.add.s32 [tilespmem:s1], [sflag:$0x2], $0x1, s12, s19, $0xb8;
	[tilespmem:$0x1E518] =	vst v63  }
0x9e: {  	s15 =	simm.s32 $0x1690  }
0x9f: {  	[spmem:s3] =	stream.indirect.scatter.add.s32 [tilespmem:s1], [sflag:$0x2], $0x1, s15, s19, $0xb8;
	[tilespmem:$0x1E518] =	vst v63  }
0xa0: {  	s17 =	simm.s32 $0x1710  }
0xa1: {  	[spmem:s3] =	stream.indirect.scatter.add.s32 [tilespmem:s1], [sflag:$0x2], $0x1, s17, s19, $0xb8;
	[tilespmem:$0x1E518] =	vst v63  }
0xa2: {  	s18 =	simm.s32 $0x1790  }
0xa3: {  	[spmem:s3] =	stream.indirect.scatter.add.s32 [tilespmem:s1], [sflag:$0x2], $0x1, s18, s19, $0xb8;
	[tilespmem:$0x1E518] =	vst v63  }
0xa4: {  	s20 =	simm.s32 $0x1810  }
0xa5: {  	[spmem:s3] =	stream.indirect.scatter.add.s32 [tilespmem:s1], [sflag:$0x2], $0x1, s20, s19, $0xb8;
	[tilespmem:$0x1E518] =	vst v63  }
0xa6: {  	s21 =	simm.s32 $0x1890  }
0xa7: {  	[spmem:s3] =	stream.indirect.scatter.add.s32 [tilespmem:s1], [sflag:$0x2], $0x1, s21, s19, $0xb8;
	[tilespmem:$0x1E518] =	vst v63  }
0xa8: {  	s23 =	simm.s32 $0x1910  }
0xa9: {  	[spmem:s3] =	stream.indirect.scatter.add.s32 [tilespmem:s1], [sflag:$0x2], $0x1, s23, s19, $0xb8;
	[tilespmem:$0x1E518] =	vst v63  }
0xaa: {  	s24 =	simm.s32 $0x1990  }
0xab: {  	[spmem:s3] =	stream.indirect.scatter.add.s32 [tilespmem:s1], [sflag:$0x2], $0x1, s24, s19, $0xb8;
	[tilespmem:$0x1E518] =	vst v63  }
0xac: {  	s25 =	simm.s32 $0x1A10  }
0xad: {  	[spmem:s3] =	stream.indirect.scatter.add.s32 [tilespmem:s1], [sflag:$0x2], $0x1, s25, s19, $0xb8;
	[tilespmem:$0x1E518] =	vst v63  }
0xae: {  	s28 =	simm.s32 $0x1A90  }
0xaf: {  	[spmem:s3] =	stream.indirect.scatter.add.s32 [tilespmem:s1], [sflag:$0x2], $0x1, s28, s19, $0xb8;
	[tilespmem:$0x1E518] =	vst v63  }
0xb0: {  	s29 =	simm.s32 $0x1B10  }
0xb1: {  	[spmem:s3] =	stream.indirect.scatter.add.s32 [tilespmem:s1], [sflag:$0x2], $0x1, s29, s19, $0xb8;
	[tilespmem:$0x1E518] =	vst v63  }
0xb2: {  	s30 =	simm.s32 $0x1B90  }
0xb3: {  	[spmem:s3] =	stream.indirect.scatter.add.s32 [tilespmem:s1], [sflag:$0x2], $0x1, s30, s19, $0xb8;
	[tilespmem:$0x1E518] =	vst v63  }
0xb4: {  	s4 =	simm.s32 $0x1C10  }
0xb5: {  	[spmem:s3] =	stream.indirect.scatter.add.s32 [tilespmem:s1], [sflag:$0x2], $0x1, s4, s19, $0xb8;
	[tilespmem:$0x1E518] =	vst v63  }
0xb6: {  	s5 =	simm.s32 $0x1C90  }
0xb7: {  	[spmem:s3] =	stream.indirect.scatter.add.s32 [tilespmem:s1], [sflag:$0x2], $0x1, s5, s19, $0xb8;
	[tilespmem:$0x1E518] =	vst v63  }
0xb8: {  	s7 =	simm.s32 $0x1D10  }
0xb9: {  	[spmem:s3] =	stream.indirect.scatter.add.s32 [tilespmem:s1], [sflag:$0x2], $0x1, s7, s19, $0xb8;
	[tilespmem:$0x1E518] =	vst v63  }
0xba: {  	s11 =	simm.s32 $0x1D90  }
0xbb: {  	[spmem:s3] =	stream.indirect.scatter.add.s32 [tilespmem:s1], [sflag:$0x2], $0x1, s11, s19, $0xb8;
	[tilespmem:$0x1E518] =	vst v63  }
0xbc: {  	s12 =	simm.s32 $0x1E10  }
0xbd: {  	[spmem:s3] =	stream.indirect.scatter.add.s32 [tilespmem:s1], [sflag:$0x2], $0x1, s12, s19, $0xb8;
	[tilespmem:$0x1E518] =	vst v63  }
0xbe: {  	s15 =	simm.s32 $0x1E90  }
0xbf: {  	[spmem:s3] =	stream.indirect.scatter.add.s32 [tilespmem:s1], [sflag:$0x2], $0x1, s15, s19, $0xb8;
	[tilespmem:$0x1E518] =	vst v63  }
0xc0: {  	s17 =	simm.s32 $0x1F10  }
0xc1: {  	[spmem:s3] =	stream.indirect.scatter.add.s32 [tilespmem:s1], [sflag:$0x2], $0x1, s17, s19, $0xb8;
	[tilespmem:$0x1E518] =	vst v63  }
0xc2: {  	s18 =	simm.s32 $0x1F90  }
0xc3: {  	[spmem:s3] =	stream.indirect.scatter.add.s32 [tilespmem:s1], [sflag:$0x2], $0x1, s18, s19, $0xb8;
	[tilespmem:$0x1E518] =	vst v63  }
0xc4: {  	_ =	swait.ge [sflag:s26], $0x80  }
0xc5: {  	[sflag:s26] =	ssyncset.done $0x0  }
0xc6: {  	[sflag:s26] =	ssyncadd.s32 $0xFFFFFF80  }
0xc7: {  	_ =	swait.ge [sflag:s26], $0x80  }
0xc8: {  	[sflag:s26] =	ssyncset.done $0x0  }
0xc9: {  	[sflag:s26] =	ssyncadd.s32 $0xFFFFFF80  }
0xca: {  	_ =	swait.ge [sflag:s26], $0x80  }
0xcb: {  	[sflag:s26] =	ssyncset.done $0x0  }
0xcc: {  	[sflag:s26] =	ssyncadd.s32 $0xFFFFFF80  }
0xcd: {  	_ =	swait.ge [sflag:s26], $0x80  }
0xce: {  	[sflag:s26] =	ssyncset.done $0x0  }
0xcf: {  	[sflag:s26] =	ssyncadd.s32 $0xFFFFFF80  }
0xd0: {  	_ =	swait.ge [sflag:s26], $0x80  }
0xd1: {  	[sflag:s26] =	ssyncset.done $0x0  }
0xd2: {  	[sflag:s26] =	ssyncadd.s32 $0xFFFFFF80  }
0xd3: {  	_ =	swait.ge [sflag:s26], $0x80  }
0xd4: {  	[sflag:s26] =	ssyncset.done $0x0  }
0xd5: {  	[sflag:s26] =	ssyncadd.s32 $0xFFFFFF80  }
0xd6: {  	_ =	swait.ge [sflag:s26], $0x80  }
0xd7: {  	[sflag:s26] =	ssyncset.done $0x0  }
0xd8: {  	[sflag:s26] =	ssyncadd.s32 $0xFFFFFF80  }
0xd9: {  	_ =	swait.ge [sflag:s26], $0x80  }
0xda: {  	[sflag:s26] =	ssyncset.done $0x0  }
0xdb: {  	[sflag:s26] =	ssyncadd.s32 $0xFFFFFF80  }
0xdc: {  	_ =	swait.ge [sflag:s26], $0x80  }
0xdd: {  	[sflag:s26] =	ssyncset.done $0x0  }
0xde: {  	[sflag:s26] =	ssyncadd.s32 $0xFFFFFF80  }
0xdf: {  	_ =	swait.ge [sflag:s26], $0x80  }
0xe0: {  	[sflag:s26] =	ssyncset.done $0x0  }
0xe1: {  	[sflag:s26] =	ssyncadd.s32 $0xFFFFFF80  }
0xe2: {  	_ =	swait.ge [sflag:s26], $0x80  }
0xe3: {  	[sflag:s26] =	ssyncset.done $0x0  }
0xe4: {  	[sflag:s26] =	ssyncadd.s32 $0xFFFFFF80  }
0xe5: {  	_ =	swait.ge [sflag:s26], $0x80  }
0xe6: {  	[sflag:s26] =	ssyncset.done $0x0  }
0xe7: {  	[sflag:s26] =	ssyncadd.s32 $0xFFFFFF80  }
0xe8: {  	_ =	swait.ge [sflag:s26], $0x80  }
0xe9: {  	[sflag:s26] =	ssyncset.done $0x0  }
0xea: {  	[sflag:s26] =	ssyncadd.s32 $0xFFFFFF80  }
0xeb: {  	_ =	swait.ge [sflag:s26], $0x80  }
0xec: {  	[sflag:s26] =	ssyncset.done $0x0  }
0xed: {  	[sflag:s26] =	ssyncadd.s32 $0xFFFFFF80  }
0xee: {  	_ =	swait.ge [sflag:s26], $0x80  }
0xef: {  	[sflag:s26] =	ssyncset.done $0x0  }
0xf0: {  	[sflag:s26] =	ssyncadd.s32 $0xFFFFFF80  }
0xf1: {  	_ =	swait.ge [sflag:s26], $0x80  }
0xf2: {  	[sflag:s26] =	ssyncset.done $0x0  }
0xf3: {  	[sflag:s26] =	ssyncadd.s32 $0xFFFFFF80  }
0xf4: {  	_ =	swait.ge [sflag:s26], $0x80  }
0xf5: {  	[sflag:s26] =	ssyncset.done $0x0  }
0xf6: {  	[sflag:s26] =	ssyncadd.s32 $0xFFFFFF80  }
0xf7: {  	_ =	swait.ge [sflag:s26], $0x80  }
0xf8: {  	[sflag:s26] =	ssyncset.done $0x0  }
0xf9: {  	[sflag:s26] =	ssyncadd.s32 $0xFFFFFF80  }
0xfa: {  	_ =	swait.ge [sflag:s26], $0x80  }
0xfb: {  	[sflag:s26] =	ssyncset.done $0x0  }
0xfc: {  	[sflag:s26] =	ssyncadd.s32 $0xFFFFFF80  }
0xfd: {  	_ =	swait.ge [sflag:s26], $0x80  }
0xfe: {  	[sflag:s26] =	ssyncset.done $0x0  }
0xff: {  	[sflag:s26] =	ssyncadd.s32 $0xFFFFFF80  }
0x100: {  	_ =	swait.ge [sflag:s26], $0x80  }
0x101: {  	[sflag:s26] =	ssyncset.done $0x0  }
0x102: {  	[sflag:s26] =	ssyncadd.s32 $0xFFFFFF80  }
0x103: {  	_ =	swait.ge [sflag:s26], $0x80  }
0x104: {  	[sflag:s26] =	ssyncset.done $0x0  }
0x105: {  	[sflag:s26] =	ssyncadd.s32 $0xFFFFFF80  }
0x106: {  	_ =	swait.ge [sflag:s26], $0x80  }
0x107: {  	[sflag:s26] =	ssyncset.done $0x0  }
0x108: {  	[sflag:s26] =	ssyncadd.s32 $0xFFFFFF80  }
0x109: {  	_ =	swait.ge [sflag:s26], $0x80  }
0x10a: {  	[sflag:s26] =	ssyncset.done $0x0  }
0x10b: {  	[sflag:s26] =	ssyncadd.s32 $0xFFFFFF80  }
0x10c: {  	_ =	swait.ge [sflag:s26], $0x80  }
0x10d: {  	[sflag:s26] =	ssyncset.done $0x0  }
0x10e: {  	[sflag:s26] =	ssyncadd.s32 $0xFFFFFF80  }
0x10f: {  	_ =	swait.ge [sflag:s26], $0x80  }
0x110: {  	[sflag:s26] =	ssyncset.done $0x0  }
0x111: {  	[sflag:s26] =	ssyncadd.s32 $0xFFFFFF80  }
0x112: {  	_ =	swait.ge [sflag:s26], $0x80  }
0x113: {  	[sflag:s26] =	ssyncset.done $0x0  }
0x114: {  	[sflag:s26] =	ssyncadd.s32 $0xFFFFFF80  }
0x115: {  	_ =	swait.ge [sflag:s26], $0x80  }
0x116: {  	[sflag:s26] =	ssyncset.done $0x0  }
0x117: {  	[sflag:s26] =	ssyncadd.s32 $0xFFFFFF80  }
0x118: {  	_ =	swait.ge [sflag:s26], $0x80  }
0x119: {  	[sflag:s26] =	ssyncset.done $0x0  }
0x11a: {  	[sflag:s26] =	ssyncadd.s32 $0xFFFFFF80  }
0x11b: {  	_ =	swait.ge [sflag:s26], $0x80  }
0x11c: {  	[sflag:s26] =	ssyncset.done $0x0  }
0x11d: {  	[sflag:s26] =	ssyncadd.s32 $0xFFFFFF80  }
0x11e: {  	_ =	swait.ge [sflag:s26], $0x80  }
0x11f: {  	[sflag:s26] =	ssyncset.done $0x0  }
0x120: {  	[sflag:s26] =	ssyncadd.s32 $0xFFFFFF80  }
0x121: {  	_ =	swait.ge [sflag:s26], $0x80  }
0x122: {  	[sflag:s26] =	ssyncset.done $0x0  }
0x123: {  	[sflag:s26] =	ssyncadd.s32 $0xFFFFFF80  }
0x124: {  	[tilespmem:s14], [sflag:$0x7] =	stream.linear.gather [spmem:s13], $0x1900, $0x38;
	[tilespmem:$0x1E518] =	vst v63  }
0x125: {  	_ =	swait.ge [sflag:s16], $0x1900  }
0x126: {  	[sflag:s16] =	ssyncset.done $0x0  }
0x127: {  	s7 =	simm.s32 $0x0;
	[sflag:s16] =	ssyncadd.s32 $0xFFFFE700  }
0x128: {  	v6 =	vld [tilespmem:s7+$0x2090]  }
0x129: {  	v7 =	vld [tilespmem:s7+$0x20A0]  }
0x12a: {  	v8 =	vld [tilespmem:s7+$0x20B0];
	_ =	sdelay $0x1  }
0x12b: {  	v9 =	vld [tilespmem:s7+$0x20C0]  }
0x12c: {  	v10 =	vld [tilespmem:s7+$0x20D0];
	(xrf0) =	vadd.scan.msk.s32 $0xffff, v6  }
0x12d: {  	v11 =	vld [tilespmem:s7+$0x20E0];
	(xrf0) =	vadd.scan.msk.s32 $0xffff, v7  }
0x12e: {  	v6 =	vld [tilespmem:s7+$0x20F0];
	(xrf0) =	vadd.scan.msk.s32 $0xffff, v8;
	_ =	sdelay $0x1  }
0x12f: {  	v7 =	vld [tilespmem:s7+$0x2100];
	(xrf0) =	vadd.scan.msk.s32 $0xffff, v9  }
0x130: {  	(xrf0) =	vadd.scan.msk.s32 $0xffff, v10  }
0x131: {  	(xrf0) =	vadd.scan.msk.s32 $0xffff, v11;
	v8, _, _ =	vpop (xrf0)  }
0x132: {  	(xrf0) =	vadd.scan.msk.s32 $0xffff, v6;
	(v2sf) =	vpush v8, $0xF;
	v13, _, _ =	vpop (xrf0)  }
0x133: {  	(v2sf) =	vpush v13, $0xF;
	v14, _, _ =	vpop (xrf0)  }
0x134: {  	(xrf0) =	vadd.scan.msk.s32 $0xffff, v7;
	(v2sf) =	vpush v14, $0xF  }
0x135: {  	s17 =	simm.s32 $0x80;
	v16, _, _ =	vpop (xrf0)  }
0x136: {  	v6 =	vld [tilespmem:s17+$0x2090];
	(v2sf) =	vpush v16, $0xF;
	v17, _, _ =	vpop (xrf0)  }
0x137: {  	v7 =	vld [tilespmem:s17+$0x20A0];
	(v2sf) =	vpush v17, $0xF;
	v18, _, _ =	vpop (xrf0)  }
0x138: {  	v9 =	vld [tilespmem:s17+$0x20B0];
	(v2sf) =	vpush v18, $0xF;
	v21, _, _ =	vpop (xrf0)  }
0x139: {  	v10 =	vld [tilespmem:s17+$0x20C0];
	(v2sf) =	vpush v21, $0xF  }
0x13a: {  	v11 =	vld [tilespmem:s17+$0x20D0];
	v29, _, _ =	vpop (xrf0)  }
0x13b: {  	v12 =	vld [tilespmem:s17+$0x20E0];
	(xrf0) =	vadd.scan.msk.s32 $0xffff, v6;
	(v2sf) =	vpush v29, $0xF  }
0x13c: {  	v6 =	vld [tilespmem:s17+$0x20F0];
	(xrf0) =	vadd.scan.msk.s32 $0xffff, v7  }
0x13d: {  	v7 =	vld [tilespmem:s17+$0x2100];
	(xrf0) =	vadd.scan.msk.s32 $0xffff, v9  }
0x13e: {  	s5 =	simm.s32 $0x0;
	(xrf0) =	vadd.scan.msk.s32 $0xffff, v10  }
0x13f: {  	v9 =	vmov s5;
	(xrf0) =	vadd.scan.msk.s32 $0xffff, v11  }
0x140: {  	v9 =	vadd.s32 $0xFFFFFFFF, v9;
	(xrf0) =	vadd.scan.msk.s32 $0xffff, v12  }
0x141: {  	v9 =	vbroadcast v9, $0x0;
	v15, _, _ =	vpop (xrf0);
	(xrf0) =	vadd.scan.msk.s32 $0xffff, v6;
	s20 =	spop (v2sf)  }
0x142: {  	(v2sf) =	vpush v15, $0xF;
	v6, _, _ =	vpop (xrf0);
	(xrf0) =	vadd.scan.msk.s32 $0xffff, v7;
	s5 =	sadd.s32 $0x0, s20;
	s21 =	spop (v2sf)  }
0x143: {  	v19 =	vadd.s32 v8, v9;
	v7, _, _ =	vpop (xrf0);
	(v2sf) =	vpush v6, $0xF;
	v9 =	vmov s5;
	s5 =	sadd.s32 s5, s21;
	s23 =	spop (v2sf)  }
0x144: {  	s14 =	simm.s32 $0x100;
	v8, _, _ =	vpop (xrf0);
	(v2sf) =	vpush v7, $0xF;
	v11 =	vmov s5;
	s5 =	sadd.s32 s5, s23  }
0x145: {  	v20 =	vld [tilespmem:s14+$0x2090];
	v10, _, _ =	vpop (xrf0);
	(v2sf) =	vpush v8, $0xF;
	s24 =	spop (v2sf);
	v12 =	vmov s5  }
0x146: {  	v23 =	vld [tilespmem:s14+$0x20A0];
	v28 =	vadd.s32 $0xFFFFFFFF, v9;
	(v2sf) =	vpush v10, $0xF;
	v24 =	vadd.s32 $0xFFFFFFFF, v11;
	s5 =	sadd.s32 s5, s24;
	s25 =	spop (v2sf);
	v9, _, _ =	vpop (xrf0)  }
0x147: {  	v25 =	vld [tilespmem:s14+$0x20B0];
	v26 =	vadd.s32 $0xFFFFFFFF, v12;
	v22 =	vmov s5;
	s5 =	sadd.s32 s5, s25;
	s28 =	spop (v2sf);
	(v2sf) =	vpush v9, $0xF;
	v11, _, _ =	vpop (xrf0)  }
0x148: {  	v27 =	vld [tilespmem:s14+$0x20C0];
	v30 =	vadd.s32 $0xFFFFFFFF, v22;
	v22 =	vmov s5;
	s5 =	sadd.s32 s5, s28;
	s29 =	spop (v2sf);
	(v2sf) =	vpush v11, $0xF;
	v12, _, _ =	vpop (xrf0)  }
0x149: {  	v31 =	vld [tilespmem:s14+$0x20D0];
	[tilespmem:s7+$0x3990] =	vst v19;
	v19 =	vadd.s32 $0xFFFFFFFF, v22;
	v32 =	vmov s5;
	s5 =	sadd.s32 s5, s29;
	(v2sf) =	vpush v12, $0xF  }
0x14a: {  	(xrf0) =	vadd.scan.msk.s32 $0xffff, v20;
	s30 =	spop (v2sf);
	v22 =	vbroadcast v19, $0x0;
	v19 =	vadd.s32 $0xFFFFFFFF, v32;
	v20 =	vmov s5  }
0x14b: {  	(xrf0) =	vadd.scan.msk.s32 $0xffff, v23;
	s12 =	sadd.s32 s5, s30;
	v32 =	vbroadcast v19, $0x0;
	v20 =	vadd.s32 $0xFFFFFFFF, v20;
	v19 =	vld [tilespmem:s14+$0x20E0]  }
0x14c: {  	(xrf0) =	vadd.scan.msk.s32 $0xffff, v25;
	v25 =	vbroadcast v30, $0x0;
	v23 =	vmov s12;
	v30 =	vbroadcast v20, $0x0;
	v20 =	vld [tilespmem:s14+$0x20F0]  }
0x14d: {  	v33 =	vadd.s32 $0xFFFFFFFF, v23;
	v23 =	vbroadcast v24, $0x0;
	v24 =	vadd.s32 v21, v32;
	v21 =	vld [tilespmem:s14+$0x2100]  }
0x14e: {  	(xrf0) =	vadd.scan.msk.s32 $0xffff, v27;
	v27 =	vbroadcast v26, $0x0  }
0x14f: {  	s11 =	simm.s32 $0x800;
	s13 =	simm.s32 $0x600;
	v28 =	vbroadcast v28, $0x0;
	(xrf0) =	vadd.scan.msk.s32 $0xffff, v31;
	v26 =	vbroadcast v33, $0x0;
	v29 =	vadd.s32 v29, v30  }
.LBB2_8:
0x150: {  	p0 =	sne.s32 s11, $0x6200;
	(xrf0) =	vadd.scan.msk.s32 $0xffff, v19;
	v19 =	vadd.s32 v16, v27;
	v25 =	vadd.s32 v17, v25;
	v17 =	vadd.s32 v18, v22  }
0x151: {  	v22 =	vadd.s32 v14, v23;
	(xrf0) =	vadd.scan.msk.s32 $0xffff, v20;
	v18 =	vadd.s32 v15, v26;
	v15, _, _ =	vpop (xrf0);
	v20 =	vadd.s32 v13, v28  }
0x152: {  	v13 =	vmov v6;
	(v2sf) =	vpush v15, $0xF;
	(xrf0) =	vadd.scan.msk.s32 $0xffff, v21;
	s5 =	spop (v2sf);
	[tilespmem:s7+$0x3A00] =	vst v29;
	v6, _, _ =	vpop (xrf0)  }
0x153: {  	v14 =	vmov v7;
	v16 =	vmov v8;
	(v2sf) =	vpush v6, $0xF;
	s12 =	sadd.s32 s12, s5;
	s18 =	spop (v2sf);
	[tilespmem:s7+$0x39F0] =	vst v24;
	v7, _, _ =	vpop (xrf0)  }
0x154: {  	s5 =	sshra.s32 s13, $0x2;
	(v2sf) =	vpush v7, $0xF;
	v8, _, _ =	vpop (xrf0);
	v21 =	vmov s12;
	s12 =	sadd.s32 s12, s18;
	s13 =	spop (v2sf);
	[tilespmem:s7+$0x39E0] =	vst v17;
	v17 =	vmov v10  }
0x155: {  	v23 =	vld [tilespmem:s5+$0x2090];
	(v2sf) =	vpush v8, $0xF;
	v10, _, _ =	vpop (xrf0);
	v28 =	vadd.s32 $0xFFFFFFFF, v21;
	v21 =	vmov s12;
	s12 =	sadd.s32 s12, s13;
	s18 =	spop (v2sf);
	[tilespmem:s7+$0x39D0] =	vst v25;
	s13 =	smov.u32 s11  }
0x156: {  	v24 =	vld [tilespmem:s5+$0x20A0];
	(v2sf) =	vpush v10, $0xF;
	v25, _, _ =	vpop (xrf0);
	v26 =	vadd.s32 $0xFFFFFFFF, v21;
	v21 =	vmov s12;
	s12 =	sadd.s32 s12, s18;
	s18 =	spop (v2sf);
	[tilespmem:s7+$0x39C0] =	vst v19  }
0x157: {  	v27 =	vld [tilespmem:s5+$0x20B0];
	(v2sf) =	vpush v25, $0xF;
	v29, _, _ =	vpop (xrf0);
	v30 =	vadd.s32 $0xFFFFFFFF, v21;
	v19 =	vmov s12;
	s12 =	sadd.s32 s12, s18;
	s18 =	spop (v2sf);
	[tilespmem:s7+$0x39B0] =	vst v22  }
0x158: {  	v31 =	vld [tilespmem:s5+$0x20C0];
	(v2sf) =	vpush v29, $0xF;
	v32, _, _ =	vpop (xrf0);
	v33 =	vadd.s32 $0xFFFFFFFF, v19;
	v19 =	vmov s12;
	s12 =	sadd.s32 s12, s18;
	s18 =	spop (v2sf);
	[tilespmem:s7+$0x39A0] =	vst v20;
	s7 =	smov.u32 s17  }
0x159: {  	s17 =	smov.u32 s14;
	v34 =	vld [tilespmem:s5+$0x20D0];
	(v2sf) =	vpush v32, $0xF;
	[tilespmem:s7+$0x3990] =	vst v18;
	v20 =	vadd.s32 $0xFFFFFFFF, v19;
	v21 =	vmov s12;
	s12 =	sadd.s32 s12, s18;
	s18 =	spop (v2sf);
	v18 =	vmovc v9;
	v9 =	vmovc v25  }
.Ltmp3:
0x15a: {  	s14 =	smov.u32 s5;
	v19 =	vld [tilespmem:s5+$0x20E0];
	(xrf0) =	vadd.scan.msk.s32 $0xffff, v23;
	v22 =	vbroadcast v20, $0x0;
	v21 =	vadd.s32 $0xFFFFFFFF, v21;
	v23 =	vmov s12;
	s12 =	sadd.s32 s12, s18;
	(pc) =	sbr.rel @p0 .LBB2_8-.Ltmp3, $4  }
0x15b: {  	v20 =	vld [tilespmem:s14+$0x20F0];
	(xrf0) =	vadd.scan.msk.s32 $0xffff, v24;
	v24 =	vmov s12;
	v35 =	vbroadcast v21, $0x0;
	v23 =	vadd.s32 $0xFFFFFFFF, v23  }
0x15c: {  	v25 =	vbroadcast v33, $0x0;
	v21 =	vld [tilespmem:s14+$0x2100];
	(xrf0) =	vadd.scan.msk.s32 $0xffff, v27;
	v36 =	vadd.s32 $0xFFFFFFFF, v24;
	v33 =	vbroadcast v23, $0x0  }
0x15d: {  	v23 =	vbroadcast v26, $0x0;
	v27 =	vbroadcast v30, $0x0;
	(xrf0) =	vadd.scan.msk.s32 $0xffff, v31;
	v24 =	vadd.s32 v11, v35;
	v11 =	vmovc v29  }
0x15e: {  	s11 =	sadd.s32 $0x200, s11;
	v28 =	vbroadcast v28, $0x0;
	v26 =	vbroadcast v36, $0x0;
	(xrf0) =	vadd.scan.msk.s32 $0xffff, v34;
	v29 =	vadd.s32 v12, v33;
	v12 =	vmovc v32  }
0x15f: {  	[tilespmem:s7+$0x3A00] =	vst v29  }
0x160: {  	v18 =	vadd.s32 v18, v22;
	[tilespmem:s7+$0x39F0] =	vst v24  }
0x161: {  	s11 =	sshra.s32 s13, $0x2;
	v17 =	vadd.s32 v17, v25;
	[tilespmem:s7+$0x39E0] =	vst v18  }
0x162: {  	v16 =	vadd.s32 v16, v27;
	v14 =	vadd.s32 v14, v23;
	v18 =	vld [tilespmem:s11+$0x2090];
	[tilespmem:s7+$0x39D0] =	vst v17  }
0x163: {  	(xrf0) =	vadd.scan.msk.s32 $0xffff, v19;
	v17 =	vld [tilespmem:s11+$0x20A0];
	[tilespmem:s7+$0x39C0] =	vst v16  }
0x164: {  	v13 =	vadd.s32 v13, v28;
	v55, _, _ =	vpop (xrf0);
	(xrf0) =	vadd.scan.msk.s32 $0xffff, v20;
	v53 =	vld [tilespmem:s11+$0x20B0];
	[tilespmem:s7+$0x39B0] =	vst v14  }
0x165: {  	v56 =	vadd.s32 v15, v26;
	(v2sf) =	vpush v55, $0xF;
	v14, _, _ =	vpop (xrf0);
	(xrf0) =	vadd.scan.msk.s32 $0xffff, v21;
	v54 =	vld [tilespmem:s11+$0x20C0];
	[tilespmem:s7+$0x39A0] =	vst v13  }
0x166: {  	(v2sf) =	vpush v14, $0xF;
	v16, _, _ =	vpop (xrf0);
	v57 =	vld [tilespmem:s11+$0x20D0];
	[tilespmem:s17+$0x3990] =	vst v56  }
0x167: {  	s5 =	spop (v2sf);
	(v2sf) =	vpush v16, $0xF;
	v13 =	vld [tilespmem:s11+$0x20E0];
	(xrf0) =	vadd.scan.msk.s32 $0xffff, v18;
	v18, _, _ =	vpop (xrf0)  }
0x168: {  	s5 =	sadd.s32 s12, s5;
	s0 =	spop (v2sf);
	v58 =	vld [tilespmem:s11+$0x20F0];
	(xrf0) =	vadd.scan.msk.s32 $0xffff, v17;
	(v2sf) =	vpush v18, $0xF;
	v21, _, _ =	vpop (xrf0)  }
0x169: {  	s3 =	spop (v2sf);
	v62 =	vmov s5;
	s7 =	sadd.s32 s5, s0;
	(xrf0) =	vadd.scan.msk.s32 $0xffff, v53;
	(v2sf) =	vpush v21, $0xF;
	v59, _, _ =	vpop (xrf0)  }
0x16a: {  	s4 =	spop (v2sf);
	v28 =	vadd.s32 $0xFFFFFFFF, v62;
	s12 =	sadd.s32 s7, s3;
	v63 =	vmov s7;
	(xrf0) =	vadd.scan.msk.s32 $0xffff, v54;
	(v2sf) =	vpush v59, $0xF;
	v60, _, _ =	vpop (xrf0)  }
0x16b: {  	v28 =	vbroadcast v28, $0x0;
	s13 =	sadd.s32 s12, s4;
	v30 =	vmov s12;
	(xrf0) =	vadd.scan.msk.s32 $0xffff, v57;
	(v2sf) =	vpush v60, $0xF;
	v61, _, _ =	vpop (xrf0)  }
0x16c: {  	s18 =	spop (v2sf);
	v29 =	vadd.s32 $0xFFFFFFFF, v63;
	v31 =	vmov s13;
	(xrf0) =	vadd.scan.msk.s32 $0xffff, v13;
	(v2sf) =	vpush v61, $0xF  }
0x16d: {  	s21 =	spop (v2sf);
	s18 =	sadd.s32 s13, s18;
	v30 =	vadd.s32 $0xFFFFFFFF, v30;
	v29 =	vbroadcast v29, $0x0;
	v6 =	vadd.s32 v6, v28;
	v20, _, _ =	vpop (xrf0);
	(xrf0) =	vadd.scan.msk.s32 $0xffff, v58  }
0x16e: {  	s21 =	sadd.s32 s18, s21;
	v32 =	vmov s18;
	v31 =	vadd.s32 $0xFFFFFFFF, v31;
	(v2sf) =	vpush v20, $0xF;
	v13, _, _ =	vpop (xrf0)  }
0x16f: {  	s23 =	spop (v2sf);
	v30 =	vbroadcast v30, $0x0;
	v33 =	vmov s21;
	(v2sf) =	vpush v13, $0xF;
	v15, _, _ =	vpop (xrf0)  }
0x170: {  	s23 =	sadd.s32 s21, s23;
	v32 =	vadd.s32 $0xFFFFFFFF, v32;
	v31 =	vbroadcast v31, $0x0;
	(v2sf) =	vpush v15, $0xF;
	v17, _, _ =	vpop (xrf0)  }
0x171: {  	s25 =	spop (v2sf);
	v7 =	vadd.s32 v7, v29;
	v34 =	vmov s23;
	(v2sf) =	vpush v17, $0xF;
	v19, _, _ =	vpop (xrf0)  }
0x172: {  	s25 =	sadd.s32 s23, s25;
	v33 =	vadd.s32 $0xFFFFFFFF, v33;
	v32 =	vbroadcast v32, $0x0;
	(v2sf) =	vpush v19, $0xF;
	v23, _, _ =	vpop (xrf0)  }
0x173: {  	v35 =	vmov s25;
	v33 =	vbroadcast v33, $0x0;
	(v2sf) =	vpush v23, $0xF;
	v26, _, _ =	vpop (xrf0)  }
0x174: {  	v44 =	vld [tilespmem:s11+$0x2100];
	[tilespmem:s17+$0x39A0] =	vst v6;
	v34 =	vadd.s32 $0xFFFFFFFF, v34;
	v49 =	vadd.s32 $0xFFFFFFFF, v35;
	s28 =	spop (v2sf);
	(v2sf) =	vpush v26, $0xF  }
0x175: {  	v8 =	vadd.s32 v8, v30;
	[tilespmem:s17+$0x39B0] =	vst v7;
	v34 =	vbroadcast v34, $0x0;
	v7 =	vbroadcast v49, $0x0;
	s28 =	sadd.s32 s25, s28;
	s15 =	spop (v2sf)  }
0x176: {  	v10 =	vadd.s32 v10, v31;
	[tilespmem:s17+$0x39C0] =	vst v8;
	v9 =	vadd.s32 v9, v32;
	s20 =	spop (v2sf);
	s5 =	sadd.s32 s28, s15  }
0x177: {  	[tilespmem:s17+$0x39D0] =	vst v10;
	v11 =	vadd.s32 v11, v33;
	v12 =	vadd.s32 v12, v34;
	v7 =	vadd.s32 v55, v7;
	s7 =	sadd.s32 s5, s20;
	s24 =	spop (v2sf)  }
0x178: {  	[tilespmem:s17+$0x39E0] =	vst v9;
	v36 =	vmov s28;
	v37 =	vmov s5;
	v38 =	vmov s7;
	s25 =	spop (v2sf);
	s12 =	sadd.s32 s7, s24  }
0x179: {  	[tilespmem:s17+$0x39F0] =	vst v11;
	v57 =	vadd.s32 $0xFFFFFFFF, v36;
	v56 =	vadd.s32 $0xFFFFFFFF, v37;
	v55 =	vadd.s32 $0xFFFFFFFF, v38;
	s5 =	sadd.s32 s12, s25;
	s0 =	spop (v2sf)  }
0x17a: {  	[tilespmem:s17+$0x3A00] =	vst v12;
	v39 =	vmov s12;
	v27 =	vbroadcast v55, $0x0;
	v40 =	vmov s5;
	s5 =	sadd.s32 s5, s0;
	s3 =	spop (v2sf)  }
0x17b: {  	[tilespmem:s14+$0x3990] =	vst v7;
	v7 =	vadd.s32 $0xFFFFFFFF, v39;
	v41 =	vmov s5;
	s5 =	sadd.s32 s5, s3;
	s4 =	spop (v2sf);
	v54 =	vadd.s32 $0xFFFFFFFF, v40  }
0x17c: {  	v7 =	vbroadcast v7, $0x0;
	v18 =	vadd.s32 v18, v27;
	v42 =	vmov s5;
	s5 =	sadd.s32 s5, s4  }
0x17d: {  	v53 =	vadd.s32 $0xFFFFFFFF, v41;
	v22 =	vbroadcast v54, $0x0;
	s12 =	spop (v2sf);
	v43 =	vmov s5  }
0x17e: {  	(xrf0) =	vadd.scan.msk.s32 $0xffff, v44;
	v52 =	vadd.s32 $0xFFFFFFFF, v42;
	v28 =	vbroadcast v53, $0x0;
	v7 =	vadd.s32 v21, v7;
	s5 =	sadd.s32 s5, s12;
	s13 =	spop (v2sf)  }
0x17f: {  	[tilespmem:s14+$0x39C0] =	vst v18;
	v10 =	vbroadcast v52, $0x0;
	v22 =	vadd.s32 v59, v22;
	v45 =	vmov s5;
	s5 =	sadd.s32 s5, s13;
	s15 =	spop (v2sf)  }
0x180: {  	v58 =	vadd.s32 $0xFFFFFFFF, v43;
	v59 =	vbroadcast v57, $0x0;
	[tilespmem:s14+$0x39D0] =	vst v7;
	v46 =	vmov s5;
	s5 =	sadd.s32 s5, s15;
	s18 =	spop (v2sf)  }
0x181: {  	[tilespmem:s14+$0x39E0] =	vst v22;
	v7 =	vbroadcast v58, $0x0;
	v10 =	vadd.s32 v61, v10;
	v47 =	vmov s5;
	s5 =	sadd.s32 s5, s18;
	s20 =	spop (v2sf)  }
0x182: {  	v25 =	vadd.s32 v60, v28;
	[tilespmem:s14+$0x3A00] =	vst v10;
	v10 =	vbroadcast v56, $0x0;
	v48 =	vmov s5;
	s5 =	sadd.s32 s5, s20;
	s21 =	spop (v2sf)  }
0x183: {  	[tilespmem:s14+$0x39F0] =	vst v25;
	v14 =	vadd.s32 v14, v59;
	v7 =	vadd.s32 v20, v7;
	s7 =	sadd.s32 s5, s21;
	s23 =	spop (v2sf)  }
0x184: {  	[tilespmem:s14+$0x39A0] =	vst v14;
	v50 =	vmov s5;
	v10 =	vadd.s32 v16, v10;
	v9 =	vadd.s32 $0xFFFFFFFF, v48;
	s5 =	sadd.s32 s7, s23  }
0x185: {  	[tilespmem:s14+$0x39B0] =	vst v10;
	v8 =	vadd.s32 $0xFFFFFFFF, v50;
	v9 =	vbroadcast v9, $0x0;
	v6 =	vmov s5  }
0x186: {  	v62 =	vadd.s32 $0xFFFFFFFF, v47;
	[tilespmem:s11+$0x3990] =	vst v7;
	v7 =	vbroadcast v8, $0x0;
	v6 =	vadd.s32 $0xFFFFFFFF, v6  }
0x187: {  	v51 =	vmov s7;
	v9 =	vadd.s32 v19, v9;
	v6 =	vbroadcast v6, $0x0  }
0x188: {  	v61, _, _ =	vpop (xrf0);
	v60 =	vadd.s32 $0xFFFFFFFF, v51;
	v8 =	vbroadcast v62, $0x0;
	v7 =	vadd.s32 v23, v7;
	[tilespmem:s11+$0x39D0] =	vst v9  }
0x189: {  	v63 =	vadd.s32 $0xFFFFFFFF, v45;
	v10 =	vbroadcast v60, $0x0;
	[tilespmem:s11+$0x39E0] =	vst v7;
	v6 =	vadd.s32 v61, v6  }
0x18a: {  	v8 =	vadd.s32 v17, v8;
	v7 =	vbroadcast v63, $0x0;
	[tilespmem:s11+$0x3A00] =	vst v6;
	v6 =	vadd.s32 $0xFFFFFFFF, v46  }
0x18b: {  	v10 =	vadd.s32 v26, v10;
	[tilespmem:s11+$0x39C0] =	vst v8;
	v6 =	vbroadcast v6, $0x0  }
0x18c: {  	[tilespmem:s11+$0x39F0] =	vst v10;
	v7 =	vadd.s32 v13, v7  }
0x18d: {  	[tilespmem:s11+$0x39A0] =	vst v7;
	v6 =	vadd.s32 v15, v6  }
0x18e: {  	[tilespmem:s11+$0x39B0] =	vst v6  }
0x18f: {  	v6 =	vld [tilespmem:s10+$0x0]  }
0x190: {  	v7 =	vld [tilespmem:s10+$0x1];
	_ =	sdelay $0x4  }
0x191: {  	v6 =	vsub.s32 v7, v6  }
0x192: {  	v6 =	vcvt.s32.f32 v6;
	_ =	sdelay $0x1  }
0x193: {  	v6 =	vmax.f32 v6, $1.000000000e+00  }
0x194: {  	(erf) = vrcp.f32 v6;
	_ =	sdelay $0x8  }
0x195: {  	v6 =	vpop (erf)  }
0x196: {  	[tilespmem:$0x1AB90] =	vst v6  }
0x197: {  	v6 =	vld [tilespmem:s10+$0x10]  }
0x198: {  	v7 =	vld [tilespmem:s10+$0x11];
	_ =	sdelay $0x4  }
0x199: {  	v6 =	vsub.s32 v7, v6  }
0x19a: {  	v6 =	vcvt.s32.f32 v6;
	_ =	sdelay $0x1  }
0x19b: {  	v6 =	vmax.f32 v6, $1.000000000e+00  }
0x19c: {  	(erf) = vrcp.f32 v6;
	_ =	sdelay $0x8  }
0x19d: {  	v6 =	vpop (erf)  }
0x19e: {  	[tilespmem:$0x1ABA0] =	vst v6  }
0x19f: {  	v6 =	vld [tilespmem:s10+$0x20]  }
0x1a0: {  	v7 =	vld [tilespmem:s10+$0x21];
	_ =	sdelay $0x4  }
0x1a1: {  	v6 =	vsub.s32 v7, v6  }
0x1a2: {  	v6 =	vcvt.s32.f32 v6;
	_ =	sdelay $0x1  }
0x1a3: {  	v6 =	vmax.f32 v6, $1.000000000e+00  }
0x1a4: {  	(erf) = vrcp.f32 v6;
	_ =	sdelay $0x8  }
0x1a5: {  	v6 =	vpop (erf)  }
0x1a6: {  	[tilespmem:$0x1ABB0] =	vst v6  }
0x1a7: {  	v6 =	vld [tilespmem:s10+$0x30]  }
0x1a8: {  	v7 =	vld [tilespmem:s10+$0x31];
	_ =	sdelay $0x4  }
0x1a9: {  	v6 =	vsub.s32 v7, v6  }
0x1aa: {  	v6 =	vcvt.s32.f32 v6;
	_ =	sdelay $0x1  }
0x1ab: {  	v6 =	vmax.f32 v6, $1.000000000e+00  }
0x1ac: {  	(erf) = vrcp.f32 v6;
	_ =	sdelay $0x8  }
0x1ad: {  	v6 =	vpop (erf)  }
0x1ae: {  	[tilespmem:$0x1ABC0] =	vst v6  }
0x1af: {  	v6 =	vld [tilespmem:s10+$0x40]  }
0x1b0: {  	v7 =	vld [tilespmem:s10+$0x41];
	_ =	sdelay $0x4  }
0x1b1: {  	v6 =	vsub.s32 v7, v6  }
0x1b2: {  	v6 =	vcvt.s32.f32 v6;
	_ =	sdelay $0x1  }
0x1b3: {  	v6 =	vmax.f32 v6, $1.000000000e+00  }
0x1b4: {  	(erf) = vrcp.f32 v6;
	_ =	sdelay $0x8  }
0x1b5: {  	v6 =	vpop (erf)  }
0x1b6: {  	[tilespmem:$0x1ABD0] =	vst v6  }
0x1b7: {  	v6 =	vld [tilespmem:s10+$0x50]  }
0x1b8: {  	v7 =	vld [tilespmem:s10+$0x51];
	_ =	sdelay $0x4  }
0x1b9: {  	v6 =	vsub.s32 v7, v6  }
0x1ba: {  	v6 =	vcvt.s32.f32 v6;
	_ =	sdelay $0x1  }
0x1bb: {  	v6 =	vmax.f32 v6, $1.000000000e+00  }
0x1bc: {  	(erf) = vrcp.f32 v6;
	_ =	sdelay $0x8  }
0x1bd: {  	v6 =	vpop (erf)  }
0x1be: {  	[tilespmem:$0x1ABE0] =	vst v6  }
0x1bf: {  	v6 =	vld [tilespmem:s10+$0x60]  }
0x1c0: {  	v7 =	vld [tilespmem:s10+$0x61];
	_ =	sdelay $0x4  }
0x1c1: {  	v6 =	vsub.s32 v7, v6  }
0x1c2: {  	v6 =	vcvt.s32.f32 v6;
	_ =	sdelay $0x1  }
0x1c3: {  	v6 =	vmax.f32 v6, $1.000000000e+00  }
0x1c4: {  	(erf) = vrcp.f32 v6;
	_ =	sdelay $0x8  }
0x1c5: {  	v6 =	vpop (erf)  }
0x1c6: {  	[tilespmem:$0x1ABF0] =	vst v6  }
0x1c7: {  	v6 =	vld [tilespmem:s10+$0x70]  }
0x1c8: {  	v7 =	vld [tilespmem:s10+$0x71];
	_ =	sdelay $0x3  }
0x1c9: {  	(v2sf) =	vpush v61, $0xF  }
0x1ca: {  	v6 =	vsub.s32 v7, v6  }
0x1cb: {  	v6 =	vcvt.s32.f32 v6;
	_ =	sdelay $0x1  }
0x1cc: {  	v6 =	vmax.f32 v6, $1.000000000e+00  }
0x1cd: {  	(erf) = vrcp.f32 v6;
	_ =	sdelay $0x8  }
0x1ce: {  	s0 =	simm.s32 $0x1AB90;
	v6 =	vpop (erf)  }
0x1cf: {  	s4 =	simm.s32 $0x0;
	s5 =	rddreg [dreg:$0x9];
	s24 =	spop (v2sf);
	[tilespmem:$0x1AC00] =	vst v6  }
0x1d0: {  	[hbm4b:s5+s4] =	stream.linear.scatter [tilespmem:s0], [sflag:$0x7], $0x80, $0x38;
	[tilespmem:$0x1E518] =	vst v63  }
0x1d1: {  	_ =	swait.ge [sflag:s16], $0x80  }
0x1d2: {  	[sflag:s16] =	ssyncset.done $0x0  }
0x1d3: {  	[sflag:s16] =	ssyncadd.s32 $0xFFFFFF80  }
0x1d4: {  	s25 =	simm.s32 $0x5790;
	s3 =	simm.s32 $0x10B90;
	[bflag:$0x0] =	sbarrier.arrive $0xFFFF  }
0x1d5: {  	[tilespmem:s3], [sflag:$0x4] =	stream.indirect.gather [hbm4b:s6+s19], $0x20, s25, s19, $0xb8;
	[tilespmem:$0x1E518] =	vst v63  }
0x1d6: {  	s7 =	simm.s32 $0x11B90;
	s5 =	simm.s32 $0x5810  }
0x1d7: {  	[tilespmem:s7], [sflag:$0x4] =	stream.indirect.gather [hbm4b:s6+s19], $0x20, s5, s19, $0xb8;
	[tilespmem:$0x1E518] =	vst v63  }
0x1d8: {  	s20 =	simm.s32 $0x12B90;
	s11 =	simm.s32 $0x5890  }
0x1d9: {  	[tilespmem:s20], [sflag:$0x4] =	stream.indirect.gather [hbm4b:s6+s19], $0x20, s11, s19, $0xb8;
	[tilespmem:$0x1E518] =	vst v63  }
0x1da: {  	s12 =	simm.s32 $0x5910;
	s24 =	simm.s32 $0x13B90  }
0x1db: {  	[tilespmem:s24], [sflag:$0x4] =	stream.indirect.gather [hbm4b:s6+s19], $0x20, s12, s19, $0xb8;
	[tilespmem:$0x1E518] =	vst v63  }
0x1dc: {  	s29 =	simm.s32 $0x14B90;
	s13 =	simm.s32 $0x5990  }
0x1dd: {  	[tilespmem:s29], [sflag:$0x4] =	stream.indirect.gather [hbm4b:s6+s19], $0x20, s13, s19, $0xb8;
	[tilespmem:$0x1E518] =	vst v63  }
0x1de: {  	s30 =	simm.s32 $0x15B90;
	s14 =	simm.s32 $0x5A10  }
0x1df: {  	[tilespmem:s30], [sflag:$0x4] =	stream.indirect.gather [hbm4b:s6+s19], $0x20, s14, s19, $0xb8;
	[tilespmem:$0x1E518] =	vst v63  }
0x1e0: {  	s15 =	simm.s32 $0x5A90;
	s16 =	simm.s32 $0x16B90  }
0x1e1: {  	[tilespmem:s16], [sflag:$0x4] =	stream.indirect.gather [hbm4b:s6+s19], $0x20, s15, s19, $0xb8;
	[tilespmem:$0x1E518] =	vst v63  }
0x1e2: {  	s17 =	simm.s32 $0x5B10;
	s16 =	simm.s32 $0x17B90  }
0x1e3: {  	[tilespmem:s16], [sflag:$0x4] =	stream.indirect.gather [hbm4b:s6+s19], $0x20, s17, s19, $0xb8;
	[tilespmem:$0x1E518] =	vst v63  }
0x1e4: {  	s18 =	simm.s32 $0x5B90;
	s17 =	simm.s32 $0x18B90  }
0x1e5: {  	[tilespmem:s17], [sflag:$0x4] =	stream.indirect.gather [hbm4b:s6+s19], $0x20, s18, s19, $0xb8;
	[tilespmem:$0x1E518] =	vst v63  }
0x1e6: {  	s21 =	simm.s32 $0x5C10;
	s4 =	simm.s32 $0x19B90  }
0x1e7: {  	[tilespmem:s4], [sflag:$0x4] =	stream.indirect.gather [hbm4b:s6+s19], $0x20, s21, s19, $0xb8;
	[tilespmem:$0x1E518] =	vst v63  }
0x1e8: {  	_ =	swait.ge [sflag:s8], $0x1000  }
0x1e9: {  	[sflag:s8] =	ssyncset.done $0x0  }
0x1ea: {  	[sflag:s8] =	ssyncadd.s32 $0xFFFFF000  }
0x1eb: {  	_ =	swait.ge [sflag:s8], $0x1000  }
0x1ec: {  	[sflag:s8] =	ssyncset.done $0x0  }
0x1ed: {  	[sflag:s8] =	ssyncadd.s32 $0xFFFFF000  }
0x1ee: {  	_ =	swait.ge [sflag:s8], $0x1000  }
0x1ef: {  	[sflag:s8] =	ssyncset.done $0x0  }
0x1f0: {  	[sflag:s8] =	ssyncadd.s32 $0xFFFFF000  }
0x1f1: {  	_ =	swait.ge [sflag:s8], $0x1000  }
0x1f2: {  	[sflag:s8] =	ssyncset.done $0x0  }
0x1f3: {  	[sflag:s8] =	ssyncadd.s32 $0xFFFFF000  }
0x1f4: {  	_ =	swait.ge [sflag:s8], $0x1000  }
0x1f5: {  	[sflag:s8] =	ssyncset.done $0x0  }
0x1f6: {  	[sflag:s8] =	ssyncadd.s32 $0xFFFFF000  }
0x1f7: {  	_ =	swait.ge [sflag:s8], $0x1000  }
0x1f8: {  	[sflag:s8] =	ssyncset.done $0x0  }
0x1f9: {  	[sflag:s8] =	ssyncadd.s32 $0xFFFFF000  }
0x1fa: {  	_ =	swait.ge [sflag:s8], $0x1000  }
0x1fb: {  	[sflag:s8] =	ssyncset.done $0x0  }
0x1fc: {  	[sflag:s8] =	ssyncadd.s32 $0xFFFFF000  }
0x1fd: {  	_ =	swait.ge [sflag:s8], $0x1000  }
0x1fe: {  	[sflag:s8] =	ssyncset.done $0x0  }
0x1ff: {  	[sflag:s8] =	ssyncadd.s32 $0xFFFFF000  }
0x200: {  	_ =	swait.ge [sflag:s8], $0x1000  }
0x201: {  	[sflag:s8] =	ssyncset.done $0x0  }
0x202: {  	[sflag:s8] =	ssyncadd.s32 $0xFFFFF000  }
0x203: {  	_ =	swait.ge [sflag:s8], $0x1000  }
0x204: {  	[sflag:s8] =	ssyncset.done $0x0  }
0x205: {  	s23 =	simm.s32 $0x3990;
	s0 =	simm.s32 $0x6B90;
	[sflag:s8] =	ssyncadd.s32 $0xFFFFF000  }
0x206: {  	[spmem:s2] =	stream.indirect.scatter.add.f32 [tilespmem:s0], [sflag:$0x5], $0x20, s23, s19, $0xb8;
	[tilespmem:$0x1E518] =	vst v63  }
0x207: {  	s25 =	simm.s32 $0x3A10;
	s21 =	simm.s32 $0x7B90  }
0x208: {  	[spmem:s2] =	stream.indirect.scatter.add.f32 [tilespmem:s21], [sflag:$0x5], $0x20, s25, s19, $0xb8;
	[tilespmem:$0x1E518] =	vst v63  }
0x209: {  	s3 =	simm.s32 $0x3A90;
	s23 =	simm.s32 $0x8B90  }
0x20a: {  	[spmem:s2] =	stream.indirect.scatter.add.f32 [tilespmem:s23], [sflag:$0x5], $0x20, s3, s19, $0xb8;
	[tilespmem:$0x1E518] =	vst v63  }
0x20b: {  	s7 =	simm.s32 $0x3B10;
	s25 =	simm.s32 $0x9B90  }
0x20c: {  	[spmem:s2] =	stream.indirect.scatter.add.f32 [tilespmem:s25], [sflag:$0x5], $0x20, s7, s19, $0xb8;
	[tilespmem:$0x1E518] =	vst v63  }
0x20d: {  	s28 =	simm.s32 $0xAB90;
	s11 =	simm.s32 $0x3B90  }
0x20e: {  	[spmem:s2] =	stream.indirect.scatter.add.f32 [tilespmem:s28], [sflag:$0x5], $0x20, s11, s19, $0xb8;
	[tilespmem:$0x1E518] =	vst v63  }
0x20f: {  	s5 =	simm.s32 $0xBB90;
	s12 =	simm.s32 $0x3C10  }
0x210: {  	[spmem:s2] =	stream.indirect.scatter.add.f32 [tilespmem:s5], [sflag:$0x5], $0x20, s12, s19, $0xb8;
	[tilespmem:$0x1E518] =	vst v63  }
0x211: {  	s13 =	simm.s32 $0x3C90;
	s7 =	simm.s32 $0xCB90  }
0x212: {  	[spmem:s2] =	stream.indirect.scatter.add.f32 [tilespmem:s7], [sflag:$0x5], $0x20, s13, s19, $0xb8;
	[tilespmem:$0x1E518] =	vst v63  }
0x213: {  	s14 =	simm.s32 $0x3D10;
	s11 =	simm.s32 $0xDB90  }
0x214: {  	[spmem:s2] =	stream.indirect.scatter.add.f32 [tilespmem:s11], [sflag:$0x5], $0x20, s14, s19, $0xb8;
	[tilespmem:$0x1E518] =	vst v63  }
0x215: {  	s15 =	simm.s32 $0x3D90;
	s12 =	simm.s32 $0xEB90  }
0x216: {  	[spmem:s2] =	stream.indirect.scatter.add.f32 [tilespmem:s12], [sflag:$0x5], $0x20, s15, s19, $0xb8;
	[tilespmem:$0x1E518] =	vst v63  }
0x217: {  	s13 =	simm.s32 $0xFB90;
	s15 =	simm.s32 $0x3E10  }
0x218: {  	[spmem:s2] =	stream.indirect.scatter.add.f32 [tilespmem:s13], [sflag:$0x5], $0x20, s15, s19, $0xb8;
	[tilespmem:$0x1E518] =	vst v63  }
0x219: {  	_ =	swait.ge [sflag:s9], $0x1000  }
0x21a: {  	[sflag:s9] =	ssyncset.done $0x0  }
0x21b: {  	[sflag:s9] =	ssyncadd.s32 $0xFFFFF000  }
0x21c: {  	_ =	swait.ge [sflag:s9], $0x1000  }
0x21d: {  	[sflag:s9] =	ssyncset.done $0x0  }
0x21e: {  	[sflag:s9] =	ssyncadd.s32 $0xFFFFF000  }
0x21f: {  	_ =	swait.ge [sflag:s9], $0x1000  }
0x220: {  	[sflag:s9] =	ssyncset.done $0x0  }
0x221: {  	[sflag:s9] =	ssyncadd.s32 $0xFFFFF000  }
0x222: {  	_ =	swait.ge [sflag:s9], $0x1000  }
0x223: {  	[sflag:s9] =	ssyncset.done $0x0  }
0x224: {  	[sflag:s9] =	ssyncadd.s32 $0xFFFFF000  }
0x225: {  	_ =	swait.ge [sflag:s9], $0x1000  }
0x226: {  	[sflag:s9] =	ssyncset.done $0x0  }
0x227: {  	[sflag:s9] =	ssyncadd.s32 $0xFFFFF000  }
0x228: {  	_ =	swait.ge [sflag:s9], $0x1000  }
0x229: {  	[sflag:s9] =	ssyncset.done $0x0  }
0x22a: {  	[sflag:s9] =	ssyncadd.s32 $0xFFFFF000  }
0x22b: {  	_ =	swait.ge [sflag:s9], $0x1000  }
0x22c: {  	[sflag:s9] =	ssyncset.done $0x0  }
0x22d: {  	[sflag:s9] =	ssyncadd.s32 $0xFFFFF000  }
0x22e: {  	_ =	swait.ge [sflag:s9], $0x1000  }
0x22f: {  	[sflag:s9] =	ssyncset.done $0x0  }
0x230: {  	[sflag:s9] =	ssyncadd.s32 $0xFFFFF000  }
0x231: {  	_ =	swait.ge [sflag:s9], $0x1000  }
0x232: {  	[sflag:s9] =	ssyncset.done $0x0  }
0x233: {  	[sflag:s9] =	ssyncadd.s32 $0xFFFFF000  }
0x234: {  	_ =	swait.ge [sflag:s9], $0x1000  }
0x235: {  	[sflag:s9] =	ssyncset.done $0x0  }
0x236: {  	s18 =	simm.s32 $0x5C90;
	[sflag:s9] =	ssyncadd.s32 $0xFFFFF000  }
0x237: {  	[tilespmem:s0], [sflag:$0x3] =	stream.indirect.gather [hbm4b:s6+s19], $0x20, s18, s19, $0xb8;
	[tilespmem:$0x1E518] =	vst v63  }
0x238: {  	s3 =	simm.s32 $0x5D10  }
0x239: {  	[tilespmem:s21], [sflag:$0x3] =	stream.indirect.gather [hbm4b:s6+s19], $0x20, s3, s19, $0xb8;
	[tilespmem:$0x1E518] =	vst v63  }
0x23a: {  	s14 =	simm.s32 $0x5D90  }
0x23b: {  	[tilespmem:s23], [sflag:$0x3] =	stream.indirect.gather [hbm4b:s6+s19], $0x20, s14, s19, $0xb8;
	[tilespmem:$0x1E518] =	vst v63  }
0x23c: {  	s18 =	simm.s32 $0x5E10  }
0x23d: {  	[tilespmem:s25], [sflag:$0x3] =	stream.indirect.gather [hbm4b:s6+s19], $0x20, s18, s19, $0xb8;
	[tilespmem:$0x1E518] =	vst v63  }
0x23e: {  	s3 =	simm.s32 $0x5E90  }
0x23f: {  	[tilespmem:s28], [sflag:$0x3] =	stream.indirect.gather [hbm4b:s6+s19], $0x20, s3, s19, $0xb8;
	[tilespmem:$0x1E518] =	vst v63  }
0x240: {  	s14 =	simm.s32 $0x5F10  }
0x241: {  	[tilespmem:s5], [sflag:$0x3] =	stream.indirect.gather [hbm4b:s6+s19], $0x20, s14, s19, $0xb8;
	[tilespmem:$0x1E518] =	vst v63  }
0x242: {  	s18 =	simm.s32 $0x5F90  }
0x243: {  	[tilespmem:s7], [sflag:$0x3] =	stream.indirect.gather [hbm4b:s6+s19], $0x20, s18, s19, $0xb8;
	[tilespmem:$0x1E518] =	vst v63  }
0x244: {  	s3 =	simm.s32 $0x6010  }
0x245: {  	[tilespmem:s11], [sflag:$0x3] =	stream.indirect.gather [hbm4b:s6+s19], $0x20, s3, s19, $0xb8;
	[tilespmem:$0x1E518] =	vst v63  }
0x246: {  	s14 =	simm.s32 $0x6090  }
0x247: {  	[tilespmem:s12], [sflag:$0x3] =	stream.indirect.gather [hbm4b:s6+s19], $0x20, s14, s19, $0xb8;
	[tilespmem:$0x1E518] =	vst v63  }
0x248: {  	s18 =	simm.s32 $0x6110  }
0x249: {  	[tilespmem:s13], [sflag:$0x3] =	stream.indirect.gather [hbm4b:s6+s19], $0x20, s18, s19, $0xb8;
	[tilespmem:$0x1E518] =	vst v63  }
0x24a: {  	_ =	swait.ge [sflag:s31], $0x1000  }
0x24b: {  	[sflag:s31] =	ssyncset.done $0x0  }
0x24c: {  	[sflag:s31] =	ssyncadd.s32 $0xFFFFF000  }
0x24d: {  	_ =	swait.ge [sflag:s31], $0x1000  }
0x24e: {  	[sflag:s31] =	ssyncset.done $0x0  }
0x24f: {  	[sflag:s31] =	ssyncadd.s32 $0xFFFFF000  }
0x250: {  	_ =	swait.ge [sflag:s31], $0x1000  }
0x251: {  	[sflag:s31] =	ssyncset.done $0x0  }
0x252: {  	[sflag:s31] =	ssyncadd.s32 $0xFFFFF000  }
0x253: {  	_ =	swait.ge [sflag:s31], $0x1000  }
0x254: {  	[sflag:s31] =	ssyncset.done $0x0  }
0x255: {  	[sflag:s31] =	ssyncadd.s32 $0xFFFFF000  }
0x256: {  	_ =	swait.ge [sflag:s31], $0x1000  }
0x257: {  	[sflag:s31] =	ssyncset.done $0x0  }
0x258: {  	[sflag:s31] =	ssyncadd.s32 $0xFFFFF000  }
0x259: {  	_ =	swait.ge [sflag:s31], $0x1000  }
0x25a: {  	[sflag:s31] =	ssyncset.done $0x0  }
0x25b: {  	[sflag:s31] =	ssyncadd.s32 $0xFFFFF000  }
0x25c: {  	_ =	swait.ge [sflag:s31], $0x1000  }
0x25d: {  	[sflag:s31] =	ssyncset.done $0x0  }
0x25e: {  	[sflag:s31] =	ssyncadd.s32 $0xFFFFF000  }
0x25f: {  	_ =	swait.ge [sflag:s31], $0x1000  }
0x260: {  	[sflag:s31] =	ssyncset.done $0x0  }
0x261: {  	[sflag:s31] =	ssyncadd.s32 $0xFFFFF000  }
0x262: {  	_ =	swait.ge [sflag:s31], $0x1000  }
0x263: {  	[sflag:s31] =	ssyncset.done $0x0  }
0x264: {  	[sflag:s31] =	ssyncadd.s32 $0xFFFFF000  }
0x265: {  	_ =	swait.ge [sflag:s31], $0x1000  }
0x266: {  	[sflag:s31] =	ssyncset.done $0x0  }
0x267: {  	s3 =	simm.s32 $0x3E90;
	s14 =	simm.s32 $0x10B90;
	[sflag:s31] =	ssyncadd.s32 $0xFFFFF000  }
0x268: {  	[spmem:s2] =	stream.indirect.scatter.add.f32 [tilespmem:s14], [sflag:$0x6], $0x20, s3, s19, $0xb8;
	[tilespmem:$0x1E518] =	vst v63  }
0x269: {  	s18 =	simm.s32 $0x3F10;
	s3 =	simm.s32 $0x11B90  }
0x26a: {  	[spmem:s2] =	stream.indirect.scatter.add.f32 [tilespmem:s3], [sflag:$0x6], $0x20, s18, s19, $0xb8;
	[tilespmem:$0x1E518] =	vst v63  }
0x26b: {  	s18 =	simm.s32 $0x3F90  }
0x26c: {  	[spmem:s2] =	stream.indirect.scatter.add.f32 [tilespmem:s20], [sflag:$0x6], $0x20, s18, s19, $0xb8;
	[tilespmem:$0x1E518] =	vst v63  }
0x26d: {  	s18 =	simm.s32 $0x4010  }
0x26e: {  	[spmem:s2] =	stream.indirect.scatter.add.f32 [tilespmem:s24], [sflag:$0x6], $0x20, s18, s19, $0xb8;
	[tilespmem:$0x1E518] =	vst v63  }
0x26f: {  	s18 =	simm.s32 $0x4090  }
0x270: {  	[spmem:s2] =	stream.indirect.scatter.add.f32 [tilespmem:s29], [sflag:$0x6], $0x20, s18, s19, $0xb8;
	[tilespmem:$0x1E518] =	vst v63  }
0x271: {  	s18 =	simm.s32 $0x4110  }
0x272: {  	[spmem:s2] =	stream.indirect.scatter.add.f32 [tilespmem:s30], [sflag:$0x6], $0x20, s18, s19, $0xb8;
	[tilespmem:$0x1E518] =	vst v63  }
0x273: {  	s15 =	simm.s32 $0x4190;
	s18 =	simm.s32 $0x16B90  }
0x274: {  	[spmem:s2] =	stream.indirect.scatter.add.f32 [tilespmem:s18], [sflag:$0x6], $0x20, s15, s19, $0xb8;
	[tilespmem:$0x1E518] =	vst v63  }
0x275: {  	s15 =	simm.s32 $0x4210  }
0x276: {  	[spmem:s2] =	stream.indirect.scatter.add.f32 [tilespmem:s16], [sflag:$0x6], $0x20, s15, s19, $0xb8;
	[tilespmem:$0x1E518] =	vst v63  }
0x277: {  	s15 =	simm.s32 $0x4290  }
0x278: {  	[spmem:s2] =	stream.indirect.scatter.add.f32 [tilespmem:s17], [sflag:$0x6], $0x20, s15, s19, $0xb8;
	[tilespmem:$0x1E518] =	vst v63  }
0x279: {  	s15 =	simm.s32 $0x4310  }
0x27a: {  	[spmem:s2] =	stream.indirect.scatter.add.f32 [tilespmem:s4], [sflag:$0x6], $0x20, s15, s19, $0xb8;
	[tilespmem:$0x1E518] =	vst v63  }
0x27b: {  	_ =	swait.ge [sflag:s22], $0x1000  }
0x27c: {  	[sflag:s22] =	ssyncset.done $0x0  }
0x27d: {  	[sflag:s22] =	ssyncadd.s32 $0xFFFFF000  }
0x27e: {  	_ =	swait.ge [sflag:s22], $0x1000  }
0x27f: {  	[sflag:s22] =	ssyncset.done $0x0  }
0x280: {  	[sflag:s22] =	ssyncadd.s32 $0xFFFFF000  }
0x281: {  	_ =	swait.ge [sflag:s22], $0x1000  }
0x282: {  	[sflag:s22] =	ssyncset.done $0x0  }
0x283: {  	[sflag:s22] =	ssyncadd.s32 $0xFFFFF000  }
0x284: {  	_ =	swait.ge [sflag:s22], $0x1000  }
0x285: {  	[sflag:s22] =	ssyncset.done $0x0  }
0x286: {  	[sflag:s22] =	ssyncadd.s32 $0xFFFFF000  }
0x287: {  	_ =	swait.ge [sflag:s22], $0x1000  }
0x288: {  	[sflag:s22] =	ssyncset.done $0x0  }
0x289: {  	[sflag:s22] =	ssyncadd.s32 $0xFFFFF000  }
0x28a: {  	_ =	swait.ge [sflag:s22], $0x1000  }
0x28b: {  	[sflag:s22] =	ssyncset.done $0x0  }
0x28c: {  	[sflag:s22] =	ssyncadd.s32 $0xFFFFF000  }
0x28d: {  	_ =	swait.ge [sflag:s22], $0x1000  }
0x28e: {  	[sflag:s22] =	ssyncset.done $0x0  }
0x28f: {  	[sflag:s22] =	ssyncadd.s32 $0xFFFFF000  }
0x290: {  	_ =	swait.ge [sflag:s22], $0x1000  }
0x291: {  	[sflag:s22] =	ssyncset.done $0x0  }
0x292: {  	[sflag:s22] =	ssyncadd.s32 $0xFFFFF000  }
0x293: {  	_ =	swait.ge [sflag:s22], $0x1000  }
0x294: {  	[sflag:s22] =	ssyncset.done $0x0  }
0x295: {  	[sflag:s22] =	ssyncadd.s32 $0xFFFFF000  }
0x296: {  	_ =	swait.ge [sflag:s22], $0x1000  }
0x297: {  	[sflag:s22] =	ssyncset.done $0x0  }
0x298: {  	s15 =	simm.s32 $0x6190;
	[sflag:s22] =	ssyncadd.s32 $0xFFFFF000  }
0x299: {  	[tilespmem:s14], [sflag:$0x4] =	stream.indirect.gather [hbm4b:s6+s19], $0x20, s15, s19, $0xb8;
	[tilespmem:$0x1E518] =	vst v63  }
0x29a: {  	s14 =	simm.s32 $0x6210  }
0x29b: {  	[tilespmem:s3], [sflag:$0x4] =	stream.indirect.gather [hbm4b:s6+s19], $0x20, s14, s19, $0xb8;
	[tilespmem:$0x1E518] =	vst v63  }
0x29c: {  	s14 =	simm.s32 $0x6290  }
0x29d: {  	[tilespmem:s20], [sflag:$0x4] =	stream.indirect.gather [hbm4b:s6+s19], $0x20, s14, s19, $0xb8;
	[tilespmem:$0x1E518] =	vst v63  }
0x29e: {  	s3 =	simm.s32 $0x6310  }
0x29f: {  	[tilespmem:s24], [sflag:$0x4] =	stream.indirect.gather [hbm4b:s6+s19], $0x20, s3, s19, $0xb8;
	[tilespmem:$0x1E518] =	vst v63  }
0x2a0: {  	s14 =	simm.s32 $0x6390  }
0x2a1: {  	[tilespmem:s29], [sflag:$0x4] =	stream.indirect.gather [hbm4b:s6+s19], $0x20, s14, s19, $0xb8;
	[tilespmem:$0x1E518] =	vst v63  }
0x2a2: {  	s3 =	simm.s32 $0x6410  }
0x2a3: {  	[tilespmem:s30], [sflag:$0x4] =	stream.indirect.gather [hbm4b:s6+s19], $0x20, s3, s19, $0xb8;
	[tilespmem:$0x1E518] =	vst v63  }
0x2a4: {  	s14 =	simm.s32 $0x6490  }
0x2a5: {  	[tilespmem:s18], [sflag:$0x4] =	stream.indirect.gather [hbm4b:s6+s19], $0x20, s14, s19, $0xb8;
	[tilespmem:$0x1E518] =	vst v63  }
0x2a6: {  	s3 =	simm.s32 $0x6510  }
0x2a7: {  	[tilespmem:s16], [sflag:$0x4] =	stream.indirect.gather [hbm4b:s6+s19], $0x20, s3, s19, $0xb8;
	[tilespmem:$0x1E518] =	vst v63  }
0x2a8: {  	s3 =	simm.s32 $0x6590  }
0x2a9: {  	[tilespmem:s17], [sflag:$0x4] =	stream.indirect.gather [hbm4b:s6+s19], $0x20, s3, s19, $0xb8;
	[tilespmem:$0x1E518] =	vst v63  }
0x2aa: {  	s3 =	simm.s32 $0x6610  }
0x2ab: {  	[tilespmem:s4], [sflag:$0x4] =	stream.indirect.gather [hbm4b:s6+s19], $0x20, s3, s19, $0xb8;
	[tilespmem:$0x1E518] =	vst v63  }
0x2ac: {  	_ =	swait.ge [sflag:s8], $0x1000  }
0x2ad: {  	[sflag:s8] =	ssyncset.done $0x0  }
0x2ae: {  	[sflag:s8] =	ssyncadd.s32 $0xFFFFF000  }
0x2af: {  	_ =	swait.ge [sflag:s8], $0x1000  }
0x2b0: {  	[sflag:s8] =	ssyncset.done $0x0  }
0x2b1: {  	[sflag:s8] =	ssyncadd.s32 $0xFFFFF000  }
0x2b2: {  	_ =	swait.ge [sflag:s8], $0x1000  }
0x2b3: {  	[sflag:s8] =	ssyncset.done $0x0  }
0x2b4: {  	[sflag:s8] =	ssyncadd.s32 $0xFFFFF000  }
0x2b5: {  	_ =	swait.ge [sflag:s8], $0x1000  }
0x2b6: {  	[sflag:s8] =	ssyncset.done $0x0  }
0x2b7: {  	[sflag:s8] =	ssyncadd.s32 $0xFFFFF000  }
0x2b8: {  	_ =	swait.ge [sflag:s8], $0x1000  }
0x2b9: {  	[sflag:s8] =	ssyncset.done $0x0  }
0x2ba: {  	[sflag:s8] =	ssyncadd.s32 $0xFFFFF000  }
0x2bb: {  	_ =	swait.ge [sflag:s8], $0x1000  }
0x2bc: {  	[sflag:s8] =	ssyncset.done $0x0  }
0x2bd: {  	[sflag:s8] =	ssyncadd.s32 $0xFFFFF000  }
0x2be: {  	_ =	swait.ge [sflag:s8], $0x1000  }
0x2bf: {  	[sflag:s8] =	ssyncset.done $0x0  }
0x2c0: {  	[sflag:s8] =	ssyncadd.s32 $0xFFFFF000  }
0x2c1: {  	_ =	swait.ge [sflag:s8], $0x1000  }
0x2c2: {  	[sflag:s8] =	ssyncset.done $0x0  }
0x2c3: {  	[sflag:s8] =	ssyncadd.s32 $0xFFFFF000  }
0x2c4: {  	_ =	swait.ge [sflag:s8], $0x1000  }
0x2c5: {  	[sflag:s8] =	ssyncset.done $0x0  }
0x2c6: {  	[sflag:s8] =	ssyncadd.s32 $0xFFFFF000  }
0x2c7: {  	_ =	swait.ge [sflag:s8], $0x1000  }
0x2c8: {  	[sflag:s8] =	ssyncset.done $0x0  }
0x2c9: {  	s3 =	simm.s32 $0x4390;
	[sflag:s8] =	ssyncadd.s32 $0xFFFFF000  }
0x2ca: {  	[spmem:s2] =	stream.indirect.scatter.add.f32 [tilespmem:s0], [sflag:$0x5], $0x20, s3, s19, $0xb8;
	[tilespmem:$0x1E518] =	vst v63  }
0x2cb: {  	s3 =	simm.s32 $0x4410  }
0x2cc: {  	[spmem:s2] =	stream.indirect.scatter.add.f32 [tilespmem:s21], [sflag:$0x5], $0x20, s3, s19, $0xb8;
	[tilespmem:$0x1E518] =	vst v63  }
0x2cd: {  	s3 =	simm.s32 $0x4490  }
0x2ce: {  	[spmem:s2] =	stream.indirect.scatter.add.f32 [tilespmem:s23], [sflag:$0x5], $0x20, s3, s19, $0xb8;
	[tilespmem:$0x1E518] =	vst v63  }
0x2cf: {  	s3 =	simm.s32 $0x4510  }
0x2d0: {  	[spmem:s2] =	stream.indirect.scatter.add.f32 [tilespmem:s25], [sflag:$0x5], $0x20, s3, s19, $0xb8;
	[tilespmem:$0x1E518] =	vst v63  }
0x2d1: {  	s3 =	simm.s32 $0x4590  }
0x2d2: {  	[spmem:s2] =	stream.indirect.scatter.add.f32 [tilespmem:s28], [sflag:$0x5], $0x20, s3, s19, $0xb8;
	[tilespmem:$0x1E518] =	vst v63  }
0x2d3: {  	s3 =	simm.s32 $0x4610  }
0x2d4: {  	[spmem:s2] =	stream.indirect.scatter.add.f32 [tilespmem:s5], [sflag:$0x5], $0x20, s3, s19, $0xb8;
	[tilespmem:$0x1E518] =	vst v63  }
0x2d5: {  	s3 =	simm.s32 $0x4690  }
0x2d6: {  	[spmem:s2] =	stream.indirect.scatter.add.f32 [tilespmem:s7], [sflag:$0x5], $0x20, s3, s19, $0xb8;
	[tilespmem:$0x1E518] =	vst v63  }
0x2d7: {  	s3 =	simm.s32 $0x4710  }
0x2d8: {  	[spmem:s2] =	stream.indirect.scatter.add.f32 [tilespmem:s11], [sflag:$0x5], $0x20, s3, s19, $0xb8;
	[tilespmem:$0x1E518] =	vst v63  }
0x2d9: {  	s3 =	simm.s32 $0x4790  }
0x2da: {  	[spmem:s2] =	stream.indirect.scatter.add.f32 [tilespmem:s12], [sflag:$0x5], $0x20, s3, s19, $0xb8;
	[tilespmem:$0x1E518] =	vst v63  }
0x2db: {  	s3 =	simm.s32 $0x4810  }
0x2dc: {  	[spmem:s2] =	stream.indirect.scatter.add.f32 [tilespmem:s13], [sflag:$0x5], $0x20, s3, s19, $0xb8;
	[tilespmem:$0x1E518] =	vst v63  }
0x2dd: {  	_ =	swait.ge [sflag:s9], $0x1000  }
0x2de: {  	[sflag:s9] =	ssyncset.done $0x0  }
0x2df: {  	[sflag:s9] =	ssyncadd.s32 $0xFFFFF000  }
0x2e0: {  	_ =	swait.ge [sflag:s9], $0x1000  }
0x2e1: {  	[sflag:s9] =	ssyncset.done $0x0  }
0x2e2: {  	[sflag:s9] =	ssyncadd.s32 $0xFFFFF000  }
0x2e3: {  	_ =	swait.ge [sflag:s9], $0x1000  }
0x2e4: {  	[sflag:s9] =	ssyncset.done $0x0  }
0x2e5: {  	[sflag:s9] =	ssyncadd.s32 $0xFFFFF000  }
0x2e6: {  	_ =	swait.ge [sflag:s9], $0x1000  }
0x2e7: {  	[sflag:s9] =	ssyncset.done $0x0  }
0x2e8: {  	[sflag:s9] =	ssyncadd.s32 $0xFFFFF000  }
0x2e9: {  	_ =	swait.ge [sflag:s9], $0x1000  }
0x2ea: {  	[sflag:s9] =	ssyncset.done $0x0  }
0x2eb: {  	[sflag:s9] =	ssyncadd.s32 $0xFFFFF000  }
0x2ec: {  	_ =	swait.ge [sflag:s9], $0x1000  }
0x2ed: {  	[sflag:s9] =	ssyncset.done $0x0  }
0x2ee: {  	[sflag:s9] =	ssyncadd.s32 $0xFFFFF000  }
0x2ef: {  	_ =	swait.ge [sflag:s9], $0x1000  }
0x2f0: {  	[sflag:s9] =	ssyncset.done $0x0  }
0x2f1: {  	[sflag:s9] =	ssyncadd.s32 $0xFFFFF000  }
0x2f2: {  	_ =	swait.ge [sflag:s9], $0x1000  }
0x2f3: {  	[sflag:s9] =	ssyncset.done $0x0  }
0x2f4: {  	[sflag:s9] =	ssyncadd.s32 $0xFFFFF000  }
0x2f5: {  	_ =	swait.ge [sflag:s9], $0x1000  }
0x2f6: {  	[sflag:s9] =	ssyncset.done $0x0  }
0x2f7: {  	[sflag:s9] =	ssyncadd.s32 $0xFFFFF000  }
0x2f8: {  	_ =	swait.ge [sflag:s9], $0x1000  }
0x2f9: {  	[sflag:s9] =	ssyncset.done $0x0  }
0x2fa: {  	s3 =	simm.s32 $0x6690;
	[sflag:s9] =	ssyncadd.s32 $0xFFFFF000  }
0x2fb: {  	[tilespmem:s0], [sflag:$0x3] =	stream.indirect.gather [hbm4b:s6+s19], $0x20, s3, s19, $0xb8;
	[tilespmem:$0x1E518] =	vst v63  }
0x2fc: {  	s15 =	simm.s32 $0x6710  }
0x2fd: {  	[tilespmem:s21], [sflag:$0x3] =	stream.indirect.gather [hbm4b:s6+s19], $0x20, s15, s19, $0xb8;
	[tilespmem:$0x1E518] =	vst v63  }
0x2fe: {  	s3 =	simm.s32 $0x6790  }
0x2ff: {  	[tilespmem:s23], [sflag:$0x3] =	stream.indirect.gather [hbm4b:s6+s19], $0x20, s3, s19, $0xb8;
	[tilespmem:$0x1E518] =	vst v63  }
0x300: {  	s15 =	simm.s32 $0x6810  }
0x301: {  	[tilespmem:s25], [sflag:$0x3] =	stream.indirect.gather [hbm4b:s6+s19], $0x20, s15, s19, $0xb8;
	[tilespmem:$0x1E518] =	vst v63  }
0x302: {  	s3 =	simm.s32 $0x6890  }
0x303: {  	[tilespmem:s28], [sflag:$0x3] =	stream.indirect.gather [hbm4b:s6+s19], $0x20, s3, s19, $0xb8;
	[tilespmem:$0x1E518] =	vst v63  }
0x304: {  	s15 =	simm.s32 $0x6910  }
0x305: {  	[tilespmem:s5], [sflag:$0x3] =	stream.indirect.gather [hbm4b:s6+s19], $0x20, s15, s19, $0xb8;
	[tilespmem:$0x1E518] =	vst v63  }
0x306: {  	s3 =	simm.s32 $0x6990  }
0x307: {  	[tilespmem:s7], [sflag:$0x3] =	stream.indirect.gather [hbm4b:s6+s19], $0x20, s3, s19, $0xb8;
	[tilespmem:$0x1E518] =	vst v63  }
0x308: {  	s15 =	simm.s32 $0x6A10  }
0x309: {  	[tilespmem:s11], [sflag:$0x3] =	stream.indirect.gather [hbm4b:s6+s19], $0x20, s15, s19, $0xb8;
	[tilespmem:$0x1E518] =	vst v63  }
0x30a: {  	s3 =	simm.s32 $0x6A90  }
0x30b: {  	[tilespmem:s12], [sflag:$0x3] =	stream.indirect.gather [hbm4b:s6+s19], $0x20, s3, s19, $0xb8;
	[tilespmem:$0x1E518] =	vst v63  }
0x30c: {  	s15 =	simm.s32 $0x6B10  }
0x30d: {  	[tilespmem:s13], [sflag:$0x3] =	stream.indirect.gather [hbm4b:s6+s19], $0x20, s15, s19, $0xb8;
	[tilespmem:$0x1E518] =	vst v63  }
0x30e: {  	_ =	swait.ge [sflag:s31], $0x1000  }
0x30f: {  	[sflag:s31] =	ssyncset.done $0x0  }
0x310: {  	[sflag:s31] =	ssyncadd.s32 $0xFFFFF000  }
0x311: {  	_ =	swait.ge [sflag:s31], $0x1000  }
0x312: {  	[sflag:s31] =	ssyncset.done $0x0  }
0x313: {  	[sflag:s31] =	ssyncadd.s32 $0xFFFFF000  }
0x314: {  	_ =	swait.ge [sflag:s31], $0x1000  }
0x315: {  	[sflag:s31] =	ssyncset.done $0x0  }
0x316: {  	[sflag:s31] =	ssyncadd.s32 $0xFFFFF000  }
0x317: {  	_ =	swait.ge [sflag:s31], $0x1000  }
0x318: {  	[sflag:s31] =	ssyncset.done $0x0  }
0x319: {  	[sflag:s31] =	ssyncadd.s32 $0xFFFFF000  }
0x31a: {  	_ =	swait.ge [sflag:s31], $0x1000  }
0x31b: {  	[sflag:s31] =	ssyncset.done $0x0  }
0x31c: {  	[sflag:s31] =	ssyncadd.s32 $0xFFFFF000  }
0x31d: {  	_ =	swait.ge [sflag:s31], $0x1000  }
0x31e: {  	[sflag:s31] =	ssyncset.done $0x0  }
0x31f: {  	[sflag:s31] =	ssyncadd.s32 $0xFFFFF000  }
0x320: {  	_ =	swait.ge [sflag:s31], $0x1000  }
0x321: {  	[sflag:s31] =	ssyncset.done $0x0  }
0x322: {  	[sflag:s31] =	ssyncadd.s32 $0xFFFFF000  }
0x323: {  	_ =	swait.ge [sflag:s31], $0x1000  }
0x324: {  	[sflag:s31] =	ssyncset.done $0x0  }
0x325: {  	[sflag:s31] =	ssyncadd.s32 $0xFFFFF000  }
0x326: {  	_ =	swait.ge [sflag:s31], $0x1000  }
0x327: {  	[sflag:s31] =	ssyncset.done $0x0  }
0x328: {  	[sflag:s31] =	ssyncadd.s32 $0xFFFFF000  }
0x329: {  	_ =	swait.ge [sflag:s31], $0x1000  }
0x32a: {  	[sflag:s31] =	ssyncset.done $0x0  }
0x32b: {  	s3 =	simm.s32 $0x4890;
	s15 =	simm.s32 $0x10B90;
	[sflag:s31] =	ssyncadd.s32 $0xFFFFF000  }
0x32c: {  	[spmem:s2] =	stream.indirect.scatter.add.f32 [tilespmem:s15], [sflag:$0x6], $0x20, s3, s19, $0xb8;
	[tilespmem:$0x1E518] =	vst v63  }
0x32d: {  	s3 =	simm.s32 $0x4910;
	s15 =	simm.s32 $0x11B90  }
0x32e: {  	[spmem:s2] =	stream.indirect.scatter.add.f32 [tilespmem:s15], [sflag:$0x6], $0x20, s3, s19, $0xb8;
	[tilespmem:$0x1E518] =	vst v63  }
0x32f: {  	s15 =	simm.s32 $0x4990  }
0x330: {  	[spmem:s2] =	stream.indirect.scatter.add.f32 [tilespmem:s20], [sflag:$0x6], $0x20, s15, s19, $0xb8;
	[tilespmem:$0x1E518] =	vst v63  }
0x331: {  	s20 =	simm.s32 $0x4A10  }
0x332: {  	[spmem:s2] =	stream.indirect.scatter.add.f32 [tilespmem:s24], [sflag:$0x6], $0x20, s20, s19, $0xb8;
	[tilespmem:$0x1E518] =	vst v63  }
0x333: {  	s24 =	simm.s32 $0x4A90  }
0x334: {  	[spmem:s2] =	stream.indirect.scatter.add.f32 [tilespmem:s29], [sflag:$0x6], $0x20, s24, s19, $0xb8;
	[tilespmem:$0x1E518] =	vst v63  }
0x335: {  	s3 =	simm.s32 $0x4B10  }
0x336: {  	[spmem:s2] =	stream.indirect.scatter.add.f32 [tilespmem:s30], [sflag:$0x6], $0x20, s3, s19, $0xb8;
	[tilespmem:$0x1E518] =	vst v63  }
0x337: {  	s14 =	simm.s32 $0x16B90;
	s15 =	simm.s32 $0x4B90  }
0x338: {  	[spmem:s2] =	stream.indirect.scatter.add.f32 [tilespmem:s14], [sflag:$0x6], $0x20, s15, s19, $0xb8;
	[tilespmem:$0x1E518] =	vst v63  }
0x339: {  	s20 =	simm.s32 $0x4C10  }
0x33a: {  	[spmem:s2] =	stream.indirect.scatter.add.f32 [tilespmem:s16], [sflag:$0x6], $0x20, s20, s19, $0xb8;
	[tilespmem:$0x1E518] =	vst v63  }
0x33b: {  	s24 =	simm.s32 $0x4C90  }
0x33c: {  	[spmem:s2] =	stream.indirect.scatter.add.f32 [tilespmem:s17], [sflag:$0x6], $0x20, s24, s19, $0xb8;
	[tilespmem:$0x1E518] =	vst v63  }
0x33d: {  	s3 =	simm.s32 $0x4D10  }
0x33e: {  	[spmem:s2] =	stream.indirect.scatter.add.f32 [tilespmem:s4], [sflag:$0x6], $0x20, s3, s19, $0xb8;
	[tilespmem:$0x1E518] =	vst v63  }
0x33f: {  	_ =	swait.ge [sflag:s8], $0x1000  }
0x340: {  	[sflag:s8] =	ssyncset.done $0x0  }
0x341: {  	[sflag:s8] =	ssyncadd.s32 $0xFFFFF000  }
0x342: {  	_ =	swait.ge [sflag:s8], $0x1000  }
0x343: {  	[sflag:s8] =	ssyncset.done $0x0  }
0x344: {  	[sflag:s8] =	ssyncadd.s32 $0xFFFFF000  }
0x345: {  	_ =	swait.ge [sflag:s8], $0x1000  }
0x346: {  	[sflag:s8] =	ssyncset.done $0x0  }
0x347: {  	[sflag:s8] =	ssyncadd.s32 $0xFFFFF000  }
0x348: {  	_ =	swait.ge [sflag:s8], $0x1000  }
0x349: {  	[sflag:s8] =	ssyncset.done $0x0  }
0x34a: {  	[sflag:s8] =	ssyncadd.s32 $0xFFFFF000  }
0x34b: {  	_ =	swait.ge [sflag:s8], $0x1000  }
0x34c: {  	[sflag:s8] =	ssyncset.done $0x0  }
0x34d: {  	[sflag:s8] =	ssyncadd.s32 $0xFFFFF000  }
0x34e: {  	_ =	swait.ge [sflag:s8], $0x1000  }
0x34f: {  	[sflag:s8] =	ssyncset.done $0x0  }
0x350: {  	[sflag:s8] =	ssyncadd.s32 $0xFFFFF000  }
0x351: {  	_ =	swait.ge [sflag:s8], $0x1000  }
0x352: {  	[sflag:s8] =	ssyncset.done $0x0  }
0x353: {  	[sflag:s8] =	ssyncadd.s32 $0xFFFFF000  }
0x354: {  	_ =	swait.ge [sflag:s8], $0x1000  }
0x355: {  	[sflag:s8] =	ssyncset.done $0x0  }
0x356: {  	[sflag:s8] =	ssyncadd.s32 $0xFFFFF000  }
0x357: {  	_ =	swait.ge [sflag:s8], $0x1000  }
0x358: {  	[sflag:s8] =	ssyncset.done $0x0  }
0x359: {  	[sflag:s8] =	ssyncadd.s32 $0xFFFFF000  }
0x35a: {  	_ =	swait.ge [sflag:s8], $0x1000  }
0x35b: {  	[sflag:s8] =	ssyncset.done $0x0  }
0x35c: {  	s15 =	simm.s32 $0x6B90;
	s4 =	simm.s32 $0x4D90;
	[sflag:s8] =	ssyncadd.s32 $0xFFFFF000  }
0x35d: {  	[spmem:s2] =	stream.indirect.scatter.add.f32 [tilespmem:s15], [sflag:$0x5], $0x20, s4, s19, $0xb8;
	[tilespmem:$0x1E518] =	vst v63  }
0x35e: {  	s14 =	simm.s32 $0x4E10  }
0x35f: {  	[spmem:s2] =	stream.indirect.scatter.add.f32 [tilespmem:s21], [sflag:$0x5], $0x20, s14, s19, $0xb8;
	[tilespmem:$0x1E518] =	vst v63  }
0x360: {  	s17 =	simm.s32 $0x4E90  }
0x361: {  	[spmem:s2] =	stream.indirect.scatter.add.f32 [tilespmem:s23], [sflag:$0x5], $0x20, s17, s19, $0xb8;
	[tilespmem:$0x1E518] =	vst v63  }
0x362: {  	s20 =	simm.s32 $0x4F10  }
0x363: {  	[spmem:s2] =	stream.indirect.scatter.add.f32 [tilespmem:s25], [sflag:$0x5], $0x20, s20, s19, $0xb8;
	[tilespmem:$0x1E518] =	vst v63  }
0x364: {  	s24 =	simm.s32 $0x4F90  }
0x365: {  	[spmem:s2] =	stream.indirect.scatter.add.f32 [tilespmem:s28], [sflag:$0x5], $0x20, s24, s19, $0xb8;
	[tilespmem:$0x1E518] =	vst v63  }
0x366: {  	s3 =	simm.s32 $0x5010  }
0x367: {  	[spmem:s2] =	stream.indirect.scatter.add.f32 [tilespmem:s5], [sflag:$0x5], $0x20, s3, s19, $0xb8;
	[tilespmem:$0x1E518] =	vst v63  }
0x368: {  	s14 =	simm.s32 $0x5090  }
0x369: {  	[spmem:s2] =	stream.indirect.scatter.add.f32 [tilespmem:s7], [sflag:$0x5], $0x20, s14, s19, $0xb8;
	[tilespmem:$0x1E518] =	vst v63  }
0x36a: {  	s17 =	simm.s32 $0x5110  }
0x36b: {  	[spmem:s2] =	stream.indirect.scatter.add.f32 [tilespmem:s11], [sflag:$0x5], $0x20, s17, s19, $0xb8;
	[tilespmem:$0x1E518] =	vst v63  }
0x36c: {  	s3 =	simm.s32 $0x5190  }
0x36d: {  	[spmem:s2] =	stream.indirect.scatter.add.f32 [tilespmem:s12], [sflag:$0x5], $0x20, s3, s19, $0xb8;
	[tilespmem:$0x1E518] =	vst v63  }
0x36e: {  	s5 =	simm.s32 $0x5210  }
0x36f: {  	[spmem:s2] =	stream.indirect.scatter.add.f32 [tilespmem:s13], [sflag:$0x5], $0x20, s5, s19, $0xb8;
	[tilespmem:$0x1E518] =	vst v63  }
0x370: {  	_ =	swait.ge [sflag:s9], $0x1000  }
0x371: {  	[sflag:s9] =	ssyncset.done $0x0  }
0x372: {  	[sflag:s9] =	ssyncadd.s32 $0xFFFFF000  }
0x373: {  	_ =	swait.ge [sflag:s9], $0x1000  }
0x374: {  	[sflag:s9] =	ssyncset.done $0x0  }
0x375: {  	[sflag:s9] =	ssyncadd.s32 $0xFFFFF000  }
0x376: {  	_ =	swait.ge [sflag:s9], $0x1000  }
0x377: {  	[sflag:s9] =	ssyncset.done $0x0  }
0x378: {  	[sflag:s9] =	ssyncadd.s32 $0xFFFFF000  }
0x379: {  	_ =	swait.ge [sflag:s9], $0x1000  }
0x37a: {  	[sflag:s9] =	ssyncset.done $0x0  }
0x37b: {  	[sflag:s9] =	ssyncadd.s32 $0xFFFFF000  }
0x37c: {  	_ =	swait.ge [sflag:s9], $0x1000  }
0x37d: {  	[sflag:s9] =	ssyncset.done $0x0  }
0x37e: {  	[sflag:s9] =	ssyncadd.s32 $0xFFFFF000  }
0x37f: {  	_ =	swait.ge [sflag:s9], $0x1000  }
0x380: {  	[sflag:s9] =	ssyncset.done $0x0  }
0x381: {  	[sflag:s9] =	ssyncadd.s32 $0xFFFFF000  }
0x382: {  	_ =	swait.ge [sflag:s9], $0x1000  }
0x383: {  	[sflag:s9] =	ssyncset.done $0x0  }
0x384: {  	[sflag:s9] =	ssyncadd.s32 $0xFFFFF000  }
0x385: {  	_ =	swait.ge [sflag:s9], $0x1000  }
0x386: {  	[sflag:s9] =	ssyncset.done $0x0  }
0x387: {  	[sflag:s9] =	ssyncadd.s32 $0xFFFFF000  }
0x388: {  	_ =	swait.ge [sflag:s9], $0x1000  }
0x389: {  	[sflag:s9] =	ssyncset.done $0x0  }
0x38a: {  	[sflag:s9] =	ssyncadd.s32 $0xFFFFF000  }
0x38b: {  	_ =	swait.ge [sflag:s9], $0x1000  }
0x38c: {  	[sflag:s9] =	ssyncset.done $0x0  }
0x38d: {  	[sflag:s9] =	ssyncadd.s32 $0xFFFFF000  }
0x38e: {  	_ =	swait.ge [sflag:s22], $0x1000  }
0x38f: {  	[sflag:s22] =	ssyncset.done $0x0  }
0x390: {  	[sflag:s22] =	ssyncadd.s32 $0xFFFFF000  }
0x391: {  	_ =	swait.ge [sflag:s22], $0x1000  }
0x392: {  	[sflag:s22] =	ssyncset.done $0x0  }
0x393: {  	[sflag:s22] =	ssyncadd.s32 $0xFFFFF000  }
0x394: {  	_ =	swait.ge [sflag:s22], $0x1000  }
0x395: {  	[sflag:s22] =	ssyncset.done $0x0  }
0x396: {  	[sflag:s22] =	ssyncadd.s32 $0xFFFFF000  }
0x397: {  	_ =	swait.ge [sflag:s22], $0x1000  }
0x398: {  	[sflag:s22] =	ssyncset.done $0x0  }
0x399: {  	[sflag:s22] =	ssyncadd.s32 $0xFFFFF000  }
0x39a: {  	_ =	swait.ge [sflag:s22], $0x1000  }
0x39b: {  	[sflag:s22] =	ssyncset.done $0x0  }
0x39c: {  	[sflag:s22] =	ssyncadd.s32 $0xFFFFF000  }
0x39d: {  	_ =	swait.ge [sflag:s22], $0x1000  }
0x39e: {  	[sflag:s22] =	ssyncset.done $0x0  }
0x39f: {  	[sflag:s22] =	ssyncadd.s32 $0xFFFFF000  }
0x3a0: {  	_ =	swait.ge [sflag:s22], $0x1000  }
0x3a1: {  	[sflag:s22] =	ssyncset.done $0x0  }
0x3a2: {  	[sflag:s22] =	ssyncadd.s32 $0xFFFFF000  }
0x3a3: {  	_ =	swait.ge [sflag:s22], $0x1000  }
0x3a4: {  	[sflag:s22] =	ssyncset.done $0x0  }
0x3a5: {  	[sflag:s22] =	ssyncadd.s32 $0xFFFFF000  }
0x3a6: {  	_ =	swait.ge [sflag:s22], $0x1000  }
0x3a7: {  	[sflag:s22] =	ssyncset.done $0x0  }
0x3a8: {  	[sflag:s22] =	ssyncadd.s32 $0xFFFFF000  }
0x3a9: {  	_ =	swait.ge [sflag:s22], $0x1000  }
0x3aa: {  	[sflag:s22] =	ssyncset.done $0x0  }
0x3ab: {  	[sflag:s22] =	ssyncadd.s32 $0xFFFFF000  }
0x3ac: {  	s7 =	stileid.u32;
	[bflag:$0x0] =	sbarrier.arrive $0xFFFF  }
0x3ad: {  	s16 =	simm.s32 $0x7;
	s5 =	sshll.u32 s7, $0x6;
	s12 =	rddreg [dreg:$0x8]  }
0x3ae: {  	s5 =	sor.u32 $0x1C07, s5;
	s13 =	rddreg [dreg:$0xa];
	s11 =	sshrl.u32 s12, $0x3  }
0x3af: {  	[hbm:s13], [sflag:s5] =	dma.local [spmem:s11], $0x400  }
0x3b0: {  	_ =	swait.ge [sflag:s16], $0x400  }
0x3b1: {  	s14 =	rddreg [dreg:$0xd]  }
0x3b2: {  	s17 =	rddreg [dreg:$0xb];
	s4 =	sadd.s32 $0x1, s14  }
0x3b3: {  	p0 =	sne.s32 s4, s17  }
.Ltmp4:
0x3b4: {  	_ = 	snop;
	(pc) =	sbr.rel @p0 .LBB2_1-.Ltmp4, $4  }
0x3b5: {  	s18 =	simm.s32 $0x0;
	s0 =	simm.s32 $0xBB90  }
0x3b6: {  	s29 =	simm.s32 $0xEB90;
	s30 =	simm.s32 $0xFB90;
	s20 =	simm.s32 $0xCB90  }
0x3b7: {  	s24 =	simm.s32 $0xDB90;
	[sflag:s16] =	ssyncset.done $0x0;
	s13 =	rddreg [dreg:$0xc]  }
0x3b8: {  	[sflag:s16] =	ssyncadd.s32 $0xFFFFFC00;
	s14 =	simm.s32 $0x2090;
	s17 =	simm.s32 $0x5290  }
0x3b9: {  	_ =	sfence.sel $0x180000  }
0x3ba: {  	[bflag:$0x0] =	sbarrier.arrive $0xFFFF  }
0x3bb: {  	_ =	strace $0x90000047  }
0x3bc: {  	s0 =	stileid.u32;
	[bflag:$0x2] =	sbarrier.arrive $0xFFFF  }
0x3bd: {  	p0 =	sne.s32 s0, $0x0;
	s0 =	rddreg [dreg:$0x6]  }
0x3be: {  	s0 =	sadd.s32 @!p0 $0x100000, s0  }
0x3bf: {  	[sflag:s0] =	ssyncadd.tile.s32 @!p0 $0x1;
	_ =	shalt  }
.Lfunc_end2:
_tile_overlayer_lowered:
.L_overlay_start_2:
0x3c0: {  	(tag) =	ssettag $0x2  }
0x3c1: {  	s0 =	rddreg [dreg:$0x0];
	s2 =	stileid.u32  }
0x3c2: {  	s1 =	rddreg [dreg:$0x1];
	p0 =	sne.s32 s2, $0x0  }
0x3c3: {  	s3 =	rddreg [dreg:$0x2];
	[bflag:$0x3] =	sbarrier.arrive $0xFFFF;
	s2 =	simm.s32 @!p0 $0x1C07  }
0x3c4: {  	[timem:s3], [sflag:s2] =	dma.local @!p0 [hbm:s0], s1  }
0x3c5: {  	s0 =	simm.s32 @!p0 $0x7  }
0x3c6: {  	_ =	swait.ge @!p0 [sflag:s0], s1  }
0x3c7: {  	s1 =	ssub.s32 @!p0 $0x0, s1;
	[sflag:s0] =	ssyncset.done @!p0 $0x0  }
0x3c8: {  	[sflag:s0] =	ssyncadd.s32 @!p0 s1  }
0x3c9: {  	[bflag:$0x3] =	sbarrier.arrive $0xFFFF  }
0x3ca: {  	_ =	shalt  }

</sc_bundles>
